<compile_context>
chip_gen: v7x
topology: tpu7x:2x2x1
jax: 0.10.2.dev20260603
libtpu: 0.0.44.dev20260713+nightly
codegen_flags: <defaults>
</compile_context>

<pallas_src>
import functools

import jax
import jax.numpy as jnp
from jax import lax
from jax.experimental import pallas as pl
from jax.experimental.pallas import tpu as pltpu
from jax.experimental.pallas import tpu_sc as plsc

N = 100000
E = 1600000
CONT = 128
CAT = 16
H = 32
W = 128
AH = 2 * H

NC, NS, L = 2, 16, 16
NW = NC * NS
NB = 2000
EB = 2048
GCH = 128
CPW = 392
EPW = CPW * GCH
E_PAD = EPW * NW
NCH = E_PAD // GCH
NBKT = 96
RPT = 1048
N_PAD = NBKT * RPT
DCH = 6272
CAP = EPW + NBKT * 8
CAPP = CAP + GCH
SWP = CAPP // GCH + 1
PFW = 104
TRASH = RPT
NEG = float("-inf")

_mesh = plsc.VectorSubcoreMesh(
    core_axis_name="c", subcore_axis_name="s", num_cores=NC, num_subcores=NS)


def _node_mlp_body(xc, xk, Wc1, bc1, Wc2, bc2, Wc3, bc3,
                   Wk1, bk1, Wk2, bk2, Wk3, bk3, out):
    f32 = jnp.float32
    h = jax.nn.relu(jnp.dot(xc[...], Wc1[...], preferred_element_type=f32) + bc1[...])
    h = jax.nn.relu(jnp.dot(h, Wc2[...], preferred_element_type=f32) + bc2[...])
    hc = jnp.dot(h, Wc3[...], preferred_element_type=f32) + bc3[...]
    g = jax.nn.relu(jnp.dot(xk[...], Wk1[...], preferred_element_type=f32) + bk1[...])
    g = jax.nn.relu(jnp.dot(g, Wk2[...], preferred_element_type=f32) + bk2[...])
    hk = jnp.dot(g, Wk3[...], preferred_element_type=f32) + bk3[...]
    out[...] = jnp.concatenate(
        [hc, hk, jnp.zeros((hc.shape[0], W - AH), f32)], axis=1)


def _full(shape):
    return pl.BlockSpec(shape, lambda i: (0, 0))


def _node_mlp(xc, xk, ws):
    specs = [pl.BlockSpec((NB, CONT), lambda i: (i, 0)),
             pl.BlockSpec((NB, CAT), lambda i: (i, 0))]
    specs += [_full(w.shape) for w in ws]
    return pl.pallas_call(
        _node_mlp_body,
        grid=(N // NB,),
        in_specs=specs,
        out_specs=pl.BlockSpec((NB, W), lambda i: (i, 0)),
        out_shape=jax.ShapeDtypeStruct((N, W), jnp.float32),
    )(xc, xk, *ws)


@functools.partial(
    pl.kernel,
    out_type=[jax.ShapeDtypeStruct((E_PAD, W), jnp.float32),
              jax.ShapeDtypeStruct((E_PAD, W), jnp.float32)],
    mesh=_mesh,
    scratch_types=[pltpu.VMEM((2, 2, GCH), jnp.int32),
                   pltpu.VMEM((GCH, W), jnp.float32),
                   pltpu.VMEM((GCH, W), jnp.float32),
                   pltpu.VMEM((GCH, W), jnp.float32),
                   pltpu.VMEM((GCH, W), jnp.float32),
                   pltpu.SemaphoreType.DMA,
                   pltpu.SemaphoreType.DMA,
                   pltpu.SemaphoreType.DMA,
                   pltpu.SemaphoreType.DMA,
                   pltpu.SemaphoreType.DMA,
                   pltpu.SemaphoreType.DMA,
                   pltpu.SemaphoreType.DMA,
                   pltpu.SemaphoreType.DMA,
                   pltpu.SemaphoreType.DMA,
                   pltpu.SemaphoreType.DMA],
)
def _edge_gather(emb, idx2, xi, xj, ixb, rd0, rs0, rd1, rs1,
                 si0, si1, sd0, ss0, sd1, ss1, wi0, wj0, wi1, wj1):
    wid = lax.axis_index("s") * NC + lax.axis_index("c")
    cbase = wid * CPW

    pltpu.async_copy(idx2.at[cbase], ixb.at[0], si0)
    pltpu.async_copy(idx2.at[cbase + 1], ixb.at[1], si1)

    def pair(gg, carry):
        g0 = 2 * gg
        for (g, par, sid, ssr, swi, swj, rd, rs, sem_i) in (
                (g0, 0, sd0, ss0, wi0, wj0, rd0, rs0, si0),
                (g0 + 1, 1, sd1, ss1, wi1, wj1, rd1, rs1, si1)):
            pltpu.make_async_copy(idx2.at[cbase + g], ixb.at[par], sem_i).wait()

            @pl.when(gg > 0)
            def _():
                pltpu.make_async_copy(rd, xi.at[pl.ds(0, GCH)], swi).wait()
                pltpu.make_async_copy(rs, xj.at[pl.ds(0, GCH)], swj).wait()

            pltpu.async_copy(emb.at[ixb.at[par, 0]], rd, sid)
            pltpu.async_copy(emb.at[ixb.at[par, 1]], rs, ssr)

        for (g, par, sid, ssr, swi, swj, rd, rs, sem_i) in (
                (g0, 0, sd0, ss0, wi0, wj0, rd0, rs0, si0),
                (g0 + 1, 1, sd1, ss1, wi1, wj1, rd1, rs1, si1)):
            off = (cbase + g) * GCH
            pltpu.make_async_copy(emb.at[pl.ds(0, GCH)], rd, sid).wait()
            pltpu.make_async_copy(emb.at[pl.ds(0, GCH)], rs, ssr).wait()
            pltpu.async_copy(rd, xi.at[pl.ds(off, GCH)], swi)
            pltpu.async_copy(rs, xj.at[pl.ds(off, GCH)], swj)

            @pl.when(gg < CPW // 2 - 1)
            def _():
                pltpu.async_copy(idx2.at[cbase + g + 2], ixb.at[par], sem_i)
        return carry

    lax.fori_loop(0, CPW // 2, pair, 0)
    for (swi, swj, rd, rs) in ((wi0, wj0, rd0, rs0), (wi1, wj1, rd1, rs1)):
        pltpu.make_async_copy(rd, xi.at[pl.ds(0, GCH)], swi).wait()
        pltpu.make_async_copy(rs, xj.at[pl.ds(0, GCH)], swj).wait()


def _edge_mlp_body(xi, xj, WA, WB, b1, W2, b2, m2):
    f32 = jnp.float32
    h = jax.nn.relu(jnp.dot(xi[...], WA[...], preferred_element_type=f32)
                    + jnp.dot(xj[...], WB[...], preferred_element_type=f32)
                    + b1[...])
    m2[...] = jnp.dot(h, W2[...], preferred_element_type=f32) + b2[...]


@functools.partial(
    pl.kernel,
    out_type=[jax.ShapeDtypeStruct((NW * CAPP,), jnp.int32),
              jax.ShapeDtypeStruct((NW * CAPP,), jnp.int32),
              jax.ShapeDtypeStruct((NW * PFW,), jnp.int32)],
    mesh=_mesh,
    scratch_types=[pltpu.VMEM((DCH,), jnp.int32),
                   pltpu.VMEM((CAPP,), jnp.int32),
                   pltpu.VMEM((CAPP,), jnp.int32),
                   pltpu.VMEM((PFW * L,), jnp.int32),
                   pltpu.VMEM((PFW,), jnp.int32)],
)
def _bucket_sort(dsts, ids_o, dls_o, pfx_o, dbuf, idsb, dlsb, cbuf, pfxb):
    wid = lax.axis_index("s") * NC + lax.axis_index("c")
    base = wid * EPW
    zero16 = jnp.zeros((L,), dtype=jnp.int32)
    iota = lax.iota(jnp.int32, L)

    def ini(i, carry):
        cbuf[pl.ds(i * L, L)] = zero16
        return carry
    lax.fori_loop(0, PFW, ini, 0)

    def chunk1(ci, carry):
        pltpu.sync_copy(dsts.at[pl.ds(base + ci * DCH, DCH)], dbuf)

        def scan(v, carry2):
            dc = jnp.minimum(dbuf[pl.ds(v * L, L)], N)
            bv = ((dc >> 3) * 128071) >> 24
            for k in range(L):
                b16 = bv[k] * L
                cnt = cbuf[pl.ds(b16, L)][0]
                cbuf[pl.ds(b16, L)] = jnp.full((L,), cnt + 1, jnp.int32)
            return carry2

        lax.fori_loop(0, DCH // L, scan, 0)
        return carry
    lax.fori_loop(0, EPW // DCH, chunk1, 0)

    def pgrp(g, run):
        def lane(k, st):
            vec, r = st
            cnt = cbuf[pl.ds((g * L + k) * L, L)][0]
            vec = jnp.where(iota == k, r, vec)
            return vec, r + ((cnt + 7) >> 3) * 8
        vec, run2 = lax.fori_loop(0, L, lane, (zero16, run))
        pfxb[pl.ds(g * L, L)] = vec
        return run2
    lax.fori_loop(0, PFW // L, pgrp, 0)

    lax.fori_loop(0, PFW, ini, 0)

    def ini2(i, carry):
        idsb[pl.ds(i * L, L)] = zero16
        dlsb[pl.ds(i * L, L)] = zero16 + TRASH
        return carry
    lax.fori_loop(0, CAPP // L, ini2, 0)

    def chunk2(ci, carry):
        off = base + ci * DCH
        pltpu.sync_copy(dsts.at[pl.ds(off, DCH)], dbuf)

        def scan(v, carry2):
            dc = jnp.minimum(dbuf[pl.ds(v * L, L)], N)
            bv = ((dc >> 3) * 128071) >> 24
            dlv = dc - bv * RPT
            for k in range(L):
                b = bv[k]
                b16 = b * L
                cnt = cbuf[pl.ds(b16, L)][0]
                pos = pfxb[pl.ds(b, L)][0] + cnt
                idsb[pl.ds(pos, L)] = jnp.full(
                    (L,), off + v * L + k, jnp.int32)
                dlsb[pl.ds(pos, L)] = jnp.full((L,), dlv[k], jnp.int32)
                cbuf[pl.ds(b16, L)] = jnp.full((L,), cnt + 1, jnp.int32)
            return carry2

        lax.fori_loop(0, DCH // L, scan, 0)
        return carry
    lax.fori_loop(0, EPW // DCH, chunk2, 0)

    pltpu.sync_copy(idsb, ids_o.at[pl.ds(wid * CAPP, CAPP)])
    pltpu.sync_copy(dlsb, dls_o.at[pl.ds(wid * CAPP, CAPP)])
    pltpu.sync_copy(pfxb, pfx_o.at[pl.ds(wid * PFW, PFW)])


@functools.partial(
    pl.kernel,
    out_type=jax.ShapeDtypeStruct((N_PAD * AH,), jnp.float32),
    mesh=_mesh,
    scratch_types=[pltpu.VMEM((PFW + L,), jnp.int32),
                   pltpu.VMEM((GCH,), jnp.int32),
                   pltpu.VMEM((GCH,), jnp.int32),
                   pltpu.VMEM((GCH + L,), jnp.int32),
                   pltpu.VMEM((GCH + L,), jnp.int32),
                   pltpu.VMEM((GCH, W), jnp.float32),
                   pltpu.VMEM((GCH, W), jnp.float32),
                   pltpu.VMEM(((RPT + 8) * AH,), jnp.float32),
                   pltpu.SemaphoreType.DMA,
                   pltpu.SemaphoreType.DMA,
                   pltpu.SemaphoreType.DMA,
                   pltpu.SemaphoreType.DMA,
                   pltpu.SemaphoreType.DMA,
                   pltpu.SemaphoreType.DMA],
)
def _segment_max(ids_i, dls_i, pfx_i, m2, agg, pfxb, gix0, gix1, dlc0, dlc1,
                 rows0, rows1, acc, sp0, sp1, sq0, sq1, sg0, sg1):
    wid = lax.axis_index("s") * NC + lax.axis_index("c")
    neg = jnp.full((L,), NEG, dtype=jnp.float32)

    for p in range(3):
        b = 3 * wid + p
        lo = b * RPT

        def ini(i, carry):
            acc[pl.ds(i * L, L)] = neg
            return carry
        lax.fori_loop(0, (RPT + 8) * AH // L, ini, 0)

        def producer(pt, carry):
            pltpu.sync_copy(pfx_i.at[pl.ds(pt * PFW, PFW)],
                            pfxb.at[pl.ds(0, PFW)])
            start = pfxb[pl.ds(b, L)][0]
            end = pfxb[pl.ds(b + 1, L)][0]
            rbase = pt * CAPP

            @pl.when((0 < end) & (GCH > start))
            def _():
                pltpu.async_copy(ids_i.at[pl.ds(rbase, GCH)], gix0, sp0)
                pltpu.async_copy(dls_i.at[pl.ds(rbase, GCH)],
                                 dlc0.at[pl.ds(0, GCH)], sq0)

            def pair(gg, carry2):
                g0 = 2 * gg
                for (g, gix, dlc, sp, sq, sg, srows, orows, so, ogix,
                     odlc, osp, osq) in (
                        (g0, gix0, dlc0, sp0, sq0, sg0, rows0, rows1, sg1,
                         gix1, dlc1, sp1, sq1),
                        (g0 + 1, gix1, dlc1, sp1, sq1, sg1, rows1, rows0,
                         sg0, gix0, dlc0, sp0, sq0)):
                    gb = g * GCH
                    inw = (gb < end) & (gb + GCH > start)
                    inw_n = (gb + GCH < end) & (gb + 2 * GCH > start)
                    inw_p = (gb - GCH < end) & (gb > start)

                    @pl.when(inw)
                    def _():
                        pltpu.make_async_copy(
                            ids_i.at[pl.ds(0, GCH)], gix, sp).wait()
                        pltpu.make_async_copy(
                            dls_i.at[pl.ds(0, GCH)],
                            dlc.at[pl.ds(0, GCH)], sq).wait()
                        pltpu.async_copy(m2.at[gix], srows, sg)

                    @pl.when(inw_p)
                    def _():
                        pltpu.make_async_copy(
                            m2.at[pl.ds(0, GCH)], orows, so).wait()
                        gbp = gb - GCH
                        e0 = jnp.maximum(start - gbp, 0)
                        e1 = jnp.minimum(end - gbp, GCH)

                        def rmw(e, c4):
                            dl = odlc[pl.ds(e, L)][0]
                            for hh in range(AH // L):
                                r = orows[e, pl.ds(hh * L, L)]
                                a = acc[pl.ds(dl * AH + hh * L, L)]
                                acc[pl.ds(dl * AH + hh * L, L)] = (
                                    jnp.maximum(a, r))
                            return c4

                        lax.fori_loop(e0, e1, rmw, 0)

                    @pl.when(inw_n)
                    def _():
                        pltpu.async_copy(
                            ids_i.at[pl.ds(rbase + gb + GCH, GCH)], ogix, osp)
                        pltpu.async_copy(
                            dls_i.at[pl.ds(rbase + gb + GCH, GCH)],
                            odlc.at[pl.ds(0, GCH)], osq)
                return carry2

            lax.fori_loop(0, SWP // 2, pair, 0)
            return carry

        lax.fori_loop(0, NW, producer, 0)
        pltpu.sync_copy(acc.at[pl.ds(0, RPT * AH)],
                        agg.at[pl.ds(lo * AH, RPT * AH)])


def _out_mlp_body(emb, ag, Wo1p, Wo1, bo1, Wo2, bo2, Wo3, bo3, out):
    f32 = jnp.float32
    a = ag[...]
    afix = jnp.where(a == NEG, jnp.float32(0), a)
    h = jax.nn.relu(jnp.dot(emb[...], Wo1p[...], preferred_element_type=f32)
                    + jnp.dot(afix, Wo1[...], preferred_element_type=f32)
                    + bo1[...])
    h = jax.nn.relu(jnp.dot(h, Wo2[...], preferred_element_type=f32) + bo2[...])
    out[...] = jnp.dot(h, Wo3[...], preferred_element_type=f32) + bo3[...]


def _out_mlp(emb, ag, ws):
    specs = [pl.BlockSpec((NB, W), lambda i: (i, 0)),
             pl.BlockSpec((NB, AH), lambda i: (i, 0))]
    specs += [_full(w.shape) for w in ws]
    return pl.pallas_call(
        _out_mlp_body,
        grid=(N // NB,),
        in_specs=specs,
        out_specs=pl.BlockSpec((NB, 1), lambda i: (i, 0)),
        out_shape=jax.ShapeDtypeStruct((N, 1), jnp.float32),
    )(emb, ag, *ws)


def kernel(x_cont, x_cat, edge_index, batch,
           Wc1, bc1, Wc2, bc2, Wc3, bc3,
           Wk1, bk1, Wk2, bk2, Wk3, bk3,
           Wmc1, bmc1, Wmc2, bmc2,
           Wmk1, bmk1, Wmk2, bmk2,
           Wo1, bo1, Wo2, bo2, Wo3, bo3):
    f32 = jnp.float32
    row = lambda b: b.reshape(1, -1).astype(f32)

    emb = _node_mlp(x_cont, x_cat,
                    [Wc1, row(bc1), Wc2, row(bc2), Wc3, row(bc3),
                     Wk1, row(bk1), Wk2, row(bk2), Wk3, row(bk3)])

    src = edge_index[0]
    dst = edge_index[1]
    padg = jnp.zeros((E_PAD - E,), jnp.int32)
    dst_g = jnp.concatenate([dst, padg])
    src_g = jnp.concatenate([src, padg])
    dst_s = jnp.concatenate(
        [dst, jnp.full((E_PAD - E,), 2**31 - 1, jnp.int32)])
    idx2 = jnp.stack(
        [dst_g.reshape(NCH, GCH), src_g.reshape(NCH, GCH)], axis=1)

    xi, xj = _edge_gather(emb, idx2)

    HH = 3 * H // 2
    zz = jnp.zeros((H, HH), f32)
    zp = jnp.zeros((W - AH, 2 * HH), f32)
    WA = jnp.concatenate(
        [jnp.block([[Wmc1[:H] - Wmc1[H:], zz], [zz, Wmk1[:H] - Wmk1[H:]]]), zp],
        axis=0)
    WB = jnp.concatenate(
        [jnp.block([[Wmc1[H:], zz], [zz, Wmk1[H:]]]), zp], axis=0)
    b1 = jnp.concatenate([bmc1, bmk1]).reshape(1, -1)
    zh = jnp.zeros((HH, H), f32)
    W2 = jnp.concatenate(
        [jnp.concatenate([Wmc2, zh], axis=0),
         jnp.concatenate([zh, Wmk2], axis=0),
         jnp.zeros((2 * HH, W - AH), f32)], axis=1)
    b2 = jnp.concatenate(
        [bmc2, bmk2, jnp.zeros((W - AH,), f32)]).reshape(1, -1)

    specs_ws = [WA, WB, b1, W2, b2]
    m2 = pl.pallas_call(
        _edge_mlp_body,
        grid=(E_PAD // EB,),
        in_specs=[pl.BlockSpec((EB, W), lambda i: (i, 0))] * 2
        + [_full(w.shape) for w in specs_ws],
        out_specs=pl.BlockSpec((EB, W), lambda i: (i, 0)),
        out_shape=jax.ShapeDtypeStruct((E_PAD, W), jnp.float32),
    )(xi, xj, *specs_ws)

    eids, edls, epfx = _bucket_sort(dst_s)
    agg = _segment_max(eids, edls, epfx, m2).reshape(N_PAD, AH)

    Wo1p = jnp.concatenate([Wo1, jnp.zeros((W - AH, H), f32)], axis=0)
    out = _out_mlp(emb, agg,
                   [Wo1p, Wo1, row(bo1), Wo2, row(bo2), Wo3, row(bo3)])
    return out.reshape(N)

# --- scband reference (transcript-rebuilt; emitter-appended) ---
"""Pipeline reference for scband-graph-metnetwork-55319178772885 (READ-ONLY COPY).

The authoritative reference and input builder live on the scoring server;
editing this copy changes nothing except your own understanding.
"""

import jax, jax.numpy as jnp
import numpy as np

N = 100000
E = 1600000
CONT = 128
CAT = 16
H = 32

def setup_inputs(seed: int = 0):
    key = jax.random.key(seed)
    ks = jax.random.split(key, 40)
    def w(i, shape):
        return jax.random.normal(ks[i], shape, dtype=jnp.float32) * 0.1
    inp = {}
    inp['x_cont'] = jax.random.normal(ks[0], (N, CONT), dtype=jnp.float32)
    inp['x_cat'] = jax.random.normal(ks[1], (N, CAT), dtype=jnp.float32)
    inp['edge_index'] = jax.random.randint(ks[2], (2, E), 0, N, dtype=jnp.int32)
    inp['batch'] = jnp.sort(jax.random.randint(ks[3], (N,), 0, 64, dtype=jnp.int32))
    # embed_continuous: Linear(CONT,H)->ReLU->Linear(H,H)->ReLU->Linear(H,H)
    inp['Wc1'] = w(4, (CONT, H)); inp['bc1'] = w(5, (H,))
    inp['Wc2'] = w(6, (H, H));    inp['bc2'] = w(7, (H,))
    inp['Wc3'] = w(8, (H, H));    inp['bc3'] = w(9, (H,))
    # embed_categorical: Linear(CAT,H)->ReLU->Linear(H,H)->ReLU->Linear(H,H)
    inp['Wk1'] = w(10, (CAT, H)); inp['bk1'] = w(11, (H,))
    inp['Wk2'] = w(12, (H, H));   inp['bk2'] = w(13, (H,))
    inp['Wk3'] = w(14, (H, H));   inp['bk3'] = w(15, (H,))
    # EdgeConv message nn (continuous): Linear(2H, 3H//2)->ReLU->Linear(3H//2, H)
    inp['Wmc1'] = w(16, (2 * H, 3 * H // 2)); inp['bmc1'] = w(17, (3 * H // 2,))
    inp['Wmc2'] = w(18, (3 * H // 2, H));     inp['bmc2'] = w(19, (H,))
    # EdgeConv message nn (categorical)
    inp['Wmk1'] = w(20, (2 * H, 3 * H // 2)); inp['bmk1'] = w(21, (3 * H // 2,))
    inp['Wmk2'] = w(22, (3 * H // 2, H));     inp['bmk2'] = w(23, (H,))
    # output: Linear(2H,H)->ReLU->Linear(H,H//2)->ReLU->Linear(H//2,1)
    inp['Wo1'] = w(24, (2 * H, H));    inp['bo1'] = w(25, (H,))
    inp['Wo2'] = w(26, (H, H // 2));   inp['bo2'] = w(27, (H // 2,))
    inp['Wo3'] = w(28, (H // 2, 1));   inp['bo3'] = w(29, (1,))
    return inp

def _mlp3(x, W1, b1, W2, b2, W3, b3):
    h = jax.nn.relu(x @ W1 + b1)
    h = jax.nn.relu(h @ W2 + b2)
    return h @ W3 + b3

def _edge_conv(x, edge_index, W1, b1, W2, b2):
    src = edge_index[0]
    dst = edge_index[1]
    x_i = jnp.take(x, dst, axis=0)
    x_j = jnp.take(x, src, axis=0)
    m = jnp.concatenate([x_i, x_j - x_i], axis=1)
    m = jax.nn.relu(m @ W1 + b1) @ W2 + b2
    agg = jax.ops.segment_max(m, dst, num_segments=x.shape[0])
    # PyG max-aggregation leaves isolated nodes at 0, segment_max gives -inf
    return jnp.where(jnp.isneginf(agg), 0.0, agg)

def reference(x_cont, x_cat, edge_index, batch,
              Wc1, bc1, Wc2, bc2, Wc3, bc3,
              Wk1, bk1, Wk2, bk2, Wk3, bk3,
              Wmc1, bmc1, Wmc2, bmc2,
              Wmk1, bmk1, Wmk2, bmk2,
              Wo1, bo1, Wo2, bo2, Wo3, bo3):
    emb_cont = _mlp3(x_cont, Wc1, bc1, Wc2, bc2, Wc3, bc3)
    emb_cat = _mlp3(x_cat, Wk1, bk1, Wk2, bk2, Wk3, bk3)
    emb_cont = emb_cont + _edge_conv(emb_cont, edge_index, Wmc1, bmc1, Wmc2, bmc2)
    emb_cat = emb_cat + _edge_conv(emb_cat, edge_index, Wmk1, bmk1, Wmk2, bmk2)
    emb = jnp.concatenate([emb_cont, emb_cat], axis=1)
    out = _mlp3(emb, Wo1, bo1, Wo2, bo2, Wo3, bo3)
    return out.squeeze(-1)

if __name__ == "__main__":
    import jax
    _d = setup_inputs()
    print(jax.jit(kernel)(*tuple(_d.values())))

</pallas_src>

<mosaic_0001>
#map = affine_map<(d0, d1) -> (0)>
#map1 = affine_map<(d0, d1) -> (0, 0)>
module attributes {stable_mosaic.version = 14 : i64} {
  func.func @_segment_max(%arg0: i32, %arg1: i32, %arg2: memref<1634304xi32, #tpu.memory_space<hbm>>, %arg3: memref<1634304xi32, #tpu.memory_space<hbm>>, %arg4: memref<3328xi32, #tpu.memory_space<hbm>>, %arg5: memref<1605632x128xf32, #tpu.memory_space<hbm>>, %arg6: memref<6438912xf32, #tpu.memory_space<hbm>>, %arg7: memref<120xi32, #tpu.memory_space<vmem>>, %arg8: memref<128xi32, #tpu.memory_space<vmem>>, %arg9: memref<128xi32, #tpu.memory_space<vmem>>, %arg10: memref<144xi32, #tpu.memory_space<vmem>>, %arg11: memref<144xi32, #tpu.memory_space<vmem>>, %arg12: memref<128x128xf32, #tpu.memory_space<vmem>>, %arg13: memref<128x128xf32, #tpu.memory_space<vmem>>, %arg14: memref<67584xf32, #tpu.memory_space<vmem>>, %arg15: memref<!tpu.dma_semaphore, #tpu.memory_space<semaphore_mem>>, %arg16: memref<!tpu.dma_semaphore, #tpu.memory_space<semaphore_mem>>, %arg17: memref<!tpu.dma_semaphore, #tpu.memory_space<semaphore_mem>>, %arg18: memref<!tpu.dma_semaphore, #tpu.memory_space<semaphore_mem>>, %arg19: memref<!tpu.dma_semaphore, #tpu.memory_space<semaphore_mem>>, %arg20: memref<!tpu.dma_semaphore, #tpu.memory_space<semaphore_mem>>) attributes {dimension_semantics = [#tpu.dimension_semantics<core_parallel>, #tpu.dimension_semantics<subcore_parallel>], iteration_bounds = array<i64: 2, 16>, scalar_prefetch = 0 : i64, scratch_operands = 14 : i64, tpu.core_type = #tpu.core_type<sc_vector_subcore>, window_params = [{transform_indices = #map}, {transform_indices = #map}, {transform_indices = #map}, {transform_indices = #map1}, {transform_indices = #map}]} {
    %mul3A = arith.constant 2 : i32
    %mul3A_0 = arith.muli %arg1, %mul3A : i32
    %add3A = arith.addi %mul3A_0, %arg0 : i32
    %broadcast_in_dim3A = arith.constant 0xFF800000 : f32
    %broadcast_in_dim3A_1 = vector.broadcast %broadcast_in_dim3A : f32 to vector<16xf32>
    %mul3A_2 = arith.constant 3 : i32
    %mul3A_3 = arith.muli %mul3A_2, %add3A : i32
    %add3A_4 = arith.constant 0 : i32
    %add3A_5 = arith.addi %mul3A_3, %add3A_4 : i32
    %mul3A_6 = arith.constant 1048 : i32
    %mul3A_7 = arith.muli %add3A_5, %mul3A_6 : i32
    %scan3A = arith.constant 0 : i32
    %scan3A_8 = arith.constant 0 : i32
    %scan3A_9 = arith.constant 4224 : i32
    %scan3A_10 = arith.addi %scan3A_8, %scan3A_9 : i32
    %scan3A_11 = arith.constant 1 : i32
    scf.for %scan3A_61 = %scan3A_8 to %scan3A_10 step %scan3A_11  : i32 {
      %mul3A_62 = arith.constant 16 : i32
      %mul3A_63 = arith.muli %scan3A_61, %mul3A_62 : i32
      %swap3A = arith.index_cast %mul3A_63 : i32 to index
      %swap3A_64 = tpu.vector_load %arg14[%swap3A] {strides = array<i32>} : memref<67584xf32, #tpu.memory_space<vmem>>, vector<16xf32>,
      %swap3A_65 = vector.shape_cast %swap3A_64 : vector<16xf32> to vector<16xf32>
      %swap3A_66 = vector.shape_cast %broadcast_in_dim3A_1 : vector<16xf32> to vector<16xf32>
      tpu.vector_store %arg14[%swap3A], %swap3A_66 {strides = array<i32>} : memref<67584xf32, #tpu.memory_space<vmem>>, vector<16xf32>,
    }
    %scan3A_12 = arith.constant 4224 : i32
    %scan3A_13 = arith.constant 0 : i32
    %scan3A_14 = arith.constant 0 : i32
    %scan3A_15 = arith.constant 32 : i32
    %scan3A_16 = arith.addi %scan3A_14, %scan3A_15 : i32
    %scan3A_17 = arith.constant 1 : i32
    scf.for %scan3A_61 = %scan3A_14 to %scan3A_16 step %scan3A_17  : i32 {
      %mul3A_62 = arith.constant 104 : i32
      %mul3A_63 = arith.muli %scan3A_61, %mul3A_62 : i32
      "tpu.region"() ({
        %run_scoped3A = tpu.sem_alloc : memref<!tpu.dma_semaphore, #tpu.memory_space<semaphore_mem>>
        %dma_start3A = arith.constant 0 : i32
        %dma_start3A_84 = tpu.memref_slice %arg7[%dma_start3A] : memref<120xi32, #tpu.memory_space<vmem>> -> memref<104xi32, #tpu.memory_space<vmem>>
        %dma_start3A_85 = tpu.memref_slice %arg4[%mul3A_63] : memref<3328xi32, #tpu.memory_space<hbm>> -> memref<104xi32, #tpu.memory_space<hbm>>
        %dma_start3A_86 = arith.constant 0 : i32
        %dma_start3A_87 = tpu.memref_slice %arg7[%dma_start3A_86] : memref<120xi32, #tpu.memory_space<vmem>> -> memref<104xi32, #tpu.memory_space<vmem>>
        %dma_start3A_88 = tpu.memref_slice %arg4[%mul3A_63] : memref<3328xi32, #tpu.memory_space<hbm>> -> memref<104xi32, #tpu.memory_space<hbm>>
        tpu.enqueue_dma source(%dma_start3A_88 : memref<104xi32, #tpu.memory_space<hbm>>) target(%dma_start3A_87 : memref<104xi32, #tpu.memory_space<vmem>>) target_semaphore(%run_scoped3A : memref<!tpu.dma_semaphore, #tpu.memory_space<semaphore_mem>>)
        %dma_wait3A = arith.constant 0 : i32
        %dma_wait3A_89 = tpu.memref_slice %arg7[%dma_wait3A] : memref<120xi32, #tpu.memory_space<vmem>> -> memref<104xi32, #tpu.memory_space<vmem>>
        %dma_wait3A_90 = tpu.memref_slice %arg4[%mul3A_63] : memref<3328xi32, #tpu.memory_space<hbm>> -> memref<104xi32, #tpu.memory_space<hbm>>
        %dma_wait3A_91 = arith.constant 0 : i32
        %dma_wait3A_92 = tpu.memref_slice %arg7[%dma_wait3A_91] : memref<120xi32, #tpu.memory_space<vmem>> -> memref<104xi32, #tpu.memory_space<vmem>>
        %dma_wait3A_93 = tpu.memref_slice %arg4[%mul3A_63] : memref<3328xi32, #tpu.memory_space<hbm>> -> memref<104xi32, #tpu.memory_space<hbm>>
        tpu.wait_dma2 semaphore(%run_scoped3A : memref<!tpu.dma_semaphore, #tpu.memory_space<semaphore_mem>>) src(%dma_wait3A_93 : memref<104xi32, #tpu.memory_space<hbm>>) dst(%dma_wait3A_92 : memref<104xi32, #tpu.memory_space<vmem>>)
        tpu.yield
      }) : () -> ()
      %get3A = arith.index_cast %add3A_5 : i32 to index
      %get3A_64 = tpu.vector_load %arg7[%get3A] {strides = array<i32>} : memref<120xi32, #tpu.memory_space<vmem>>, vector<16xi32>,
      %get3A_65 = vector.shape_cast %get3A_64 : vector<16xi32> to vector<16xi32>
      %slice3A = vector.extract_strided_slice %get3A_65 {offsets = [0], sizes = [1], strides = [1]} : vector<16xi32> to vector<1xi32>
      %squeeze3A = vector.extract %slice3A[0] : i32 from vector<1xi32>
      %add3A_66 = arith.constant 1 : i32
      %add3A_67 = arith.addi %add3A_5, %add3A_66 : i32
      %get3A_68 = arith.index_cast %add3A_67 : i32 to index
      %get3A_69 = tpu.vector_load %arg7[%get3A_68] {strides = array<i32>} : memref<120xi32, #tpu.memory_space<vmem>>, vector<16xi32>,
      %get3A_70 = vector.shape_cast %get3A_69 : vector<16xi32> to vector<16xi32>
      %slice3A_71 = vector.extract_strided_slice %get3A_70 {offsets = [0], sizes = [1], strides = [1]} : vector<16xi32> to vector<1xi32>
      %squeeze3A_72 = vector.extract %slice3A_71[0] : i32 from vector<1xi32>
      %mul3A_73 = arith.constant 51072 : i32
      %mul3A_74 = arith.muli %scan3A_61, %mul3A_73 : i32
      %gt3A = arith.constant 0 : i32
      %gt3A_75 = arith.cmpi sgt, %squeeze3A_72, %gt3A : i32
      %lt3A = arith.constant 128 : i32
      %lt3A_76 = arith.cmpi slt, %squeeze3A, %lt3A : i32
      %and3A = arith.andi %gt3A_75, %lt3A_76 : i1
      %convert_element_type3A = arith.extui %and3A : i1 to i32
      %cond3A = arith.constant 0 : i32
      %cond3A_77 = arith.cmpi ne, %convert_element_type3A, %cond3A : i32
      scf.if %cond3A_77 {
        %dma_start3A = tpu.memref_slice %arg2[%mul3A_74] : memref<1634304xi32, #tpu.memory_space<hbm>> -> memref<128xi32, #tpu.memory_space<hbm>>
        %dma_start3A_84 = tpu.memref_slice %arg2[%mul3A_74] : memref<1634304xi32, #tpu.memory_space<hbm>> -> memref<128xi32, #tpu.memory_space<hbm>>
        tpu.enqueue_dma source(%dma_start3A_84 : memref<128xi32, #tpu.memory_space<hbm>>) target(%arg8 : memref<128xi32, #tpu.memory_space<vmem>>) target_semaphore(%arg15 : memref<!tpu.dma_semaphore, #tpu.memory_space<semaphore_mem>>)
        %dma_start3A_85 = arith.constant 0 : i32
        %dma_start3A_86 = tpu.memref_slice %arg10[%dma_start3A_85] : memref<144xi32, #tpu.memory_space<vmem>> -> memref<128xi32, #tpu.memory_space<vmem>>
        %dma_start3A_87 = tpu.memref_slice %arg3[%mul3A_74] : memref<1634304xi32, #tpu.memory_space<hbm>> -> memref<128xi32, #tpu.memory_space<hbm>>
        %dma_start3A_88 = arith.constant 0 : i32
        %dma_start3A_89 = tpu.memref_slice %arg10[%dma_start3A_88] : memref<144xi32, #tpu.memory_space<vmem>> -> memref<128xi32, #tpu.memory_space<vmem>>
        %dma_start3A_90 = tpu.memref_slice %arg3[%mul3A_74] : memref<1634304xi32, #tpu.memory_space<hbm>> -> memref<128xi32, #tpu.memory_space<hbm>>
        tpu.enqueue_dma source(%dma_start3A_90 : memref<128xi32, #tpu.memory_space<hbm>>) target(%dma_start3A_89 : memref<128xi32, #tpu.memory_space<vmem>>) target_semaphore(%arg17 : memref<!tpu.dma_semaphore, #tpu.memory_space<semaphore_mem>>)
      } else {
      }
      %scan3A_78 = arith.constant 0 : i32
      %scan3A_79 = arith.constant 0 : i32
      %scan3A_80 = arith.constant 200 : i32
      %scan3A_81 = arith.addi %scan3A_79, %scan3A_80 : i32
      %scan3A_82 = arith.constant 1 : i32
      scf.for %scan3A_84 = %scan3A_79 to %scan3A_81 step %scan3A_82  : i32 {
        %mul3A_85 = arith.constant 2 : i32
        %mul3A_86 = arith.muli %mul3A_85, %scan3A_84 : i32
        %add3A_87 = arith.constant 1 : i32
        %add3A_88 = arith.addi %mul3A_86, %add3A_87 : i32
        %mul3A_89 = arith.constant 128 : i32
        %mul3A_90 = arith.muli %mul3A_86, %mul3A_89 : i32
        %lt3A_91 = arith.cmpi slt, %mul3A_90, %squeeze3A_72 : i32
        %add3A_92 = arith.constant 128 : i32
        %add3A_93 = arith.addi %mul3A_90, %add3A_92 : i32
        %gt3A_94 = arith.cmpi sgt, %add3A_93, %squeeze3A : i32
        %and3A_95 = arith.andi %lt3A_91, %gt3A_94 : i1
        %add3A_96 = arith.constant 128 : i32
        %add3A_97 = arith.addi %mul3A_90, %add3A_96 : i32
        %lt3A_98 = arith.cmpi slt, %add3A_97, %squeeze3A_72 : i32
        %add3A_99 = arith.constant 256 : i32
        %add3A_100 = arith.addi %mul3A_90, %add3A_99 : i32
        %gt3A_101 = arith.cmpi sgt, %add3A_100, %squeeze3A : i32
        %and3A_102 = arith.andi %lt3A_98, %gt3A_101 : i1
        %sub3A = arith.constant 128 : i32
        %sub3A_103 = arith.subi %mul3A_90, %sub3A : i32
        %lt3A_104 = arith.cmpi slt, %sub3A_103, %squeeze3A_72 : i32
        %gt3A_105 = arith.cmpi sgt, %mul3A_90, %squeeze3A : i32
        %and3A_106 = arith.andi %lt3A_104, %gt3A_105 : i1
        %convert_element_type3A_107 = arith.extui %and3A_95 : i1 to i32
        %cond3A_108 = arith.constant 0 : i32
        %cond3A_109 = arith.cmpi ne, %convert_element_type3A_107, %cond3A_108 : i32
        scf.if %cond3A_109 {
          %dma_wait3A = arith.constant 0 : i32
          %dma_wait3A_144 = tpu.memref_slice %arg2[%dma_wait3A] : memref<1634304xi32, #tpu.memory_space<hbm>> -> memref<128xi32, #tpu.memory_space<hbm>>
          %dma_wait3A_145 = arith.constant 0 : i32
          %dma_wait3A_146 = tpu.memref_slice %arg2[%dma_wait3A_145] : memref<1634304xi32, #tpu.memory_space<hbm>> -> memref<128xi32, #tpu.memory_space<hbm>>
          tpu.wait_dma2 semaphore(%arg15 : memref<!tpu.dma_semaphore, #tpu.memory_space<semaphore_mem>>) src(%dma_wait3A_146 : memref<128xi32, #tpu.memory_space<hbm>>) dst(%arg8 : memref<128xi32, #tpu.memory_space<vmem>>)
          %dma_wait3A_147 = arith.constant 0 : i32
          %dma_wait3A_148 = tpu.memref_slice %arg10[%dma_wait3A_147] : memref<144xi32, #tpu.memory_space<vmem>> -> memref<128xi32, #tpu.memory_space<vmem>>
          %dma_wait3A_149 = arith.constant 0 : i32
          %dma_wait3A_150 = tpu.memref_slice %arg3[%dma_wait3A_149] : memref<1634304xi32, #tpu.memory_space<hbm>> -> memref<128xi32, #tpu.memory_space<hbm>>
          %dma_wait3A_151 = arith.constant 0 : i32
          %dma_wait3A_152 = tpu.memref_slice %arg10[%dma_wait3A_151] : memref<144xi32, #tpu.memory_space<vmem>> -> memref<128xi32, #tpu.memory_space<vmem>>
          %dma_wait3A_153 = arith.constant 0 : i32
          %dma_wait3A_154 = tpu.memref_slice %arg3[%dma_wait3A_153] : memref<1634304xi32, #tpu.memory_space<hbm>> -> memref<128xi32, #tpu.memory_space<hbm>>
          tpu.wait_dma2 semaphore(%arg17 : memref<!tpu.dma_semaphore, #tpu.memory_space<semaphore_mem>>) src(%dma_wait3A_154 : memref<128xi32, #tpu.memory_space<hbm>>) dst(%dma_wait3A_152 : memref<128xi32, #tpu.memory_space<vmem>>)
          %dma_start3A = arith.constant 0 : i32
          %dma_start3A_155 = arith.constant 0 : i32
          %dma_start3A_156 = tpu.memref_slice %arg5[%dma_start3A, %dma_start3A_155] : memref<1605632x128xf32, #tpu.memory_space<hbm>> -> memref<1605632x128xf32, #tpu.memory_space<hbm>>
          tpu.enqueue_indirect_dma source(%dma_start3A_156 : memref<1605632x128xf32, #tpu.memory_space<hbm>>) target(%arg12 : memref<128x128xf32, #tpu.memory_space<vmem>>) offsets(%arg8 : memref<128xi32, #tpu.memory_space<vmem>>) semaphore(%arg19 : memref<!tpu.dma_semaphore, #tpu.memory_space<semaphore_mem>>)
        } else {
        }
        %convert_element_type3A_110 = arith.extui %and3A_106 : i1 to i32
        %cond3A_111 = arith.constant 0 : i32
        %cond3A_112 = arith.cmpi ne, %convert_element_type3A_110, %cond3A_111 : i32
        scf.if %cond3A_112 {
          %dma_wait3A = arith.constant 0 : i32
          %dma_wait3A_144 = arith.constant 0 : i32
          %dma_wait3A_145 = tpu.memref_slice %arg5[%dma_wait3A, %dma_wait3A_144] : memref<1605632x128xf32, #tpu.memory_space<hbm>> -> memref<128x128xf32, #tpu.memory_space<hbm>>
          %dma_wait3A_146 = arith.constant 0 : i32
          %dma_wait3A_147 = arith.constant 0 : i32
          %dma_wait3A_148 = tpu.memref_slice %arg5[%dma_wait3A_146, %dma_wait3A_147] : memref<1605632x128xf32, #tpu.memory_space<hbm>> -> memref<128x128xf32, #tpu.memory_space<hbm>>
          tpu.wait_dma2 semaphore(%arg20 : memref<!tpu.dma_semaphore, #tpu.memory_space<semaphore_mem>>) src(%dma_wait3A_148 : memref<128x128xf32, #tpu.memory_space<hbm>>) dst(%arg13 : memref<128x128xf32, #tpu.memory_space<vmem>>)
          %sub3A_149 = arith.constant 128 : i32
          %sub3A_150 = arith.subi %mul3A_90, %sub3A_149 : i32
          %sub3A_151 = arith.subi %squeeze3A, %sub3A_150 : i32
          %max3A = arith.constant 0 : i32
          %max3A_152 = arith.maxsi %sub3A_151, %max3A : i32
          %sub3A_153 = arith.subi %squeeze3A_72, %sub3A_150 : i32
          %min3A = arith.constant 128 : i32
          %min3A_154 = arith.minsi %sub3A_153, %min3A : i32
          %while3A = arith.constant 0 : i32
          %while3A_155 = arith.subi %min3A_154, %max3A_152 : i32
          %while3A_156 = arith.addi %max3A_152, %while3A_155 : i32
          %while3A_157 = arith.constant 1 : i32
          %while3A_158 = arith.divsi %while3A_155, %while3A_157 : i32
          %while3A_159 = arith.muli %while3A_158, %while3A_157 : i32
          %while3A_160 = arith.addi %max3A_152, %while3A_159 : i32
          %while3A_161 = arith.constant 1 : i32
          scf.for %while3A_163 = %max3A_152 to %while3A_160 step %while3A_161  : i32 {
            %get3A_164 = arith.index_cast %while3A_163 : i32 to index
            %get3A_165 = tpu.vector_load %arg11[%get3A_164] {strides = array<i32>} : memref<144xi32, #tpu.memory_space<vmem>>, vector<16xi32>,
            %get3A_166 = vector.shape_cast %get3A_165 : vector<16xi32> to vector<16xi32>
            %slice3A_167 = vector.extract_strided_slice %get3A_166 {offsets = [0], sizes = [1], strides = [1]} : vector<16xi32> to vector<1xi32>
            %squeeze3A_168 = vector.extract %slice3A_167[0] : i32 from vector<1xi32>
            %get3A_169 = arith.index_cast %while3A_163 : i32 to index
            %get3A_170 = arith.constant 0 : index
            %get3A_171 = tpu.vector_load %arg13[%get3A_169, %get3A_170] {strides = array<i32>} : memref<128x128xf32, #tpu.memory_space<vmem>>, vector<1x16xf32>,
            %get3A_172 = vector.shape_cast %get3A_171 : vector<1x16xf32> to vector<16xf32>
            %mul3A_173 = arith.constant 64 : i32
            %mul3A_174 = arith.muli %squeeze3A_168, %mul3A_173 : i32
            %add3A_175 = arith.constant 0 : i32
            %add3A_176 = arith.addi %mul3A_174, %add3A_175 : i32
            %get3A_177 = arith.index_cast %add3A_176 : i32 to index
            %get3A_178 = tpu.vector_load %arg14[%get3A_177] {strides = array<i32>} : memref<67584xf32, #tpu.memory_space<vmem>>, vector<16xf32>,
            %get3A_179 = vector.shape_cast %get3A_178 : vector<16xf32> to vector<16xf32>
            %max3A_180 = arith.maximumf %get3A_179, %get3A_172 : vector<16xf32>
            %mul3A_181 = arith.constant 64 : i32
            %mul3A_182 = arith.muli %squeeze3A_168, %mul3A_181 : i32
            %add3A_183 = arith.constant 0 : i32
            %add3A_184 = arith.addi %mul3A_182, %add3A_183 : i32
            %swap3A = arith.index_cast %add3A_184 : i32 to index
            %swap3A_185 = tpu.vector_load %arg14[%swap3A] {strides = array<i32>} : memref<67584xf32, #tpu.memory_space<vmem>>, vector<16xf32>,
            %swap3A_186 = vector.shape_cast %swap3A_185 : vector<16xf32> to vector<16xf32>
            %swap3A_187 = vector.shape_cast %max3A_180 : vector<16xf32> to vector<16xf32>
            tpu.vector_store %arg14[%swap3A], %swap3A_187 {strides = array<i32>} : memref<67584xf32, #tpu.memory_space<vmem>>, vector<16xf32>,
            %get3A_188 = arith.index_cast %while3A_163 : i32 to index
            %get3A_189 = arith.constant 16 : index
            %get3A_190 = tpu.vector_load %arg13[%get3A_188, %get3A_189] {strides = array<i32>} : memref<128x128xf32, #tpu.memory_space<vmem>>, vector<1x16xf32>,
            %get3A_191 = vector.shape_cast %get3A_190 : vector<1x16xf32> to vector<16xf32>
            %mul3A_192 = arith.constant 64 : i32
            %mul3A_193 = arith.muli %squeeze3A_168, %mul3A_192 : i32
            %add3A_194 = arith.constant 16 : i32
            %add3A_195 = arith.addi %mul3A_193, %add3A_194 : i32
            %get3A_196 = arith.index_cast %add3A_195 : i32 to index
            %get3A_197 = tpu.vector_load %arg14[%get3A_196] {strides = array<i32>} : memref<67584xf32, #tpu.memory_space<vmem>>, vector<16xf32>,
            %get3A_198 = vector.shape_cast %get3A_197 : vector<16xf32> to vector<16xf32>
            %max3A_199 = arith.maximumf %get3A_198, %get3A_191 : vector<16xf32>
            %mul3A_200 = arith.constant 64 : i32
            %mul3A_201 = arith.muli %squeeze3A_168, %mul3A_200 : i32
            %add3A_202 = arith.constant 16 : i32
            %add3A_203 = arith.addi %mul3A_201, %add3A_202 : i32
            %swap3A_204 = arith.index_cast %add3A_203 : i32 to index
            %swap3A_205 = tpu.vector_load %arg14[%swap3A_204] {strides = array<i32>} : memref<67584xf32, #tpu.memory_space<vmem>>, vector<16xf32>,
            %swap3A_206 = vector.shape_cast %swap3A_205 : vector<16xf32> to vector<16xf32>
            %swap3A_207 = vector.shape_cast %max3A_199 : vector<16xf32> to vector<16xf32>
            tpu.vector_store %arg14[%swap3A_204], %swap3A_207 {strides = array<i32>} : memref<67584xf32, #tpu.memory_space<vmem>>, vector<16xf32>,
            %get3A_208 = arith.index_cast %while3A_163 : i32 to index
            %get3A_209 = arith.constant 32 : index
            %get3A_210 = tpu.vector_load %arg13[%get3A_208, %get3A_209] {strides = array<i32>} : memref<128x128xf32, #tpu.memory_space<vmem>>, vector<1x16xf32>,
            %get3A_211 = vector.shape_cast %get3A_210 : vector<1x16xf32> to vector<16xf32>
            %mul3A_212 = arith.constant 64 : i32
            %mul3A_213 = arith.muli %squeeze3A_168, %mul3A_212 : i32
            %add3A_214 = arith.constant 32 : i32
            %add3A_215 = arith.addi %mul3A_213, %add3A_214 : i32
            %get3A_216 = arith.index_cast %add3A_215 : i32 to index
            %get3A_217 = tpu.vector_load %arg14[%get3A_216] {strides = array<i32>} : memref<67584xf32, #tpu.memory_space<vmem>>, vector<16xf32>,
            %get3A_218 = vector.shape_cast %get3A_217 : vector<16xf32> to vector<16xf32>
            %max3A_219 = arith.maximumf %get3A_218, %get3A_211 : vector<16xf32>
            %mul3A_220 = arith.constant 64 : i32
            %mul3A_221 = arith.muli %squeeze3A_168, %mul3A_220 : i32
            %add3A_222 = arith.constant 32 : i32
            %add3A_223 = arith.addi %mul3A_221, %add3A_222 : i32
            %swap3A_224 = arith.index_cast %add3A_223 : i32 to index
            %swap3A_225 = tpu.vector_load %arg14[%swap3A_224] {strides = array<i32>} : memref<67584xf32, #tpu.memory_space<vmem>>, vector<16xf32>,
            %swap3A_226 = vector.shape_cast %swap3A_225 : vector<16xf32> to vector<16xf32>
            %swap3A_227 = vector.shape_cast %max3A_219 : vector<16xf32> to vector<16xf32>
            tpu.vector_store %arg14[%swap3A_224], %swap3A_227 {strides = array<i32>} : memref<67584xf32, #tpu.memory_space<vmem>>, vector<16xf32>,
            %get3A_228 = arith.index_cast %while3A_163 : i32 to index
            %get3A_229 = arith.constant 48 : index
            %get3A_230 = tpu.vector_load %arg13[%get3A_228, %get3A_229] {strides = array<i32>} : memref<128x128xf32, #tpu.memory_space<vmem>>, vector<1x16xf32>,
            %get3A_231 = vector.shape_cast %get3A_230 : vector<1x16xf32> to vector<16xf32>
            %mul3A_232 = arith.constant 64 : i32
            %mul3A_233 = arith.muli %squeeze3A_168, %mul3A_232 : i32
            %add3A_234 = arith.constant 48 : i32
            %add3A_235 = arith.addi %mul3A_233, %add3A_234 : i32
            %get3A_236 = arith.index_cast %add3A_235 : i32 to index
            %get3A_237 = tpu.vector_load %arg14[%get3A_236] {strides = array<i32>} : memref<67584xf32, #tpu.memory_space<vmem>>, vector<16xf32>,
            %get3A_238 = vector.shape_cast %get3A_237 : vector<16xf32> to vector<16xf32>
            %max3A_239 = arith.maximumf %get3A_238, %get3A_231 : vector<16xf32>
            %mul3A_240 = arith.constant 64 : i32
            %mul3A_241 = arith.muli %squeeze3A_168, %mul3A_240 : i32
            %add3A_242 = arith.constant 48 : i32
            %add3A_243 = arith.addi %mul3A_241, %add3A_242 : i32
            %swap3A_244 = arith.index_cast %add3A_243 : i32 to index
            %swap3A_245 = tpu.vector_load %arg14[%swap3A_244] {strides = array<i32>} : memref<67584xf32, #tpu.memory_space<vmem>>, vector<16xf32>,
            %swap3A_246 = vector.shape_cast %swap3A_245 : vector<16xf32> to vector<16xf32>
            %swap3A_247 = vector.shape_cast %max3A_239 : vector<16xf32> to vector<16xf32>
            tpu.vector_store %arg14[%swap3A_244], %swap3A_247 {strides = array<i32>} : memref<67584xf32, #tpu.memory_space<vmem>>, vector<16xf32>,
          }
          %while3A_162 = arith.constant 1 : i32
          scf.for %while3A_163 = %while3A_160 to %while3A_156 step %while3A_162  : i32 {
            %get3A_164 = arith.index_cast %while3A_163 : i32 to index
            %get3A_165 = tpu.vector_load %arg11[%get3A_164] {strides = array<i32>} : memref<144xi32, #tpu.memory_space<vmem>>, vector<16xi32>,
            %get3A_166 = vector.shape_cast %get3A_165 : vector<16xi32> to vector<16xi32>
            %slice3A_167 = vector.extract_strided_slice %get3A_166 {offsets = [0], sizes = [1], strides = [1]} : vector<16xi32> to vector<1xi32>
            %squeeze3A_168 = vector.extract %slice3A_167[0] : i32 from vector<1xi32>
            %get3A_169 = arith.index_cast %while3A_163 : i32 to index
            %get3A_170 = arith.constant 0 : index
            %get3A_171 = tpu.vector_load %arg13[%get3A_169, %get3A_170] {strides = array<i32>} : memref<128x128xf32, #tpu.memory_space<vmem>>, vector<1x16xf32>,
            %get3A_172 = vector.shape_cast %get3A_171 : vector<1x16xf32> to vector<16xf32>
            %mul3A_173 = arith.constant 64 : i32
            %mul3A_174 = arith.muli %squeeze3A_168, %mul3A_173 : i32
            %add3A_175 = arith.constant 0 : i32
            %add3A_176 = arith.addi %mul3A_174, %add3A_175 : i32
            %get3A_177 = arith.index_cast %add3A_176 : i32 to index
            %get3A_178 = tpu.vector_load %arg14[%get3A_177] {strides = array<i32>} : memref<67584xf32, #tpu.memory_space<vmem>>, vector<16xf32>,
            %get3A_179 = vector.shape_cast %get3A_178 : vector<16xf32> to vector<16xf32>
            %max3A_180 = arith.maximumf %get3A_179, %get3A_172 : vector<16xf32>
            %mul3A_181 = arith.constant 64 : i32
            %mul3A_182 = arith.muli %squeeze3A_168, %mul3A_181 : i32
            %add3A_183 = arith.constant 0 : i32
            %add3A_184 = arith.addi %mul3A_182, %add3A_183 : i32
            %swap3A = arith.index_cast %add3A_184 : i32 to index
            %swap3A_185 = tpu.vector_load %arg14[%swap3A] {strides = array<i32>} : memref<67584xf32, #tpu.memory_space<vmem>>, vector<16xf32>,
            %swap3A_186 = vector.shape_cast %swap3A_185 : vector<16xf32> to vector<16xf32>
            %swap3A_187 = vector.shape_cast %max3A_180 : vector<16xf32> to vector<16xf32>
            tpu.vector_store %arg14[%swap3A], %swap3A_187 {strides = array<i32>} : memref<67584xf32, #tpu.memory_space<vmem>>, vector<16xf32>,
            %get3A_188 = arith.index_cast %while3A_163 : i32 to index
            %get3A_189 = arith.constant 16 : index
            %get3A_190 = tpu.vector_load %arg13[%get3A_188, %get3A_189] {strides = array<i32>} : memref<128x128xf32, #tpu.memory_space<vmem>>, vector<1x16xf32>,
            %get3A_191 = vector.shape_cast %get3A_190 : vector<1x16xf32> to vector<16xf32>
            %mul3A_192 = arith.constant 64 : i32
            %mul3A_193 = arith.muli %squeeze3A_168, %mul3A_192 : i32
            %add3A_194 = arith.constant 16 : i32
            %add3A_195 = arith.addi %mul3A_193, %add3A_194 : i32
            %get3A_196 = arith.index_cast %add3A_195 : i32 to index
            %get3A_197 = tpu.vector_load %arg14[%get3A_196] {strides = array<i32>} : memref<67584xf32, #tpu.memory_space<vmem>>, vector<16xf32>,
            %get3A_198 = vector.shape_cast %get3A_197 : vector<16xf32> to vector<16xf32>
            %max3A_199 = arith.maximumf %get3A_198, %get3A_191 : vector<16xf32>
            %mul3A_200 = arith.constant 64 : i32
            %mul3A_201 = arith.muli %squeeze3A_168, %mul3A_200 : i32
            %add3A_202 = arith.constant 16 : i32
            %add3A_203 = arith.addi %mul3A_201, %add3A_202 : i32
            %swap3A_204 = arith.index_cast %add3A_203 : i32 to index
            %swap3A_205 = tpu.vector_load %arg14[%swap3A_204] {strides = array<i32>} : memref<67584xf32, #tpu.memory_space<vmem>>, vector<16xf32>,
            %swap3A_206 = vector.shape_cast %swap3A_205 : vector<16xf32> to vector<16xf32>
            %swap3A_207 = vector.shape_cast %max3A_199 : vector<16xf32> to vector<16xf32>
            tpu.vector_store %arg14[%swap3A_204], %swap3A_207 {strides = array<i32>} : memref<67584xf32, #tpu.memory_space<vmem>>, vector<16xf32>,
            %get3A_208 = arith.index_cast %while3A_163 : i32 to index
            %get3A_209 = arith.constant 32 : index
            %get3A_210 = tpu.vector_load %arg13[%get3A_208, %get3A_209] {strides = array<i32>} : memref<128x128xf32, #tpu.memory_space<vmem>>, vector<1x16xf32>,
            %get3A_211 = vector.shape_cast %get3A_210 : vector<1x16xf32> to vector<16xf32>
            %mul3A_212 = arith.constant 64 : i32
            %mul3A_213 = arith.muli %squeeze3A_168, %mul3A_212 : i32
            %add3A_214 = arith.constant 32 : i32
            %add3A_215 = arith.addi %mul3A_213, %add3A_214 : i32
            %get3A_216 = arith.index_cast %add3A_215 : i32 to index
            %get3A_217 = tpu.vector_load %arg14[%get3A_216] {strides = array<i32>} : memref<67584xf32, #tpu.memory_space<vmem>>, vector<16xf32>,
            %get3A_218 = vector.shape_cast %get3A_217 : vector<16xf32> to vector<16xf32>
            %max3A_219 = arith.maximumf %get3A_218, %get3A_211 : vector<16xf32>
            %mul3A_220 = arith.constant 64 : i32
            %mul3A_221 = arith.muli %squeeze3A_168, %mul3A_220 : i32
            %add3A_222 = arith.constant 32 : i32
            %add3A_223 = arith.addi %mul3A_221, %add3A_222 : i32
            %swap3A_224 = arith.index_cast %add3A_223 : i32 to index
            %swap3A_225 = tpu.vector_load %arg14[%swap3A_224] {strides = array<i32>} : memref<67584xf32, #tpu.memory_space<vmem>>, vector<16xf32>,
            %swap3A_226 = vector.shape_cast %swap3A_225 : vector<16xf32> to vector<16xf32>
            %swap3A_227 = vector.shape_cast %max3A_219 : vector<16xf32> to vector<16xf32>
            tpu.vector_store %arg14[%swap3A_224], %swap3A_227 {strides = array<i32>} : memref<67584xf32, #tpu.memory_space<vmem>>, vector<16xf32>,
            %get3A_228 = arith.index_cast %while3A_163 : i32 to index
            %get3A_229 = arith.constant 48 : index
            %get3A_230 = tpu.vector_load %arg13[%get3A_228, %get3A_229] {strides = array<i32>} : memref<128x128xf32, #tpu.memory_space<vmem>>, vector<1x16xf32>,
            %get3A_231 = vector.shape_cast %get3A_230 : vector<1x16xf32> to vector<16xf32>
            %mul3A_232 = arith.constant 64 : i32
            %mul3A_233 = arith.muli %squeeze3A_168, %mul3A_232 : i32
            %add3A_234 = arith.constant 48 : i32
            %add3A_235 = arith.addi %mul3A_233, %add3A_234 : i32
            %get3A_236 = arith.index_cast %add3A_235 : i32 to index
            %get3A_237 = tpu.vector_load %arg14[%get3A_236] {strides = array<i32>} : memref<67584xf32, #tpu.memory_space<vmem>>, vector<16xf32>,
            %get3A_238 = vector.shape_cast %get3A_237 : vector<16xf32> to vector<16xf32>
            %max3A_239 = arith.maximumf %get3A_238, %get3A_231 : vector<16xf32>
            %mul3A_240 = arith.constant 64 : i32
            %mul3A_241 = arith.muli %squeeze3A_168, %mul3A_240 : i32
            %add3A_242 = arith.constant 48 : i32
            %add3A_243 = arith.addi %mul3A_241, %add3A_242 : i32
            %swap3A_244 = arith.index_cast %add3A_243 : i32 to index
            %swap3A_245 = tpu.vector_load %arg14[%swap3A_244] {strides = array<i32>} : memref<67584xf32, #tpu.memory_space<vmem>>, vector<16xf32>,
            %swap3A_246 = vector.shape_cast %swap3A_245 : vector<16xf32> to vector<16xf32>
            %swap3A_247 = vector.shape_cast %max3A_239 : vector<16xf32> to vector<16xf32>
            tpu.vector_store %arg14[%swap3A_244], %swap3A_247 {strides = array<i32>} : memref<67584xf32, #tpu.memory_space<vmem>>, vector<16xf32>,
          }
        } else {
        }
        %convert_element_type3A_113 = arith.extui %and3A_102 : i1 to i32
        %cond3A_114 = arith.constant 0 : i32
        %cond3A_115 = arith.cmpi ne, %convert_element_type3A_113, %cond3A_114 : i32
        scf.if %cond3A_115 {
          %add3A_144 = arith.addi %mul3A_74, %mul3A_90 : i32
          %add3A_145 = arith.constant 128 : i32
          %add3A_146 = arith.addi %add3A_144, %add3A_145 : i32
          %dma_start3A = tpu.memref_slice %arg2[%add3A_146] : memref<1634304xi32, #tpu.memory_space<hbm>> -> memref<128xi32, #tpu.memory_space<hbm>>
          %dma_start3A_147 = tpu.memref_slice %arg2[%add3A_146] : memref<1634304xi32, #tpu.memory_space<hbm>> -> memref<128xi32, #tpu.memory_space<hbm>>
          tpu.enqueue_dma source(%dma_start3A_147 : memref<128xi32, #tpu.memory_space<hbm>>) target(%arg9 : memref<128xi32, #tpu.memory_space<vmem>>) target_semaphore(%arg16 : memref<!tpu.dma_semaphore, #tpu.memory_space<semaphore_mem>>)
          %add3A_148 = arith.addi %mul3A_74, %mul3A_90 : i32
          %add3A_149 = arith.constant 128 : i32
          %add3A_150 = arith.addi %add3A_148, %add3A_149 : i32
          %dma_start3A_151 = arith.constant 0 : i32
          %dma_start3A_152 = tpu.memref_slice %arg11[%dma_start3A_151] : memref<144xi32, #tpu.memory_space<vmem>> -> memref<128xi32, #tpu.memory_space<vmem>>
          %dma_start3A_153 = tpu.memref_slice %arg3[%add3A_150] : memref<1634304xi32, #tpu.memory_space<hbm>> -> memref<128xi32, #tpu.memory_space<hbm>>
          %dma_start3A_154 = arith.constant 0 : i32
          %dma_start3A_155 = tpu.memref_slice %arg11[%dma_start3A_154] : memref<144xi32, #tpu.memory_space<vmem>> -> memref<128xi32, #tpu.memory_space<vmem>>
          %dma_start3A_156 = tpu.memref_slice %arg3[%add3A_150] : memref<1634304xi32, #tpu.memory_space<hbm>> -> memref<128xi32, #tpu.memory_space<hbm>>
          tpu.enqueue_dma source(%dma_start3A_156 : memref<128xi32, #tpu.memory_space<hbm>>) target(%dma_start3A_155 : memref<128xi32, #tpu.memory_space<vmem>>) target_semaphore(%arg18 : memref<!tpu.dma_semaphore, #tpu.memory_space<semaphore_mem>>)
        } else {
        }
        %mul3A_116 = arith.constant 128 : i32
        %mul3A_117 = arith.muli %add3A_88, %mul3A_116 : i32
        %lt3A_118 = arith.cmpi slt, %mul3A_117, %squeeze3A_72 : i32
        %add3A_119 = arith.constant 128 : i32
        %add3A_120 = arith.addi %mul3A_117, %add3A_119 : i32
        %gt3A_121 = arith.cmpi sgt, %add3A_120, %squeeze3A : i32
        %and3A_122 = arith.andi %lt3A_118, %gt3A_121 : i1
        %add3A_123 = arith.constant 128 : i32
        %add3A_124 = arith.addi %mul3A_117, %add3A_123 : i32
        %lt3A_125 = arith.cmpi slt, %add3A_124, %squeeze3A_72 : i32
        %add3A_126 = arith.constant 256 : i32
        %add3A_127 = arith.addi %mul3A_117, %add3A_126 : i32
        %gt3A_128 = arith.cmpi sgt, %add3A_127, %squeeze3A : i32
        %and3A_129 = arith.andi %lt3A_125, %gt3A_128 : i1
        %sub3A_130 = arith.constant 128 : i32
        %sub3A_131 = arith.subi %mul3A_117, %sub3A_130 : i32
        %lt3A_132 = arith.cmpi slt, %sub3A_131, %squeeze3A_72 : i32
        %gt3A_133 = arith.cmpi sgt, %mul3A_117, %squeeze3A : i32
        %and3A_134 = arith.andi %lt3A_132, %gt3A_133 : i1
        %convert_element_type3A_135 = arith.extui %and3A_122 : i1 to i32
        %cond3A_136 = arith.constant 0 : i32
        %cond3A_137 = arith.cmpi ne, %convert_element_type3A_135, %cond3A_136 : i32
        scf.if %cond3A_137 {
          %dma_wait3A = arith.constant 0 : i32
          %dma_wait3A_144 = tpu.memref_slice %arg2[%dma_wait3A] : memref<1634304xi32, #tpu.memory_space<hbm>> -> memref<128xi32, #tpu.memory_space<hbm>>
          %dma_wait3A_145 = arith.constant 0 : i32
          %dma_wait3A_146 = tpu.memref_slice %arg2[%dma_wait3A_145] : memref<1634304xi32, #tpu.memory_space<hbm>> -> memref<128xi32, #tpu.memory_space<hbm>>
          tpu.wait_dma2 semaphore(%arg16 : memref<!tpu.dma_semaphore, #tpu.memory_space<semaphore_mem>>) src(%dma_wait3A_146 : memref<128xi32, #tpu.memory_space<hbm>>) dst(%arg9 : memref<128xi32, #tpu.memory_space<vmem>>)
          %dma_wait3A_147 = arith.constant 0 : i32
          %dma_wait3A_148 = tpu.memref_slice %arg11[%dma_wait3A_147] : memref<144xi32, #tpu.memory_space<vmem>> -> memref<128xi32, #tpu.memory_space<vmem>>
          %dma_wait3A_149 = arith.constant 0 : i32
          %dma_wait3A_150 = tpu.memref_slice %arg3[%dma_wait3A_149] : memref<1634304xi32, #tpu.memory_space<hbm>> -> memref<128xi32, #tpu.memory_space<hbm>>
          %dma_wait3A_151 = arith.constant 0 : i32
          %dma_wait3A_152 = tpu.memref_slice %arg11[%dma_wait3A_151] : memref<144xi32, #tpu.memory_space<vmem>> -> memref<128xi32, #tpu.memory_space<vmem>>
          %dma_wait3A_153 = arith.constant 0 : i32
          %dma_wait3A_154 = tpu.memref_slice %arg3[%dma_wait3A_153] : memref<1634304xi32, #tpu.memory_space<hbm>> -> memref<128xi32, #tpu.memory_space<hbm>>
          tpu.wait_dma2 semaphore(%arg18 : memref<!tpu.dma_semaphore, #tpu.memory_space<semaphore_mem>>) src(%dma_wait3A_154 : memref<128xi32, #tpu.memory_space<hbm>>) dst(%dma_wait3A_152 : memref<128xi32, #tpu.memory_space<vmem>>)
          %dma_start3A = arith.constant 0 : i32
          %dma_start3A_155 = arith.constant 0 : i32
          %dma_start3A_156 = tpu.memref_slice %arg5[%dma_start3A, %dma_start3A_155] : memref<1605632x128xf32, #tpu.memory_space<hbm>> -> memref<1605632x128xf32, #tpu.memory_space<hbm>>
          tpu.enqueue_indirect_dma source(%dma_start3A_156 : memref<1605632x128xf32, #tpu.memory_space<hbm>>) target(%arg13 : memref<128x128xf32, #tpu.memory_space<vmem>>) offsets(%arg9 : memref<128xi32, #tpu.memory_space<vmem>>) semaphore(%arg20 : memref<!tpu.dma_semaphore, #tpu.memory_space<semaphore_mem>>)
        } else {
        }
        %convert_element_type3A_138 = arith.extui %and3A_134 : i1 to i32
        %cond3A_139 = arith.constant 0 : i32
        %cond3A_140 = arith.cmpi ne, %convert_element_type3A_138, %cond3A_139 : i32
        scf.if %cond3A_140 {
          %dma_wait3A = arith.constant 0 : i32
          %dma_wait3A_144 = arith.constant 0 : i32
          %dma_wait3A_145 = tpu.memref_slice %arg5[%dma_wait3A, %dma_wait3A_144] : memref<1605632x128xf32, #tpu.memory_space<hbm>> -> memref<128x128xf32, #tpu.memory_space<hbm>>
          %dma_wait3A_146 = arith.constant 0 : i32
          %dma_wait3A_147 = arith.constant 0 : i32
          %dma_wait3A_148 = tpu.memref_slice %arg5[%dma_wait3A_146, %dma_wait3A_147] : memref<1605632x128xf32, #tpu.memory_space<hbm>> -> memref<128x128xf32, #tpu.memory_space<hbm>>
          tpu.wait_dma2 semaphore(%arg19 : memref<!tpu.dma_semaphore, #tpu.memory_space<semaphore_mem>>) src(%dma_wait3A_148 : memref<128x128xf32, #tpu.memory_space<hbm>>) dst(%arg12 : memref<128x128xf32, #tpu.memory_space<vmem>>)
          %sub3A_149 = arith.constant 128 : i32
          %sub3A_150 = arith.subi %mul3A_117, %sub3A_149 : i32
          %sub3A_151 = arith.subi %squeeze3A, %sub3A_150 : i32
          %max3A = arith.constant 0 : i32
          %max3A_152 = arith.maxsi %sub3A_151, %max3A : i32
          %sub3A_153 = arith.subi %squeeze3A_72, %sub3A_150 : i32
          %min3A = arith.constant 128 : i32
          %min3A_154 = arith.minsi %sub3A_153, %min3A : i32
          %while3A = arith.constant 0 : i32
          %while3A_155 = arith.subi %min3A_154, %max3A_152 : i32
          %while3A_156 = arith.addi %max3A_152, %while3A_155 : i32
          %while3A_157 = arith.constant 1 : i32
          %while3A_158 = arith.divsi %while3A_155, %while3A_157 : i32
          %while3A_159 = arith.muli %while3A_158, %while3A_157 : i32
          %while3A_160 = arith.addi %max3A_152, %while3A_159 : i32
          %while3A_161 = arith.constant 1 : i32
          scf.for %while3A_163 = %max3A_152 to %while3A_160 step %while3A_161  : i32 {
            %get3A_164 = arith.index_cast %while3A_163 : i32 to index
            %get3A_165 = tpu.vector_load %arg10[%get3A_164] {strides = array<i32>} : memref<144xi32, #tpu.memory_space<vmem>>, vector<16xi32>,
            %get3A_166 = vector.shape_cast %get3A_165 : vector<16xi32> to vector<16xi32>
            %slice3A_167 = vector.extract_strided_slice %get3A_166 {offsets = [0], sizes = [1], strides = [1]} : vector<16xi32> to vector<1xi32>
            %squeeze3A_168 = vector.extract %slice3A_167[0] : i32 from vector<1xi32>
            %get3A_169 = arith.index_cast %while3A_163 : i32 to index
            %get3A_170 = arith.constant 0 : index
            %get3A_171 = tpu.vector_load %arg12[%get3A_169, %get3A_170] {strides = array<i32>} : memref<128x128xf32, #tpu.memory_space<vmem>>, vector<1x16xf32>,
            %get3A_172 = vector.shape_cast %get3A_171 : vector<1x16xf32> to vector<16xf32>
            %mul3A_173 = arith.constant 64 : i32
            %mul3A_174 = arith.muli %squeeze3A_168, %mul3A_173 : i32
            %add3A_175 = arith.constant 0 : i32
            %add3A_176 = arith.addi %mul3A_174, %add3A_175 : i32
            %get3A_177 = arith.index_cast %add3A_176 : i32 to index
            %get3A_178 = tpu.vector_load %arg14[%get3A_177] {strides = array<i32>} : memref<67584xf32, #tpu.memory_space<vmem>>, vector<16xf32>,
            %get3A_179 = vector.shape_cast %get3A_178 : vector<16xf32> to vector<16xf32>
            %max3A_180 = arith.maximumf %get3A_179, %get3A_172 : vector<16xf32>
            %mul3A_181 = arith.constant 64 : i32
            %mul3A_182 = arith.muli %squeeze3A_168, %mul3A_181 : i32
            %add3A_183 = arith.constant 0 : i32
            %add3A_184 = arith.addi %mul3A_182, %add3A_183 : i32
            %swap3A = arith.index_cast %add3A_184 : i32 to index
            %swap3A_185 = tpu.vector_load %arg14[%swap3A] {strides = array<i32>} : memref<67584xf32, #tpu.memory_space<vmem>>, vector<16xf32>,
            %swap3A_186 = vector.shape_cast %swap3A_185 : vector<16xf32> to vector<16xf32>
            %swap3A_187 = vector.shape_cast %max3A_180 : vector<16xf32> to vector<16xf32>
            tpu.vector_store %arg14[%swap3A], %swap3A_187 {strides = array<i32>} : memref<67584xf32, #tpu.memory_space<vmem>>, vector<16xf32>,
            %get3A_188 = arith.index_cast %while3A_163 : i32 to index
            %get3A_189 = arith.constant 16 : index
            %get3A_190 = tpu.vector_load %arg12[%get3A_188, %get3A_189] {strides = array<i32>} : memref<128x128xf32, #tpu.memory_space<vmem>>, vector<1x16xf32>,
            %get3A_191 = vector.shape_cast %get3A_190 : vector<1x16xf32> to vector<16xf32>
            %mul3A_192 = arith.constant 64 : i32
            %mul3A_193 = arith.muli %squeeze3A_168, %mul3A_192 : i32
            %add3A_194 = arith.constant 16 : i32
            %add3A_195 = arith.addi %mul3A_193, %add3A_194 : i32
            %get3A_196 = arith.index_cast %add3A_195 : i32 to index
            %get3A_197 = tpu.vector_load %arg14[%get3A_196] {strides = array<i32>} : memref<67584xf32, #tpu.memory_space<vmem>>, vector<16xf32>,
            %get3A_198 = vector.shape_cast %get3A_197 : vector<16xf32> to vector<16xf32>
            %max3A_199 = arith.maximumf %get3A_198, %get3A_191 : vector<16xf32>
            %mul3A_200 = arith.constant 64 : i32
            %mul3A_201 = arith.muli %squeeze3A_168, %mul3A_200 : i32
            %add3A_202 = arith.constant 16 : i32
            %add3A_203 = arith.addi %mul3A_201, %add3A_202 : i32
            %swap3A_204 = arith.index_cast %add3A_203 : i32 to index
            %swap3A_205 = tpu.vector_load %arg14[%swap3A_204] {strides = array<i32>} : memref<67584xf32, #tpu.memory_space<vmem>>, vector<16xf32>,
            %swap3A_206 = vector.shape_cast %swap3A_205 : vector<16xf32> to vector<16xf32>
            %swap3A_207 = vector.shape_cast %max3A_199 : vector<16xf32> to vector<16xf32>
            tpu.vector_store %arg14[%swap3A_204], %swap3A_207 {strides = array<i32>} : memref<67584xf32, #tpu.memory_space<vmem>>, vector<16xf32>,
            %get3A_208 = arith.index_cast %while3A_163 : i32 to index
            %get3A_209 = arith.constant 32 : index
            %get3A_210 = tpu.vector_load %arg12[%get3A_208, %get3A_209] {strides = array<i32>} : memref<128x128xf32, #tpu.memory_space<vmem>>, vector<1x16xf32>,
            %get3A_211 = vector.shape_cast %get3A_210 : vector<1x16xf32> to vector<16xf32>
            %mul3A_212 = arith.constant 64 : i32
            %mul3A_213 = arith.muli %squeeze3A_168, %mul3A_212 : i32
            %add3A_214 = arith.constant 32 : i32
            %add3A_215 = arith.addi %mul3A_213, %add3A_214 : i32
            %get3A_216 = arith.index_cast %add3A_215 : i32 to index
            %get3A_217 = tpu.vector_load %arg14[%get3A_216] {strides = array<i32>} : memref<67584xf32, #tpu.memory_space<vmem>>, vector<16xf32>,
            %get3A_218 = vector.shape_cast %get3A_217 : vector<16xf32> to vector<16xf32>
            %max3A_219 = arith.maximumf %get3A_218, %get3A_211 : vector<16xf32>
            %mul3A_220 = arith.constant 64 : i32
            %mul3A_221 = arith.muli %squeeze3A_168, %mul3A_220 : i32
            %add3A_222 = arith.constant 32 : i32
            %add3A_223 = arith.addi %mul3A_221, %add3A_222 : i32
            %swap3A_224 = arith.index_cast %add3A_223 : i32 to index
            %swap3A_225 = tpu.vector_load %arg14[%swap3A_224] {strides = array<i32>} : memref<67584xf32, #tpu.memory_space<vmem>>, vector<16xf32>,
            %swap3A_226 = vector.shape_cast %swap3A_225 : vector<16xf32> to vector<16xf32>
            %swap3A_227 = vector.shape_cast %max3A_219 : vector<16xf32> to vector<16xf32>
            tpu.vector_store %arg14[%swap3A_224], %swap3A_227 {strides = array<i32>} : memref<67584xf32, #tpu.memory_space<vmem>>, vector<16xf32>,
            %get3A_228 = arith.index_cast %while3A_163 : i32 to index
            %get3A_229 = arith.constant 48 : index
            %get3A_230 = tpu.vector_load %arg12[%get3A_228, %get3A_229] {strides = array<i32>} : memref<128x128xf32, #tpu.memory_space<vmem>>, vector<1x16xf32>,
            %get3A_231 = vector.shape_cast %get3A_230 : vector<1x16xf32> to vector<16xf32>
            %mul3A_232 = arith.constant 64 : i32
            %mul3A_233 = arith.muli %squeeze3A_168, %mul3A_232 : i32
            %add3A_234 = arith.constant 48 : i32
            %add3A_235 = arith.addi %mul3A_233, %add3A_234 : i32
            %get3A_236 = arith.index_cast %add3A_235 : i32 to index
            %get3A_237 = tpu.vector_load %arg14[%get3A_236] {strides = array<i32>} : memref<67584xf32, #tpu.memory_space<vmem>>, vector<16xf32>,
            %get3A_238 = vector.shape_cast %get3A_237 : vector<16xf32> to vector<16xf32>
            %max3A_239 = arith.maximumf %get3A_238, %get3A_231 : vector<16xf32>
            %mul3A_240 = arith.constant 64 : i32
            %mul3A_241 = arith.muli %squeeze3A_168, %mul3A_240 : i32
            %add3A_242 = arith.constant 48 : i32
            %add3A_243 = arith.addi %mul3A_241, %add3A_242 : i32
            %swap3A_244 = arith.index_cast %add3A_243 : i32 to index
            %swap3A_245 = tpu.vector_load %arg14[%swap3A_244] {strides = array<i32>} : memref<67584xf32, #tpu.memory_space<vmem>>, vector<16xf32>,
            %swap3A_246 = vector.shape_cast %swap3A_245 : vector<16xf32> to vector<16xf32>
            %swap3A_247 = vector.shape_cast %max3A_239 : vector<16xf32> to vector<16xf32>
            tpu.vector_store %arg14[%swap3A_244], %swap3A_247 {strides = array<i32>} : memref<67584xf32, #tpu.memory_space<vmem>>, vector<16xf32>,
          }
          %while3A_162 = arith.constant 1 : i32
          scf.for %while3A_163 = %while3A_160 to %while3A_156 step %while3A_162  : i32 {
            %get3A_164 = arith.index_cast %while3A_163 : i32 to index
            %get3A_165 = tpu.vector_load %arg10[%get3A_164] {strides = array<i32>} : memref<144xi32, #tpu.memory_space<vmem>>, vector<16xi32>,
            %get3A_166 = vector.shape_cast %get3A_165 : vector<16xi32> to vector<16xi32>
            %slice3A_167 = vector.extract_strided_slice %get3A_166 {offsets = [0], sizes = [1], strides = [1]} : vector<16xi32> to vector<1xi32>
            %squeeze3A_168 = vector.extract %slice3A_167[0] : i32 from vector<1xi32>
            %get3A_169 = arith.index_cast %while3A_163 : i32 to index
            %get3A_170 = arith.constant 0 : index
            %get3A_171 = tpu.vector_load %arg12[%get3A_169, %get3A_170] {strides = array<i32>} : memref<128x128xf32, #tpu.memory_space<vmem>>, vector<1x16xf32>,
            %get3A_172 = vector.shape_cast %get3A_171 : vector<1x16xf32> to vector<16xf32>
            %mul3A_173 = arith.constant 64 : i32
            %mul3A_174 = arith.muli %squeeze3A_168, %mul3A_173 : i32
            %add3A_175 = arith.constant 0 : i32
            %add3A_176 = arith.addi %mul3A_174, %add3A_175 : i32
            %get3A_177 = arith.index_cast %add3A_176 : i32 to index
            %get3A_178 = tpu.vector_load %arg14[%get3A_177] {strides = array<i32>} : memref<67584xf32, #tpu.memory_space<vmem>>, vector<16xf32>,
            %get3A_179 = vector.shape_cast %get3A_178 : vector<16xf32> to vector<16xf32>
            %max3A_180 = arith.maximumf %get3A_179, %get3A_172 : vector<16xf32>
            %mul3A_181 = arith.constant 64 : i32
            %mul3A_182 = arith.muli %squeeze3A_168, %mul3A_181 : i32
            %add3A_183 = arith.constant 0 : i32
            %add3A_184 = arith.addi %mul3A_182, %add3A_183 : i32
            %swap3A = arith.index_cast %add3A_184 : i32 to index
            %swap3A_185 = tpu.vector_load %arg14[%swap3A] {strides = array<i32>} : memref<67584xf32, #tpu.memory_space<vmem>>, vector<16xf32>,
            %swap3A_186 = vector.shape_cast %swap3A_185 : vector<16xf32> to vector<16xf32>
            %swap3A_187 = vector.shape_cast %max3A_180 : vector<16xf32> to vector<16xf32>
            tpu.vector_store %arg14[%swap3A], %swap3A_187 {strides = array<i32>} : memref<67584xf32, #tpu.memory_space<vmem>>, vector<16xf32>,
            %get3A_188 = arith.index_cast %while3A_163 : i32 to index
            %get3A_189 = arith.constant 16 : index
            %get3A_190 = tpu.vector_load %arg12[%get3A_188, %get3A_189] {strides = array<i32>} : memref<128x128xf32, #tpu.memory_space<vmem>>, vector<1x16xf32>,
            %get3A_191 = vector.shape_cast %get3A_190 : vector<1x16xf32> to vector<16xf32>
            %mul3A_192 = arith.constant 64 : i32
            %mul3A_193 = arith.muli %squeeze3A_168, %mul3A_192 : i32
            %add3A_194 = arith.constant 16 : i32
            %add3A_195 = arith.addi %mul3A_193, %add3A_194 : i32
            %get3A_196 = arith.index_cast %add3A_195 : i32 to index
            %get3A_197 = tpu.vector_load %arg14[%get3A_196] {strides = array<i32>} : memref<67584xf32, #tpu.memory_space<vmem>>, vector<16xf32>,
            %get3A_198 = vector.shape_cast %get3A_197 : vector<16xf32> to vector<16xf32>
            %max3A_199 = arith.maximumf %get3A_198, %get3A_191 : vector<16xf32>
            %mul3A_200 = arith.constant 64 : i32
            %mul3A_201 = arith.muli %squeeze3A_168, %mul3A_200 : i32
            %add3A_202 = arith.constant 16 : i32
            %add3A_203 = arith.addi %mul3A_201, %add3A_202 : i32
            %swap3A_204 = arith.index_cast %add3A_203 : i32 to index
            %swap3A_205 = tpu.vector_load %arg14[%swap3A_204] {strides = array<i32>} : memref<67584xf32, #tpu.memory_space<vmem>>, vector<16xf32>,
            %swap3A_206 = vector.shape_cast %swap3A_205 : vector<16xf32> to vector<16xf32>
            %swap3A_207 = vector.shape_cast %max3A_199 : vector<16xf32> to vector<16xf32>
            tpu.vector_store %arg14[%swap3A_204], %swap3A_207 {strides = array<i32>} : memref<67584xf32, #tpu.memory_space<vmem>>, vector<16xf32>,
            %get3A_208 = arith.index_cast %while3A_163 : i32 to index
            %get3A_209 = arith.constant 32 : index
            %get3A_210 = tpu.vector_load %arg12[%get3A_208, %get3A_209] {strides = array<i32>} : memref<128x128xf32, #tpu.memory_space<vmem>>, vector<1x16xf32>,
            %get3A_211 = vector.shape_cast %get3A_210 : vector<1x16xf32> to vector<16xf32>
            %mul3A_212 = arith.constant 64 : i32
            %mul3A_213 = arith.muli %squeeze3A_168, %mul3A_212 : i32
            %add3A_214 = arith.constant 32 : i32
            %add3A_215 = arith.addi %mul3A_213, %add3A_214 : i32
            %get3A_216 = arith.index_cast %add3A_215 : i32 to index
            %get3A_217 = tpu.vector_load %arg14[%get3A_216] {strides = array<i32>} : memref<67584xf32, #tpu.memory_space<vmem>>, vector<16xf32>,
            %get3A_218 = vector.shape_cast %get3A_217 : vector<16xf32> to vector<16xf32>
            %max3A_219 = arith.maximumf %get3A_218, %get3A_211 : vector<16xf32>
            %mul3A_220 = arith.constant 64 : i32
            %mul3A_221 = arith.muli %squeeze3A_168, %mul3A_220 : i32
            %add3A_222 = arith.constant 32 : i32
            %add3A_223 = arith.addi %mul3A_221, %add3A_222 : i32
            %swap3A_224 = arith.index_cast %add3A_223 : i32 to index
            %swap3A_225 = tpu.vector_load %arg14[%swap3A_224] {strides = array<i32>} : memref<67584xf32, #tpu.memory_space<vmem>>, vector<16xf32>,
            %swap3A_226 = vector.shape_cast %swap3A_225 : vector<16xf32> to vector<16xf32>
            %swap3A_227 = vector.shape_cast %max3A_219 : vector<16xf32> to vector<16xf32>
            tpu.vector_store %arg14[%swap3A_224], %swap3A_227 {strides = array<i32>} : memref<67584xf32, #tpu.memory_space<vmem>>, vector<16xf32>,
            %get3A_228 = arith.index_cast %while3A_163 : i32 to index
            %get3A_229 = arith.constant 48 : index
            %get3A_230 = tpu.vector_load %arg12[%get3A_228, %get3A_229] {strides = array<i32>} : memref<128x128xf32, #tpu.memory_space<vmem>>, vector<1x16xf32>,
            %get3A_231 = vector.shape_cast %get3A_230 : vector<1x16xf32> to vector<16xf32>
            %mul3A_232 = arith.constant 64 : i32
            %mul3A_233 = arith.muli %squeeze3A_168, %mul3A_232 : i32
            %add3A_234 = arith.constant 48 : i32
            %add3A_235 = arith.addi %mul3A_233, %add3A_234 : i32
            %get3A_236 = arith.index_cast %add3A_235 : i32 to index
            %get3A_237 = tpu.vector_load %arg14[%get3A_236] {strides = array<i32>} : memref<67584xf32, #tpu.memory_space<vmem>>, vector<16xf32>,
            %get3A_238 = vector.shape_cast %get3A_237 : vector<16xf32> to vector<16xf32>
            %max3A_239 = arith.maximumf %get3A_238, %get3A_231 : vector<16xf32>
            %mul3A_240 = arith.constant 64 : i32
            %mul3A_241 = arith.muli %squeeze3A_168, %mul3A_240 : i32
            %add3A_242 = arith.constant 48 : i32
            %add3A_243 = arith.addi %mul3A_241, %add3A_242 : i32
            %swap3A_244 = arith.index_cast %add3A_243 : i32 to index
            %swap3A_245 = tpu.vector_load %arg14[%swap3A_244] {strides = array<i32>} : memref<67584xf32, #tpu.memory_space<vmem>>, vector<16xf32>,
            %swap3A_246 = vector.shape_cast %swap3A_245 : vector<16xf32> to vector<16xf32>
            %swap3A_247 = vector.shape_cast %max3A_239 : vector<16xf32> to vector<16xf32>
            tpu.vector_store %arg14[%swap3A_244], %swap3A_247 {strides = array<i32>} : memref<67584xf32, #tpu.memory_space<vmem>>, vector<16xf32>,
          }
        } else {
        }
        %convert_element_type3A_141 = arith.extui %and3A_129 : i1 to i32
        %cond3A_142 = arith.constant 0 : i32
        %cond3A_143 = arith.cmpi ne, %convert_element_type3A_141, %cond3A_142 : i32
        scf.if %cond3A_143 {
          %add3A_144 = arith.addi %mul3A_74, %mul3A_117 : i32
          %add3A_145 = arith.constant 128 : i32
          %add3A_146 = arith.addi %add3A_144, %add3A_145 : i32
          %dma_start3A = tpu.memref_slice %arg2[%add3A_146] : memref<1634304xi32, #tpu.memory_space<hbm>> -> memref<128xi32, #tpu.memory_space<hbm>>
          %dma_start3A_147 = tpu.memref_slice %arg2[%add3A_146] : memref<1634304xi32, #tpu.memory_space<hbm>> -> memref<128xi32, #tpu.memory_space<hbm>>
          tpu.enqueue_dma source(%dma_start3A_147 : memref<128xi32, #tpu.memory_space<hbm>>) target(%arg8 : memref<128xi32, #tpu.memory_space<vmem>>) target_semaphore(%arg15 : memref<!tpu.dma_semaphore, #tpu.memory_space<semaphore_mem>>)
          %add3A_148 = arith.addi %mul3A_74, %mul3A_117 : i32
          %add3A_149 = arith.constant 128 : i32
          %add3A_150 = arith.addi %add3A_148, %add3A_149 : i32
          %dma_start3A_151 = arith.constant 0 : i32
          %dma_start3A_152 = tpu.memref_slice %arg10[%dma_start3A_151] : memref<144xi32, #tpu.memory_space<vmem>> -> memref<128xi32, #tpu.memory_space<vmem>>
          %dma_start3A_153 = tpu.memref_slice %arg3[%add3A_150] : memref<1634304xi32, #tpu.memory_space<hbm>> -> memref<128xi32, #tpu.memory_space<hbm>>
          %dma_start3A_154 = arith.constant 0 : i32
          %dma_start3A_155 = tpu.memref_slice %arg10[%dma_start3A_154] : memref<144xi32, #tpu.memory_space<vmem>> -> memref<128xi32, #tpu.memory_space<vmem>>
          %dma_start3A_156 = tpu.memref_slice %arg3[%add3A_150] : memref<1634304xi32, #tpu.memory_space<hbm>> -> memref<128xi32, #tpu.memory_space<hbm>>
          tpu.enqueue_dma source(%dma_start3A_156 : memref<128xi32, #tpu.memory_space<hbm>>) target(%dma_start3A_155 : memref<128xi32, #tpu.memory_space<vmem>>) target_semaphore(%arg17 : memref<!tpu.dma_semaphore, #tpu.memory_space<semaphore_mem>>)
        } else {
        }
      }
      %scan3A_83 = arith.constant 200 : i32
    }
    %scan3A_18 = arith.constant 32 : i32
    %mul3A_19 = arith.constant 64 : i32
    %mul3A_20 = arith.muli %mul3A_7, %mul3A_19 : i32
    "tpu.region"() ({
      %run_scoped3A = tpu.sem_alloc : memref<!tpu.dma_semaphore, #tpu.memory_space<semaphore_mem>>
      %dma_start3A = arith.constant 0 : i32
      %dma_start3A_61 = tpu.memref_slice %arg14[%dma_start3A] : memref<67584xf32, #tpu.memory_space<vmem>> -> memref<67072xf32, #tpu.memory_space<vmem>>
      %dma_start3A_62 = tpu.memref_slice %arg6[%mul3A_20] : memref<6438912xf32, #tpu.memory_space<hbm>> -> memref<67072xf32, #tpu.memory_space<hbm>>
      %dma_start3A_63 = tpu.memref_slice %arg6[%mul3A_20] : memref<6438912xf32, #tpu.memory_space<hbm>> -> memref<67072xf32, #tpu.memory_space<hbm>>
      %dma_start3A_64 = arith.constant 0 : i32
      %dma_start3A_65 = tpu.memref_slice %arg14[%dma_start3A_64] : memref<67584xf32, #tpu.memory_space<vmem>> -> memref<67072xf32, #tpu.memory_space<vmem>>
      tpu.enqueue_dma source(%dma_start3A_65 : memref<67072xf32, #tpu.memory_space<vmem>>) target(%dma_start3A_63 : memref<67072xf32, #tpu.memory_space<hbm>>) target_semaphore(%run_scoped3A : memref<!tpu.dma_semaphore, #tpu.memory_space<semaphore_mem>>)
      %dma_wait3A = arith.constant 0 : i32
      %dma_wait3A_66 = tpu.memref_slice %arg14[%dma_wait3A] : memref<67584xf32, #tpu.memory_space<vmem>> -> memref<67072xf32, #tpu.memory_space<vmem>>
      %dma_wait3A_67 = tpu.memref_slice %arg6[%mul3A_20] : memref<6438912xf32, #tpu.memory_space<hbm>> -> memref<67072xf32, #tpu.memory_space<hbm>>
      %dma_wait3A_68 = tpu.memref_slice %arg6[%mul3A_20] : memref<6438912xf32, #tpu.memory_space<hbm>> -> memref<67072xf32, #tpu.memory_space<hbm>>
      %dma_wait3A_69 = arith.constant 0 : i32
      %dma_wait3A_70 = tpu.memref_slice %arg14[%dma_wait3A_69] : memref<67584xf32, #tpu.memory_space<vmem>> -> memref<67072xf32, #tpu.memory_space<vmem>>
      tpu.wait_dma2 semaphore(%run_scoped3A : memref<!tpu.dma_semaphore, #tpu.memory_space<semaphore_mem>>) src(%dma_wait3A_70 : memref<67072xf32, #tpu.memory_space<vmem>>) dst(%dma_wait3A_68 : memref<67072xf32, #tpu.memory_space<hbm>>)
      tpu.yield
    }) : () -> ()
    %mul3A_21 = arith.constant 3 : i32
    %mul3A_22 = arith.muli %mul3A_21, %add3A : i32
    %add3A_23 = arith.constant 1 : i32
    %add3A_24 = arith.addi %mul3A_22, %add3A_23 : i32
    %mul3A_25 = arith.constant 1048 : i32
    %mul3A_26 = arith.muli %add3A_24, %mul3A_25 : i32
    %scan3A_27 = arith.constant 0 : i32
    %scan3A_28 = arith.constant 0 : i32
    %scan3A_29 = arith.constant 4224 : i32
    %scan3A_30 = arith.addi %scan3A_28, %scan3A_29 : i32
    %scan3A_31 = arith.constant 1 : i32
    scf.for %scan3A_61 = %scan3A_28 to %scan3A_30 step %scan3A_31  : i32 {
      %mul3A_62 = arith.constant 16 : i32
      %mul3A_63 = arith.muli %scan3A_61, %mul3A_62 : i32
      %swap3A = arith.index_cast %mul3A_63 : i32 to index
      %swap3A_64 = tpu.vector_load %arg14[%swap3A] {strides = array<i32>} : memref<67584xf32, #tpu.memory_space<vmem>>, vector<16xf32>,
      %swap3A_65 = vector.shape_cast %swap3A_64 : vector<16xf32> to vector<16xf32>
      %swap3A_66 = vector.shape_cast %broadcast_in_dim3A_1 : vector<16xf32> to vector<16xf32>
      tpu.vector_store %arg14[%swap3A], %swap3A_66 {strides = array<i32>} : memref<67584xf32, #tpu.memory_space<vmem>>, vector<16xf32>,
    }
    %scan3A_32 = arith.constant 4224 : i32
    %scan3A_33 = arith.constant 0 : i32
    %scan3A_34 = arith.constant 0 : i32
    %scan3A_35 = arith.constant 32 : i32
    %scan3A_36 = arith.addi %scan3A_34, %scan3A_35 : i32
    %scan3A_37 = arith.constant 1 : i32
    scf.for %scan3A_61 = %scan3A_34 to %scan3A_36 step %scan3A_37  : i32 {
      %mul3A_62 = arith.constant 104 : i32
      %mul3A_63 = arith.muli %scan3A_61, %mul3A_62 : i32
      "tpu.region"() ({
        %run_scoped3A = tpu.sem_alloc : memref<!tpu.dma_semaphore, #tpu.memory_space<semaphore_mem>>
        %dma_start3A = arith.constant 0 : i32
        %dma_start3A_84 = tpu.memref_slice %arg7[%dma_start3A] : memref<120xi32, #tpu.memory_space<vmem>> -> memref<104xi32, #tpu.memory_space<vmem>>
        %dma_start3A_85 = tpu.memref_slice %arg4[%mul3A_63] : memref<3328xi32, #tpu.memory_space<hbm>> -> memref<104xi32, #tpu.memory_space<hbm>>
        %dma_start3A_86 = arith.constant 0 : i32
        %dma_start3A_87 = tpu.memref_slice %arg7[%dma_start3A_86] : memref<120xi32, #tpu.memory_space<vmem>> -> memref<104xi32, #tpu.memory_space<vmem>>
        %dma_start3A_88 = tpu.memref_slice %arg4[%mul3A_63] : memref<3328xi32, #tpu.memory_space<hbm>> -> memref<104xi32, #tpu.memory_space<hbm>>
        tpu.enqueue_dma source(%dma_start3A_88 : memref<104xi32, #tpu.memory_space<hbm>>) target(%dma_start3A_87 : memref<104xi32, #tpu.memory_space<vmem>>) target_semaphore(%run_scoped3A : memref<!tpu.dma_semaphore, #tpu.memory_space<semaphore_mem>>)
        %dma_wait3A = arith.constant 0 : i32
        %dma_wait3A_89 = tpu.memref_slice %arg7[%dma_wait3A] : memref<120xi32, #tpu.memory_space<vmem>> -> memref<104xi32, #tpu.memory_space<vmem>>
        %dma_wait3A_90 = tpu.memref_slice %arg4[%mul3A_63] : memref<3328xi32, #tpu.memory_space<hbm>> -> memref<104xi32, #tpu.memory_space<hbm>>
        %dma_wait3A_91 = arith.constant 0 : i32
        %dma_wait3A_92 = tpu.memref_slice %arg7[%dma_wait3A_91] : memref<120xi32, #tpu.memory_space<vmem>> -> memref<104xi32, #tpu.memory_space<vmem>>
        %dma_wait3A_93 = tpu.memref_slice %arg4[%mul3A_63] : memref<3328xi32, #tpu.memory_space<hbm>> -> memref<104xi32, #tpu.memory_space<hbm>>
        tpu.wait_dma2 semaphore(%run_scoped3A : memref<!tpu.dma_semaphore, #tpu.memory_space<semaphore_mem>>) src(%dma_wait3A_93 : memref<104xi32, #tpu.memory_space<hbm>>) dst(%dma_wait3A_92 : memref<104xi32, #tpu.memory_space<vmem>>)
        tpu.yield
      }) : () -> ()
      %get3A = arith.index_cast %add3A_24 : i32 to index
      %get3A_64 = tpu.vector_load %arg7[%get3A] {strides = array<i32>} : memref<120xi32, #tpu.memory_space<vmem>>, vector<16xi32>,
      %get3A_65 = vector.shape_cast %get3A_64 : vector<16xi32> to vector<16xi32>
      %slice3A = vector.extract_strided_slice %get3A_65 {offsets = [0], sizes = [1], strides = [1]} : vector<16xi32> to vector<1xi32>
      %squeeze3A = vector.extract %slice3A[0] : i32 from vector<1xi32>
      %add3A_66 = arith.constant 1 : i32
      %add3A_67 = arith.addi %add3A_24, %add3A_66 : i32
      %get3A_68 = arith.index_cast %add3A_67 : i32 to index
      %get3A_69 = tpu.vector_load %arg7[%get3A_68] {strides = array<i32>} : memref<120xi32, #tpu.memory_space<vmem>>, vector<16xi32>,
      %get3A_70 = vector.shape_cast %get3A_69 : vector<16xi32> to vector<16xi32>
      %slice3A_71 = vector.extract_strided_slice %get3A_70 {offsets = [0], sizes = [1], strides = [1]} : vector<16xi32> to vector<1xi32>
      %squeeze3A_72 = vector.extract %slice3A_71[0] : i32 from vector<1xi32>
      %mul3A_73 = arith.constant 51072 : i32
      %mul3A_74 = arith.muli %scan3A_61, %mul3A_73 : i32
      %gt3A = arith.constant 0 : i32
      %gt3A_75 = arith.cmpi sgt, %squeeze3A_72, %gt3A : i32
      %lt3A = arith.constant 128 : i32
      %lt3A_76 = arith.cmpi slt, %squeeze3A, %lt3A : i32
      %and3A = arith.andi %gt3A_75, %lt3A_76 : i1
      %convert_element_type3A = arith.extui %and3A : i1 to i32
      %cond3A = arith.constant 0 : i32
      %cond3A_77 = arith.cmpi ne, %convert_element_type3A, %cond3A : i32
      scf.if %cond3A_77 {
        %dma_start3A = tpu.memref_slice %arg2[%mul3A_74] : memref<1634304xi32, #tpu.memory_space<hbm>> -> memref<128xi32, #tpu.memory_space<hbm>>
        %dma_start3A_84 = tpu.memref_slice %arg2[%mul3A_74] : memref<1634304xi32, #tpu.memory_space<hbm>> -> memref<128xi32, #tpu.memory_space<hbm>>
        tpu.enqueue_dma source(%dma_start3A_84 : memref<128xi32, #tpu.memory_space<hbm>>) target(%arg8 : memref<128xi32, #tpu.memory_space<vmem>>) target_semaphore(%arg15 : memref<!tpu.dma_semaphore, #tpu.memory_space<semaphore_mem>>)
        %dma_start3A_85 = arith.constant 0 : i32
        %dma_start3A_86 = tpu.memref_slice %arg10[%dma_start3A_85] : memref<144xi32, #tpu.memory_space<vmem>> -> memref<128xi32, #tpu.memory_space<vmem>>
        %dma_start3A_87 = tpu.memref_slice %arg3[%mul3A_74] : memref<1634304xi32, #tpu.memory_space<hbm>> -> memref<128xi32, #tpu.memory_space<hbm>>
        %dma_start3A_88 = arith.constant 0 : i32
        %dma_start3A_89 = tpu.memref_slice %arg10[%dma_start3A_88] : memref<144xi32, #tpu.memory_space<vmem>> -> memref<128xi32, #tpu.memory_space<vmem>>
        %dma_start3A_90 = tpu.memref_slice %arg3[%mul3A_74] : memref<1634304xi32, #tpu.memory_space<hbm>> -> memref<128xi32, #tpu.memory_space<hbm>>
        tpu.enqueue_dma source(%dma_start3A_90 : memref<128xi32, #tpu.memory_space<hbm>>) target(%dma_start3A_89 : memref<128xi32, #tpu.memory_space<vmem>>) target_semaphore(%arg17 : memref<!tpu.dma_semaphore, #tpu.memory_space<semaphore_mem>>)
      } else {
      }
      %scan3A_78 = arith.constant 0 : i32
      %scan3A_79 = arith.constant 0 : i32
      %scan3A_80 = arith.constant 200 : i32
      %scan3A_81 = arith.addi %scan3A_79, %scan3A_80 : i32
      %scan3A_82 = arith.constant 1 : i32
      scf.for %scan3A_84 = %scan3A_79 to %scan3A_81 step %scan3A_82  : i32 {
        %mul3A_85 = arith.constant 2 : i32
        %mul3A_86 = arith.muli %mul3A_85, %scan3A_84 : i32
        %add3A_87 = arith.constant 1 : i32
        %add3A_88 = arith.addi %mul3A_86, %add3A_87 : i32
        %mul3A_89 = arith.constant 128 : i32
        %mul3A_90 = arith.muli %mul3A_86, %mul3A_89 : i32
        %lt3A_91 = arith.cmpi slt, %mul3A_90, %squeeze3A_72 : i32
        %add3A_92 = arith.constant 128 : i32
        %add3A_93 = arith.addi %mul3A_90, %add3A_92 : i32
        %gt3A_94 = arith.cmpi sgt, %add3A_93, %squeeze3A : i32
        %and3A_95 = arith.andi %lt3A_91, %gt3A_94 : i1
        %add3A_96 = arith.constant 128 : i32
        %add3A_97 = arith.addi %mul3A_90, %add3A_96 : i32
        %lt3A_98 = arith.cmpi slt, %add3A_97, %squeeze3A_72 : i32
        %add3A_99 = arith.constant 256 : i32
        %add3A_100 = arith.addi %mul3A_90, %add3A_99 : i32
        %gt3A_101 = arith.cmpi sgt, %add3A_100, %squeeze3A : i32
        %and3A_102 = arith.andi %lt3A_98, %gt3A_101 : i1
        %sub3A = arith.constant 128 : i32
        %sub3A_103 = arith.subi %mul3A_90, %sub3A : i32
        %lt3A_104 = arith.cmpi slt, %sub3A_103, %squeeze3A_72 : i32
        %gt3A_105 = arith.cmpi sgt, %mul3A_90, %squeeze3A : i32
        %and3A_106 = arith.andi %lt3A_104, %gt3A_105 : i1
        %convert_element_type3A_107 = arith.extui %and3A_95 : i1 to i32
        %cond3A_108 = arith.constant 0 : i32
        %cond3A_109 = arith.cmpi ne, %convert_element_type3A_107, %cond3A_108 : i32
        scf.if %cond3A_109 {
          %dma_wait3A = arith.constant 0 : i32
          %dma_wait3A_144 = tpu.memref_slice %arg2[%dma_wait3A] : memref<1634304xi32, #tpu.memory_space<hbm>> -> memref<128xi32, #tpu.memory_space<hbm>>
          %dma_wait3A_145 = arith.constant 0 : i32
          %dma_wait3A_146 = tpu.memref_slice %arg2[%dma_wait3A_145] : memref<1634304xi32, #tpu.memory_space<hbm>> -> memref<128xi32, #tpu.memory_space<hbm>>
          tpu.wait_dma2 semaphore(%arg15 : memref<!tpu.dma_semaphore, #tpu.memory_space<semaphore_mem>>) src(%dma_wait3A_146 : memref<128xi32, #tpu.memory_space<hbm>>) dst(%arg8 : memref<128xi32, #tpu.memory_space<vmem>>)
          %dma_wait3A_147 = arith.constant 0 : i32
          %dma_wait3A_148 = tpu.memref_slice %arg10[%dma_wait3A_147] : memref<144xi32, #tpu.memory_space<vmem>> -> memref<128xi32, #tpu.memory_space<vmem>>
          %dma_wait3A_149 = arith.constant 0 : i32
          %dma_wait3A_150 = tpu.memref_slice %arg3[%dma_wait3A_149] : memref<1634304xi32, #tpu.memory_space<hbm>> -> memref<128xi32, #tpu.memory_space<hbm>>
          %dma_wait3A_151 = arith.constant 0 : i32
          %dma_wait3A_152 = tpu.memref_slice %arg10[%dma_wait3A_151] : memref<144xi32, #tpu.memory_space<vmem>> -> memref<128xi32, #tpu.memory_space<vmem>>
          %dma_wait3A_153 = arith.constant 0 : i32
          %dma_wait3A_154 = tpu.memref_slice %arg3[%dma_wait3A_153] : memref<1634304xi32, #tpu.memory_space<hbm>> -> memref<128xi32, #tpu.memory_space<hbm>>
          tpu.wait_dma2 semaphore(%arg17 : memref<!tpu.dma_semaphore, #tpu.memory_space<semaphore_mem>>) src(%dma_wait3A_154 : memref<128xi32, #tpu.memory_space<hbm>>) dst(%dma_wait3A_152 : memref<128xi32, #tpu.memory_space<vmem>>)
          %dma_start3A = arith.constant 0 : i32
          %dma_start3A_155 = arith.constant 0 : i32
          %dma_start3A_156 = tpu.memref_slice %arg5[%dma_start3A, %dma_start3A_155] : memref<1605632x128xf32, #tpu.memory_space<hbm>> -> memref<1605632x128xf32, #tpu.memory_space<hbm>>
          tpu.enqueue_indirect_dma source(%dma_start3A_156 : memref<1605632x128xf32, #tpu.memory_space<hbm>>) target(%arg12 : memref<128x128xf32, #tpu.memory_space<vmem>>) offsets(%arg8 : memref<128xi32, #tpu.memory_space<vmem>>) semaphore(%arg19 : memref<!tpu.dma_semaphore, #tpu.memory_space<semaphore_mem>>)
        } else {
        }
        %convert_element_type3A_110 = arith.extui %and3A_106 : i1 to i32
        %cond3A_111 = arith.constant 0 : i32
        %cond3A_112 = arith.cmpi ne, %convert_element_type3A_110, %cond3A_111 : i32
        scf.if %cond3A_112 {
          %dma_wait3A = arith.constant 0 : i32
          %dma_wait3A_144 = arith.constant 0 : i32
          %dma_wait3A_145 = tpu.memref_slice %arg5[%dma_wait3A, %dma_wait3A_144] : memref<1605632x128xf32, #tpu.memory_space<hbm>> -> memref<128x128xf32, #tpu.memory_space<hbm>>
          %dma_wait3A_146 = arith.constant 0 : i32
          %dma_wait3A_147 = arith.constant 0 : i32
          %dma_wait3A_148 = tpu.memref_slice %arg5[%dma_wait3A_146, %dma_wait3A_147] : memref<1605632x128xf32, #tpu.memory_space<hbm>> -> memref<128x128xf32, #tpu.memory_space<hbm>>
          tpu.wait_dma2 semaphore(%arg20 : memref<!tpu.dma_semaphore, #tpu.memory_space<semaphore_mem>>) src(%dma_wait3A_148 : memref<128x128xf32, #tpu.memory_space<hbm>>) dst(%arg13 : memref<128x128xf32, #tpu.memory_space<vmem>>)
          %sub3A_149 = arith.constant 128 : i32
          %sub3A_150 = arith.subi %mul3A_90, %sub3A_149 : i32
          %sub3A_151 = arith.subi %squeeze3A, %sub3A_150 : i32
          %max3A = arith.constant 0 : i32
          %max3A_152 = arith.maxsi %sub3A_151, %max3A : i32
          %sub3A_153 = arith.subi %squeeze3A_72, %sub3A_150 : i32
          %min3A = arith.constant 128 : i32
          %min3A_154 = arith.minsi %sub3A_153, %min3A : i32
          %while3A = arith.constant 0 : i32
          %while3A_155 = arith.subi %min3A_154, %max3A_152 : i32
          %while3A_156 = arith.addi %max3A_152, %while3A_155 : i32
          %while3A_157 = arith.constant 1 : i32
          %while3A_158 = arith.divsi %while3A_155, %while3A_157 : i32
          %while3A_159 = arith.muli %while3A_158, %while3A_157 : i32
          %while3A_160 = arith.addi %max3A_152, %while3A_159 : i32
          %while3A_161 = arith.constant 1 : i32
          scf.for %while3A_163 = %max3A_152 to %while3A_160 step %while3A_161  : i32 {
            %get3A_164 = arith.index_cast %while3A_163 : i32 to index
            %get3A_165 = tpu.vector_load %arg11[%get3A_164] {strides = array<i32>} : memref<144xi32, #tpu.memory_space<vmem>>, vector<16xi32>,
            %get3A_166 = vector.shape_cast %get3A_165 : vector<16xi32> to vector<16xi32>
            %slice3A_167 = vector.extract_strided_slice %get3A_166 {offsets = [0], sizes = [1], strides = [1]} : vector<16xi32> to vector<1xi32>
            %squeeze3A_168 = vector.extract %slice3A_167[0] : i32 from vector<1xi32>
            %get3A_169 = arith.index_cast %while3A_163 : i32 to index
            %get3A_170 = arith.constant 0 : index
            %get3A_171 = tpu.vector_load %arg13[%get3A_169, %get3A_170] {strides = array<i32>} : memref<128x128xf32, #tpu.memory_space<vmem>>, vector<1x16xf32>,
            %get3A_172 = vector.shape_cast %get3A_171 : vector<1x16xf32> to vector<16xf32>
            %mul3A_173 = arith.constant 64 : i32
            %mul3A_174 = arith.muli %squeeze3A_168, %mul3A_173 : i32
            %add3A_175 = arith.constant 0 : i32
            %add3A_176 = arith.addi %mul3A_174, %add3A_175 : i32
            %get3A_177 = arith.index_cast %add3A_176 : i32 to index
            %get3A_178 = tpu.vector_load %arg14[%get3A_177] {strides = array<i32>} : memref<67584xf32, #tpu.memory_space<vmem>>, vector<16xf32>,
            %get3A_179 = vector.shape_cast %get3A_178 : vector<16xf32> to vector<16xf32>
            %max3A_180 = arith.maximumf %get3A_179, %get3A_172 : vector<16xf32>
            %mul3A_181 = arith.constant 64 : i32
            %mul3A_182 = arith.muli %squeeze3A_168, %mul3A_181 : i32
            %add3A_183 = arith.constant 0 : i32
            %add3A_184 = arith.addi %mul3A_182, %add3A_183 : i32
            %swap3A = arith.index_cast %add3A_184 : i32 to index
            %swap3A_185 = tpu.vector_load %arg14[%swap3A] {strides = array<i32>} : memref<67584xf32, #tpu.memory_space<vmem>>, vector<16xf32>,
            %swap3A_186 = vector.shape_cast %swap3A_185 : vector<16xf32> to vector<16xf32>
            %swap3A_187 = vector.shape_cast %max3A_180 : vector<16xf32> to vector<16xf32>
            tpu.vector_store %arg14[%swap3A], %swap3A_187 {strides = array<i32>} : memref<67584xf32, #tpu.memory_space<vmem>>, vector<16xf32>,
            %get3A_188 = arith.index_cast %while3A_163 : i32 to index
            %get3A_189 = arith.constant 16 : index
            %get3A_190 = tpu.vector_load %arg13[%get3A_188, %get3A_189] {strides = array<i32>} : memref<128x128xf32, #tpu.memory_space<vmem>>, vector<1x16xf32>,
            %get3A_191 = vector.shape_cast %get3A_190 : vector<1x16xf32> to vector<16xf32>
            %mul3A_192 = arith.constant 64 : i32
            %mul3A_193 = arith.muli %squeeze3A_168, %mul3A_192 : i32
            %add3A_194 = arith.constant 16 : i32
            %add3A_195 = arith.addi %mul3A_193, %add3A_194 : i32
            %get3A_196 = arith.index_cast %add3A_195 : i32 to index
            %get3A_197 = tpu.vector_load %arg14[%get3A_196] {strides = array<i32>} : memref<67584xf32, #tpu.memory_space<vmem>>, vector<16xf32>,
            %get3A_198 = vector.shape_cast %get3A_197 : vector<16xf32> to vector<16xf32>
            %max3A_199 = arith.maximumf %get3A_198, %get3A_191 : vector<16xf32>
            %mul3A_200 = arith.constant 64 : i32
            %mul3A_201 = arith.muli %squeeze3A_168, %mul3A_200 : i32
            %add3A_202 = arith.constant 16 : i32
            %add3A_203 = arith.addi %mul3A_201, %add3A_202 : i32
            %swap3A_204 = arith.index_cast %add3A_203 : i32 to index
            %swap3A_205 = tpu.vector_load %arg14[%swap3A_204] {strides = array<i32>} : memref<67584xf32, #tpu.memory_space<vmem>>, vector<16xf32>,
            %swap3A_206 = vector.shape_cast %swap3A_205 : vector<16xf32> to vector<16xf32>
            %swap3A_207 = vector.shape_cast %max3A_199 : vector<16xf32> to vector<16xf32>
            tpu.vector_store %arg14[%swap3A_204], %swap3A_207 {strides = array<i32>} : memref<67584xf32, #tpu.memory_space<vmem>>, vector<16xf32>,
            %get3A_208 = arith.index_cast %while3A_163 : i32 to index
            %get3A_209 = arith.constant 32 : index
            %get3A_210 = tpu.vector_load %arg13[%get3A_208, %get3A_209] {strides = array<i32>} : memref<128x128xf32, #tpu.memory_space<vmem>>, vector<1x16xf32>,
            %get3A_211 = vector.shape_cast %get3A_210 : vector<1x16xf32> to vector<16xf32>
            %mul3A_212 = arith.constant 64 : i32
            %mul3A_213 = arith.muli %squeeze3A_168, %mul3A_212 : i32
            %add3A_214 = arith.constant 32 : i32
            %add3A_215 = arith.addi %mul3A_213, %add3A_214 : i32
            %get3A_216 = arith.index_cast %add3A_215 : i32 to index
            %get3A_217 = tpu.vector_load %arg14[%get3A_216] {strides = array<i32>} : memref<67584xf32, #tpu.memory_space<vmem>>, vector<16xf32>,
            %get3A_218 = vector.shape_cast %get3A_217 : vector<16xf32> to vector<16xf32>
            %max3A_219 = arith.maximumf %get3A_218, %get3A_211 : vector<16xf32>
            %mul3A_220 = arith.constant 64 : i32
            %mul3A_221 = arith.muli %squeeze3A_168, %mul3A_220 : i32
            %add3A_222 = arith.constant 32 : i32
            %add3A_223 = arith.addi %mul3A_221, %add3A_222 : i32
            %swap3A_224 = arith.index_cast %add3A_223 : i32 to index
            %swap3A_225 = tpu.vector_load %arg14[%swap3A_224] {strides = array<i32>} : memref<67584xf32, #tpu.memory_space<vmem>>, vector<16xf32>,
            %swap3A_226 = vector.shape_cast %swap3A_225 : vector<16xf32> to vector<16xf32>
            %swap3A_227 = vector.shape_cast %max3A_219 : vector<16xf32> to vector<16xf32>
            tpu.vector_store %arg14[%swap3A_224], %swap3A_227 {strides = array<i32>} : memref<67584xf32, #tpu.memory_space<vmem>>, vector<16xf32>,
            %get3A_228 = arith.index_cast %while3A_163 : i32 to index
            %get3A_229 = arith.constant 48 : index
            %get3A_230 = tpu.vector_load %arg13[%get3A_228, %get3A_229] {strides = array<i32>} : memref<128x128xf32, #tpu.memory_space<vmem>>, vector<1x16xf32>,
            %get3A_231 = vector.shape_cast %get3A_230 : vector<1x16xf32> to vector<16xf32>
            %mul3A_232 = arith.constant 64 : i32
            %mul3A_233 = arith.muli %squeeze3A_168, %mul3A_232 : i32
            %add3A_234 = arith.constant 48 : i32
            %add3A_235 = arith.addi %mul3A_233, %add3A_234 : i32
            %get3A_236 = arith.index_cast %add3A_235 : i32 to index
            %get3A_237 = tpu.vector_load %arg14[%get3A_236] {strides = array<i32>} : memref<67584xf32, #tpu.memory_space<vmem>>, vector<16xf32>,
            %get3A_238 = vector.shape_cast %get3A_237 : vector<16xf32> to vector<16xf32>
            %max3A_239 = arith.maximumf %get3A_238, %get3A_231 : vector<16xf32>
            %mul3A_240 = arith.constant 64 : i32
            %mul3A_241 = arith.muli %squeeze3A_168, %mul3A_240 : i32
            %add3A_242 = arith.constant 48 : i32
            %add3A_243 = arith.addi %mul3A_241, %add3A_242 : i32
            %swap3A_244 = arith.index_cast %add3A_243 : i32 to index
            %swap3A_245 = tpu.vector_load %arg14[%swap3A_244] {strides = array<i32>} : memref<67584xf32, #tpu.memory_space<vmem>>, vector<16xf32>,
            %swap3A_246 = vector.shape_cast %swap3A_245 : vector<16xf32> to vector<16xf32>
            %swap3A_247 = vector.shape_cast %max3A_239 : vector<16xf32> to vector<16xf32>
            tpu.vector_store %arg14[%swap3A_244], %swap3A_247 {strides = array<i32>} : memref<67584xf32, #tpu.memory_space<vmem>>, vector<16xf32>,
          }
          %while3A_162 = arith.constant 1 : i32
          scf.for %while3A_163 = %while3A_160 to %while3A_156 step %while3A_162  : i32 {
            %get3A_164 = arith.index_cast %while3A_163 : i32 to index
            %get3A_165 = tpu.vector_load %arg11[%get3A_164] {strides = array<i32>} : memref<144xi32, #tpu.memory_space<vmem>>, vector<16xi32>,
            %get3A_166 = vector.shape_cast %get3A_165 : vector<16xi32> to vector<16xi32>
            %slice3A_167 = vector.extract_strided_slice %get3A_166 {offsets = [0], sizes = [1], strides = [1]} : vector<16xi32> to vector<1xi32>
            %squeeze3A_168 = vector.extract %slice3A_167[0] : i32 from vector<1xi32>
            %get3A_169 = arith.index_cast %while3A_163 : i32 to index
            %get3A_170 = arith.constant 0 : index
            %get3A_171 = tpu.vector_load %arg13[%get3A_169, %get3A_170] {strides = array<i32>} : memref<128x128xf32, #tpu.memory_space<vmem>>, vector<1x16xf32>,
            %get3A_172 = vector.shape_cast %get3A_171 : vector<1x16xf32> to vector<16xf32>
            %mul3A_173 = arith.constant 64 : i32
            %mul3A_174 = arith.muli %squeeze3A_168, %mul3A_173 : i32
            %add3A_175 = arith.constant 0 : i32
            %add3A_176 = arith.addi %mul3A_174, %add3A_175 : i32
            %get3A_177 = arith.index_cast %add3A_176 : i32 to index
            %get3A_178 = tpu.vector_load %arg14[%get3A_177] {strides = array<i32>} : memref<67584xf32, #tpu.memory_space<vmem>>, vector<16xf32>,
            %get3A_179 = vector.shape_cast %get3A_178 : vector<16xf32> to vector<16xf32>
            %max3A_180 = arith.maximumf %get3A_179, %get3A_172 : vector<16xf32>
            %mul3A_181 = arith.constant 64 : i32
            %mul3A_182 = arith.muli %squeeze3A_168, %mul3A_181 : i32
            %add3A_183 = arith.constant 0 : i32
            %add3A_184 = arith.addi %mul3A_182, %add3A_183 : i32
            %swap3A = arith.index_cast %add3A_184 : i32 to index
            %swap3A_185 = tpu.vector_load %arg14[%swap3A] {strides = array<i32>} : memref<67584xf32, #tpu.memory_space<vmem>>, vector<16xf32>,
            %swap3A_186 = vector.shape_cast %swap3A_185 : vector<16xf32> to vector<16xf32>
            %swap3A_187 = vector.shape_cast %max3A_180 : vector<16xf32> to vector<16xf32>
            tpu.vector_store %arg14[%swap3A], %swap3A_187 {strides = array<i32>} : memref<67584xf32, #tpu.memory_space<vmem>>, vector<16xf32>,
            %get3A_188 = arith.index_cast %while3A_163 : i32 to index
            %get3A_189 = arith.constant 16 : index
            %get3A_190 = tpu.vector_load %arg13[%get3A_188, %get3A_189] {strides = array<i32>} : memref<128x128xf32, #tpu.memory_space<vmem>>, vector<1x16xf32>,
            %get3A_191 = vector.shape_cast %get3A_190 : vector<1x16xf32> to vector<16xf32>
            %mul3A_192 = arith.constant 64 : i32
            %mul3A_193 = arith.muli %squeeze3A_168, %mul3A_192 : i32
            %add3A_194 = arith.constant 16 : i32
            %add3A_195 = arith.addi %mul3A_193, %add3A_194 : i32
            %get3A_196 = arith.index_cast %add3A_195 : i32 to index
            %get3A_197 = tpu.vector_load %arg14[%get3A_196] {strides = array<i32>} : memref<67584xf32, #tpu.memory_space<vmem>>, vector<16xf32>,
            %get3A_198 = vector.shape_cast %get3A_197 : vector<16xf32> to vector<16xf32>
            %max3A_199 = arith.maximumf %get3A_198, %get3A_191 : vector<16xf32>
            %mul3A_200 = arith.constant 64 : i32
            %mul3A_201 = arith.muli %squeeze3A_168, %mul3A_200 : i32
            %add3A_202 = arith.constant 16 : i32
            %add3A_203 = arith.addi %mul3A_201, %add3A_202 : i32
            %swap3A_204 = arith.index_cast %add3A_203 : i32 to index
            %swap3A_205 = tpu.vector_load %arg14[%swap3A_204] {strides = array<i32>} : memref<67584xf32, #tpu.memory_space<vmem>>, vector<16xf32>,
            %swap3A_206 = vector.shape_cast %swap3A_205 : vector<16xf32> to vector<16xf32>
            %swap3A_207 = vector.shape_cast %max3A_199 : vector<16xf32> to vector<16xf32>
            tpu.vector_store %arg14[%swap3A_204], %swap3A_207 {strides = array<i32>} : memref<67584xf32, #tpu.memory_space<vmem>>, vector<16xf32>,
            %get3A_208 = arith.index_cast %while3A_163 : i32 to index
            %get3A_209 = arith.constant 32 : index
            %get3A_210 = tpu.vector_load %arg13[%get3A_208, %get3A_209] {strides = array<i32>} : memref<128x128xf32, #tpu.memory_space<vmem>>, vector<1x16xf32>,
            %get3A_211 = vector.shape_cast %get3A_210 : vector<1x16xf32> to vector<16xf32>
            %mul3A_212 = arith.constant 64 : i32
            %mul3A_213 = arith.muli %squeeze3A_168, %mul3A_212 : i32
            %add3A_214 = arith.constant 32 : i32
            %add3A_215 = arith.addi %mul3A_213, %add3A_214 : i32
            %get3A_216 = arith.index_cast %add3A_215 : i32 to index
            %get3A_217 = tpu.vector_load %arg14[%get3A_216] {strides = array<i32>} : memref<67584xf32, #tpu.memory_space<vmem>>, vector<16xf32>,
            %get3A_218 = vector.shape_cast %get3A_217 : vector<16xf32> to vector<16xf32>
            %max3A_219 = arith.maximumf %get3A_218, %get3A_211 : vector<16xf32>
            %mul3A_220 = arith.constant 64 : i32
            %mul3A_221 = arith.muli %squeeze3A_168, %mul3A_220 : i32
            %add3A_222 = arith.constant 32 : i32
            %add3A_223 = arith.addi %mul3A_221, %add3A_222 : i32
            %swap3A_224 = arith.index_cast %add3A_223 : i32 to index
            %swap3A_225 = tpu.vector_load %arg14[%swap3A_224] {strides = array<i32>} : memref<67584xf32, #tpu.memory_space<vmem>>, vector<16xf32>,
            %swap3A_226 = vector.shape_cast %swap3A_225 : vector<16xf32> to vector<16xf32>
            %swap3A_227 = vector.shape_cast %max3A_219 : vector<16xf32> to vector<16xf32>
            tpu.vector_store %arg14[%swap3A_224], %swap3A_227 {strides = array<i32>} : memref<67584xf32, #tpu.memory_space<vmem>>, vector<16xf32>,
            %get3A_228 = arith.index_cast %while3A_163 : i32 to index
            %get3A_229 = arith.constant 48 : index
            %get3A_230 = tpu.vector_load %arg13[%get3A_228, %get3A_229] {strides = array<i32>} : memref<128x128xf32, #tpu.memory_space<vmem>>, vector<1x16xf32>,
            %get3A_231 = vector.shape_cast %get3A_230 : vector<1x16xf32> to vector<16xf32>
            %mul3A_232 = arith.constant 64 : i32
            %mul3A_233 = arith.muli %squeeze3A_168, %mul3A_232 : i32
            %add3A_234 = arith.constant 48 : i32
            %add3A_235 = arith.addi %mul3A_233, %add3A_234 : i32
            %get3A_236 = arith.index_cast %add3A_235 : i32 to index
            %get3A_237 = tpu.vector_load %arg14[%get3A_236] {strides = array<i32>} : memref<67584xf32, #tpu.memory_space<vmem>>, vector<16xf32>,
            %get3A_238 = vector.shape_cast %get3A_237 : vector<16xf32> to vector<16xf32>
            %max3A_239 = arith.maximumf %get3A_238, %get3A_231 : vector<16xf32>
            %mul3A_240 = arith.constant 64 : i32
            %mul3A_241 = arith.muli %squeeze3A_168, %mul3A_240 : i32
            %add3A_242 = arith.constant 48 : i32
            %add3A_243 = arith.addi %mul3A_241, %add3A_242 : i32
            %swap3A_244 = arith.index_cast %add3A_243 : i32 to index
            %swap3A_245 = tpu.vector_load %arg14[%swap3A_244] {strides = array<i32>} : memref<67584xf32, #tpu.memory_space<vmem>>, vector<16xf32>,
            %swap3A_246 = vector.shape_cast %swap3A_245 : vector<16xf32> to vector<16xf32>
            %swap3A_247 = vector.shape_cast %max3A_239 : vector<16xf32> to vector<16xf32>
            tpu.vector_store %arg14[%swap3A_244], %swap3A_247 {strides = array<i32>} : memref<67584xf32, #tpu.memory_space<vmem>>, vector<16xf32>,
          }
        } else {
        }
        %convert_element_type3A_113 = arith.extui %and3A_102 : i1 to i32
        %cond3A_114 = arith.constant 0 : i32
        %cond3A_115 = arith.cmpi ne, %convert_element_type3A_113, %cond3A_114 : i32
        scf.if %cond3A_115 {
          %add3A_144 = arith.addi %mul3A_74, %mul3A_90 : i32
          %add3A_145 = arith.constant 128 : i32
          %add3A_146 = arith.addi %add3A_144, %add3A_145 : i32
          %dma_start3A = tpu.memref_slice %arg2[%add3A_146] : memref<1634304xi32, #tpu.memory_space<hbm>> -> memref<128xi32, #tpu.memory_space<hbm>>
          %dma_start3A_147 = tpu.memref_slice %arg2[%add3A_146] : memref<1634304xi32, #tpu.memory_space<hbm>> -> memref<128xi32, #tpu.memory_space<hbm>>
          tpu.enqueue_dma source(%dma_start3A_147 : memref<128xi32, #tpu.memory_space<hbm>>) target(%arg9 : memref<128xi32, #tpu.memory_space<vmem>>) target_semaphore(%arg16 : memref<!tpu.dma_semaphore, #tpu.memory_space<semaphore_mem>>)
          %add3A_148 = arith.addi %mul3A_74, %mul3A_90 : i32
          %add3A_149 = arith.constant 128 : i32
          %add3A_150 = arith.addi %add3A_148, %add3A_149 : i32
          %dma_start3A_151 = arith.constant 0 : i32
          %dma_start3A_152 = tpu.memref_slice %arg11[%dma_start3A_151] : memref<144xi32, #tpu.memory_space<vmem>> -> memref<128xi32, #tpu.memory_space<vmem>>
          %dma_start3A_153 = tpu.memref_slice %arg3[%add3A_150] : memref<1634304xi32, #tpu.memory_space<hbm>> -> memref<128xi32, #tpu.memory_space<hbm>>
          %dma_start3A_154 = arith.constant 0 : i32
          %dma_start3A_155 = tpu.memref_slice %arg11[%dma_start3A_154] : memref<144xi32, #tpu.memory_space<vmem>> -> memref<128xi32, #tpu.memory_space<vmem>>
          %dma_start3A_156 = tpu.memref_slice %arg3[%add3A_150] : memref<1634304xi32, #tpu.memory_space<hbm>> -> memref<128xi32, #tpu.memory_space<hbm>>
          tpu.enqueue_dma source(%dma_start3A_156 : memref<128xi32, #tpu.memory_space<hbm>>) target(%dma_start3A_155 : memref<128xi32, #tpu.memory_space<vmem>>) target_semaphore(%arg18 : memref<!tpu.dma_semaphore, #tpu.memory_space<semaphore_mem>>)
        } else {
        }
        %mul3A_116 = arith.constant 128 : i32
        %mul3A_117 = arith.muli %add3A_88, %mul3A_116 : i32
        %lt3A_118 = arith.cmpi slt, %mul3A_117, %squeeze3A_72 : i32
        %add3A_119 = arith.constant 128 : i32
        %add3A_120 = arith.addi %mul3A_117, %add3A_119 : i32
        %gt3A_121 = arith.cmpi sgt, %add3A_120, %squeeze3A : i32
        %and3A_122 = arith.andi %lt3A_118, %gt3A_121 : i1
        %add3A_123 = arith.constant 128 : i32
        %add3A_124 = arith.addi %mul3A_117, %add3A_123 : i32
        %lt3A_125 = arith.cmpi slt, %add3A_124, %squeeze3A_72 : i32
        %add3A_126 = arith.constant 256 : i32
        %add3A_127 = arith.addi %mul3A_117, %add3A_126 : i32
        %gt3A_128 = arith.cmpi sgt, %add3A_127, %squeeze3A : i32
        %and3A_129 = arith.andi %lt3A_125, %gt3A_128 : i1
        %sub3A_130 = arith.constant 128 : i32
        %sub3A_131 = arith.subi %mul3A_117, %sub3A_130 : i32
        %lt3A_132 = arith.cmpi slt, %sub3A_131, %squeeze3A_72 : i32
        %gt3A_133 = arith.cmpi sgt, %mul3A_117, %squeeze3A : i32
        %and3A_134 = arith.andi %lt3A_132, %gt3A_133 : i1
        %convert_element_type3A_135 = arith.extui %and3A_122 : i1 to i32
        %cond3A_136 = arith.constant 0 : i32
        %cond3A_137 = arith.cmpi ne, %convert_element_type3A_135, %cond3A_136 : i32
        scf.if %cond3A_137 {
          %dma_wait3A = arith.constant 0 : i32
          %dma_wait3A_144 = tpu.memref_slice %arg2[%dma_wait3A] : memref<1634304xi32, #tpu.memory_space<hbm>> -> memref<128xi32, #tpu.memory_space<hbm>>
          %dma_wait3A_145 = arith.constant 0 : i32
          %dma_wait3A_146 = tpu.memref_slice %arg2[%dma_wait3A_145] : memref<1634304xi32, #tpu.memory_space<hbm>> -> memref<128xi32, #tpu.memory_space<hbm>>
          tpu.wait_dma2 semaphore(%arg16 : memref<!tpu.dma_semaphore, #tpu.memory_space<semaphore_mem>>) src(%dma_wait3A_146 : memref<128xi32, #tpu.memory_space<hbm>>) dst(%arg9 : memref<128xi32, #tpu.memory_space<vmem>>)
          %dma_wait3A_147 = arith.constant 0 : i32
          %dma_wait3A_148 = tpu.memref_slice %arg11[%dma_wait3A_147] : memref<144xi32, #tpu.memory_space<vmem>> -> memref<128xi32, #tpu.memory_space<vmem>>
          %dma_wait3A_149 = arith.constant 0 : i32
          %dma_wait3A_150 = tpu.memref_slice %arg3[%dma_wait3A_149] : memref<1634304xi32, #tpu.memory_space<hbm>> -> memref<128xi32, #tpu.memory_space<hbm>>
          %dma_wait3A_151 = arith.constant 0 : i32
          %dma_wait3A_152 = tpu.memref_slice %arg11[%dma_wait3A_151] : memref<144xi32, #tpu.memory_space<vmem>> -> memref<128xi32, #tpu.memory_space<vmem>>
          %dma_wait3A_153 = arith.constant 0 : i32
          %dma_wait3A_154 = tpu.memref_slice %arg3[%dma_wait3A_153] : memref<1634304xi32, #tpu.memory_space<hbm>> -> memref<128xi32, #tpu.memory_space<hbm>>
          tpu.wait_dma2 semaphore(%arg18 : memref<!tpu.dma_semaphore, #tpu.memory_space<semaphore_mem>>) src(%dma_wait3A_154 : memref<128xi32, #tpu.memory_space<hbm>>) dst(%dma_wait3A_152 : memref<128xi32, #tpu.memory_space<vmem>>)
          %dma_start3A = arith.constant 0 : i32
          %dma_start3A_155 = arith.constant 0 : i32
          %dma_start3A_156 = tpu.memref_slice %arg5[%dma_start3A, %dma_start3A_155] : memref<1605632x128xf32, #tpu.memory_space<hbm>> -> memref<1605632x128xf32, #tpu.memory_space<hbm>>
          tpu.enqueue_indirect_dma source(%dma_start3A_156 : memref<1605632x128xf32, #tpu.memory_space<hbm>>) target(%arg13 : memref<128x128xf32, #tpu.memory_space<vmem>>) offsets(%arg9 : memref<128xi32, #tpu.memory_space<vmem>>) semaphore(%arg20 : memref<!tpu.dma_semaphore, #tpu.memory_space<semaphore_mem>>)
        } else {
        }
        %convert_element_type3A_138 = arith.extui %and3A_134 : i1 to i32
        %cond3A_139 = arith.constant 0 : i32
        %cond3A_140 = arith.cmpi ne, %convert_element_type3A_138, %cond3A_139 : i32
        scf.if %cond3A_140 {
          %dma_wait3A = arith.constant 0 : i32
          %dma_wait3A_144 = arith.constant 0 : i32
          %dma_wait3A_145 = tpu.memref_slice %arg5[%dma_wait3A, %dma_wait3A_144] : memref<1605632x128xf32, #tpu.memory_space<hbm>> -> memref<128x128xf32, #tpu.memory_space<hbm>>
          %dma_wait3A_146 = arith.constant 0 : i32
          %dma_wait3A_147 = arith.constant 0 : i32
          %dma_wait3A_148 = tpu.memref_slice %arg5[%dma_wait3A_146, %dma_wait3A_147] : memref<1605632x128xf32, #tpu.memory_space<hbm>> -> memref<128x128xf32, #tpu.memory_space<hbm>>
          tpu.wait_dma2 semaphore(%arg19 : memref<!tpu.dma_semaphore, #tpu.memory_space<semaphore_mem>>) src(%dma_wait3A_148 : memref<128x128xf32, #tpu.memory_space<hbm>>) dst(%arg12 : memref<128x128xf32, #tpu.memory_space<vmem>>)
          %sub3A_149 = arith.constant 128 : i32
          %sub3A_150 = arith.subi %mul3A_117, %sub3A_149 : i32
          %sub3A_151 = arith.subi %squeeze3A, %sub3A_150 : i32
          %max3A = arith.constant 0 : i32
          %max3A_152 = arith.maxsi %sub3A_151, %max3A : i32
          %sub3A_153 = arith.subi %squeeze3A_72, %sub3A_150 : i32
          %min3A = arith.constant 128 : i32
          %min3A_154 = arith.minsi %sub3A_153, %min3A : i32
          %while3A = arith.constant 0 : i32
          %while3A_155 = arith.subi %min3A_154, %max3A_152 : i32
          %while3A_156 = arith.addi %max3A_152, %while3A_155 : i32
          %while3A_157 = arith.constant 1 : i32
          %while3A_158 = arith.divsi %while3A_155, %while3A_157 : i32
          %while3A_159 = arith.muli %while3A_158, %while3A_157 : i32
          %while3A_160 = arith.addi %max3A_152, %while3A_159 : i32
          %while3A_161 = arith.constant 1 : i32
          scf.for %while3A_163 = %max3A_152 to %while3A_160 step %while3A_161  : i32 {
            %get3A_164 = arith.index_cast %while3A_163 : i32 to index
            %get3A_165 = tpu.vector_load %arg10[%get3A_164] {strides = array<i32>} : memref<144xi32, #tpu.memory_space<vmem>>, vector<16xi32>,
            %get3A_166 = vector.shape_cast %get3A_165 : vector<16xi32> to vector<16xi32>
            %slice3A_167 = vector.extract_strided_slice %get3A_166 {offsets = [0], sizes = [1], strides = [1]} : vector<16xi32> to vector<1xi32>
            %squeeze3A_168 = vector.extract %slice3A_167[0] : i32 from vector<1xi32>
            %get3A_169 = arith.index_cast %while3A_163 : i32 to index
            %get3A_170 = arith.constant 0 : index
            %get3A_171 = tpu.vector_load %arg12[%get3A_169, %get3A_170] {strides = array<i32>} : memref<128x128xf32, #tpu.memory_space<vmem>>, vector<1x16xf32>,
            %get3A_172 = vector.shape_cast %get3A_171 : vector<1x16xf32> to vector<16xf32>
            %mul3A_173 = arith.constant 64 : i32
            %mul3A_174 = arith.muli %squeeze3A_168, %mul3A_173 : i32
            %add3A_175 = arith.constant 0 : i32
            %add3A_176 = arith.addi %mul3A_174, %add3A_175 : i32
            %get3A_177 = arith.index_cast %add3A_176 : i32 to index
            %get3A_178 = tpu.vector_load %arg14[%get3A_177] {strides = array<i32>} : memref<67584xf32, #tpu.memory_space<vmem>>, vector<16xf32>,
            %get3A_179 = vector.shape_cast %get3A_178 : vector<16xf32> to vector<16xf32>
            %max3A_180 = arith.maximumf %get3A_179, %get3A_172 : vector<16xf32>
            %mul3A_181 = arith.constant 64 : i32
            %mul3A_182 = arith.muli %squeeze3A_168, %mul3A_181 : i32
            %add3A_183 = arith.constant 0 : i32
            %add3A_184 = arith.addi %mul3A_182, %add3A_183 : i32
            %swap3A = arith.index_cast %add3A_184 : i32 to index
            %swap3A_185 = tpu.vector_load %arg14[%swap3A] {strides = array<i32>} : memref<67584xf32, #tpu.memory_space<vmem>>, vector<16xf32>,
            %swap3A_186 = vector.shape_cast %swap3A_185 : vector<16xf32> to vector<16xf32>
            %swap3A_187 = vector.shape_cast %max3A_180 : vector<16xf32> to vector<16xf32>
            tpu.vector_store %arg14[%swap3A], %swap3A_187 {strides = array<i32>} : memref<67584xf32, #tpu.memory_space<vmem>>, vector<16xf32>,
            %get3A_188 = arith.index_cast %while3A_163 : i32 to index
            %get3A_189 = arith.constant 16 : index
            %get3A_190 = tpu.vector_load %arg12[%get3A_188, %get3A_189] {strides = array<i32>} : memref<128x128xf32, #tpu.memory_space<vmem>>, vector<1x16xf32>,
            %get3A_191 = vector.shape_cast %get3A_190 : vector<1x16xf32> to vector<16xf32>
            %mul3A_192 = arith.constant 64 : i32
            %mul3A_193 = arith.muli %squeeze3A_168, %mul3A_192 : i32
            %add3A_194 = arith.constant 16 : i32
            %add3A_195 = arith.addi %mul3A_193, %add3A_194 : i32
            %get3A_196 = arith.index_cast %add3A_195 : i32 to index
            %get3A_197 = tpu.vector_load %arg14[%get3A_196] {strides = array<i32>} : memref<67584xf32, #tpu.memory_space<vmem>>, vector<16xf32>,
            %get3A_198 = vector.shape_cast %get3A_197 : vector<16xf32> to vector<16xf32>
            %max3A_199 = arith.maximumf %get3A_198, %get3A_191 : vector<16xf32>
            %mul3A_200 = arith.constant 64 : i32
            %mul3A_201 = arith.muli %squeeze3A_168, %mul3A_200 : i32
            %add3A_202 = arith.constant 16 : i32
            %add3A_203 = arith.addi %mul3A_201, %add3A_202 : i32
            %swap3A_204 = arith.index_cast %add3A_203 : i32 to index
            %swap3A_205 = tpu.vector_load %arg14[%swap3A_204] {strides = array<i32>} : memref<67584xf32, #tpu.memory_space<vmem>>, vector<16xf32>,
            %swap3A_206 = vector.shape_cast %swap3A_205 : vector<16xf32> to vector<16xf32>
            %swap3A_207 = vector.shape_cast %max3A_199 : vector<16xf32> to vector<16xf32>
            tpu.vector_store %arg14[%swap3A_204], %swap3A_207 {strides = array<i32>} : memref<67584xf32, #tpu.memory_space<vmem>>, vector<16xf32>,
            %get3A_208 = arith.index_cast %while3A_163 : i32 to index
            %get3A_209 = arith.constant 32 : index
            %get3A_210 = tpu.vector_load %arg12[%get3A_208, %get3A_209] {strides = array<i32>} : memref<128x128xf32, #tpu.memory_space<vmem>>, vector<1x16xf32>,
            %get3A_211 = vector.shape_cast %get3A_210 : vector<1x16xf32> to vector<16xf32>
            %mul3A_212 = arith.constant 64 : i32
            %mul3A_213 = arith.muli %squeeze3A_168, %mul3A_212 : i32
            %add3A_214 = arith.constant 32 : i32
            %add3A_215 = arith.addi %mul3A_213, %add3A_214 : i32
            %get3A_216 = arith.index_cast %add3A_215 : i32 to index
            %get3A_217 = tpu.vector_load %arg14[%get3A_216] {strides = array<i32>} : memref<67584xf32, #tpu.memory_space<vmem>>, vector<16xf32>,
            %get3A_218 = vector.shape_cast %get3A_217 : vector<16xf32> to vector<16xf32>
            %max3A_219 = arith.maximumf %get3A_218, %get3A_211 : vector<16xf32>
            %mul3A_220 = arith.constant 64 : i32
            %mul3A_221 = arith.muli %squeeze3A_168, %mul3A_220 : i32
            %add3A_222 = arith.constant 32 : i32
            %add3A_223 = arith.addi %mul3A_221, %add3A_222 : i32
            %swap3A_224 = arith.index_cast %add3A_223 : i32 to index
            %swap3A_225 = tpu.vector_load %arg14[%swap3A_224] {strides = array<i32>} : memref<67584xf32, #tpu.memory_space<vmem>>, vector<16xf32>,
            %swap3A_226 = vector.shape_cast %swap3A_225 : vector<16xf32> to vector<16xf32>
            %swap3A_227 = vector.shape_cast %max3A_219 : vector<16xf32> to vector<16xf32>
            tpu.vector_store %arg14[%swap3A_224], %swap3A_227 {strides = array<i32>} : memref<67584xf32, #tpu.memory_space<vmem>>, vector<16xf32>,
            %get3A_228 = arith.index_cast %while3A_163 : i32 to index
            %get3A_229 = arith.constant 48 : index
            %get3A_230 = tpu.vector_load %arg12[%get3A_228, %get3A_229] {strides = array<i32>} : memref<128x128xf32, #tpu.memory_space<vmem>>, vector<1x16xf32>,
            %get3A_231 = vector.shape_cast %get3A_230 : vector<1x16xf32> to vector<16xf32>
            %mul3A_232 = arith.constant 64 : i32
            %mul3A_233 = arith.muli %squeeze3A_168, %mul3A_232 : i32
            %add3A_234 = arith.constant 48 : i32
            %add3A_235 = arith.addi %mul3A_233, %add3A_234 : i32
            %get3A_236 = arith.index_cast %add3A_235 : i32 to index
            %get3A_237 = tpu.vector_load %arg14[%get3A_236] {strides = array<i32>} : memref<67584xf32, #tpu.memory_space<vmem>>, vector<16xf32>,
            %get3A_238 = vector.shape_cast %get3A_237 : vector<16xf32> to vector<16xf32>
            %max3A_239 = arith.maximumf %get3A_238, %get3A_231 : vector<16xf32>
            %mul3A_240 = arith.constant 64 : i32
            %mul3A_241 = arith.muli %squeeze3A_168, %mul3A_240 : i32
            %add3A_242 = arith.constant 48 : i32
            %add3A_243 = arith.addi %mul3A_241, %add3A_242 : i32
            %swap3A_244 = arith.index_cast %add3A_243 : i32 to index
            %swap3A_245 = tpu.vector_load %arg14[%swap3A_244] {strides = array<i32>} : memref<67584xf32, #tpu.memory_space<vmem>>, vector<16xf32>,
            %swap3A_246 = vector.shape_cast %swap3A_245 : vector<16xf32> to vector<16xf32>
            %swap3A_247 = vector.shape_cast %max3A_239 : vector<16xf32> to vector<16xf32>
            tpu.vector_store %arg14[%swap3A_244], %swap3A_247 {strides = array<i32>} : memref<67584xf32, #tpu.memory_space<vmem>>, vector<16xf32>,
          }
          %while3A_162 = arith.constant 1 : i32
          scf.for %while3A_163 = %while3A_160 to %while3A_156 step %while3A_162  : i32 {
            %get3A_164 = arith.index_cast %while3A_163 : i32 to index
            %get3A_165 = tpu.vector_load %arg10[%get3A_164] {strides = array<i32>} : memref<144xi32, #tpu.memory_space<vmem>>, vector<16xi32>,
            %get3A_166 = vector.shape_cast %get3A_165 : vector<16xi32> to vector<16xi32>
            %slice3A_167 = vector.extract_strided_slice %get3A_166 {offsets = [0], sizes = [1], strides = [1]} : vector<16xi32> to vector<1xi32>
            %squeeze3A_168 = vector.extract %slice3A_167[0] : i32 from vector<1xi32>
            %get3A_169 = arith.index_cast %while3A_163 : i32 to index
            %get3A_170 = arith.constant 0 : index
            %get3A_171 = tpu.vector_load %arg12[%get3A_169, %get3A_170] {strides = array<i32>} : memref<128x128xf32, #tpu.memory_space<vmem>>, vector<1x16xf32>,
            %get3A_172 = vector.shape_cast %get3A_171 : vector<1x16xf32> to vector<16xf32>
            %mul3A_173 = arith.constant 64 : i32
            %mul3A_174 = arith.muli %squeeze3A_168, %mul3A_173 : i32
            %add3A_175 = arith.constant 0 : i32
            %add3A_176 = arith.addi %mul3A_174, %add3A_175 : i32
            %get3A_177 = arith.index_cast %add3A_176 : i32 to index
            %get3A_178 = tpu.vector_load %arg14[%get3A_177] {strides = array<i32>} : memref<67584xf32, #tpu.memory_space<vmem>>, vector<16xf32>,
            %get3A_179 = vector.shape_cast %get3A_178 : vector<16xf32> to vector<16xf32>
            %max3A_180 = arith.maximumf %get3A_179, %get3A_172 : vector<16xf32>
            %mul3A_181 = arith.constant 64 : i32
            %mul3A_182 = arith.muli %squeeze3A_168, %mul3A_181 : i32
            %add3A_183 = arith.constant 0 : i32
            %add3A_184 = arith.addi %mul3A_182, %add3A_183 : i32
            %swap3A = arith.index_cast %add3A_184 : i32 to index
            %swap3A_185 = tpu.vector_load %arg14[%swap3A] {strides = array<i32>} : memref<67584xf32, #tpu.memory_space<vmem>>, vector<16xf32>,
            %swap3A_186 = vector.shape_cast %swap3A_185 : vector<16xf32> to vector<16xf32>
            %swap3A_187 = vector.shape_cast %max3A_180 : vector<16xf32> to vector<16xf32>
            tpu.vector_store %arg14[%swap3A], %swap3A_187 {strides = array<i32>} : memref<67584xf32, #tpu.memory_space<vmem>>, vector<16xf32>,
            %get3A_188 = arith.index_cast %while3A_163 : i32 to index
            %get3A_189 = arith.constant 16 : index
            %get3A_190 = tpu.vector_load %arg12[%get3A_188, %get3A_189] {strides = array<i32>} : memref<128x128xf32, #tpu.memory_space<vmem>>, vector<1x16xf32>,
            %get3A_191 = vector.shape_cast %get3A_190 : vector<1x16xf32> to vector<16xf32>
            %mul3A_192 = arith.constant 64 : i32
            %mul3A_193 = arith.muli %squeeze3A_168, %mul3A_192 : i32
            %add3A_194 = arith.constant 16 : i32
            %add3A_195 = arith.addi %mul3A_193, %add3A_194 : i32
            %get3A_196 = arith.index_cast %add3A_195 : i32 to index
            %get3A_197 = tpu.vector_load %arg14[%get3A_196] {strides = array<i32>} : memref<67584xf32, #tpu.memory_space<vmem>>, vector<16xf32>,
            %get3A_198 = vector.shape_cast %get3A_197 : vector<16xf32> to vector<16xf32>
            %max3A_199 = arith.maximumf %get3A_198, %get3A_191 : vector<16xf32>
            %mul3A_200 = arith.constant 64 : i32
            %mul3A_201 = arith.muli %squeeze3A_168, %mul3A_200 : i32
            %add3A_202 = arith.constant 16 : i32
            %add3A_203 = arith.addi %mul3A_201, %add3A_202 : i32
            %swap3A_204 = arith.index_cast %add3A_203 : i32 to index
            %swap3A_205 = tpu.vector_load %arg14[%swap3A_204] {strides = array<i32>} : memref<67584xf32, #tpu.memory_space<vmem>>, vector<16xf32>,
            %swap3A_206 = vector.shape_cast %swap3A_205 : vector<16xf32> to vector<16xf32>
            %swap3A_207 = vector.shape_cast %max3A_199 : vector<16xf32> to vector<16xf32>
            tpu.vector_store %arg14[%swap3A_204], %swap3A_207 {strides = array<i32>} : memref<67584xf32, #tpu.memory_space<vmem>>, vector<16xf32>,
            %get3A_208 = arith.index_cast %while3A_163 : i32 to index
            %get3A_209 = arith.constant 32 : index
            %get3A_210 = tpu.vector_load %arg12[%get3A_208, %get3A_209] {strides = array<i32>} : memref<128x128xf32, #tpu.memory_space<vmem>>, vector<1x16xf32>,
            %get3A_211 = vector.shape_cast %get3A_210 : vector<1x16xf32> to vector<16xf32>
            %mul3A_212 = arith.constant 64 : i32
            %mul3A_213 = arith.muli %squeeze3A_168, %mul3A_212 : i32
            %add3A_214 = arith.constant 32 : i32
            %add3A_215 = arith.addi %mul3A_213, %add3A_214 : i32
            %get3A_216 = arith.index_cast %add3A_215 : i32 to index
            %get3A_217 = tpu.vector_load %arg14[%get3A_216] {strides = array<i32>} : memref<67584xf32, #tpu.memory_space<vmem>>, vector<16xf32>,
            %get3A_218 = vector.shape_cast %get3A_217 : vector<16xf32> to vector<16xf32>
            %max3A_219 = arith.maximumf %get3A_218, %get3A_211 : vector<16xf32>
            %mul3A_220 = arith.constant 64 : i32
            %mul3A_221 = arith.muli %squeeze3A_168, %mul3A_220 : i32
            %add3A_222 = arith.constant 32 : i32
            %add3A_223 = arith.addi %mul3A_221, %add3A_222 : i32
            %swap3A_224 = arith.index_cast %add3A_223 : i32 to index
            %swap3A_225 = tpu.vector_load %arg14[%swap3A_224] {strides = array<i32>} : memref<67584xf32, #tpu.memory_space<vmem>>, vector<16xf32>,
            %swap3A_226 = vector.shape_cast %swap3A_225 : vector<16xf32> to vector<16xf32>
            %swap3A_227 = vector.shape_cast %max3A_219 : vector<16xf32> to vector<16xf32>
            tpu.vector_store %arg14[%swap3A_224], %swap3A_227 {strides = array<i32>} : memref<67584xf32, #tpu.memory_space<vmem>>, vector<16xf32>,
            %get3A_228 = arith.index_cast %while3A_163 : i32 to index
            %get3A_229 = arith.constant 48 : index
            %get3A_230 = tpu.vector_load %arg12[%get3A_228, %get3A_229] {strides = array<i32>} : memref<128x128xf32, #tpu.memory_space<vmem>>, vector<1x16xf32>,
            %get3A_231 = vector.shape_cast %get3A_230 : vector<1x16xf32> to vector<16xf32>
            %mul3A_232 = arith.constant 64 : i32
            %mul3A_233 = arith.muli %squeeze3A_168, %mul3A_232 : i32
            %add3A_234 = arith.constant 48 : i32
            %add3A_235 = arith.addi %mul3A_233, %add3A_234 : i32
            %get3A_236 = arith.index_cast %add3A_235 : i32 to index
            %get3A_237 = tpu.vector_load %arg14[%get3A_236] {strides = array<i32>} : memref<67584xf32, #tpu.memory_space<vmem>>, vector<16xf32>,
            %get3A_238 = vector.shape_cast %get3A_237 : vector<16xf32> to vector<16xf32>
            %max3A_239 = arith.maximumf %get3A_238, %get3A_231 : vector<16xf32>
            %mul3A_240 = arith.constant 64 : i32
            %mul3A_241 = arith.muli %squeeze3A_168, %mul3A_240 : i32
            %add3A_242 = arith.constant 48 : i32
            %add3A_243 = arith.addi %mul3A_241, %add3A_242 : i32
            %swap3A_244 = arith.index_cast %add3A_243 : i32 to index
            %swap3A_245 = tpu.vector_load %arg14[%swap3A_244] {strides = array<i32>} : memref<67584xf32, #tpu.memory_space<vmem>>, vector<16xf32>,
            %swap3A_246 = vector.shape_cast %swap3A_245 : vector<16xf32> to vector<16xf32>
            %swap3A_247 = vector.shape_cast %max3A_239 : vector<16xf32> to vector<16xf32>
            tpu.vector_store %arg14[%swap3A_244], %swap3A_247 {strides = array<i32>} : memref<67584xf32, #tpu.memory_space<vmem>>, vector<16xf32>,
          }
        } else {
        }
        %convert_element_type3A_141 = arith.extui %and3A_129 : i1 to i32
        %cond3A_142 = arith.constant 0 : i32
        %cond3A_143 = arith.cmpi ne, %convert_element_type3A_141, %cond3A_142 : i32
        scf.if %cond3A_143 {
          %add3A_144 = arith.addi %mul3A_74, %mul3A_117 : i32
          %add3A_145 = arith.constant 128 : i32
          %add3A_146 = arith.addi %add3A_144, %add3A_145 : i32
          %dma_start3A = tpu.memref_slice %arg2[%add3A_146] : memref<1634304xi32, #tpu.memory_space<hbm>> -> memref<128xi32, #tpu.memory_space<hbm>>
          %dma_start3A_147 = tpu.memref_slice %arg2[%add3A_146] : memref<1634304xi32, #tpu.memory_space<hbm>> -> memref<128xi32, #tpu.memory_space<hbm>>
          tpu.enqueue_dma source(%dma_start3A_147 : memref<128xi32, #tpu.memory_space<hbm>>) target(%arg8 : memref<128xi32, #tpu.memory_space<vmem>>) target_semaphore(%arg15 : memref<!tpu.dma_semaphore, #tpu.memory_space<semaphore_mem>>)
          %add3A_148 = arith.addi %mul3A_74, %mul3A_117 : i32
          %add3A_149 = arith.constant 128 : i32
          %add3A_150 = arith.addi %add3A_148, %add3A_149 : i32
          %dma_start3A_151 = arith.constant 0 : i32
          %dma_start3A_152 = tpu.memref_slice %arg10[%dma_start3A_151] : memref<144xi32, #tpu.memory_space<vmem>> -> memref<128xi32, #tpu.memory_space<vmem>>
          %dma_start3A_153 = tpu.memref_slice %arg3[%add3A_150] : memref<1634304xi32, #tpu.memory_space<hbm>> -> memref<128xi32, #tpu.memory_space<hbm>>
          %dma_start3A_154 = arith.constant 0 : i32
          %dma_start3A_155 = tpu.memref_slice %arg10[%dma_start3A_154] : memref<144xi32, #tpu.memory_space<vmem>> -> memref<128xi32, #tpu.memory_space<vmem>>
          %dma_start3A_156 = tpu.memref_slice %arg3[%add3A_150] : memref<1634304xi32, #tpu.memory_space<hbm>> -> memref<128xi32, #tpu.memory_space<hbm>>
          tpu.enqueue_dma source(%dma_start3A_156 : memref<128xi32, #tpu.memory_space<hbm>>) target(%dma_start3A_155 : memref<128xi32, #tpu.memory_space<vmem>>) target_semaphore(%arg17 : memref<!tpu.dma_semaphore, #tpu.memory_space<semaphore_mem>>)
        } else {
        }
      }
      %scan3A_83 = arith.constant 200 : i32
    }
    %scan3A_38 = arith.constant 32 : i32
    %mul3A_39 = arith.constant 64 : i32
    %mul3A_40 = arith.muli %mul3A_26, %mul3A_39 : i32
    "tpu.region"() ({
      %run_scoped3A = tpu.sem_alloc : memref<!tpu.dma_semaphore, #tpu.memory_space<semaphore_mem>>
      %dma_start3A = arith.constant 0 : i32
      %dma_start3A_61 = tpu.memref_slice %arg14[%dma_start3A] : memref<67584xf32, #tpu.memory_space<vmem>> -> memref<67072xf32, #tpu.memory_space<vmem>>
      %dma_start3A_62 = tpu.memref_slice %arg6[%mul3A_40] : memref<6438912xf32, #tpu.memory_space<hbm>> -> memref<67072xf32, #tpu.memory_space<hbm>>
      %dma_start3A_63 = tpu.memref_slice %arg6[%mul3A_40] : memref<6438912xf32, #tpu.memory_space<hbm>> -> memref<67072xf32, #tpu.memory_space<hbm>>
      %dma_start3A_64 = arith.constant 0 : i32
      %dma_start3A_65 = tpu.memref_slice %arg14[%dma_start3A_64] : memref<67584xf32, #tpu.memory_space<vmem>> -> memref<67072xf32, #tpu.memory_space<vmem>>
      tpu.enqueue_dma source(%dma_start3A_65 : memref<67072xf32, #tpu.memory_space<vmem>>) target(%dma_start3A_63 : memref<67072xf32, #tpu.memory_space<hbm>>) target_semaphore(%run_scoped3A : memref<!tpu.dma_semaphore, #tpu.memory_space<semaphore_mem>>)
      %dma_wait3A = arith.constant 0 : i32
      %dma_wait3A_66 = tpu.memref_slice %arg14[%dma_wait3A] : memref<67584xf32, #tpu.memory_space<vmem>> -> memref<67072xf32, #tpu.memory_space<vmem>>
      %dma_wait3A_67 = tpu.memref_slice %arg6[%mul3A_40] : memref<6438912xf32, #tpu.memory_space<hbm>> -> memref<67072xf32, #tpu.memory_space<hbm>>
      %dma_wait3A_68 = tpu.memref_slice %arg6[%mul3A_40] : memref<6438912xf32, #tpu.memory_space<hbm>> -> memref<67072xf32, #tpu.memory_space<hbm>>
      %dma_wait3A_69 = arith.constant 0 : i32
      %dma_wait3A_70 = tpu.memref_slice %arg14[%dma_wait3A_69] : memref<67584xf32, #tpu.memory_space<vmem>> -> memref<67072xf32, #tpu.memory_space<vmem>>
      tpu.wait_dma2 semaphore(%run_scoped3A : memref<!tpu.dma_semaphore, #tpu.memory_space<semaphore_mem>>) src(%dma_wait3A_70 : memref<67072xf32, #tpu.memory_space<vmem>>) dst(%dma_wait3A_68 : memref<67072xf32, #tpu.memory_space<hbm>>)
      tpu.yield
    }) : () -> ()
    %mul3A_41 = arith.constant 3 : i32
    %mul3A_42 = arith.muli %mul3A_41, %add3A : i32
    %add3A_43 = arith.constant 2 : i32
    %add3A_44 = arith.addi %mul3A_42, %add3A_43 : i32
    %mul3A_45 = arith.constant 1048 : i32
    %mul3A_46 = arith.muli %add3A_44, %mul3A_45 : i32
    %scan3A_47 = arith.constant 0 : i32
    %scan3A_48 = arith.constant 0 : i32
    %scan3A_49 = arith.constant 4224 : i32
    %scan3A_50 = arith.addi %scan3A_48, %scan3A_49 : i32
    %scan3A_51 = arith.constant 1 : i32
    scf.for %scan3A_61 = %scan3A_48 to %scan3A_50 step %scan3A_51  : i32 {
      %mul3A_62 = arith.constant 16 : i32
      %mul3A_63 = arith.muli %scan3A_61, %mul3A_62 : i32
      %swap3A = arith.index_cast %mul3A_63 : i32 to index
      %swap3A_64 = tpu.vector_load %arg14[%swap3A] {strides = array<i32>} : memref<67584xf32, #tpu.memory_space<vmem>>, vector<16xf32>,
      %swap3A_65 = vector.shape_cast %swap3A_64 : vector<16xf32> to vector<16xf32>
      %swap3A_66 = vector.shape_cast %broadcast_in_dim3A_1 : vector<16xf32> to vector<16xf32>
      tpu.vector_store %arg14[%swap3A], %swap3A_66 {strides = array<i32>} : memref<67584xf32, #tpu.memory_space<vmem>>, vector<16xf32>,
    }
    %scan3A_52 = arith.constant 4224 : i32
    %scan3A_53 = arith.constant 0 : i32
    %scan3A_54 = arith.constant 0 : i32
    %scan3A_55 = arith.constant 32 : i32
    %scan3A_56 = arith.addi %scan3A_54, %scan3A_55 : i32
    %scan3A_57 = arith.constant 1 : i32
    scf.for %scan3A_61 = %scan3A_54 to %scan3A_56 step %scan3A_57  : i32 {
      %mul3A_62 = arith.constant 104 : i32
      %mul3A_63 = arith.muli %scan3A_61, %mul3A_62 : i32
      "tpu.region"() ({
        %run_scoped3A = tpu.sem_alloc : memref<!tpu.dma_semaphore, #tpu.memory_space<semaphore_mem>>
        %dma_start3A = arith.constant 0 : i32
        %dma_start3A_84 = tpu.memref_slice %arg7[%dma_start3A] : memref<120xi32, #tpu.memory_space<vmem>> -> memref<104xi32, #tpu.memory_space<vmem>>
        %dma_start3A_85 = tpu.memref_slice %arg4[%mul3A_63] : memref<3328xi32, #tpu.memory_space<hbm>> -> memref<104xi32, #tpu.memory_space<hbm>>
        %dma_start3A_86 = arith.constant 0 : i32
        %dma_start3A_87 = tpu.memref_slice %arg7[%dma_start3A_86] : memref<120xi32, #tpu.memory_space<vmem>> -> memref<104xi32, #tpu.memory_space<vmem>>
        %dma_start3A_88 = tpu.memref_slice %arg4[%mul3A_63] : memref<3328xi32, #tpu.memory_space<hbm>> -> memref<104xi32, #tpu.memory_space<hbm>>
        tpu.enqueue_dma source(%dma_start3A_88 : memref<104xi32, #tpu.memory_space<hbm>>) target(%dma_start3A_87 : memref<104xi32, #tpu.memory_space<vmem>>) target_semaphore(%run_scoped3A : memref<!tpu.dma_semaphore, #tpu.memory_space<semaphore_mem>>)
        %dma_wait3A = arith.constant 0 : i32
        %dma_wait3A_89 = tpu.memref_slice %arg7[%dma_wait3A] : memref<120xi32, #tpu.memory_space<vmem>> -> memref<104xi32, #tpu.memory_space<vmem>>
        %dma_wait3A_90 = tpu.memref_slice %arg4[%mul3A_63] : memref<3328xi32, #tpu.memory_space<hbm>> -> memref<104xi32, #tpu.memory_space<hbm>>
        %dma_wait3A_91 = arith.constant 0 : i32
        %dma_wait3A_92 = tpu.memref_slice %arg7[%dma_wait3A_91] : memref<120xi32, #tpu.memory_space<vmem>> -> memref<104xi32, #tpu.memory_space<vmem>>
        %dma_wait3A_93 = tpu.memref_slice %arg4[%mul3A_63] : memref<3328xi32, #tpu.memory_space<hbm>> -> memref<104xi32, #tpu.memory_space<hbm>>
        tpu.wait_dma2 semaphore(%run_scoped3A : memref<!tpu.dma_semaphore, #tpu.memory_space<semaphore_mem>>) src(%dma_wait3A_93 : memref<104xi32, #tpu.memory_space<hbm>>) dst(%dma_wait3A_92 : memref<104xi32, #tpu.memory_space<vmem>>)
        tpu.yield
      }) : () -> ()
      %get3A = arith.index_cast %add3A_44 : i32 to index
      %get3A_64 = tpu.vector_load %arg7[%get3A] {strides = array<i32>} : memref<120xi32, #tpu.memory_space<vmem>>, vector<16xi32>,
      %get3A_65 = vector.shape_cast %get3A_64 : vector<16xi32> to vector<16xi32>
      %slice3A = vector.extract_strided_slice %get3A_65 {offsets = [0], sizes = [1], strides = [1]} : vector<16xi32> to vector<1xi32>
      %squeeze3A = vector.extract %slice3A[0] : i32 from vector<1xi32>
      %add3A_66 = arith.constant 1 : i32
      %add3A_67 = arith.addi %add3A_44, %add3A_66 : i32
      %get3A_68 = arith.index_cast %add3A_67 : i32 to index
      %get3A_69 = tpu.vector_load %arg7[%get3A_68] {strides = array<i32>} : memref<120xi32, #tpu.memory_space<vmem>>, vector<16xi32>,
      %get3A_70 = vector.shape_cast %get3A_69 : vector<16xi32> to vector<16xi32>
      %slice3A_71 = vector.extract_strided_slice %get3A_70 {offsets = [0], sizes = [1], strides = [1]} : vector<16xi32> to vector<1xi32>
      %squeeze3A_72 = vector.extract %slice3A_71[0] : i32 from vector<1xi32>
      %mul3A_73 = arith.constant 51072 : i32
      %mul3A_74 = arith.muli %scan3A_61, %mul3A_73 : i32
      %gt3A = arith.constant 0 : i32
      %gt3A_75 = arith.cmpi sgt, %squeeze3A_72, %gt3A : i32
      %lt3A = arith.constant 128 : i32
      %lt3A_76 = arith.cmpi slt, %squeeze3A, %lt3A : i32
      %and3A = arith.andi %gt3A_75, %lt3A_76 : i1
      %convert_element_type3A = arith.extui %and3A : i1 to i32
      %cond3A = arith.constant 0 : i32
      %cond3A_77 = arith.cmpi ne, %convert_element_type3A, %cond3A : i32
      scf.if %cond3A_77 {
        %dma_start3A = tpu.memref_slice %arg2[%mul3A_74] : memref<1634304xi32, #tpu.memory_space<hbm>> -> memref<128xi32, #tpu.memory_space<hbm>>
        %dma_start3A_84 = tpu.memref_slice %arg2[%mul3A_74] : memref<1634304xi32, #tpu.memory_space<hbm>> -> memref<128xi32, #tpu.memory_space<hbm>>
        tpu.enqueue_dma source(%dma_start3A_84 : memref<128xi32, #tpu.memory_space<hbm>>) target(%arg8 : memref<128xi32, #tpu.memory_space<vmem>>) target_semaphore(%arg15 : memref<!tpu.dma_semaphore, #tpu.memory_space<semaphore_mem>>)
        %dma_start3A_85 = arith.constant 0 : i32
        %dma_start3A_86 = tpu.memref_slice %arg10[%dma_start3A_85] : memref<144xi32, #tpu.memory_space<vmem>> -> memref<128xi32, #tpu.memory_space<vmem>>
        %dma_start3A_87 = tpu.memref_slice %arg3[%mul3A_74] : memref<1634304xi32, #tpu.memory_space<hbm>> -> memref<128xi32, #tpu.memory_space<hbm>>
        %dma_start3A_88 = arith.constant 0 : i32
        %dma_start3A_89 = tpu.memref_slice %arg10[%dma_start3A_88] : memref<144xi32, #tpu.memory_space<vmem>> -> memref<128xi32, #tpu.memory_space<vmem>>
        %dma_start3A_90 = tpu.memref_slice %arg3[%mul3A_74] : memref<1634304xi32, #tpu.memory_space<hbm>> -> memref<128xi32, #tpu.memory_space<hbm>>
        tpu.enqueue_dma source(%dma_start3A_90 : memref<128xi32, #tpu.memory_space<hbm>>) target(%dma_start3A_89 : memref<128xi32, #tpu.memory_space<vmem>>) target_semaphore(%arg17 : memref<!tpu.dma_semaphore, #tpu.memory_space<semaphore_mem>>)
      } else {
      }
      %scan3A_78 = arith.constant 0 : i32
      %scan3A_79 = arith.constant 0 : i32
      %scan3A_80 = arith.constant 200 : i32
      %scan3A_81 = arith.addi %scan3A_79, %scan3A_80 : i32
      %scan3A_82 = arith.constant 1 : i32
      scf.for %scan3A_84 = %scan3A_79 to %scan3A_81 step %scan3A_82  : i32 {
        %mul3A_85 = arith.constant 2 : i32
        %mul3A_86 = arith.muli %mul3A_85, %scan3A_84 : i32
        %add3A_87 = arith.constant 1 : i32
        %add3A_88 = arith.addi %mul3A_86, %add3A_87 : i32
        %mul3A_89 = arith.constant 128 : i32
        %mul3A_90 = arith.muli %mul3A_86, %mul3A_89 : i32
        %lt3A_91 = arith.cmpi slt, %mul3A_90, %squeeze3A_72 : i32
        %add3A_92 = arith.constant 128 : i32
        %add3A_93 = arith.addi %mul3A_90, %add3A_92 : i32
        %gt3A_94 = arith.cmpi sgt, %add3A_93, %squeeze3A : i32
        %and3A_95 = arith.andi %lt3A_91, %gt3A_94 : i1
        %add3A_96 = arith.constant 128 : i32
        %add3A_97 = arith.addi %mul3A_90, %add3A_96 : i32
        %lt3A_98 = arith.cmpi slt, %add3A_97, %squeeze3A_72 : i32
        %add3A_99 = arith.constant 256 : i32
        %add3A_100 = arith.addi %mul3A_90, %add3A_99 : i32
        %gt3A_101 = arith.cmpi sgt, %add3A_100, %squeeze3A : i32
        %and3A_102 = arith.andi %lt3A_98, %gt3A_101 : i1
        %sub3A = arith.constant 128 : i32
        %sub3A_103 = arith.subi %mul3A_90, %sub3A : i32
        %lt3A_104 = arith.cmpi slt, %sub3A_103, %squeeze3A_72 : i32
        %gt3A_105 = arith.cmpi sgt, %mul3A_90, %squeeze3A : i32
        %and3A_106 = arith.andi %lt3A_104, %gt3A_105 : i1
        %convert_element_type3A_107 = arith.extui %and3A_95 : i1 to i32
        %cond3A_108 = arith.constant 0 : i32
        %cond3A_109 = arith.cmpi ne, %convert_element_type3A_107, %cond3A_108 : i32
        scf.if %cond3A_109 {
          %dma_wait3A = arith.constant 0 : i32
          %dma_wait3A_144 = tpu.memref_slice %arg2[%dma_wait3A] : memref<1634304xi32, #tpu.memory_space<hbm>> -> memref<128xi32, #tpu.memory_space<hbm>>
          %dma_wait3A_145 = arith.constant 0 : i32
          %dma_wait3A_146 = tpu.memref_slice %arg2[%dma_wait3A_145] : memref<1634304xi32, #tpu.memory_space<hbm>> -> memref<128xi32, #tpu.memory_space<hbm>>
          tpu.wait_dma2 semaphore(%arg15 : memref<!tpu.dma_semaphore, #tpu.memory_space<semaphore_mem>>) src(%dma_wait3A_146 : memref<128xi32, #tpu.memory_space<hbm>>) dst(%arg8 : memref<128xi32, #tpu.memory_space<vmem>>)
          %dma_wait3A_147 = arith.constant 0 : i32
          %dma_wait3A_148 = tpu.memref_slice %arg10[%dma_wait3A_147] : memref<144xi32, #tpu.memory_space<vmem>> -> memref<128xi32, #tpu.memory_space<vmem>>
          %dma_wait3A_149 = arith.constant 0 : i32
          %dma_wait3A_150 = tpu.memref_slice %arg3[%dma_wait3A_149] : memref<1634304xi32, #tpu.memory_space<hbm>> -> memref<128xi32, #tpu.memory_space<hbm>>
          %dma_wait3A_151 = arith.constant 0 : i32
          %dma_wait3A_152 = tpu.memref_slice %arg10[%dma_wait3A_151] : memref<144xi32, #tpu.memory_space<vmem>> -> memref<128xi32, #tpu.memory_space<vmem>>
          %dma_wait3A_153 = arith.constant 0 : i32
          %dma_wait3A_154 = tpu.memref_slice %arg3[%dma_wait3A_153] : memref<1634304xi32, #tpu.memory_space<hbm>> -> memref<128xi32, #tpu.memory_space<hbm>>
          tpu.wait_dma2 semaphore(%arg17 : memref<!tpu.dma_semaphore, #tpu.memory_space<semaphore_mem>>) src(%dma_wait3A_154 : memref<128xi32, #tpu.memory_space<hbm>>) dst(%dma_wait3A_152 : memref<128xi32, #tpu.memory_space<vmem>>)
          %dma_start3A = arith.constant 0 : i32
          %dma_start3A_155 = arith.constant 0 : i32
          %dma_start3A_156 = tpu.memref_slice %arg5[%dma_start3A, %dma_start3A_155] : memref<1605632x128xf32, #tpu.memory_space<hbm>> -> memref<1605632x128xf32, #tpu.memory_space<hbm>>
          tpu.enqueue_indirect_dma source(%dma_start3A_156 : memref<1605632x128xf32, #tpu.memory_space<hbm>>) target(%arg12 : memref<128x128xf32, #tpu.memory_space<vmem>>) offsets(%arg8 : memref<128xi32, #tpu.memory_space<vmem>>) semaphore(%arg19 : memref<!tpu.dma_semaphore, #tpu.memory_space<semaphore_mem>>)
        } else {
        }
        %convert_element_type3A_110 = arith.extui %and3A_106 : i1 to i32
        %cond3A_111 = arith.constant 0 : i32
        %cond3A_112 = arith.cmpi ne, %convert_element_type3A_110, %cond3A_111 : i32
        scf.if %cond3A_112 {
          %dma_wait3A = arith.constant 0 : i32
          %dma_wait3A_144 = arith.constant 0 : i32
          %dma_wait3A_145 = tpu.memref_slice %arg5[%dma_wait3A, %dma_wait3A_144] : memref<1605632x128xf32, #tpu.memory_space<hbm>> -> memref<128x128xf32, #tpu.memory_space<hbm>>
          %dma_wait3A_146 = arith.constant 0 : i32
          %dma_wait3A_147 = arith.constant 0 : i32
          %dma_wait3A_148 = tpu.memref_slice %arg5[%dma_wait3A_146, %dma_wait3A_147] : memref<1605632x128xf32, #tpu.memory_space<hbm>> -> memref<128x128xf32, #tpu.memory_space<hbm>>
          tpu.wait_dma2 semaphore(%arg20 : memref<!tpu.dma_semaphore, #tpu.memory_space<semaphore_mem>>) src(%dma_wait3A_148 : memref<128x128xf32, #tpu.memory_space<hbm>>) dst(%arg13 : memref<128x128xf32, #tpu.memory_space<vmem>>)
          %sub3A_149 = arith.constant 128 : i32
          %sub3A_150 = arith.subi %mul3A_90, %sub3A_149 : i32
          %sub3A_151 = arith.subi %squeeze3A, %sub3A_150 : i32
          %max3A = arith.constant 0 : i32
          %max3A_152 = arith.maxsi %sub3A_151, %max3A : i32
          %sub3A_153 = arith.subi %squeeze3A_72, %sub3A_150 : i32
          %min3A = arith.constant 128 : i32
          %min3A_154 = arith.minsi %sub3A_153, %min3A : i32
          %while3A = arith.constant 0 : i32
          %while3A_155 = arith.subi %min3A_154, %max3A_152 : i32
          %while3A_156 = arith.addi %max3A_152, %while3A_155 : i32
          %while3A_157 = arith.constant 1 : i32
          %while3A_158 = arith.divsi %while3A_155, %while3A_157 : i32
          %while3A_159 = arith.muli %while3A_158, %while3A_157 : i32
          %while3A_160 = arith.addi %max3A_152, %while3A_159 : i32
          %while3A_161 = arith.constant 1 : i32
          scf.for %while3A_163 = %max3A_152 to %while3A_160 step %while3A_161  : i32 {
            %get3A_164 = arith.index_cast %while3A_163 : i32 to index
            %get3A_165 = tpu.vector_load %arg11[%get3A_164] {strides = array<i32>} : memref<144xi32, #tpu.memory_space<vmem>>, vector<16xi32>,
            %get3A_166 = vector.shape_cast %get3A_165 : vector<16xi32> to vector<16xi32>
            %slice3A_167 = vector.extract_strided_slice %get3A_166 {offsets = [0], sizes = [1], strides = [1]} : vector<16xi32> to vector<1xi32>
            %squeeze3A_168 = vector.extract %slice3A_167[0] : i32 from vector<1xi32>
            %get3A_169 = arith.index_cast %while3A_163 : i32 to index
            %get3A_170 = arith.constant 0 : index
            %get3A_171 = tpu.vector_load %arg13[%get3A_169, %get3A_170] {strides = array<i32>} : memref<128x128xf32, #tpu.memory_space<vmem>>, vector<1x16xf32>,
            %get3A_172 = vector.shape_cast %get3A_171 : vector<1x16xf32> to vector<16xf32>
            %mul3A_173 = arith.constant 64 : i32
            %mul3A_174 = arith.muli %squeeze3A_168, %mul3A_173 : i32
            %add3A_175 = arith.constant 0 : i32
            %add3A_176 = arith.addi %mul3A_174, %add3A_175 : i32
            %get3A_177 = arith.index_cast %add3A_176 : i32 to index
            %get3A_178 = tpu.vector_load %arg14[%get3A_177] {strides = array<i32>} : memref<67584xf32, #tpu.memory_space<vmem>>, vector<16xf32>,
            %get3A_179 = vector.shape_cast %get3A_178 : vector<16xf32> to vector<16xf32>
            %max3A_180 = arith.maximumf %get3A_179, %get3A_172 : vector<16xf32>
            %mul3A_181 = arith.constant 64 : i32
            %mul3A_182 = arith.muli %squeeze3A_168, %mul3A_181 : i32
            %add3A_183 = arith.constant 0 : i32
            %add3A_184 = arith.addi %mul3A_182, %add3A_183 : i32
            %swap3A = arith.index_cast %add3A_184 : i32 to index
            %swap3A_185 = tpu.vector_load %arg14[%swap3A] {strides = array<i32>} : memref<67584xf32, #tpu.memory_space<vmem>>, vector<16xf32>,
            %swap3A_186 = vector.shape_cast %swap3A_185 : vector<16xf32> to vector<16xf32>
            %swap3A_187 = vector.shape_cast %max3A_180 : vector<16xf32> to vector<16xf32>
            tpu.vector_store %arg14[%swap3A], %swap3A_187 {strides = array<i32>} : memref<67584xf32, #tpu.memory_space<vmem>>, vector<16xf32>,
            %get3A_188 = arith.index_cast %while3A_163 : i32 to index
            %get3A_189 = arith.constant 16 : index
            %get3A_190 = tpu.vector_load %arg13[%get3A_188, %get3A_189] {strides = array<i32>} : memref<128x128xf32, #tpu.memory_space<vmem>>, vector<1x16xf32>,
            %get3A_191 = vector.shape_cast %get3A_190 : vector<1x16xf32> to vector<16xf32>
            %mul3A_192 = arith.constant 64 : i32
            %mul3A_193 = arith.muli %squeeze3A_168, %mul3A_192 : i32
            %add3A_194 = arith.constant 16 : i32
            %add3A_195 = arith.addi %mul3A_193, %add3A_194 : i32
            %get3A_196 = arith.index_cast %add3A_195 : i32 to index
            %get3A_197 = tpu.vector_load %arg14[%get3A_196] {strides = array<i32>} : memref<67584xf32, #tpu.memory_space<vmem>>, vector<16xf32>,
            %get3A_198 = vector.shape_cast %get3A_197 : vector<16xf32> to vector<16xf32>
            %max3A_199 = arith.maximumf %get3A_198, %get3A_191 : vector<16xf32>
            %mul3A_200 = arith.constant 64 : i32
            %mul3A_201 = arith.muli %squeeze3A_168, %mul3A_200 : i32
            %add3A_202 = arith.constant 16 : i32
            %add3A_203 = arith.addi %mul3A_201, %add3A_202 : i32
            %swap3A_204 = arith.index_cast %add3A_203 : i32 to index
            %swap3A_205 = tpu.vector_load %arg14[%swap3A_204] {strides = array<i32>} : memref<67584xf32, #tpu.memory_space<vmem>>, vector<16xf32>,
            %swap3A_206 = vector.shape_cast %swap3A_205 : vector<16xf32> to vector<16xf32>
            %swap3A_207 = vector.shape_cast %max3A_199 : vector<16xf32> to vector<16xf32>
            tpu.vector_store %arg14[%swap3A_204], %swap3A_207 {strides = array<i32>} : memref<67584xf32, #tpu.memory_space<vmem>>, vector<16xf32>,
            %get3A_208 = arith.index_cast %while3A_163 : i32 to index
            %get3A_209 = arith.constant 32 : index
            %get3A_210 = tpu.vector_load %arg13[%get3A_208, %get3A_209] {strides = array<i32>} : memref<128x128xf32, #tpu.memory_space<vmem>>, vector<1x16xf32>,
            %get3A_211 = vector.shape_cast %get3A_210 : vector<1x16xf32> to vector<16xf32>
            %mul3A_212 = arith.constant 64 : i32
            %mul3A_213 = arith.muli %squeeze3A_168, %mul3A_212 : i32
            %add3A_214 = arith.constant 32 : i32
            %add3A_215 = arith.addi %mul3A_213, %add3A_214 : i32
            %get3A_216 = arith.index_cast %add3A_215 : i32 to index
            %get3A_217 = tpu.vector_load %arg14[%get3A_216] {strides = array<i32>} : memref<67584xf32, #tpu.memory_space<vmem>>, vector<16xf32>,
            %get3A_218 = vector.shape_cast %get3A_217 : vector<16xf32> to vector<16xf32>
            %max3A_219 = arith.maximumf %get3A_218, %get3A_211 : vector<16xf32>
            %mul3A_220 = arith.constant 64 : i32
            %mul3A_221 = arith.muli %squeeze3A_168, %mul3A_220 : i32
            %add3A_222 = arith.constant 32 : i32
            %add3A_223 = arith.addi %mul3A_221, %add3A_222 : i32
            %swap3A_224 = arith.index_cast %add3A_223 : i32 to index
            %swap3A_225 = tpu.vector_load %arg14[%swap3A_224] {strides = array<i32>} : memref<67584xf32, #tpu.memory_space<vmem>>, vector<16xf32>,
            %swap3A_226 = vector.shape_cast %swap3A_225 : vector<16xf32> to vector<16xf32>
            %swap3A_227 = vector.shape_cast %max3A_219 : vector<16xf32> to vector<16xf32>
            tpu.vector_store %arg14[%swap3A_224], %swap3A_227 {strides = array<i32>} : memref<67584xf32, #tpu.memory_space<vmem>>, vector<16xf32>,
            %get3A_228 = arith.index_cast %while3A_163 : i32 to index
            %get3A_229 = arith.constant 48 : index
            %get3A_230 = tpu.vector_load %arg13[%get3A_228, %get3A_229] {strides = array<i32>} : memref<128x128xf32, #tpu.memory_space<vmem>>, vector<1x16xf32>,
            %get3A_231 = vector.shape_cast %get3A_230 : vector<1x16xf32> to vector<16xf32>
            %mul3A_232 = arith.constant 64 : i32
            %mul3A_233 = arith.muli %squeeze3A_168, %mul3A_232 : i32
            %add3A_234 = arith.constant 48 : i32
            %add3A_235 = arith.addi %mul3A_233, %add3A_234 : i32
            %get3A_236 = arith.index_cast %add3A_235 : i32 to index
            %get3A_237 = tpu.vector_load %arg14[%get3A_236] {strides = array<i32>} : memref<67584xf32, #tpu.memory_space<vmem>>, vector<16xf32>,
            %get3A_238 = vector.shape_cast %get3A_237 : vector<16xf32> to vector<16xf32>
            %max3A_239 = arith.maximumf %get3A_238, %get3A_231 : vector<16xf32>
            %mul3A_240 = arith.constant 64 : i32
            %mul3A_241 = arith.muli %squeeze3A_168, %mul3A_240 : i32
            %add3A_242 = arith.constant 48 : i32
            %add3A_243 = arith.addi %mul3A_241, %add3A_242 : i32
            %swap3A_244 = arith.index_cast %add3A_243 : i32 to index
            %swap3A_245 = tpu.vector_load %arg14[%swap3A_244] {strides = array<i32>} : memref<67584xf32, #tpu.memory_space<vmem>>, vector<16xf32>,
            %swap3A_246 = vector.shape_cast %swap3A_245 : vector<16xf32> to vector<16xf32>
            %swap3A_247 = vector.shape_cast %max3A_239 : vector<16xf32> to vector<16xf32>
            tpu.vector_store %arg14[%swap3A_244], %swap3A_247 {strides = array<i32>} : memref<67584xf32, #tpu.memory_space<vmem>>, vector<16xf32>,
          }
          %while3A_162 = arith.constant 1 : i32
          scf.for %while3A_163 = %while3A_160 to %while3A_156 step %while3A_162  : i32 {
            %get3A_164 = arith.index_cast %while3A_163 : i32 to index
            %get3A_165 = tpu.vector_load %arg11[%get3A_164] {strides = array<i32>} : memref<144xi32, #tpu.memory_space<vmem>>, vector<16xi32>,
            %get3A_166 = vector.shape_cast %get3A_165 : vector<16xi32> to vector<16xi32>
            %slice3A_167 = vector.extract_strided_slice %get3A_166 {offsets = [0], sizes = [1], strides = [1]} : vector<16xi32> to vector<1xi32>
            %squeeze3A_168 = vector.extract %slice3A_167[0] : i32 from vector<1xi32>
            %get3A_169 = arith.index_cast %while3A_163 : i32 to index
            %get3A_170 = arith.constant 0 : index
            %get3A_171 = tpu.vector_load %arg13[%get3A_169, %get3A_170] {strides = array<i32>} : memref<128x128xf32, #tpu.memory_space<vmem>>, vector<1x16xf32>,
            %get3A_172 = vector.shape_cast %get3A_171 : vector<1x16xf32> to vector<16xf32>
            %mul3A_173 = arith.constant 64 : i32
            %mul3A_174 = arith.muli %squeeze3A_168, %mul3A_173 : i32
            %add3A_175 = arith.constant 0 : i32
            %add3A_176 = arith.addi %mul3A_174, %add3A_175 : i32
            %get3A_177 = arith.index_cast %add3A_176 : i32 to index
            %get3A_178 = tpu.vector_load %arg14[%get3A_177] {strides = array<i32>} : memref<67584xf32, #tpu.memory_space<vmem>>, vector<16xf32>,
            %get3A_179 = vector.shape_cast %get3A_178 : vector<16xf32> to vector<16xf32>
            %max3A_180 = arith.maximumf %get3A_179, %get3A_172 : vector<16xf32>
            %mul3A_181 = arith.constant 64 : i32
            %mul3A_182 = arith.muli %squeeze3A_168, %mul3A_181 : i32
            %add3A_183 = arith.constant 0 : i32
            %add3A_184 = arith.addi %mul3A_182, %add3A_183 : i32
            %swap3A = arith.index_cast %add3A_184 : i32 to index
            %swap3A_185 = tpu.vector_load %arg14[%swap3A] {strides = array<i32>} : memref<67584xf32, #tpu.memory_space<vmem>>, vector<16xf32>,
            %swap3A_186 = vector.shape_cast %swap3A_185 : vector<16xf32> to vector<16xf32>
            %swap3A_187 = vector.shape_cast %max3A_180 : vector<16xf32> to vector<16xf32>
            tpu.vector_store %arg14[%swap3A], %swap3A_187 {strides = array<i32>} : memref<67584xf32, #tpu.memory_space<vmem>>, vector<16xf32>,
            %get3A_188 = arith.index_cast %while3A_163 : i32 to index
            %get3A_189 = arith.constant 16 : index
            %get3A_190 = tpu.vector_load %arg13[%get3A_188, %get3A_189] {strides = array<i32>} : memref<128x128xf32, #tpu.memory_space<vmem>>, vector<1x16xf32>,
            %get3A_191 = vector.shape_cast %get3A_190 : vector<1x16xf32> to vector<16xf32>
            %mul3A_192 = arith.constant 64 : i32
            %mul3A_193 = arith.muli %squeeze3A_168, %mul3A_192 : i32
            %add3A_194 = arith.constant 16 : i32
            %add3A_195 = arith.addi %mul3A_193, %add3A_194 : i32
            %get3A_196 = arith.index_cast %add3A_195 : i32 to index
            %get3A_197 = tpu.vector_load %arg14[%get3A_196] {strides = array<i32>} : memref<67584xf32, #tpu.memory_space<vmem>>, vector<16xf32>,
            %get3A_198 = vector.shape_cast %get3A_197 : vector<16xf32> to vector<16xf32>
            %max3A_199 = arith.maximumf %get3A_198, %get3A_191 : vector<16xf32>
            %mul3A_200 = arith.constant 64 : i32
            %mul3A_201 = arith.muli %squeeze3A_168, %mul3A_200 : i32
            %add3A_202 = arith.constant 16 : i32
            %add3A_203 = arith.addi %mul3A_201, %add3A_202 : i32
            %swap3A_204 = arith.index_cast %add3A_203 : i32 to index
            %swap3A_205 = tpu.vector_load %arg14[%swap3A_204] {strides = array<i32>} : memref<67584xf32, #tpu.memory_space<vmem>>, vector<16xf32>,
            %swap3A_206 = vector.shape_cast %swap3A_205 : vector<16xf32> to vector<16xf32>
            %swap3A_207 = vector.shape_cast %max3A_199 : vector<16xf32> to vector<16xf32>
            tpu.vector_store %arg14[%swap3A_204], %swap3A_207 {strides = array<i32>} : memref<67584xf32, #tpu.memory_space<vmem>>, vector<16xf32>,
            %get3A_208 = arith.index_cast %while3A_163 : i32 to index
            %get3A_209 = arith.constant 32 : index
            %get3A_210 = tpu.vector_load %arg13[%get3A_208, %get3A_209] {strides = array<i32>} : memref<128x128xf32, #tpu.memory_space<vmem>>, vector<1x16xf32>,
            %get3A_211 = vector.shape_cast %get3A_210 : vector<1x16xf32> to vector<16xf32>
            %mul3A_212 = arith.constant 64 : i32
            %mul3A_213 = arith.muli %squeeze3A_168, %mul3A_212 : i32
            %add3A_214 = arith.constant 32 : i32
            %add3A_215 = arith.addi %mul3A_213, %add3A_214 : i32
            %get3A_216 = arith.index_cast %add3A_215 : i32 to index
            %get3A_217 = tpu.vector_load %arg14[%get3A_216] {strides = array<i32>} : memref<67584xf32, #tpu.memory_space<vmem>>, vector<16xf32>,
            %get3A_218 = vector.shape_cast %get3A_217 : vector<16xf32> to vector<16xf32>
            %max3A_219 = arith.maximumf %get3A_218, %get3A_211 : vector<16xf32>
            %mul3A_220 = arith.constant 64 : i32
            %mul3A_221 = arith.muli %squeeze3A_168, %mul3A_220 : i32
            %add3A_222 = arith.constant 32 : i32
            %add3A_223 = arith.addi %mul3A_221, %add3A_222 : i32
            %swap3A_224 = arith.index_cast %add3A_223 : i32 to index
            %swap3A_225 = tpu.vector_load %arg14[%swap3A_224] {strides = array<i32>} : memref<67584xf32, #tpu.memory_space<vmem>>, vector<16xf32>,
            %swap3A_226 = vector.shape_cast %swap3A_225 : vector<16xf32> to vector<16xf32>
            %swap3A_227 = vector.shape_cast %max3A_219 : vector<16xf32> to vector<16xf32>
            tpu.vector_store %arg14[%swap3A_224], %swap3A_227 {strides = array<i32>} : memref<67584xf32, #tpu.memory_space<vmem>>, vector<16xf32>,
            %get3A_228 = arith.index_cast %while3A_163 : i32 to index
            %get3A_229 = arith.constant 48 : index
            %get3A_230 = tpu.vector_load %arg13[%get3A_228, %get3A_229] {strides = array<i32>} : memref<128x128xf32, #tpu.memory_space<vmem>>, vector<1x16xf32>,
            %get3A_231 = vector.shape_cast %get3A_230 : vector<1x16xf32> to vector<16xf32>
            %mul3A_232 = arith.constant 64 : i32
            %mul3A_233 = arith.muli %squeeze3A_168, %mul3A_232 : i32
            %add3A_234 = arith.constant 48 : i32
            %add3A_235 = arith.addi %mul3A_233, %add3A_234 : i32
            %get3A_236 = arith.index_cast %add3A_235 : i32 to index
            %get3A_237 = tpu.vector_load %arg14[%get3A_236] {strides = array<i32>} : memref<67584xf32, #tpu.memory_space<vmem>>, vector<16xf32>,
            %get3A_238 = vector.shape_cast %get3A_237 : vector<16xf32> to vector<16xf32>
            %max3A_239 = arith.maximumf %get3A_238, %get3A_231 : vector<16xf32>
            %mul3A_240 = arith.constant 64 : i32
            %mul3A_241 = arith.muli %squeeze3A_168, %mul3A_240 : i32
            %add3A_242 = arith.constant 48 : i32
            %add3A_243 = arith.addi %mul3A_241, %add3A_242 : i32
            %swap3A_244 = arith.index_cast %add3A_243 : i32 to index
            %swap3A_245 = tpu.vector_load %arg14[%swap3A_244] {strides = array<i32>} : memref<67584xf32, #tpu.memory_space<vmem>>, vector<16xf32>,
            %swap3A_246 = vector.shape_cast %swap3A_245 : vector<16xf32> to vector<16xf32>
            %swap3A_247 = vector.shape_cast %max3A_239 : vector<16xf32> to vector<16xf32>
            tpu.vector_store %arg14[%swap3A_244], %swap3A_247 {strides = array<i32>} : memref<67584xf32, #tpu.memory_space<vmem>>, vector<16xf32>,
          }
        } else {
        }
        %convert_element_type3A_113 = arith.extui %and3A_102 : i1 to i32
        %cond3A_114 = arith.constant 0 : i32
        %cond3A_115 = arith.cmpi ne, %convert_element_type3A_113, %cond3A_114 : i32
        scf.if %cond3A_115 {
          %add3A_144 = arith.addi %mul3A_74, %mul3A_90 : i32
          %add3A_145 = arith.constant 128 : i32
          %add3A_146 = arith.addi %add3A_144, %add3A_145 : i32
          %dma_start3A = tpu.memref_slice %arg2[%add3A_146] : memref<1634304xi32, #tpu.memory_space<hbm>> -> memref<128xi32, #tpu.memory_space<hbm>>
          %dma_start3A_147 = tpu.memref_slice %arg2[%add3A_146] : memref<1634304xi32, #tpu.memory_space<hbm>> -> memref<128xi32, #tpu.memory_space<hbm>>
          tpu.enqueue_dma source(%dma_start3A_147 : memref<128xi32, #tpu.memory_space<hbm>>) target(%arg9 : memref<128xi32, #tpu.memory_space<vmem>>) target_semaphore(%arg16 : memref<!tpu.dma_semaphore, #tpu.memory_space<semaphore_mem>>)
          %add3A_148 = arith.addi %mul3A_74, %mul3A_90 : i32
          %add3A_149 = arith.constant 128 : i32
          %add3A_150 = arith.addi %add3A_148, %add3A_149 : i32
          %dma_start3A_151 = arith.constant 0 : i32
          %dma_start3A_152 = tpu.memref_slice %arg11[%dma_start3A_151] : memref<144xi32, #tpu.memory_space<vmem>> -> memref<128xi32, #tpu.memory_space<vmem>>
          %dma_start3A_153 = tpu.memref_slice %arg3[%add3A_150] : memref<1634304xi32, #tpu.memory_space<hbm>> -> memref<128xi32, #tpu.memory_space<hbm>>
          %dma_start3A_154 = arith.constant 0 : i32
          %dma_start3A_155 = tpu.memref_slice %arg11[%dma_start3A_154] : memref<144xi32, #tpu.memory_space<vmem>> -> memref<128xi32, #tpu.memory_space<vmem>>
          %dma_start3A_156 = tpu.memref_slice %arg3[%add3A_150] : memref<1634304xi32, #tpu.memory_space<hbm>> -> memref<128xi32, #tpu.memory_space<hbm>>
          tpu.enqueue_dma source(%dma_start3A_156 : memref<128xi32, #tpu.memory_space<hbm>>) target(%dma_start3A_155 : memref<128xi32, #tpu.memory_space<vmem>>) target_semaphore(%arg18 : memref<!tpu.dma_semaphore, #tpu.memory_space<semaphore_mem>>)
        } else {
        }
        %mul3A_116 = arith.constant 128 : i32
        %mul3A_117 = arith.muli %add3A_88, %mul3A_116 : i32
        %lt3A_118 = arith.cmpi slt, %mul3A_117, %squeeze3A_72 : i32
        %add3A_119 = arith.constant 128 : i32
        %add3A_120 = arith.addi %mul3A_117, %add3A_119 : i32
        %gt3A_121 = arith.cmpi sgt, %add3A_120, %squeeze3A : i32
        %and3A_122 = arith.andi %lt3A_118, %gt3A_121 : i1
        %add3A_123 = arith.constant 128 : i32
        %add3A_124 = arith.addi %mul3A_117, %add3A_123 : i32
        %lt3A_125 = arith.cmpi slt, %add3A_124, %squeeze3A_72 : i32
        %add3A_126 = arith.constant 256 : i32
        %add3A_127 = arith.addi %mul3A_117, %add3A_126 : i32
        %gt3A_128 = arith.cmpi sgt, %add3A_127, %squeeze3A : i32
        %and3A_129 = arith.andi %lt3A_125, %gt3A_128 : i1
        %sub3A_130 = arith.constant 128 : i32
        %sub3A_131 = arith.subi %mul3A_117, %sub3A_130 : i32
        %lt3A_132 = arith.cmpi slt, %sub3A_131, %squeeze3A_72 : i32
        %gt3A_133 = arith.cmpi sgt, %mul3A_117, %squeeze3A : i32
        %and3A_134 = arith.andi %lt3A_132, %gt3A_133 : i1
        %convert_element_type3A_135 = arith.extui %and3A_122 : i1 to i32
        %cond3A_136 = arith.constant 0 : i32
        %cond3A_137 = arith.cmpi ne, %convert_element_type3A_135, %cond3A_136 : i32
        scf.if %cond3A_137 {
          %dma_wait3A = arith.constant 0 : i32
          %dma_wait3A_144 = tpu.memref_slice %arg2[%dma_wait3A] : memref<1634304xi32, #tpu.memory_space<hbm>> -> memref<128xi32, #tpu.memory_space<hbm>>
          %dma_wait3A_145 = arith.constant 0 : i32
          %dma_wait3A_146 = tpu.memref_slice %arg2[%dma_wait3A_145] : memref<1634304xi32, #tpu.memory_space<hbm>> -> memref<128xi32, #tpu.memory_space<hbm>>
          tpu.wait_dma2 semaphore(%arg16 : memref<!tpu.dma_semaphore, #tpu.memory_space<semaphore_mem>>) src(%dma_wait3A_146 : memref<128xi32, #tpu.memory_space<hbm>>) dst(%arg9 : memref<128xi32, #tpu.memory_space<vmem>>)
          %dma_wait3A_147 = arith.constant 0 : i32
          %dma_wait3A_148 = tpu.memref_slice %arg11[%dma_wait3A_147] : memref<144xi32, #tpu.memory_space<vmem>> -> memref<128xi32, #tpu.memory_space<vmem>>
          %dma_wait3A_149 = arith.constant 0 : i32
          %dma_wait3A_150 = tpu.memref_slice %arg3[%dma_wait3A_149] : memref<1634304xi32, #tpu.memory_space<hbm>> -> memref<128xi32, #tpu.memory_space<hbm>>
          %dma_wait3A_151 = arith.constant 0 : i32
          %dma_wait3A_152 = tpu.memref_slice %arg11[%dma_wait3A_151] : memref<144xi32, #tpu.memory_space<vmem>> -> memref<128xi32, #tpu.memory_space<vmem>>
          %dma_wait3A_153 = arith.constant 0 : i32
          %dma_wait3A_154 = tpu.memref_slice %arg3[%dma_wait3A_153] : memref<1634304xi32, #tpu.memory_space<hbm>> -> memref<128xi32, #tpu.memory_space<hbm>>
          tpu.wait_dma2 semaphore(%arg18 : memref<!tpu.dma_semaphore, #tpu.memory_space<semaphore_mem>>) src(%dma_wait3A_154 : memref<128xi32, #tpu.memory_space<hbm>>) dst(%dma_wait3A_152 : memref<128xi32, #tpu.memory_space<vmem>>)
          %dma_start3A = arith.constant 0 : i32
          %dma_start3A_155 = arith.constant 0 : i32
          %dma_start3A_156 = tpu.memref_slice %arg5[%dma_start3A, %dma_start3A_155] : memref<1605632x128xf32, #tpu.memory_space<hbm>> -> memref<1605632x128xf32, #tpu.memory_space<hbm>>
          tpu.enqueue_indirect_dma source(%dma_start3A_156 : memref<1605632x128xf32, #tpu.memory_space<hbm>>) target(%arg13 : memref<128x128xf32, #tpu.memory_space<vmem>>) offsets(%arg9 : memref<128xi32, #tpu.memory_space<vmem>>) semaphore(%arg20 : memref<!tpu.dma_semaphore, #tpu.memory_space<semaphore_mem>>)
        } else {
        }
        %convert_element_type3A_138 = arith.extui %and3A_134 : i1 to i32
        %cond3A_139 = arith.constant 0 : i32
        %cond3A_140 = arith.cmpi ne, %convert_element_type3A_138, %cond3A_139 : i32
        scf.if %cond3A_140 {
          %dma_wait3A = arith.constant 0 : i32
          %dma_wait3A_144 = arith.constant 0 : i32
          %dma_wait3A_145 = tpu.memref_slice %arg5[%dma_wait3A, %dma_wait3A_144] : memref<1605632x128xf32, #tpu.memory_space<hbm>> -> memref<128x128xf32, #tpu.memory_space<hbm>>
          %dma_wait3A_146 = arith.constant 0 : i32
          %dma_wait3A_147 = arith.constant 0 : i32
          %dma_wait3A_148 = tpu.memref_slice %arg5[%dma_wait3A_146, %dma_wait3A_147] : memref<1605632x128xf32, #tpu.memory_space<hbm>> -> memref<128x128xf32, #tpu.memory_space<hbm>>
          tpu.wait_dma2 semaphore(%arg19 : memref<!tpu.dma_semaphore, #tpu.memory_space<semaphore_mem>>) src(%dma_wait3A_148 : memref<128x128xf32, #tpu.memory_space<hbm>>) dst(%arg12 : memref<128x128xf32, #tpu.memory_space<vmem>>)
          %sub3A_149 = arith.constant 128 : i32
          %sub3A_150 = arith.subi %mul3A_117, %sub3A_149 : i32
          %sub3A_151 = arith.subi %squeeze3A, %sub3A_150 : i32
          %max3A = arith.constant 0 : i32
          %max3A_152 = arith.maxsi %sub3A_151, %max3A : i32
          %sub3A_153 = arith.subi %squeeze3A_72, %sub3A_150 : i32
          %min3A = arith.constant 128 : i32
          %min3A_154 = arith.minsi %sub3A_153, %min3A : i32
          %while3A = arith.constant 0 : i32
          %while3A_155 = arith.subi %min3A_154, %max3A_152 : i32
          %while3A_156 = arith.addi %max3A_152, %while3A_155 : i32
          %while3A_157 = arith.constant 1 : i32
          %while3A_158 = arith.divsi %while3A_155, %while3A_157 : i32
          %while3A_159 = arith.muli %while3A_158, %while3A_157 : i32
          %while3A_160 = arith.addi %max3A_152, %while3A_159 : i32
          %while3A_161 = arith.constant 1 : i32
          scf.for %while3A_163 = %max3A_152 to %while3A_160 step %while3A_161  : i32 {
            %get3A_164 = arith.index_cast %while3A_163 : i32 to index
            %get3A_165 = tpu.vector_load %arg10[%get3A_164] {strides = array<i32>} : memref<144xi32, #tpu.memory_space<vmem>>, vector<16xi32>,
            %get3A_166 = vector.shape_cast %get3A_165 : vector<16xi32> to vector<16xi32>
            %slice3A_167 = vector.extract_strided_slice %get3A_166 {offsets = [0], sizes = [1], strides = [1]} : vector<16xi32> to vector<1xi32>
            %squeeze3A_168 = vector.extract %slice3A_167[0] : i32 from vector<1xi32>
            %get3A_169 = arith.index_cast %while3A_163 : i32 to index
            %get3A_170 = arith.constant 0 : index
            %get3A_171 = tpu.vector_load %arg12[%get3A_169, %get3A_170] {strides = array<i32>} : memref<128x128xf32, #tpu.memory_space<vmem>>, vector<1x16xf32>,
            %get3A_172 = vector.shape_cast %get3A_171 : vector<1x16xf32> to vector<16xf32>
            %mul3A_173 = arith.constant 64 : i32
            %mul3A_174 = arith.muli %squeeze3A_168, %mul3A_173 : i32
            %add3A_175 = arith.constant 0 : i32
            %add3A_176 = arith.addi %mul3A_174, %add3A_175 : i32
            %get3A_177 = arith.index_cast %add3A_176 : i32 to index
            %get3A_178 = tpu.vector_load %arg14[%get3A_177] {strides = array<i32>} : memref<67584xf32, #tpu.memory_space<vmem>>, vector<16xf32>,
            %get3A_179 = vector.shape_cast %get3A_178 : vector<16xf32> to vector<16xf32>
            %max3A_180 = arith.maximumf %get3A_179, %get3A_172 : vector<16xf32>
            %mul3A_181 = arith.constant 64 : i32
            %mul3A_182 = arith.muli %squeeze3A_168, %mul3A_181 : i32
            %add3A_183 = arith.constant 0 : i32
            %add3A_184 = arith.addi %mul3A_182, %add3A_183 : i32
            %swap3A = arith.index_cast %add3A_184 : i32 to index
            %swap3A_185 = tpu.vector_load %arg14[%swap3A] {strides = array<i32>} : memref<67584xf32, #tpu.memory_space<vmem>>, vector<16xf32>,
            %swap3A_186 = vector.shape_cast %swap3A_185 : vector<16xf32> to vector<16xf32>
            %swap3A_187 = vector.shape_cast %max3A_180 : vector<16xf32> to vector<16xf32>
            tpu.vector_store %arg14[%swap3A], %swap3A_187 {strides = array<i32>} : memref<67584xf32, #tpu.memory_space<vmem>>, vector<16xf32>,
            %get3A_188 = arith.index_cast %while3A_163 : i32 to index
            %get3A_189 = arith.constant 16 : index
            %get3A_190 = tpu.vector_load %arg12[%get3A_188, %get3A_189] {strides = array<i32>} : memref<128x128xf32, #tpu.memory_space<vmem>>, vector<1x16xf32>,
            %get3A_191 = vector.shape_cast %get3A_190 : vector<1x16xf32> to vector<16xf32>
            %mul3A_192 = arith.constant 64 : i32
            %mul3A_193 = arith.muli %squeeze3A_168, %mul3A_192 : i32
            %add3A_194 = arith.constant 16 : i32
            %add3A_195 = arith.addi %mul3A_193, %add3A_194 : i32
            %get3A_196 = arith.index_cast %add3A_195 : i32 to index
            %get3A_197 = tpu.vector_load %arg14[%get3A_196] {strides = array<i32>} : memref<67584xf32, #tpu.memory_space<vmem>>, vector<16xf32>,
            %get3A_198 = vector.shape_cast %get3A_197 : vector<16xf32> to vector<16xf32>
            %max3A_199 = arith.maximumf %get3A_198, %get3A_191 : vector<16xf32>
            %mul3A_200 = arith.constant 64 : i32
            %mul3A_201 = arith.muli %squeeze3A_168, %mul3A_200 : i32
            %add3A_202 = arith.constant 16 : i32
            %add3A_203 = arith.addi %mul3A_201, %add3A_202 : i32
            %swap3A_204 = arith.index_cast %add3A_203 : i32 to index
            %swap3A_205 = tpu.vector_load %arg14[%swap3A_204] {strides = array<i32>} : memref<67584xf32, #tpu.memory_space<vmem>>, vector<16xf32>,
            %swap3A_206 = vector.shape_cast %swap3A_205 : vector<16xf32> to vector<16xf32>
            %swap3A_207 = vector.shape_cast %max3A_199 : vector<16xf32> to vector<16xf32>
            tpu.vector_store %arg14[%swap3A_204], %swap3A_207 {strides = array<i32>} : memref<67584xf32, #tpu.memory_space<vmem>>, vector<16xf32>,
            %get3A_208 = arith.index_cast %while3A_163 : i32 to index
            %get3A_209 = arith.constant 32 : index
            %get3A_210 = tpu.vector_load %arg12[%get3A_208, %get3A_209] {strides = array<i32>} : memref<128x128xf32, #tpu.memory_space<vmem>>, vector<1x16xf32>,
            %get3A_211 = vector.shape_cast %get3A_210 : vector<1x16xf32> to vector<16xf32>
            %mul3A_212 = arith.constant 64 : i32
            %mul3A_213 = arith.muli %squeeze3A_168, %mul3A_212 : i32
            %add3A_214 = arith.constant 32 : i32
            %add3A_215 = arith.addi %mul3A_213, %add3A_214 : i32
            %get3A_216 = arith.index_cast %add3A_215 : i32 to index
            %get3A_217 = tpu.vector_load %arg14[%get3A_216] {strides = array<i32>} : memref<67584xf32, #tpu.memory_space<vmem>>, vector<16xf32>,
            %get3A_218 = vector.shape_cast %get3A_217 : vector<16xf32> to vector<16xf32>
            %max3A_219 = arith.maximumf %get3A_218, %get3A_211 : vector<16xf32>
            %mul3A_220 = arith.constant 64 : i32
            %mul3A_221 = arith.muli %squeeze3A_168, %mul3A_220 : i32
            %add3A_222 = arith.constant 32 : i32
            %add3A_223 = arith.addi %mul3A_221, %add3A_222 : i32
            %swap3A_224 = arith.index_cast %add3A_223 : i32 to index
            %swap3A_225 = tpu.vector_load %arg14[%swap3A_224] {strides = array<i32>} : memref<67584xf32, #tpu.memory_space<vmem>>, vector<16xf32>,
            %swap3A_226 = vector.shape_cast %swap3A_225 : vector<16xf32> to vector<16xf32>
            %swap3A_227 = vector.shape_cast %max3A_219 : vector<16xf32> to vector<16xf32>
            tpu.vector_store %arg14[%swap3A_224], %swap3A_227 {strides = array<i32>} : memref<67584xf32, #tpu.memory_space<vmem>>, vector<16xf32>,
            %get3A_228 = arith.index_cast %while3A_163 : i32 to index
            %get3A_229 = arith.constant 48 : index
            %get3A_230 = tpu.vector_load %arg12[%get3A_228, %get3A_229] {strides = array<i32>} : memref<128x128xf32, #tpu.memory_space<vmem>>, vector<1x16xf32>,
            %get3A_231 = vector.shape_cast %get3A_230 : vector<1x16xf32> to vector<16xf32>
            %mul3A_232 = arith.constant 64 : i32
            %mul3A_233 = arith.muli %squeeze3A_168, %mul3A_232 : i32
            %add3A_234 = arith.constant 48 : i32
            %add3A_235 = arith.addi %mul3A_233, %add3A_234 : i32
            %get3A_236 = arith.index_cast %add3A_235 : i32 to index
            %get3A_237 = tpu.vector_load %arg14[%get3A_236] {strides = array<i32>} : memref<67584xf32, #tpu.memory_space<vmem>>, vector<16xf32>,
            %get3A_238 = vector.shape_cast %get3A_237 : vector<16xf32> to vector<16xf32>
            %max3A_239 = arith.maximumf %get3A_238, %get3A_231 : vector<16xf32>
            %mul3A_240 = arith.constant 64 : i32
            %mul3A_241 = arith.muli %squeeze3A_168, %mul3A_240 : i32
            %add3A_242 = arith.constant 48 : i32
            %add3A_243 = arith.addi %mul3A_241, %add3A_242 : i32
            %swap3A_244 = arith.index_cast %add3A_243 : i32 to index
            %swap3A_245 = tpu.vector_load %arg14[%swap3A_244] {strides = array<i32>} : memref<67584xf32, #tpu.memory_space<vmem>>, vector<16xf32>,
            %swap3A_246 = vector.shape_cast %swap3A_245 : vector<16xf32> to vector<16xf32>
            %swap3A_247 = vector.shape_cast %max3A_239 : vector<16xf32> to vector<16xf32>
            tpu.vector_store %arg14[%swap3A_244], %swap3A_247 {strides = array<i32>} : memref<67584xf32, #tpu.memory_space<vmem>>, vector<16xf32>,
          }
          %while3A_162 = arith.constant 1 : i32
          scf.for %while3A_163 = %while3A_160 to %while3A_156 step %while3A_162  : i32 {
            %get3A_164 = arith.index_cast %while3A_163 : i32 to index
            %get3A_165 = tpu.vector_load %arg10[%get3A_164] {strides = array<i32>} : memref<144xi32, #tpu.memory_space<vmem>>, vector<16xi32>,
            %get3A_166 = vector.shape_cast %get3A_165 : vector<16xi32> to vector<16xi32>
            %slice3A_167 = vector.extract_strided_slice %get3A_166 {offsets = [0], sizes = [1], strides = [1]} : vector<16xi32> to vector<1xi32>
            %squeeze3A_168 = vector.extract %slice3A_167[0] : i32 from vector<1xi32>
            %get3A_169 = arith.index_cast %while3A_163 : i32 to index
            %get3A_170 = arith.constant 0 : index
            %get3A_171 = tpu.vector_load %arg12[%get3A_169, %get3A_170] {strides = array<i32>} : memref<128x128xf32, #tpu.memory_space<vmem>>, vector<1x16xf32>,
            %get3A_172 = vector.shape_cast %get3A_171 : vector<1x16xf32> to vector<16xf32>
            %mul3A_173 = arith.constant 64 : i32
            %mul3A_174 = arith.muli %squeeze3A_168, %mul3A_173 : i32
            %add3A_175 = arith.constant 0 : i32
            %add3A_176 = arith.addi %mul3A_174, %add3A_175 : i32
            %get3A_177 = arith.index_cast %add3A_176 : i32 to index
            %get3A_178 = tpu.vector_load %arg14[%get3A_177] {strides = array<i32>} : memref<67584xf32, #tpu.memory_space<vmem>>, vector<16xf32>,
            %get3A_179 = vector.shape_cast %get3A_178 : vector<16xf32> to vector<16xf32>
            %max3A_180 = arith.maximumf %get3A_179, %get3A_172 : vector<16xf32>
            %mul3A_181 = arith.constant 64 : i32
            %mul3A_182 = arith.muli %squeeze3A_168, %mul3A_181 : i32
            %add3A_183 = arith.constant 0 : i32
            %add3A_184 = arith.addi %mul3A_182, %add3A_183 : i32
            %swap3A = arith.index_cast %add3A_184 : i32 to index
            %swap3A_185 = tpu.vector_load %arg14[%swap3A] {strides = array<i32>} : memref<67584xf32, #tpu.memory_space<vmem>>, vector<16xf32>,
            %swap3A_186 = vector.shape_cast %swap3A_185 : vector<16xf32> to vector<16xf32>
            %swap3A_187 = vector.shape_cast %max3A_180 : vector<16xf32> to vector<16xf32>
            tpu.vector_store %arg14[%swap3A], %swap3A_187 {strides = array<i32>} : memref<67584xf32, #tpu.memory_space<vmem>>, vector<16xf32>,
            %get3A_188 = arith.index_cast %while3A_163 : i32 to index
            %get3A_189 = arith.constant 16 : index
            %get3A_190 = tpu.vector_load %arg12[%get3A_188, %get3A_189] {strides = array<i32>} : memref<128x128xf32, #tpu.memory_space<vmem>>, vector<1x16xf32>,
            %get3A_191 = vector.shape_cast %get3A_190 : vector<1x16xf32> to vector<16xf32>
            %mul3A_192 = arith.constant 64 : i32
            %mul3A_193 = arith.muli %squeeze3A_168, %mul3A_192 : i32
            %add3A_194 = arith.constant 16 : i32
            %add3A_195 = arith.addi %mul3A_193, %add3A_194 : i32
            %get3A_196 = arith.index_cast %add3A_195 : i32 to index
            %get3A_197 = tpu.vector_load %arg14[%get3A_196] {strides = array<i32>} : memref<67584xf32, #tpu.memory_space<vmem>>, vector<16xf32>,
            %get3A_198 = vector.shape_cast %get3A_197 : vector<16xf32> to vector<16xf32>
            %max3A_199 = arith.maximumf %get3A_198, %get3A_191 : vector<16xf32>
            %mul3A_200 = arith.constant 64 : i32
            %mul3A_201 = arith.muli %squeeze3A_168, %mul3A_200 : i32
            %add3A_202 = arith.constant 16 : i32
            %add3A_203 = arith.addi %mul3A_201, %add3A_202 : i32
            %swap3A_204 = arith.index_cast %add3A_203 : i32 to index
            %swap3A_205 = tpu.vector_load %arg14[%swap3A_204] {strides = array<i32>} : memref<67584xf32, #tpu.memory_space<vmem>>, vector<16xf32>,
            %swap3A_206 = vector.shape_cast %swap3A_205 : vector<16xf32> to vector<16xf32>
            %swap3A_207 = vector.shape_cast %max3A_199 : vector<16xf32> to vector<16xf32>
            tpu.vector_store %arg14[%swap3A_204], %swap3A_207 {strides = array<i32>} : memref<67584xf32, #tpu.memory_space<vmem>>, vector<16xf32>,
            %get3A_208 = arith.index_cast %while3A_163 : i32 to index
            %get3A_209 = arith.constant 32 : index
            %get3A_210 = tpu.vector_load %arg12[%get3A_208, %get3A_209] {strides = array<i32>} : memref<128x128xf32, #tpu.memory_space<vmem>>, vector<1x16xf32>,
            %get3A_211 = vector.shape_cast %get3A_210 : vector<1x16xf32> to vector<16xf32>
            %mul3A_212 = arith.constant 64 : i32
            %mul3A_213 = arith.muli %squeeze3A_168, %mul3A_212 : i32
            %add3A_214 = arith.constant 32 : i32
            %add3A_215 = arith.addi %mul3A_213, %add3A_214 : i32
            %get3A_216 = arith.index_cast %add3A_215 : i32 to index
            %get3A_217 = tpu.vector_load %arg14[%get3A_216] {strides = array<i32>} : memref<67584xf32, #tpu.memory_space<vmem>>, vector<16xf32>,
            %get3A_218 = vector.shape_cast %get3A_217 : vector<16xf32> to vector<16xf32>
            %max3A_219 = arith.maximumf %get3A_218, %get3A_211 : vector<16xf32>
            %mul3A_220 = arith.constant 64 : i32
            %mul3A_221 = arith.muli %squeeze3A_168, %mul3A_220 : i32
            %add3A_222 = arith.constant 32 : i32
            %add3A_223 = arith.addi %mul3A_221, %add3A_222 : i32
            %swap3A_224 = arith.index_cast %add3A_223 : i32 to index
            %swap3A_225 = tpu.vector_load %arg14[%swap3A_224] {strides = array<i32>} : memref<67584xf32, #tpu.memory_space<vmem>>, vector<16xf32>,
            %swap3A_226 = vector.shape_cast %swap3A_225 : vector<16xf32> to vector<16xf32>
            %swap3A_227 = vector.shape_cast %max3A_219 : vector<16xf32> to vector<16xf32>
            tpu.vector_store %arg14[%swap3A_224], %swap3A_227 {strides = array<i32>} : memref<67584xf32, #tpu.memory_space<vmem>>, vector<16xf32>,
            %get3A_228 = arith.index_cast %while3A_163 : i32 to index
            %get3A_229 = arith.constant 48 : index
            %get3A_230 = tpu.vector_load %arg12[%get3A_228, %get3A_229] {strides = array<i32>} : memref<128x128xf32, #tpu.memory_space<vmem>>, vector<1x16xf32>,
            %get3A_231 = vector.shape_cast %get3A_230 : vector<1x16xf32> to vector<16xf32>
            %mul3A_232 = arith.constant 64 : i32
            %mul3A_233 = arith.muli %squeeze3A_168, %mul3A_232 : i32
            %add3A_234 = arith.constant 48 : i32
            %add3A_235 = arith.addi %mul3A_233, %add3A_234 : i32
            %get3A_236 = arith.index_cast %add3A_235 : i32 to index
            %get3A_237 = tpu.vector_load %arg14[%get3A_236] {strides = array<i32>} : memref<67584xf32, #tpu.memory_space<vmem>>, vector<16xf32>,
            %get3A_238 = vector.shape_cast %get3A_237 : vector<16xf32> to vector<16xf32>
            %max3A_239 = arith.maximumf %get3A_238, %get3A_231 : vector<16xf32>
            %mul3A_240 = arith.constant 64 : i32
            %mul3A_241 = arith.muli %squeeze3A_168, %mul3A_240 : i32
            %add3A_242 = arith.constant 48 : i32
            %add3A_243 = arith.addi %mul3A_241, %add3A_242 : i32
            %swap3A_244 = arith.index_cast %add3A_243 : i32 to index
            %swap3A_245 = tpu.vector_load %arg14[%swap3A_244] {strides = array<i32>} : memref<67584xf32, #tpu.memory_space<vmem>>, vector<16xf32>,
            %swap3A_246 = vector.shape_cast %swap3A_245 : vector<16xf32> to vector<16xf32>
            %swap3A_247 = vector.shape_cast %max3A_239 : vector<16xf32> to vector<16xf32>
            tpu.vector_store %arg14[%swap3A_244], %swap3A_247 {strides = array<i32>} : memref<67584xf32, #tpu.memory_space<vmem>>, vector<16xf32>,
          }
        } else {
        }
        %convert_element_type3A_141 = arith.extui %and3A_129 : i1 to i32
        %cond3A_142 = arith.constant 0 : i32
        %cond3A_143 = arith.cmpi ne, %convert_element_type3A_141, %cond3A_142 : i32
        scf.if %cond3A_143 {
          %add3A_144 = arith.addi %mul3A_74, %mul3A_117 : i32
          %add3A_145 = arith.constant 128 : i32
          %add3A_146 = arith.addi %add3A_144, %add3A_145 : i32
          %dma_start3A = tpu.memref_slice %arg2[%add3A_146] : memref<1634304xi32, #tpu.memory_space<hbm>> -> memref<128xi32, #tpu.memory_space<hbm>>
          %dma_start3A_147 = tpu.memref_slice %arg2[%add3A_146] : memref<1634304xi32, #tpu.memory_space<hbm>> -> memref<128xi32, #tpu.memory_space<hbm>>
          tpu.enqueue_dma source(%dma_start3A_147 : memref<128xi32, #tpu.memory_space<hbm>>) target(%arg8 : memref<128xi32, #tpu.memory_space<vmem>>) target_semaphore(%arg15 : memref<!tpu.dma_semaphore, #tpu.memory_space<semaphore_mem>>)
          %add3A_148 = arith.addi %mul3A_74, %mul3A_117 : i32
          %add3A_149 = arith.constant 128 : i32
          %add3A_150 = arith.addi %add3A_148, %add3A_149 : i32
          %dma_start3A_151 = arith.constant 0 : i32
          %dma_start3A_152 = tpu.memref_slice %arg10[%dma_start3A_151] : memref<144xi32, #tpu.memory_space<vmem>> -> memref<128xi32, #tpu.memory_space<vmem>>
          %dma_start3A_153 = tpu.memref_slice %arg3[%add3A_150] : memref<1634304xi32, #tpu.memory_space<hbm>> -> memref<128xi32, #tpu.memory_space<hbm>>
          %dma_start3A_154 = arith.constant 0 : i32
          %dma_start3A_155 = tpu.memref_slice %arg10[%dma_start3A_154] : memref<144xi32, #tpu.memory_space<vmem>> -> memref<128xi32, #tpu.memory_space<vmem>>
          %dma_start3A_156 = tpu.memref_slice %arg3[%add3A_150] : memref<1634304xi32, #tpu.memory_space<hbm>> -> memref<128xi32, #tpu.memory_space<hbm>>
          tpu.enqueue_dma source(%dma_start3A_156 : memref<128xi32, #tpu.memory_space<hbm>>) target(%dma_start3A_155 : memref<128xi32, #tpu.memory_space<vmem>>) target_semaphore(%arg17 : memref<!tpu.dma_semaphore, #tpu.memory_space<semaphore_mem>>)
        } else {
        }
      }
      %scan3A_83 = arith.constant 200 : i32
    }
    %scan3A_58 = arith.constant 32 : i32
    %mul3A_59 = arith.constant 64 : i32
    %mul3A_60 = arith.muli %mul3A_46, %mul3A_59 : i32
    "tpu.region"() ({
      %run_scoped3A = tpu.sem_alloc : memref<!tpu.dma_semaphore, #tpu.memory_space<semaphore_mem>>
      %dma_start3A = arith.constant 0 : i32
      %dma_start3A_61 = tpu.memref_slice %arg14[%dma_start3A] : memref<67584xf32, #tpu.memory_space<vmem>> -> memref<67072xf32, #tpu.memory_space<vmem>>
      %dma_start3A_62 = tpu.memref_slice %arg6[%mul3A_60] : memref<6438912xf32, #tpu.memory_space<hbm>> -> memref<67072xf32, #tpu.memory_space<hbm>>
      %dma_start3A_63 = tpu.memref_slice %arg6[%mul3A_60] : memref<6438912xf32, #tpu.memory_space<hbm>> -> memref<67072xf32, #tpu.memory_space<hbm>>
      %dma_start3A_64 = arith.constant 0 : i32
      %dma_start3A_65 = tpu.memref_slice %arg14[%dma_start3A_64] : memref<67584xf32, #tpu.memory_space<vmem>> -> memref<67072xf32, #tpu.memory_space<vmem>>
      tpu.enqueue_dma source(%dma_start3A_65 : memref<67072xf32, #tpu.memory_space<vmem>>) target(%dma_start3A_63 : memref<67072xf32, #tpu.memory_space<hbm>>) target_semaphore(%run_scoped3A : memref<!tpu.dma_semaphore, #tpu.memory_space<semaphore_mem>>)
      %dma_wait3A = arith.constant 0 : i32
      %dma_wait3A_66 = tpu.memref_slice %arg14[%dma_wait3A] : memref<67584xf32, #tpu.memory_space<vmem>> -> memref<67072xf32, #tpu.memory_space<vmem>>
      %dma_wait3A_67 = tpu.memref_slice %arg6[%mul3A_60] : memref<6438912xf32, #tpu.memory_space<hbm>> -> memref<67072xf32, #tpu.memory_space<hbm>>
      %dma_wait3A_68 = tpu.memref_slice %arg6[%mul3A_60] : memref<6438912xf32, #tpu.memory_space<hbm>> -> memref<67072xf32, #tpu.memory_space<hbm>>
      %dma_wait3A_69 = arith.constant 0 : i32
      %dma_wait3A_70 = tpu.memref_slice %arg14[%dma_wait3A_69] : memref<67584xf32, #tpu.memory_space<vmem>> -> memref<67072xf32, #tpu.memory_space<vmem>>
      tpu.wait_dma2 semaphore(%run_scoped3A : memref<!tpu.dma_semaphore, #tpu.memory_space<semaphore_mem>>) src(%dma_wait3A_70 : memref<67072xf32, #tpu.memory_space<vmem>>) dst(%dma_wait3A_68 : memref<67072xf32, #tpu.memory_space<hbm>>)
      tpu.yield
    }) : () -> ()
    return
  }
}

#map = affine_map<(d0, d1) -> (0, 0)>
#map1 = affine_map<(d0, d1) -> (0, 0, 0)>
module attributes {stable_mosaic.version = 14 : i64} {
  func.func @_edge_gather(%arg0: i32, %arg1: i32, %arg2: memref<100000x128xf32, #tpu.memory_space<hbm>>, %arg3: memref<12544x2x128xi32, #tpu.memory_space<hbm>>, %arg4: memref<1605632x128xf32, #tpu.memory_space<hbm>>, %arg5: memref<1605632x128xf32, #tpu.memory_space<hbm>>, %arg6: memref<2x2x128xi32, #tpu.memory_space<vmem>>, %arg7: memref<128x128xf32, #tpu.memory_space<vmem>>, %arg8: memref<128x128xf32, #tpu.memory_space<vmem>>, %arg9: memref<128x128xf32, #tpu.memory_space<vmem>>, %arg10: memref<128x128xf32, #tpu.memory_space<vmem>>, %arg11: memref<!tpu.dma_semaphore, #tpu.memory_space<semaphore_mem>>, %arg12: memref<!tpu.dma_semaphore, #tpu.memory_space<semaphore_mem>>, %arg13: memref<!tpu.dma_semaphore, #tpu.memory_space<semaphore_mem>>, %arg14: memref<!tpu.dma_semaphore, #tpu.memory_space<semaphore_mem>>, %arg15: memref<!tpu.dma_semaphore, #tpu.memory_space<semaphore_mem>>, %arg16: memref<!tpu.dma_semaphore, #tpu.memory_space<semaphore_mem>>, %arg17: memref<!tpu.dma_semaphore, #tpu.memory_space<semaphore_mem>>, %arg18: memref<!tpu.dma_semaphore, #tpu.memory_space<semaphore_mem>>, %arg19: memref<!tpu.dma_semaphore, #tpu.memory_space<semaphore_mem>>, %arg20: memref<!tpu.dma_semaphore, #tpu.memory_space<semaphore_mem>>) attributes {dimension_semantics = [#tpu.dimension_semantics<core_parallel>, #tpu.dimension_semantics<subcore_parallel>], iteration_bounds = array<i64: 2, 16>, scalar_prefetch = 0 : i64, scratch_operands = 15 : i64, tpu.core_type = #tpu.core_type<sc_vector_subcore>, window_params = [{transform_indices = #map}, {transform_indices = #map1}, {transform_indices = #map}, {transform_indices = #map}]} {
    %mul3A = arith.constant 2 : i32
    %mul3A_0 = arith.muli %arg1, %mul3A : i32
    %add3A = arith.addi %mul3A_0, %arg0 : i32
    %mul3A_1 = arith.constant 392 : i32
    %mul3A_2 = arith.muli %add3A, %mul3A_1 : i32
    %dma_start3A = arith.constant 0 : i32
    %dma_start3A_3 = arith.constant 0 : i32
    %dma_start3A_4 = arith.constant 0 : i32
    %dma_start3A_5 = tpu.memref_slice %arg6[%dma_start3A, %dma_start3A_3, %dma_start3A_4] : memref<2x2x128xi32, #tpu.memory_space<vmem>> -> memref<1x2x128xi32, #tpu.memory_space<vmem>>
    %dma_start3A_6 = tpu.memref_squeeze %dma_start3A_5 : memref<1x2x128xi32, #tpu.memory_space<vmem>> -> memref<2x128xi32, #tpu.memory_space<vmem>>
    %dma_start3A_7 = arith.constant 0 : i32
    %dma_start3A_8 = arith.constant 0 : i32
    %dma_start3A_9 = tpu.memref_slice %arg3[%mul3A_2, %dma_start3A_7, %dma_start3A_8] : memref<12544x2x128xi32, #tpu.memory_space<hbm>> -> memref<1x2x128xi32, #tpu.memory_space<hbm>>
    %dma_start3A_10 = tpu.memref_squeeze %dma_start3A_9 : memref<1x2x128xi32, #tpu.memory_space<hbm>> -> memref<2x128xi32, #tpu.memory_space<hbm>>
    %dma_start3A_11 = arith.constant 0 : i32
    %dma_start3A_12 = arith.constant 0 : i32
    %dma_start3A_13 = tpu.memref_slice %arg6[%dma_start3A, %dma_start3A_11, %dma_start3A_12] : memref<2x2x128xi32, #tpu.memory_space<vmem>> -> memref<1x2x128xi32, #tpu.memory_space<vmem>>
    %dma_start3A_14 = tpu.memref_squeeze %dma_start3A_13 : memref<1x2x128xi32, #tpu.memory_space<vmem>> -> memref<2x128xi32, #tpu.memory_space<vmem>>
    %dma_start3A_15 = arith.constant 0 : i32
    %dma_start3A_16 = arith.constant 0 : i32
    %dma_start3A_17 = tpu.memref_slice %arg3[%mul3A_2, %dma_start3A_15, %dma_start3A_16] : memref<12544x2x128xi32, #tpu.memory_space<hbm>> -> memref<1x2x128xi32, #tpu.memory_space<hbm>>
    %dma_start3A_18 = tpu.memref_squeeze %dma_start3A_17 : memref<1x2x128xi32, #tpu.memory_space<hbm>> -> memref<2x128xi32, #tpu.memory_space<hbm>>
    tpu.enqueue_dma source(%dma_start3A_18 : memref<2x128xi32, #tpu.memory_space<hbm>>) target(%dma_start3A_14 : memref<2x128xi32, #tpu.memory_space<vmem>>) target_semaphore(%arg11 : memref<!tpu.dma_semaphore, #tpu.memory_space<semaphore_mem>>)
    %add3A_19 = arith.constant 1 : i32
    %add3A_20 = arith.addi %mul3A_2, %add3A_19 : i32
    %dma_start3A_21 = arith.constant 1 : i32
    %dma_start3A_22 = arith.constant 0 : i32
    %dma_start3A_23 = arith.constant 0 : i32
    %dma_start3A_24 = tpu.memref_slice %arg6[%dma_start3A_21, %dma_start3A_22, %dma_start3A_23] : memref<2x2x128xi32, #tpu.memory_space<vmem>> -> memref<1x2x128xi32, #tpu.memory_space<vmem>>
    %dma_start3A_25 = tpu.memref_squeeze %dma_start3A_24 : memref<1x2x128xi32, #tpu.memory_space<vmem>> -> memref<2x128xi32, #tpu.memory_space<vmem>>
    %dma_start3A_26 = arith.constant 0 : i32
    %dma_start3A_27 = arith.constant 0 : i32
    %dma_start3A_28 = tpu.memref_slice %arg3[%add3A_20, %dma_start3A_26, %dma_start3A_27] : memref<12544x2x128xi32, #tpu.memory_space<hbm>> -> memref<1x2x128xi32, #tpu.memory_space<hbm>>
    %dma_start3A_29 = tpu.memref_squeeze %dma_start3A_28 : memref<1x2x128xi32, #tpu.memory_space<hbm>> -> memref<2x128xi32, #tpu.memory_space<hbm>>
    %dma_start3A_30 = arith.constant 0 : i32
    %dma_start3A_31 = arith.constant 0 : i32
    %dma_start3A_32 = tpu.memref_slice %arg6[%dma_start3A_21, %dma_start3A_30, %dma_start3A_31] : memref<2x2x128xi32, #tpu.memory_space<vmem>> -> memref<1x2x128xi32, #tpu.memory_space<vmem>>
    %dma_start3A_33 = tpu.memref_squeeze %dma_start3A_32 : memref<1x2x128xi32, #tpu.memory_space<vmem>> -> memref<2x128xi32, #tpu.memory_space<vmem>>
    %dma_start3A_34 = arith.constant 0 : i32
    %dma_start3A_35 = arith.constant 0 : i32
    %dma_start3A_36 = tpu.memref_slice %arg3[%add3A_20, %dma_start3A_34, %dma_start3A_35] : memref<12544x2x128xi32, #tpu.memory_space<hbm>> -> memref<1x2x128xi32, #tpu.memory_space<hbm>>
    %dma_start3A_37 = tpu.memref_squeeze %dma_start3A_36 : memref<1x2x128xi32, #tpu.memory_space<hbm>> -> memref<2x128xi32, #tpu.memory_space<hbm>>
    tpu.enqueue_dma source(%dma_start3A_37 : memref<2x128xi32, #tpu.memory_space<hbm>>) target(%dma_start3A_33 : memref<2x128xi32, #tpu.memory_space<vmem>>) target_semaphore(%arg12 : memref<!tpu.dma_semaphore, #tpu.memory_space<semaphore_mem>>)
    %scan3A = arith.constant 0 : i32
    %scan3A_38 = arith.constant 0 : i32
    %scan3A_39 = arith.constant 196 : i32
    %scan3A_40 = arith.addi %scan3A_38, %scan3A_39 : i32
    %scan3A_41 = arith.constant 1 : i32
    scf.for %scan3A_66 = %scan3A_38 to %scan3A_40 step %scan3A_41  : i32 {
      %mul3A_67 = arith.constant 2 : i32
      %mul3A_68 = arith.muli %mul3A_67, %scan3A_66 : i32
      %add3A_69 = arith.constant 1 : i32
      %add3A_70 = arith.addi %mul3A_68, %add3A_69 : i32
      %add3A_71 = arith.addi %mul3A_2, %mul3A_68 : i32
      %dma_wait3A_72 = arith.constant 0 : i32
      %dma_wait3A_73 = arith.constant 0 : i32
      %dma_wait3A_74 = arith.constant 0 : i32
      %dma_wait3A_75 = tpu.memref_slice %arg6[%dma_wait3A_72, %dma_wait3A_73, %dma_wait3A_74] : memref<2x2x128xi32, #tpu.memory_space<vmem>> -> memref<1x2x128xi32, #tpu.memory_space<vmem>>
      %dma_wait3A_76 = tpu.memref_squeeze %dma_wait3A_75 : memref<1x2x128xi32, #tpu.memory_space<vmem>> -> memref<2x128xi32, #tpu.memory_space<vmem>>
      %dma_wait3A_77 = arith.constant 0 : i32
      %dma_wait3A_78 = arith.constant 0 : i32
      %dma_wait3A_79 = tpu.memref_slice %arg3[%add3A_71, %dma_wait3A_77, %dma_wait3A_78] : memref<12544x2x128xi32, #tpu.memory_space<hbm>> -> memref<1x2x128xi32, #tpu.memory_space<hbm>>
      %dma_wait3A_80 = tpu.memref_squeeze %dma_wait3A_79 : memref<1x2x128xi32, #tpu.memory_space<hbm>> -> memref<2x128xi32, #tpu.memory_space<hbm>>
      %dma_wait3A_81 = arith.constant 0 : i32
      %dma_wait3A_82 = arith.constant 0 : i32
      %dma_wait3A_83 = tpu.memref_slice %arg6[%dma_wait3A_72, %dma_wait3A_81, %dma_wait3A_82] : memref<2x2x128xi32, #tpu.memory_space<vmem>> -> memref<1x2x128xi32, #tpu.memory_space<vmem>>
      %dma_wait3A_84 = tpu.memref_squeeze %dma_wait3A_83 : memref<1x2x128xi32, #tpu.memory_space<vmem>> -> memref<2x128xi32, #tpu.memory_space<vmem>>
      %dma_wait3A_85 = arith.constant 0 : i32
      %dma_wait3A_86 = arith.constant 0 : i32
      %dma_wait3A_87 = tpu.memref_slice %arg3[%add3A_71, %dma_wait3A_85, %dma_wait3A_86] : memref<12544x2x128xi32, #tpu.memory_space<hbm>> -> memref<1x2x128xi32, #tpu.memory_space<hbm>>
      %dma_wait3A_88 = tpu.memref_squeeze %dma_wait3A_87 : memref<1x2x128xi32, #tpu.memory_space<hbm>> -> memref<2x128xi32, #tpu.memory_space<hbm>>
      tpu.wait_dma2 semaphore(%arg11 : memref<!tpu.dma_semaphore, #tpu.memory_space<semaphore_mem>>) src(%dma_wait3A_88 : memref<2x128xi32, #tpu.memory_space<hbm>>) dst(%dma_wait3A_84 : memref<2x128xi32, #tpu.memory_space<vmem>>)
      %gt3A = arith.constant 0 : i32
      %gt3A_89 = arith.cmpi sgt, %scan3A_66, %gt3A : i32
      %convert_element_type3A = arith.extui %gt3A_89 : i1 to i32
      %cond3A = arith.constant 0 : i32
      %cond3A_90 = arith.cmpi ne, %convert_element_type3A, %cond3A : i32
      scf.if %cond3A_90 {
        %dma_wait3A_203 = arith.constant 0 : i32
        %dma_wait3A_204 = arith.constant 0 : i32
        %dma_wait3A_205 = tpu.memref_slice %arg4[%dma_wait3A_203, %dma_wait3A_204] : memref<1605632x128xf32, #tpu.memory_space<hbm>> -> memref<128x128xf32, #tpu.memory_space<hbm>>
        %dma_wait3A_206 = arith.constant 0 : i32
        %dma_wait3A_207 = arith.constant 0 : i32
        %dma_wait3A_208 = tpu.memref_slice %arg4[%dma_wait3A_206, %dma_wait3A_207] : memref<1605632x128xf32, #tpu.memory_space<hbm>> -> memref<128x128xf32, #tpu.memory_space<hbm>>
        tpu.wait_dma2 semaphore(%arg17 : memref<!tpu.dma_semaphore, #tpu.memory_space<semaphore_mem>>) src(%arg7 : memref<128x128xf32, #tpu.memory_space<vmem>>) dst(%dma_wait3A_208 : memref<128x128xf32, #tpu.memory_space<hbm>>)
        %dma_wait3A_209 = arith.constant 0 : i32
        %dma_wait3A_210 = arith.constant 0 : i32
        %dma_wait3A_211 = tpu.memref_slice %arg5[%dma_wait3A_209, %dma_wait3A_210] : memref<1605632x128xf32, #tpu.memory_space<hbm>> -> memref<128x128xf32, #tpu.memory_space<hbm>>
        %dma_wait3A_212 = arith.constant 0 : i32
        %dma_wait3A_213 = arith.constant 0 : i32
        %dma_wait3A_214 = tpu.memref_slice %arg5[%dma_wait3A_212, %dma_wait3A_213] : memref<1605632x128xf32, #tpu.memory_space<hbm>> -> memref<128x128xf32, #tpu.memory_space<hbm>>
        tpu.wait_dma2 semaphore(%arg18 : memref<!tpu.dma_semaphore, #tpu.memory_space<semaphore_mem>>) src(%arg8 : memref<128x128xf32, #tpu.memory_space<vmem>>) dst(%dma_wait3A_214 : memref<128x128xf32, #tpu.memory_space<hbm>>)
      } else {
      }
      %dma_start3A_91 = arith.constant 0 : i32
      %dma_start3A_92 = arith.constant 0 : i32
      %dma_start3A_93 = arith.constant 0 : i32
      %dma_start3A_94 = tpu.memref_slice %arg6[%dma_start3A_91, %dma_start3A_92, %dma_start3A_93] : memref<2x2x128xi32, #tpu.memory_space<vmem>> -> memref<1x1x128xi32, #tpu.memory_space<vmem>>
      %dma_start3A_95 = tpu.memref_squeeze %dma_start3A_94 : memref<1x1x128xi32, #tpu.memory_space<vmem>> -> memref<128xi32, #tpu.memory_space<vmem>>
      %dma_start3A_96 = arith.constant 0 : i32
      %dma_start3A_97 = arith.constant 0 : i32
      %dma_start3A_98 = tpu.memref_slice %arg2[%dma_start3A_96, %dma_start3A_97] : memref<100000x128xf32, #tpu.memory_space<hbm>> -> memref<100000x128xf32, #tpu.memory_space<hbm>>
      tpu.enqueue_indirect_dma source(%dma_start3A_98 : memref<100000x128xf32, #tpu.memory_space<hbm>>) target(%arg7 : memref<128x128xf32, #tpu.memory_space<vmem>>) offsets(%dma_start3A_95 : memref<128xi32, #tpu.memory_space<vmem>>) semaphore(%arg13 : memref<!tpu.dma_semaphore, #tpu.memory_space<semaphore_mem>>)
      %dma_start3A_99 = arith.constant 0 : i32
      %dma_start3A_100 = arith.constant 1 : i32
      %dma_start3A_101 = arith.constant 0 : i32
      %dma_start3A_102 = tpu.memref_slice %arg6[%dma_start3A_99, %dma_start3A_100, %dma_start3A_101] : memref<2x2x128xi32, #tpu.memory_space<vmem>> -> memref<1x1x128xi32, #tpu.memory_space<vmem>>
      %dma_start3A_103 = tpu.memref_squeeze %dma_start3A_102 : memref<1x1x128xi32, #tpu.memory_space<vmem>> -> memref<128xi32, #tpu.memory_space<vmem>>
      %dma_start3A_104 = arith.constant 0 : i32
      %dma_start3A_105 = arith.constant 0 : i32
      %dma_start3A_106 = tpu.memref_slice %arg2[%dma_start3A_104, %dma_start3A_105] : memref<100000x128xf32, #tpu.memory_space<hbm>> -> memref<100000x128xf32, #tpu.memory_space<hbm>>
      tpu.enqueue_indirect_dma source(%dma_start3A_106 : memref<100000x128xf32, #tpu.memory_space<hbm>>) target(%arg8 : memref<128x128xf32, #tpu.memory_space<vmem>>) offsets(%dma_start3A_103 : memref<128xi32, #tpu.memory_space<vmem>>) semaphore(%arg14 : memref<!tpu.dma_semaphore, #tpu.memory_space<semaphore_mem>>)
      %add3A_107 = arith.addi %mul3A_2, %add3A_70 : i32
      %dma_wait3A_108 = arith.constant 1 : i32
      %dma_wait3A_109 = arith.constant 0 : i32
      %dma_wait3A_110 = arith.constant 0 : i32
      %dma_wait3A_111 = tpu.memref_slice %arg6[%dma_wait3A_108, %dma_wait3A_109, %dma_wait3A_110] : memref<2x2x128xi32, #tpu.memory_space<vmem>> -> memref<1x2x128xi32, #tpu.memory_space<vmem>>
      %dma_wait3A_112 = tpu.memref_squeeze %dma_wait3A_111 : memref<1x2x128xi32, #tpu.memory_space<vmem>> -> memref<2x128xi32, #tpu.memory_space<vmem>>
      %dma_wait3A_113 = arith.constant 0 : i32
      %dma_wait3A_114 = arith.constant 0 : i32
      %dma_wait3A_115 = tpu.memref_slice %arg3[%add3A_107, %dma_wait3A_113, %dma_wait3A_114] : memref<12544x2x128xi32, #tpu.memory_space<hbm>> -> memref<1x2x128xi32, #tpu.memory_space<hbm>>
      %dma_wait3A_116 = tpu.memref_squeeze %dma_wait3A_115 : memref<1x2x128xi32, #tpu.memory_space<hbm>> -> memref<2x128xi32, #tpu.memory_space<hbm>>
      %dma_wait3A_117 = arith.constant 0 : i32
      %dma_wait3A_118 = arith.constant 0 : i32
      %dma_wait3A_119 = tpu.memref_slice %arg6[%dma_wait3A_108, %dma_wait3A_117, %dma_wait3A_118] : memref<2x2x128xi32, #tpu.memory_space<vmem>> -> memref<1x2x128xi32, #tpu.memory_space<vmem>>
      %dma_wait3A_120 = tpu.memref_squeeze %dma_wait3A_119 : memref<1x2x128xi32, #tpu.memory_space<vmem>> -> memref<2x128xi32, #tpu.memory_space<vmem>>
      %dma_wait3A_121 = arith.constant 0 : i32
      %dma_wait3A_122 = arith.constant 0 : i32
      %dma_wait3A_123 = tpu.memref_slice %arg3[%add3A_107, %dma_wait3A_121, %dma_wait3A_122] : memref<12544x2x128xi32, #tpu.memory_space<hbm>> -> memref<1x2x128xi32, #tpu.memory_space<hbm>>
      %dma_wait3A_124 = tpu.memref_squeeze %dma_wait3A_123 : memref<1x2x128xi32, #tpu.memory_space<hbm>> -> memref<2x128xi32, #tpu.memory_space<hbm>>
      tpu.wait_dma2 semaphore(%arg12 : memref<!tpu.dma_semaphore, #tpu.memory_space<semaphore_mem>>) src(%dma_wait3A_124 : memref<2x128xi32, #tpu.memory_space<hbm>>) dst(%dma_wait3A_120 : memref<2x128xi32, #tpu.memory_space<vmem>>)
      %gt3A_125 = arith.constant 0 : i32
      %gt3A_126 = arith.cmpi sgt, %scan3A_66, %gt3A_125 : i32
      %convert_element_type3A_127 = arith.extui %gt3A_126 : i1 to i32
      %cond3A_128 = arith.constant 0 : i32
      %cond3A_129 = arith.cmpi ne, %convert_element_type3A_127, %cond3A_128 : i32
      scf.if %cond3A_129 {
        %dma_wait3A_203 = arith.constant 0 : i32
        %dma_wait3A_204 = arith.constant 0 : i32
        %dma_wait3A_205 = tpu.memref_slice %arg4[%dma_wait3A_203, %dma_wait3A_204] : memref<1605632x128xf32, #tpu.memory_space<hbm>> -> memref<128x128xf32, #tpu.memory_space<hbm>>
        %dma_wait3A_206 = arith.constant 0 : i32
        %dma_wait3A_207 = arith.constant 0 : i32
        %dma_wait3A_208 = tpu.memref_slice %arg4[%dma_wait3A_206, %dma_wait3A_207] : memref<1605632x128xf32, #tpu.memory_space<hbm>> -> memref<128x128xf32, #tpu.memory_space<hbm>>
        tpu.wait_dma2 semaphore(%arg19 : memref<!tpu.dma_semaphore, #tpu.memory_space<semaphore_mem>>) src(%arg9 : memref<128x128xf32, #tpu.memory_space<vmem>>) dst(%dma_wait3A_208 : memref<128x128xf32, #tpu.memory_space<hbm>>)
        %dma_wait3A_209 = arith.constant 0 : i32
        %dma_wait3A_210 = arith.constant 0 : i32
        %dma_wait3A_211 = tpu.memref_slice %arg5[%dma_wait3A_209, %dma_wait3A_210] : memref<1605632x128xf32, #tpu.memory_space<hbm>> -> memref<128x128xf32, #tpu.memory_space<hbm>>
        %dma_wait3A_212 = arith.constant 0 : i32
        %dma_wait3A_213 = arith.constant 0 : i32
        %dma_wait3A_214 = tpu.memref_slice %arg5[%dma_wait3A_212, %dma_wait3A_213] : memref<1605632x128xf32, #tpu.memory_space<hbm>> -> memref<128x128xf32, #tpu.memory_space<hbm>>
        tpu.wait_dma2 semaphore(%arg20 : memref<!tpu.dma_semaphore, #tpu.memory_space<semaphore_mem>>) src(%arg10 : memref<128x128xf32, #tpu.memory_space<vmem>>) dst(%dma_wait3A_214 : memref<128x128xf32, #tpu.memory_space<hbm>>)
      } else {
      }
      %dma_start3A_130 = arith.constant 1 : i32
      %dma_start3A_131 = arith.constant 0 : i32
      %dma_start3A_132 = arith.constant 0 : i32
      %dma_start3A_133 = tpu.memref_slice %arg6[%dma_start3A_130, %dma_start3A_131, %dma_start3A_132] : memref<2x2x128xi32, #tpu.memory_space<vmem>> -> memref<1x1x128xi32, #tpu.memory_space<vmem>>
      %dma_start3A_134 = tpu.memref_squeeze %dma_start3A_133 : memref<1x1x128xi32, #tpu.memory_space<vmem>> -> memref<128xi32, #tpu.memory_space<vmem>>
      %dma_start3A_135 = arith.constant 0 : i32
      %dma_start3A_136 = arith.constant 0 : i32
      %dma_start3A_137 = tpu.memref_slice %arg2[%dma_start3A_135, %dma_start3A_136] : memref<100000x128xf32, #tpu.memory_space<hbm>> -> memref<100000x128xf32, #tpu.memory_space<hbm>>
      tpu.enqueue_indirect_dma source(%dma_start3A_137 : memref<100000x128xf32, #tpu.memory_space<hbm>>) target(%arg9 : memref<128x128xf32, #tpu.memory_space<vmem>>) offsets(%dma_start3A_134 : memref<128xi32, #tpu.memory_space<vmem>>) semaphore(%arg15 : memref<!tpu.dma_semaphore, #tpu.memory_space<semaphore_mem>>)
      %dma_start3A_138 = arith.constant 1 : i32
      %dma_start3A_139 = arith.constant 1 : i32
      %dma_start3A_140 = arith.constant 0 : i32
      %dma_start3A_141 = tpu.memref_slice %arg6[%dma_start3A_138, %dma_start3A_139, %dma_start3A_140] : memref<2x2x128xi32, #tpu.memory_space<vmem>> -> memref<1x1x128xi32, #tpu.memory_space<vmem>>
      %dma_start3A_142 = tpu.memref_squeeze %dma_start3A_141 : memref<1x1x128xi32, #tpu.memory_space<vmem>> -> memref<128xi32, #tpu.memory_space<vmem>>
      %dma_start3A_143 = arith.constant 0 : i32
      %dma_start3A_144 = arith.constant 0 : i32
      %dma_start3A_145 = tpu.memref_slice %arg2[%dma_start3A_143, %dma_start3A_144] : memref<100000x128xf32, #tpu.memory_space<hbm>> -> memref<100000x128xf32, #tpu.memory_space<hbm>>
      tpu.enqueue_indirect_dma source(%dma_start3A_145 : memref<100000x128xf32, #tpu.memory_space<hbm>>) target(%arg10 : memref<128x128xf32, #tpu.memory_space<vmem>>) offsets(%dma_start3A_142 : memref<128xi32, #tpu.memory_space<vmem>>) semaphore(%arg16 : memref<!tpu.dma_semaphore, #tpu.memory_space<semaphore_mem>>)
      %add3A_146 = arith.constant 1 : i32
      %add3A_147 = arith.addi %mul3A_68, %add3A_146 : i32
      %add3A_148 = arith.addi %mul3A_2, %mul3A_68 : i32
      %mul3A_149 = arith.constant 128 : i32
      %mul3A_150 = arith.muli %add3A_148, %mul3A_149 : i32
      %dma_wait3A_151 = arith.constant 0 : i32
      %dma_wait3A_152 = arith.constant 0 : i32
      %dma_wait3A_153 = tpu.memref_slice %arg2[%dma_wait3A_151, %dma_wait3A_152] : memref<100000x128xf32, #tpu.memory_space<hbm>> -> memref<128x128xf32, #tpu.memory_space<hbm>>
      %dma_wait3A_154 = arith.constant 0 : i32
      %dma_wait3A_155 = arith.constant 0 : i32
      %dma_wait3A_156 = tpu.memref_slice %arg2[%dma_wait3A_154, %dma_wait3A_155] : memref<100000x128xf32, #tpu.memory_space<hbm>> -> memref<128x128xf32, #tpu.memory_space<hbm>>
      tpu.wait_dma2 semaphore(%arg13 : memref<!tpu.dma_semaphore, #tpu.memory_space<semaphore_mem>>) src(%dma_wait3A_156 : memref<128x128xf32, #tpu.memory_space<hbm>>) dst(%arg7 : memref<128x128xf32, #tpu.memory_space<vmem>>)
      %dma_wait3A_157 = arith.constant 0 : i32
      %dma_wait3A_158 = arith.constant 0 : i32
      %dma_wait3A_159 = tpu.memref_slice %arg2[%dma_wait3A_157, %dma_wait3A_158] : memref<100000x128xf32, #tpu.memory_space<hbm>> -> memref<128x128xf32, #tpu.memory_space<hbm>>
      %dma_wait3A_160 = arith.constant 0 : i32
      %dma_wait3A_161 = arith.constant 0 : i32
      %dma_wait3A_162 = tpu.memref_slice %arg2[%dma_wait3A_160, %dma_wait3A_161] : memref<100000x128xf32, #tpu.memory_space<hbm>> -> memref<128x128xf32, #tpu.memory_space<hbm>>
      tpu.wait_dma2 semaphore(%arg14 : memref<!tpu.dma_semaphore, #tpu.memory_space<semaphore_mem>>) src(%dma_wait3A_162 : memref<128x128xf32, #tpu.memory_space<hbm>>) dst(%arg8 : memref<128x128xf32, #tpu.memory_space<vmem>>)
      %dma_start3A_163 = arith.constant 0 : i32
      %dma_start3A_164 = tpu.memref_slice %arg4[%mul3A_150, %dma_start3A_163] : memref<1605632x128xf32, #tpu.memory_space<hbm>> -> memref<128x128xf32, #tpu.memory_space<hbm>>
      %dma_start3A_165 = arith.constant 0 : i32
      %dma_start3A_166 = tpu.memref_slice %arg4[%mul3A_150, %dma_start3A_165] : memref<1605632x128xf32, #tpu.memory_space<hbm>> -> memref<128x128xf32, #tpu.memory_space<hbm>>
      tpu.enqueue_dma source(%arg7 : memref<128x128xf32, #tpu.memory_space<vmem>>) target(%dma_start3A_166 : memref<128x128xf32, #tpu.memory_space<hbm>>) target_semaphore(%arg17 : memref<!tpu.dma_semaphore, #tpu.memory_space<semaphore_mem>>)
      %dma_start3A_167 = arith.constant 0 : i32
      %dma_start3A_168 = tpu.memref_slice %arg5[%mul3A_150, %dma_start3A_167] : memref<1605632x128xf32, #tpu.memory_space<hbm>> -> memref<128x128xf32, #tpu.memory_space<hbm>>
      %dma_start3A_169 = arith.constant 0 : i32
      %dma_start3A_170 = tpu.memref_slice %arg5[%mul3A_150, %dma_start3A_169] : memref<1605632x128xf32, #tpu.memory_space<hbm>> -> memref<128x128xf32, #tpu.memory_space<hbm>>
      tpu.enqueue_dma source(%arg8 : memref<128x128xf32, #tpu.memory_space<vmem>>) target(%dma_start3A_170 : memref<128x128xf32, #tpu.memory_space<hbm>>) target_semaphore(%arg18 : memref<!tpu.dma_semaphore, #tpu.memory_space<semaphore_mem>>)
      %lt3A = arith.constant 195 : i32
      %lt3A_171 = arith.cmpi slt, %scan3A_66, %lt3A : i32
      %convert_element_type3A_172 = arith.extui %lt3A_171 : i1 to i32
      %cond3A_173 = arith.constant 0 : i32
      %cond3A_174 = arith.cmpi ne, %convert_element_type3A_172, %cond3A_173 : i32
      scf.if %cond3A_174 {
        %add3A_203 = arith.addi %mul3A_2, %mul3A_68 : i32
        %add3A_204 = arith.constant 2 : i32
        %add3A_205 = arith.addi %add3A_203, %add3A_204 : i32
        %dma_start3A_206 = arith.constant 0 : i32
        %dma_start3A_207 = arith.constant 0 : i32
        %dma_start3A_208 = arith.constant 0 : i32
        %dma_start3A_209 = tpu.memref_slice %arg6[%dma_start3A_206, %dma_start3A_207, %dma_start3A_208] : memref<2x2x128xi32, #tpu.memory_space<vmem>> -> memref<1x2x128xi32, #tpu.memory_space<vmem>>
        %dma_start3A_210 = tpu.memref_squeeze %dma_start3A_209 : memref<1x2x128xi32, #tpu.memory_space<vmem>> -> memref<2x128xi32, #tpu.memory_space<vmem>>
        %dma_start3A_211 = arith.constant 0 : i32
        %dma_start3A_212 = arith.constant 0 : i32
        %dma_start3A_213 = tpu.memref_slice %arg3[%add3A_205, %dma_start3A_211, %dma_start3A_212] : memref<12544x2x128xi32, #tpu.memory_space<hbm>> -> memref<1x2x128xi32, #tpu.memory_space<hbm>>
        %dma_start3A_214 = tpu.memref_squeeze %dma_start3A_213 : memref<1x2x128xi32, #tpu.memory_space<hbm>> -> memref<2x128xi32, #tpu.memory_space<hbm>>
        %dma_start3A_215 = arith.constant 0 : i32
        %dma_start3A_216 = arith.constant 0 : i32
        %dma_start3A_217 = tpu.memref_slice %arg6[%dma_start3A_206, %dma_start3A_215, %dma_start3A_216] : memref<2x2x128xi32, #tpu.memory_space<vmem>> -> memref<1x2x128xi32, #tpu.memory_space<vmem>>
        %dma_start3A_218 = tpu.memref_squeeze %dma_start3A_217 : memref<1x2x128xi32, #tpu.memory_space<vmem>> -> memref<2x128xi32, #tpu.memory_space<vmem>>
        %dma_start3A_219 = arith.constant 0 : i32
        %dma_start3A_220 = arith.constant 0 : i32
        %dma_start3A_221 = tpu.memref_slice %arg3[%add3A_205, %dma_start3A_219, %dma_start3A_220] : memref<12544x2x128xi32, #tpu.memory_space<hbm>> -> memref<1x2x128xi32, #tpu.memory_space<hbm>>
        %dma_start3A_222 = tpu.memref_squeeze %dma_start3A_221 : memref<1x2x128xi32, #tpu.memory_space<hbm>> -> memref<2x128xi32, #tpu.memory_space<hbm>>
        tpu.enqueue_dma source(%dma_start3A_222 : memref<2x128xi32, #tpu.memory_space<hbm>>) target(%dma_start3A_218 : memref<2x128xi32, #tpu.memory_space<vmem>>) target_semaphore(%arg11 : memref<!tpu.dma_semaphore, #tpu.memory_space<semaphore_mem>>)
      } else {
      }
      %add3A_175 = arith.addi %mul3A_2, %add3A_147 : i32
      %mul3A_176 = arith.constant 128 : i32
      %mul3A_177 = arith.muli %add3A_175, %mul3A_176 : i32
      %dma_wait3A_178 = arith.constant 0 : i32
      %dma_wait3A_179 = arith.constant 0 : i32
      %dma_wait3A_180 = tpu.memref_slice %arg2[%dma_wait3A_178, %dma_wait3A_179] : memref<100000x128xf32, #tpu.memory_space<hbm>> -> memref<128x128xf32, #tpu.memory_space<hbm>>
      %dma_wait3A_181 = arith.constant 0 : i32
      %dma_wait3A_182 = arith.constant 0 : i32
      %dma_wait3A_183 = tpu.memref_slice %arg2[%dma_wait3A_181, %dma_wait3A_182] : memref<100000x128xf32, #tpu.memory_space<hbm>> -> memref<128x128xf32, #tpu.memory_space<hbm>>
      tpu.wait_dma2 semaphore(%arg15 : memref<!tpu.dma_semaphore, #tpu.memory_space<semaphore_mem>>) src(%dma_wait3A_183 : memref<128x128xf32, #tpu.memory_space<hbm>>) dst(%arg9 : memref<128x128xf32, #tpu.memory_space<vmem>>)
      %dma_wait3A_184 = arith.constant 0 : i32
      %dma_wait3A_185 = arith.constant 0 : i32
      %dma_wait3A_186 = tpu.memref_slice %arg2[%dma_wait3A_184, %dma_wait3A_185] : memref<100000x128xf32, #tpu.memory_space<hbm>> -> memref<128x128xf32, #tpu.memory_space<hbm>>
      %dma_wait3A_187 = arith.constant 0 : i32
      %dma_wait3A_188 = arith.constant 0 : i32
      %dma_wait3A_189 = tpu.memref_slice %arg2[%dma_wait3A_187, %dma_wait3A_188] : memref<100000x128xf32, #tpu.memory_space<hbm>> -> memref<128x128xf32, #tpu.memory_space<hbm>>
      tpu.wait_dma2 semaphore(%arg16 : memref<!tpu.dma_semaphore, #tpu.memory_space<semaphore_mem>>) src(%dma_wait3A_189 : memref<128x128xf32, #tpu.memory_space<hbm>>) dst(%arg10 : memref<128x128xf32, #tpu.memory_space<vmem>>)
      %dma_start3A_190 = arith.constant 0 : i32
      %dma_start3A_191 = tpu.memref_slice %arg4[%mul3A_177, %dma_start3A_190] : memref<1605632x128xf32, #tpu.memory_space<hbm>> -> memref<128x128xf32, #tpu.memory_space<hbm>>
      %dma_start3A_192 = arith.constant 0 : i32
      %dma_start3A_193 = tpu.memref_slice %arg4[%mul3A_177, %dma_start3A_192] : memref<1605632x128xf32, #tpu.memory_space<hbm>> -> memref<128x128xf32, #tpu.memory_space<hbm>>
      tpu.enqueue_dma source(%arg9 : memref<128x128xf32, #tpu.memory_space<vmem>>) target(%dma_start3A_193 : memref<128x128xf32, #tpu.memory_space<hbm>>) target_semaphore(%arg19 : memref<!tpu.dma_semaphore, #tpu.memory_space<semaphore_mem>>)
      %dma_start3A_194 = arith.constant 0 : i32
      %dma_start3A_195 = tpu.memref_slice %arg5[%mul3A_177, %dma_start3A_194] : memref<1605632x128xf32, #tpu.memory_space<hbm>> -> memref<128x128xf32, #tpu.memory_space<hbm>>
      %dma_start3A_196 = arith.constant 0 : i32
      %dma_start3A_197 = tpu.memref_slice %arg5[%mul3A_177, %dma_start3A_196] : memref<1605632x128xf32, #tpu.memory_space<hbm>> -> memref<128x128xf32, #tpu.memory_space<hbm>>
      tpu.enqueue_dma source(%arg10 : memref<128x128xf32, #tpu.memory_space<vmem>>) target(%dma_start3A_197 : memref<128x128xf32, #tpu.memory_space<hbm>>) target_semaphore(%arg20 : memref<!tpu.dma_semaphore, #tpu.memory_space<semaphore_mem>>)
      %lt3A_198 = arith.constant 195 : i32
      %lt3A_199 = arith.cmpi slt, %scan3A_66, %lt3A_198 : i32
      %convert_element_type3A_200 = arith.extui %lt3A_199 : i1 to i32
      %cond3A_201 = arith.constant 0 : i32
      %cond3A_202 = arith.cmpi ne, %convert_element_type3A_200, %cond3A_201 : i32
      scf.if %cond3A_202 {
        %add3A_203 = arith.addi %mul3A_2, %add3A_147 : i32
        %add3A_204 = arith.constant 2 : i32
        %add3A_205 = arith.addi %add3A_203, %add3A_204 : i32
        %dma_start3A_206 = arith.constant 1 : i32
        %dma_start3A_207 = arith.constant 0 : i32
        %dma_start3A_208 = arith.constant 0 : i32
        %dma_start3A_209 = tpu.memref_slice %arg6[%dma_start3A_206, %dma_start3A_207, %dma_start3A_208] : memref<2x2x128xi32, #tpu.memory_space<vmem>> -> memref<1x2x128xi32, #tpu.memory_space<vmem>>
        %dma_start3A_210 = tpu.memref_squeeze %dma_start3A_209 : memref<1x2x128xi32, #tpu.memory_space<vmem>> -> memref<2x128xi32, #tpu.memory_space<vmem>>
        %dma_start3A_211 = arith.constant 0 : i32
        %dma_start3A_212 = arith.constant 0 : i32
        %dma_start3A_213 = tpu.memref_slice %arg3[%add3A_205, %dma_start3A_211, %dma_start3A_212] : memref<12544x2x128xi32, #tpu.memory_space<hbm>> -> memref<1x2x128xi32, #tpu.memory_space<hbm>>
        %dma_start3A_214 = tpu.memref_squeeze %dma_start3A_213 : memref<1x2x128xi32, #tpu.memory_space<hbm>> -> memref<2x128xi32, #tpu.memory_space<hbm>>
        %dma_start3A_215 = arith.constant 0 : i32
        %dma_start3A_216 = arith.constant 0 : i32
        %dma_start3A_217 = tpu.memref_slice %arg6[%dma_start3A_206, %dma_start3A_215, %dma_start3A_216] : memref<2x2x128xi32, #tpu.memory_space<vmem>> -> memref<1x2x128xi32, #tpu.memory_space<vmem>>
        %dma_start3A_218 = tpu.memref_squeeze %dma_start3A_217 : memref<1x2x128xi32, #tpu.memory_space<vmem>> -> memref<2x128xi32, #tpu.memory_space<vmem>>
        %dma_start3A_219 = arith.constant 0 : i32
        %dma_start3A_220 = arith.constant 0 : i32
        %dma_start3A_221 = tpu.memref_slice %arg3[%add3A_205, %dma_start3A_219, %dma_start3A_220] : memref<12544x2x128xi32, #tpu.memory_space<hbm>> -> memref<1x2x128xi32, #tpu.memory_space<hbm>>
        %dma_start3A_222 = tpu.memref_squeeze %dma_start3A_221 : memref<1x2x128xi32, #tpu.memory_space<hbm>> -> memref<2x128xi32, #tpu.memory_space<hbm>>
        tpu.enqueue_dma source(%dma_start3A_222 : memref<2x128xi32, #tpu.memory_space<hbm>>) target(%dma_start3A_218 : memref<2x128xi32, #tpu.memory_space<vmem>>) target_semaphore(%arg12 : memref<!tpu.dma_semaphore, #tpu.memory_space<semaphore_mem>>)
      } else {
      }
    }
    %scan3A_42 = arith.constant 196 : i32
    %dma_wait3A = arith.constant 0 : i32
    %dma_wait3A_43 = arith.constant 0 : i32
    %dma_wait3A_44 = tpu.memref_slice %arg4[%dma_wait3A, %dma_wait3A_43] : memref<1605632x128xf32, #tpu.memory_space<hbm>> -> memref<128x128xf32, #tpu.memory_space<hbm>>
    %dma_wait3A_45 = arith.constant 0 : i32
    %dma_wait3A_46 = arith.constant 0 : i32
    %dma_wait3A_47 = tpu.memref_slice %arg4[%dma_wait3A_45, %dma_wait3A_46] : memref<1605632x128xf32, #tpu.memory_space<hbm>> -> memref<128x128xf32, #tpu.memory_space<hbm>>
    tpu.wait_dma2 semaphore(%arg17 : memref<!tpu.dma_semaphore, #tpu.memory_space<semaphore_mem>>) src(%arg7 : memref<128x128xf32, #tpu.memory_space<vmem>>) dst(%dma_wait3A_47 : memref<128x128xf32, #tpu.memory_space<hbm>>)
    %dma_wait3A_48 = arith.constant 0 : i32
    %dma_wait3A_49 = arith.constant 0 : i32
    %dma_wait3A_50 = tpu.memref_slice %arg5[%dma_wait3A_48, %dma_wait3A_49] : memref<1605632x128xf32, #tpu.memory_space<hbm>> -> memref<128x128xf32, #tpu.memory_space<hbm>>
    %dma_wait3A_51 = arith.constant 0 : i32
    %dma_wait3A_52 = arith.constant 0 : i32
    %dma_wait3A_53 = tpu.memref_slice %arg5[%dma_wait3A_51, %dma_wait3A_52] : memref<1605632x128xf32, #tpu.memory_space<hbm>> -> memref<128x128xf32, #tpu.memory_space<hbm>>
    tpu.wait_dma2 semaphore(%arg18 : memref<!tpu.dma_semaphore, #tpu.memory_space<semaphore_mem>>) src(%arg8 : memref<128x128xf32, #tpu.memory_space<vmem>>) dst(%dma_wait3A_53 : memref<128x128xf32, #tpu.memory_space<hbm>>)
    %dma_wait3A_54 = arith.constant 0 : i32
    %dma_wait3A_55 = arith.constant 0 : i32
    %dma_wait3A_56 = tpu.memref_slice %arg4[%dma_wait3A_54, %dma_wait3A_55] : memref<1605632x128xf32, #tpu.memory_space<hbm>> -> memref<128x128xf32, #tpu.memory_space<hbm>>
    %dma_wait3A_57 = arith.constant 0 : i32
    %dma_wait3A_58 = arith.constant 0 : i32
    %dma_wait3A_59 = tpu.memref_slice %arg4[%dma_wait3A_57, %dma_wait3A_58] : memref<1605632x128xf32, #tpu.memory_space<hbm>> -> memref<128x128xf32, #tpu.memory_space<hbm>>
    tpu.wait_dma2 semaphore(%arg19 : memref<!tpu.dma_semaphore, #tpu.memory_space<semaphore_mem>>) src(%arg9 : memref<128x128xf32, #tpu.memory_space<vmem>>) dst(%dma_wait3A_59 : memref<128x128xf32, #tpu.memory_space<hbm>>)
    %dma_wait3A_60 = arith.constant 0 : i32
    %dma_wait3A_61 = arith.constant 0 : i32
    %dma_wait3A_62 = tpu.memref_slice %arg5[%dma_wait3A_60, %dma_wait3A_61] : memref<1605632x128xf32, #tpu.memory_space<hbm>> -> memref<128x128xf32, #tpu.memory_space<hbm>>
    %dma_wait3A_63 = arith.constant 0 : i32
    %dma_wait3A_64 = arith.constant 0 : i32
    %dma_wait3A_65 = tpu.memref_slice %arg5[%dma_wait3A_63, %dma_wait3A_64] : memref<1605632x128xf32, #tpu.memory_space<hbm>> -> memref<128x128xf32, #tpu.memory_space<hbm>>
    tpu.wait_dma2 semaphore(%arg20 : memref<!tpu.dma_semaphore, #tpu.memory_space<semaphore_mem>>) src(%arg10 : memref<128x128xf32, #tpu.memory_space<vmem>>) dst(%dma_wait3A_65 : memref<128x128xf32, #tpu.memory_space<hbm>>)
    return
  }
}

#map = affine_map<(d0, d1) -> (0)>
module attributes {stable_mosaic.version = 14 : i64} {
  func.func @_bucket_sort(%arg0: i32, %arg1: i32, %arg2: memref<1605632xi32, #tpu.memory_space<hbm>>, %arg3: memref<1634304xi32, #tpu.memory_space<hbm>>, %arg4: memref<1634304xi32, #tpu.memory_space<hbm>>, %arg5: memref<3328xi32, #tpu.memory_space<hbm>>, %arg6: memref<6272xi32, #tpu.memory_space<vmem>>, %arg7: memref<51072xi32, #tpu.memory_space<vmem>>, %arg8: memref<51072xi32, #tpu.memory_space<vmem>>, %arg9: memref<1664xi32, #tpu.memory_space<vmem>>, %arg10: memref<104xi32, #tpu.memory_space<vmem>>) attributes {dimension_semantics = [#tpu.dimension_semantics<core_parallel>, #tpu.dimension_semantics<subcore_parallel>], iteration_bounds = array<i64: 2, 16>, scalar_prefetch = 0 : i64, scratch_operands = 5 : i64, tpu.core_type = #tpu.core_type<sc_vector_subcore>, window_params = [{transform_indices = #map}, {transform_indices = #map}, {transform_indices = #map}, {transform_indices = #map}]} {
    %mul3A = arith.constant 2 : i32
    %mul3A_0 = arith.muli %arg1, %mul3A : i32
    %add3A = arith.addi %mul3A_0, %arg0 : i32
    %mul3A_1 = arith.constant 50176 : i32
    %mul3A_2 = arith.muli %add3A, %mul3A_1 : i32
    %broadcast_in_dim3A = arith.constant 0 : i32
    %broadcast_in_dim3A_3 = vector.broadcast %broadcast_in_dim3A : i32 to vector<16xi32>
    %iota3A = tpu.iota {dimensions = array<i32: 0>} : vector<16xi32>
    %scan3A = arith.constant 0 : i32
    %scan3A_4 = arith.constant 0 : i32
    %scan3A_5 = arith.constant 104 : i32
    %scan3A_6 = arith.addi %scan3A_4, %scan3A_5 : i32
    %scan3A_7 = arith.constant 1 : i32
    scf.for %scan3A_46 = %scan3A_4 to %scan3A_6 step %scan3A_7  : i32 {
      %mul3A_47 = arith.constant 16 : i32
      %mul3A_48 = arith.muli %scan3A_46, %mul3A_47 : i32
      %swap3A = arith.index_cast %mul3A_48 : i32 to index
      %swap3A_49 = tpu.vector_load %arg9[%swap3A] {strides = array<i32>} : memref<1664xi32, #tpu.memory_space<vmem>>, vector<16xi32>,
      %swap3A_50 = vector.shape_cast %swap3A_49 : vector<16xi32> to vector<16xi32>
      %swap3A_51 = vector.shape_cast %broadcast_in_dim3A_3 : vector<16xi32> to vector<16xi32>
      tpu.vector_store %arg9[%swap3A], %swap3A_51 {strides = array<i32>} : memref<1664xi32, #tpu.memory_space<vmem>>, vector<16xi32>,
    }
    %scan3A_8 = arith.constant 104 : i32
    %scan3A_9 = arith.constant 0 : i32
    %scan3A_10 = arith.constant 0 : i32
    %scan3A_11 = arith.constant 8 : i32
    %scan3A_12 = arith.addi %scan3A_10, %scan3A_11 : i32
    %scan3A_13 = arith.constant 1 : i32
    scf.for %scan3A_46 = %scan3A_10 to %scan3A_12 step %scan3A_13  : i32 {
      %mul3A_47 = arith.constant 6272 : i32
      %mul3A_48 = arith.muli %scan3A_46, %mul3A_47 : i32
      %add3A_49 = arith.addi %mul3A_2, %mul3A_48 : i32
      "tpu.region"() ({
        %run_scoped3A = tpu.sem_alloc : memref<!tpu.dma_semaphore, #tpu.memory_space<semaphore_mem>>
        %dma_start3A = tpu.memref_slice %arg2[%add3A_49] : memref<1605632xi32, #tpu.memory_space<hbm>> -> memref<6272xi32, #tpu.memory_space<hbm>>
        %dma_start3A_56 = tpu.memref_slice %arg2[%add3A_49] : memref<1605632xi32, #tpu.memory_space<hbm>> -> memref<6272xi32, #tpu.memory_space<hbm>>
        tpu.enqueue_dma source(%dma_start3A_56 : memref<6272xi32, #tpu.memory_space<hbm>>) target(%arg6 : memref<6272xi32, #tpu.memory_space<vmem>>) target_semaphore(%run_scoped3A : memref<!tpu.dma_semaphore, #tpu.memory_space<semaphore_mem>>)
        %dma_wait3A = tpu.memref_slice %arg2[%add3A_49] : memref<1605632xi32, #tpu.memory_space<hbm>> -> memref<6272xi32, #tpu.memory_space<hbm>>
        %dma_wait3A_57 = tpu.memref_slice %arg2[%add3A_49] : memref<1605632xi32, #tpu.memory_space<hbm>> -> memref<6272xi32, #tpu.memory_space<hbm>>
        tpu.wait_dma2 semaphore(%run_scoped3A : memref<!tpu.dma_semaphore, #tpu.memory_space<semaphore_mem>>) src(%dma_wait3A_57 : memref<6272xi32, #tpu.memory_space<hbm>>) dst(%arg6 : memref<6272xi32, #tpu.memory_space<vmem>>)
        tpu.yield
      }) : () -> ()
      %scan3A_50 = arith.constant 0 : i32
      %scan3A_51 = arith.constant 0 : i32
      %scan3A_52 = arith.constant 392 : i32
      %scan3A_53 = arith.addi %scan3A_51, %scan3A_52 : i32
      %scan3A_54 = arith.constant 1 : i32
      scf.for %scan3A_56 = %scan3A_51 to %scan3A_53 step %scan3A_54  : i32 {
        %mul3A_57 = arith.constant 16 : i32
        %mul3A_58 = arith.muli %scan3A_56, %mul3A_57 : i32
        %get3A = arith.index_cast %mul3A_58 : i32 to index
        %get3A_59 = tpu.vector_load %arg6[%get3A] {strides = array<i32>} : memref<6272xi32, #tpu.memory_space<vmem>>, vector<16xi32>,
        %get3A_60 = vector.shape_cast %get3A_59 : vector<16xi32> to vector<16xi32>
        %min3A = arith.constant 100000 : i32
        %min3A_61 = vector.broadcast %min3A : i32 to vector<16xi32>
        %min3A_62 = arith.minsi %get3A_60, %min3A_61 : vector<16xi32>
        %shift_right_arithmetic3A = arith.constant 3 : i32
        %shift_right_arithmetic3A_63 = vector.broadcast %shift_right_arithmetic3A : i32 to vector<16xi32>
        %shift_right_arithmetic3A_64 = arith.shrsi %min3A_62, %shift_right_arithmetic3A_63 : vector<16xi32>
        %mul3A_65 = arith.constant 128071 : i32
        %mul3A_66 = vector.broadcast %mul3A_65 : i32 to vector<16xi32>
        %mul3A_67 = arith.muli %shift_right_arithmetic3A_64, %mul3A_66 : vector<16xi32>
        %shift_right_arithmetic3A_68 = arith.constant 24 : i32
        %shift_right_arithmetic3A_69 = vector.broadcast %shift_right_arithmetic3A_68 : i32 to vector<16xi32>
        %shift_right_arithmetic3A_70 = arith.shrsi %mul3A_67, %shift_right_arithmetic3A_69 : vector<16xi32>
        %slice3A = vector.extract_strided_slice %shift_right_arithmetic3A_70 {offsets = [0], sizes = [1], strides = [1]} : vector<16xi32> to vector<1xi32>
        %squeeze3A = vector.extract %slice3A[0] : i32 from vector<1xi32>
        %mul3A_71 = arith.constant 16 : i32
        %mul3A_72 = arith.muli %squeeze3A, %mul3A_71 : i32
        %get3A_73 = arith.index_cast %mul3A_72 : i32 to index
        %get3A_74 = tpu.vector_load %arg9[%get3A_73] {strides = array<i32>} : memref<1664xi32, #tpu.memory_space<vmem>>, vector<16xi32>,
        %get3A_75 = vector.shape_cast %get3A_74 : vector<16xi32> to vector<16xi32>
        %slice3A_76 = vector.extract_strided_slice %get3A_75 {offsets = [0], sizes = [1], strides = [1]} : vector<16xi32> to vector<1xi32>
        %squeeze3A_77 = vector.extract %slice3A_76[0] : i32 from vector<1xi32>
        %add3A_78 = arith.constant 1 : i32
        %add3A_79 = arith.addi %squeeze3A_77, %add3A_78 : i32
        %broadcast_in_dim3A_80 = vector.broadcast %add3A_79 : i32 to vector<16xi32>
        %swap3A = arith.index_cast %mul3A_72 : i32 to index
        %swap3A_81 = tpu.vector_load %arg9[%swap3A] {strides = array<i32>} : memref<1664xi32, #tpu.memory_space<vmem>>, vector<16xi32>,
        %swap3A_82 = vector.shape_cast %swap3A_81 : vector<16xi32> to vector<16xi32>
        %swap3A_83 = vector.shape_cast %broadcast_in_dim3A_80 : vector<16xi32> to vector<16xi32>
        tpu.vector_store %arg9[%swap3A], %swap3A_83 {strides = array<i32>} : memref<1664xi32, #tpu.memory_space<vmem>>, vector<16xi32>,
        %slice3A_84 = vector.extract_strided_slice %shift_right_arithmetic3A_70 {offsets = [1], sizes = [1], strides = [1]} : vector<16xi32> to vector<1xi32>
        %squeeze3A_85 = vector.extract %slice3A_84[0] : i32 from vector<1xi32>
        %mul3A_86 = arith.constant 16 : i32
        %mul3A_87 = arith.muli %squeeze3A_85, %mul3A_86 : i32
        %get3A_88 = arith.index_cast %mul3A_87 : i32 to index
        %get3A_89 = tpu.vector_load %arg9[%get3A_88] {strides = array<i32>} : memref<1664xi32, #tpu.memory_space<vmem>>, vector<16xi32>,
        %get3A_90 = vector.shape_cast %get3A_89 : vector<16xi32> to vector<16xi32>
        %slice3A_91 = vector.extract_strided_slice %get3A_90 {offsets = [0], sizes = [1], strides = [1]} : vector<16xi32> to vector<1xi32>
        %squeeze3A_92 = vector.extract %slice3A_91[0] : i32 from vector<1xi32>
        %add3A_93 = arith.constant 1 : i32
        %add3A_94 = arith.addi %squeeze3A_92, %add3A_93 : i32
        %broadcast_in_dim3A_95 = vector.broadcast %add3A_94 : i32 to vector<16xi32>
        %swap3A_96 = arith.index_cast %mul3A_87 : i32 to index
        %swap3A_97 = tpu.vector_load %arg9[%swap3A_96] {strides = array<i32>} : memref<1664xi32, #tpu.memory_space<vmem>>, vector<16xi32>,
        %swap3A_98 = vector.shape_cast %swap3A_97 : vector<16xi32> to vector<16xi32>
        %swap3A_99 = vector.shape_cast %broadcast_in_dim3A_95 : vector<16xi32> to vector<16xi32>
        tpu.vector_store %arg9[%swap3A_96], %swap3A_99 {strides = array<i32>} : memref<1664xi32, #tpu.memory_space<vmem>>, vector<16xi32>,
        %slice3A_100 = vector.extract_strided_slice %shift_right_arithmetic3A_70 {offsets = [2], sizes = [1], strides = [1]} : vector<16xi32> to vector<1xi32>
        %squeeze3A_101 = vector.extract %slice3A_100[0] : i32 from vector<1xi32>
        %mul3A_102 = arith.constant 16 : i32
        %mul3A_103 = arith.muli %squeeze3A_101, %mul3A_102 : i32
        %get3A_104 = arith.index_cast %mul3A_103 : i32 to index
        %get3A_105 = tpu.vector_load %arg9[%get3A_104] {strides = array<i32>} : memref<1664xi32, #tpu.memory_space<vmem>>, vector<16xi32>,
        %get3A_106 = vector.shape_cast %get3A_105 : vector<16xi32> to vector<16xi32>
        %slice3A_107 = vector.extract_strided_slice %get3A_106 {offsets = [0], sizes = [1], strides = [1]} : vector<16xi32> to vector<1xi32>
        %squeeze3A_108 = vector.extract %slice3A_107[0] : i32 from vector<1xi32>
        %add3A_109 = arith.constant 1 : i32
        %add3A_110 = arith.addi %squeeze3A_108, %add3A_109 : i32
        %broadcast_in_dim3A_111 = vector.broadcast %add3A_110 : i32 to vector<16xi32>
        %swap3A_112 = arith.index_cast %mul3A_103 : i32 to index
        %swap3A_113 = tpu.vector_load %arg9[%swap3A_112] {strides = array<i32>} : memref<1664xi32, #tpu.memory_space<vmem>>, vector<16xi32>,
        %swap3A_114 = vector.shape_cast %swap3A_113 : vector<16xi32> to vector<16xi32>
        %swap3A_115 = vector.shape_cast %broadcast_in_dim3A_111 : vector<16xi32> to vector<16xi32>
        tpu.vector_store %arg9[%swap3A_112], %swap3A_115 {strides = array<i32>} : memref<1664xi32, #tpu.memory_space<vmem>>, vector<16xi32>,
        %slice3A_116 = vector.extract_strided_slice %shift_right_arithmetic3A_70 {offsets = [3], sizes = [1], strides = [1]} : vector<16xi32> to vector<1xi32>
        %squeeze3A_117 = vector.extract %slice3A_116[0] : i32 from vector<1xi32>
        %mul3A_118 = arith.constant 16 : i32
        %mul3A_119 = arith.muli %squeeze3A_117, %mul3A_118 : i32
        %get3A_120 = arith.index_cast %mul3A_119 : i32 to index
        %get3A_121 = tpu.vector_load %arg9[%get3A_120] {strides = array<i32>} : memref<1664xi32, #tpu.memory_space<vmem>>, vector<16xi32>,
        %get3A_122 = vector.shape_cast %get3A_121 : vector<16xi32> to vector<16xi32>
        %slice3A_123 = vector.extract_strided_slice %get3A_122 {offsets = [0], sizes = [1], strides = [1]} : vector<16xi32> to vector<1xi32>
        %squeeze3A_124 = vector.extract %slice3A_123[0] : i32 from vector<1xi32>
        %add3A_125 = arith.constant 1 : i32
        %add3A_126 = arith.addi %squeeze3A_124, %add3A_125 : i32
        %broadcast_in_dim3A_127 = vector.broadcast %add3A_126 : i32 to vector<16xi32>
        %swap3A_128 = arith.index_cast %mul3A_119 : i32 to index
        %swap3A_129 = tpu.vector_load %arg9[%swap3A_128] {strides = array<i32>} : memref<1664xi32, #tpu.memory_space<vmem>>, vector<16xi32>,
        %swap3A_130 = vector.shape_cast %swap3A_129 : vector<16xi32> to vector<16xi32>
        %swap3A_131 = vector.shape_cast %broadcast_in_dim3A_127 : vector<16xi32> to vector<16xi32>
        tpu.vector_store %arg9[%swap3A_128], %swap3A_131 {strides = array<i32>} : memref<1664xi32, #tpu.memory_space<vmem>>, vector<16xi32>,
        %slice3A_132 = vector.extract_strided_slice %shift_right_arithmetic3A_70 {offsets = [4], sizes = [1], strides = [1]} : vector<16xi32> to vector<1xi32>
        %squeeze3A_133 = vector.extract %slice3A_132[0] : i32 from vector<1xi32>
        %mul3A_134 = arith.constant 16 : i32
        %mul3A_135 = arith.muli %squeeze3A_133, %mul3A_134 : i32
        %get3A_136 = arith.index_cast %mul3A_135 : i32 to index
        %get3A_137 = tpu.vector_load %arg9[%get3A_136] {strides = array<i32>} : memref<1664xi32, #tpu.memory_space<vmem>>, vector<16xi32>,
        %get3A_138 = vector.shape_cast %get3A_137 : vector<16xi32> to vector<16xi32>
        %slice3A_139 = vector.extract_strided_slice %get3A_138 {offsets = [0], sizes = [1], strides = [1]} : vector<16xi32> to vector<1xi32>
        %squeeze3A_140 = vector.extract %slice3A_139[0] : i32 from vector<1xi32>
        %add3A_141 = arith.constant 1 : i32
        %add3A_142 = arith.addi %squeeze3A_140, %add3A_141 : i32
        %broadcast_in_dim3A_143 = vector.broadcast %add3A_142 : i32 to vector<16xi32>
        %swap3A_144 = arith.index_cast %mul3A_135 : i32 to index
        %swap3A_145 = tpu.vector_load %arg9[%swap3A_144] {strides = array<i32>} : memref<1664xi32, #tpu.memory_space<vmem>>, vector<16xi32>,
        %swap3A_146 = vector.shape_cast %swap3A_145 : vector<16xi32> to vector<16xi32>
        %swap3A_147 = vector.shape_cast %broadcast_in_dim3A_143 : vector<16xi32> to vector<16xi32>
        tpu.vector_store %arg9[%swap3A_144], %swap3A_147 {strides = array<i32>} : memref<1664xi32, #tpu.memory_space<vmem>>, vector<16xi32>,
        %slice3A_148 = vector.extract_strided_slice %shift_right_arithmetic3A_70 {offsets = [5], sizes = [1], strides = [1]} : vector<16xi32> to vector<1xi32>
        %squeeze3A_149 = vector.extract %slice3A_148[0] : i32 from vector<1xi32>
        %mul3A_150 = arith.constant 16 : i32
        %mul3A_151 = arith.muli %squeeze3A_149, %mul3A_150 : i32
        %get3A_152 = arith.index_cast %mul3A_151 : i32 to index
        %get3A_153 = tpu.vector_load %arg9[%get3A_152] {strides = array<i32>} : memref<1664xi32, #tpu.memory_space<vmem>>, vector<16xi32>,
        %get3A_154 = vector.shape_cast %get3A_153 : vector<16xi32> to vector<16xi32>
        %slice3A_155 = vector.extract_strided_slice %get3A_154 {offsets = [0], sizes = [1], strides = [1]} : vector<16xi32> to vector<1xi32>
        %squeeze3A_156 = vector.extract %slice3A_155[0] : i32 from vector<1xi32>
        %add3A_157 = arith.constant 1 : i32
        %add3A_158 = arith.addi %squeeze3A_156, %add3A_157 : i32
        %broadcast_in_dim3A_159 = vector.broadcast %add3A_158 : i32 to vector<16xi32>
        %swap3A_160 = arith.index_cast %mul3A_151 : i32 to index
        %swap3A_161 = tpu.vector_load %arg9[%swap3A_160] {strides = array<i32>} : memref<1664xi32, #tpu.memory_space<vmem>>, vector<16xi32>,
        %swap3A_162 = vector.shape_cast %swap3A_161 : vector<16xi32> to vector<16xi32>
        %swap3A_163 = vector.shape_cast %broadcast_in_dim3A_159 : vector<16xi32> to vector<16xi32>
        tpu.vector_store %arg9[%swap3A_160], %swap3A_163 {strides = array<i32>} : memref<1664xi32, #tpu.memory_space<vmem>>, vector<16xi32>,
        %slice3A_164 = vector.extract_strided_slice %shift_right_arithmetic3A_70 {offsets = [6], sizes = [1], strides = [1]} : vector<16xi32> to vector<1xi32>
        %squeeze3A_165 = vector.extract %slice3A_164[0] : i32 from vector<1xi32>
        %mul3A_166 = arith.constant 16 : i32
        %mul3A_167 = arith.muli %squeeze3A_165, %mul3A_166 : i32
        %get3A_168 = arith.index_cast %mul3A_167 : i32 to index
        %get3A_169 = tpu.vector_load %arg9[%get3A_168] {strides = array<i32>} : memref<1664xi32, #tpu.memory_space<vmem>>, vector<16xi32>,
        %get3A_170 = vector.shape_cast %get3A_169 : vector<16xi32> to vector<16xi32>
        %slice3A_171 = vector.extract_strided_slice %get3A_170 {offsets = [0], sizes = [1], strides = [1]} : vector<16xi32> to vector<1xi32>
        %squeeze3A_172 = vector.extract %slice3A_171[0] : i32 from vector<1xi32>
        %add3A_173 = arith.constant 1 : i32
        %add3A_174 = arith.addi %squeeze3A_172, %add3A_173 : i32
        %broadcast_in_dim3A_175 = vector.broadcast %add3A_174 : i32 to vector<16xi32>
        %swap3A_176 = arith.index_cast %mul3A_167 : i32 to index
        %swap3A_177 = tpu.vector_load %arg9[%swap3A_176] {strides = array<i32>} : memref<1664xi32, #tpu.memory_space<vmem>>, vector<16xi32>,
        %swap3A_178 = vector.shape_cast %swap3A_177 : vector<16xi32> to vector<16xi32>
        %swap3A_179 = vector.shape_cast %broadcast_in_dim3A_175 : vector<16xi32> to vector<16xi32>
        tpu.vector_store %arg9[%swap3A_176], %swap3A_179 {strides = array<i32>} : memref<1664xi32, #tpu.memory_space<vmem>>, vector<16xi32>,
        %slice3A_180 = vector.extract_strided_slice %shift_right_arithmetic3A_70 {offsets = [7], sizes = [1], strides = [1]} : vector<16xi32> to vector<1xi32>
        %squeeze3A_181 = vector.extract %slice3A_180[0] : i32 from vector<1xi32>
        %mul3A_182 = arith.constant 16 : i32
        %mul3A_183 = arith.muli %squeeze3A_181, %mul3A_182 : i32
        %get3A_184 = arith.index_cast %mul3A_183 : i32 to index
        %get3A_185 = tpu.vector_load %arg9[%get3A_184] {strides = array<i32>} : memref<1664xi32, #tpu.memory_space<vmem>>, vector<16xi32>,
        %get3A_186 = vector.shape_cast %get3A_185 : vector<16xi32> to vector<16xi32>
        %slice3A_187 = vector.extract_strided_slice %get3A_186 {offsets = [0], sizes = [1], strides = [1]} : vector<16xi32> to vector<1xi32>
        %squeeze3A_188 = vector.extract %slice3A_187[0] : i32 from vector<1xi32>
        %add3A_189 = arith.constant 1 : i32
        %add3A_190 = arith.addi %squeeze3A_188, %add3A_189 : i32
        %broadcast_in_dim3A_191 = vector.broadcast %add3A_190 : i32 to vector<16xi32>
        %swap3A_192 = arith.index_cast %mul3A_183 : i32 to index
        %swap3A_193 = tpu.vector_load %arg9[%swap3A_192] {strides = array<i32>} : memref<1664xi32, #tpu.memory_space<vmem>>, vector<16xi32>,
        %swap3A_194 = vector.shape_cast %swap3A_193 : vector<16xi32> to vector<16xi32>
        %swap3A_195 = vector.shape_cast %broadcast_in_dim3A_191 : vector<16xi32> to vector<16xi32>
        tpu.vector_store %arg9[%swap3A_192], %swap3A_195 {strides = array<i32>} : memref<1664xi32, #tpu.memory_space<vmem>>, vector<16xi32>,
        %slice3A_196 = vector.extract_strided_slice %shift_right_arithmetic3A_70 {offsets = [8], sizes = [1], strides = [1]} : vector<16xi32> to vector<1xi32>
        %squeeze3A_197 = vector.extract %slice3A_196[0] : i32 from vector<1xi32>
        %mul3A_198 = arith.constant 16 : i32
        %mul3A_199 = arith.muli %squeeze3A_197, %mul3A_198 : i32
        %get3A_200 = arith.index_cast %mul3A_199 : i32 to index
        %get3A_201 = tpu.vector_load %arg9[%get3A_200] {strides = array<i32>} : memref<1664xi32, #tpu.memory_space<vmem>>, vector<16xi32>,
        %get3A_202 = vector.shape_cast %get3A_201 : vector<16xi32> to vector<16xi32>
        %slice3A_203 = vector.extract_strided_slice %get3A_202 {offsets = [0], sizes = [1], strides = [1]} : vector<16xi32> to vector<1xi32>
        %squeeze3A_204 = vector.extract %slice3A_203[0] : i32 from vector<1xi32>
        %add3A_205 = arith.constant 1 : i32
        %add3A_206 = arith.addi %squeeze3A_204, %add3A_205 : i32
        %broadcast_in_dim3A_207 = vector.broadcast %add3A_206 : i32 to vector<16xi32>
        %swap3A_208 = arith.index_cast %mul3A_199 : i32 to index
        %swap3A_209 = tpu.vector_load %arg9[%swap3A_208] {strides = array<i32>} : memref<1664xi32, #tpu.memory_space<vmem>>, vector<16xi32>,
        %swap3A_210 = vector.shape_cast %swap3A_209 : vector<16xi32> to vector<16xi32>
        %swap3A_211 = vector.shape_cast %broadcast_in_dim3A_207 : vector<16xi32> to vector<16xi32>
        tpu.vector_store %arg9[%swap3A_208], %swap3A_211 {strides = array<i32>} : memref<1664xi32, #tpu.memory_space<vmem>>, vector<16xi32>,
        %slice3A_212 = vector.extract_strided_slice %shift_right_arithmetic3A_70 {offsets = [9], sizes = [1], strides = [1]} : vector<16xi32> to vector<1xi32>
        %squeeze3A_213 = vector.extract %slice3A_212[0] : i32 from vector<1xi32>
        %mul3A_214 = arith.constant 16 : i32
        %mul3A_215 = arith.muli %squeeze3A_213, %mul3A_214 : i32
        %get3A_216 = arith.index_cast %mul3A_215 : i32 to index
        %get3A_217 = tpu.vector_load %arg9[%get3A_216] {strides = array<i32>} : memref<1664xi32, #tpu.memory_space<vmem>>, vector<16xi32>,
        %get3A_218 = vector.shape_cast %get3A_217 : vector<16xi32> to vector<16xi32>
        %slice3A_219 = vector.extract_strided_slice %get3A_218 {offsets = [0], sizes = [1], strides = [1]} : vector<16xi32> to vector<1xi32>
        %squeeze3A_220 = vector.extract %slice3A_219[0] : i32 from vector<1xi32>
        %add3A_221 = arith.constant 1 : i32
        %add3A_222 = arith.addi %squeeze3A_220, %add3A_221 : i32
        %broadcast_in_dim3A_223 = vector.broadcast %add3A_222 : i32 to vector<16xi32>
        %swap3A_224 = arith.index_cast %mul3A_215 : i32 to index
        %swap3A_225 = tpu.vector_load %arg9[%swap3A_224] {strides = array<i32>} : memref<1664xi32, #tpu.memory_space<vmem>>, vector<16xi32>,
        %swap3A_226 = vector.shape_cast %swap3A_225 : vector<16xi32> to vector<16xi32>
        %swap3A_227 = vector.shape_cast %broadcast_in_dim3A_223 : vector<16xi32> to vector<16xi32>
        tpu.vector_store %arg9[%swap3A_224], %swap3A_227 {strides = array<i32>} : memref<1664xi32, #tpu.memory_space<vmem>>, vector<16xi32>,
        %slice3A_228 = vector.extract_strided_slice %shift_right_arithmetic3A_70 {offsets = [10], sizes = [1], strides = [1]} : vector<16xi32> to vector<1xi32>
        %squeeze3A_229 = vector.extract %slice3A_228[0] : i32 from vector<1xi32>
        %mul3A_230 = arith.constant 16 : i32
        %mul3A_231 = arith.muli %squeeze3A_229, %mul3A_230 : i32
        %get3A_232 = arith.index_cast %mul3A_231 : i32 to index
        %get3A_233 = tpu.vector_load %arg9[%get3A_232] {strides = array<i32>} : memref<1664xi32, #tpu.memory_space<vmem>>, vector<16xi32>,
        %get3A_234 = vector.shape_cast %get3A_233 : vector<16xi32> to vector<16xi32>
        %slice3A_235 = vector.extract_strided_slice %get3A_234 {offsets = [0], sizes = [1], strides = [1]} : vector<16xi32> to vector<1xi32>
        %squeeze3A_236 = vector.extract %slice3A_235[0] : i32 from vector<1xi32>
        %add3A_237 = arith.constant 1 : i32
        %add3A_238 = arith.addi %squeeze3A_236, %add3A_237 : i32
        %broadcast_in_dim3A_239 = vector.broadcast %add3A_238 : i32 to vector<16xi32>
        %swap3A_240 = arith.index_cast %mul3A_231 : i32 to index
        %swap3A_241 = tpu.vector_load %arg9[%swap3A_240] {strides = array<i32>} : memref<1664xi32, #tpu.memory_space<vmem>>, vector<16xi32>,
        %swap3A_242 = vector.shape_cast %swap3A_241 : vector<16xi32> to vector<16xi32>
        %swap3A_243 = vector.shape_cast %broadcast_in_dim3A_239 : vector<16xi32> to vector<16xi32>
        tpu.vector_store %arg9[%swap3A_240], %swap3A_243 {strides = array<i32>} : memref<1664xi32, #tpu.memory_space<vmem>>, vector<16xi32>,
        %slice3A_244 = vector.extract_strided_slice %shift_right_arithmetic3A_70 {offsets = [11], sizes = [1], strides = [1]} : vector<16xi32> to vector<1xi32>
        %squeeze3A_245 = vector.extract %slice3A_244[0] : i32 from vector<1xi32>
        %mul3A_246 = arith.constant 16 : i32
        %mul3A_247 = arith.muli %squeeze3A_245, %mul3A_246 : i32
        %get3A_248 = arith.index_cast %mul3A_247 : i32 to index
        %get3A_249 = tpu.vector_load %arg9[%get3A_248] {strides = array<i32>} : memref<1664xi32, #tpu.memory_space<vmem>>, vector<16xi32>,
        %get3A_250 = vector.shape_cast %get3A_249 : vector<16xi32> to vector<16xi32>
        %slice3A_251 = vector.extract_strided_slice %get3A_250 {offsets = [0], sizes = [1], strides = [1]} : vector<16xi32> to vector<1xi32>
        %squeeze3A_252 = vector.extract %slice3A_251[0] : i32 from vector<1xi32>
        %add3A_253 = arith.constant 1 : i32
        %add3A_254 = arith.addi %squeeze3A_252, %add3A_253 : i32
        %broadcast_in_dim3A_255 = vector.broadcast %add3A_254 : i32 to vector<16xi32>
        %swap3A_256 = arith.index_cast %mul3A_247 : i32 to index
        %swap3A_257 = tpu.vector_load %arg9[%swap3A_256] {strides = array<i32>} : memref<1664xi32, #tpu.memory_space<vmem>>, vector<16xi32>,
        %swap3A_258 = vector.shape_cast %swap3A_257 : vector<16xi32> to vector<16xi32>
        %swap3A_259 = vector.shape_cast %broadcast_in_dim3A_255 : vector<16xi32> to vector<16xi32>
        tpu.vector_store %arg9[%swap3A_256], %swap3A_259 {strides = array<i32>} : memref<1664xi32, #tpu.memory_space<vmem>>, vector<16xi32>,
        %slice3A_260 = vector.extract_strided_slice %shift_right_arithmetic3A_70 {offsets = [12], sizes = [1], strides = [1]} : vector<16xi32> to vector<1xi32>
        %squeeze3A_261 = vector.extract %slice3A_260[0] : i32 from vector<1xi32>
        %mul3A_262 = arith.constant 16 : i32
        %mul3A_263 = arith.muli %squeeze3A_261, %mul3A_262 : i32
        %get3A_264 = arith.index_cast %mul3A_263 : i32 to index
        %get3A_265 = tpu.vector_load %arg9[%get3A_264] {strides = array<i32>} : memref<1664xi32, #tpu.memory_space<vmem>>, vector<16xi32>,
        %get3A_266 = vector.shape_cast %get3A_265 : vector<16xi32> to vector<16xi32>
        %slice3A_267 = vector.extract_strided_slice %get3A_266 {offsets = [0], sizes = [1], strides = [1]} : vector<16xi32> to vector<1xi32>
        %squeeze3A_268 = vector.extract %slice3A_267[0] : i32 from vector<1xi32>
        %add3A_269 = arith.constant 1 : i32
        %add3A_270 = arith.addi %squeeze3A_268, %add3A_269 : i32
        %broadcast_in_dim3A_271 = vector.broadcast %add3A_270 : i32 to vector<16xi32>
        %swap3A_272 = arith.index_cast %mul3A_263 : i32 to index
        %swap3A_273 = tpu.vector_load %arg9[%swap3A_272] {strides = array<i32>} : memref<1664xi32, #tpu.memory_space<vmem>>, vector<16xi32>,
        %swap3A_274 = vector.shape_cast %swap3A_273 : vector<16xi32> to vector<16xi32>
        %swap3A_275 = vector.shape_cast %broadcast_in_dim3A_271 : vector<16xi32> to vector<16xi32>
        tpu.vector_store %arg9[%swap3A_272], %swap3A_275 {strides = array<i32>} : memref<1664xi32, #tpu.memory_space<vmem>>, vector<16xi32>,
        %slice3A_276 = vector.extract_strided_slice %shift_right_arithmetic3A_70 {offsets = [13], sizes = [1], strides = [1]} : vector<16xi32> to vector<1xi32>
        %squeeze3A_277 = vector.extract %slice3A_276[0] : i32 from vector<1xi32>
        %mul3A_278 = arith.constant 16 : i32
        %mul3A_279 = arith.muli %squeeze3A_277, %mul3A_278 : i32
        %get3A_280 = arith.index_cast %mul3A_279 : i32 to index
        %get3A_281 = tpu.vector_load %arg9[%get3A_280] {strides = array<i32>} : memref<1664xi32, #tpu.memory_space<vmem>>, vector<16xi32>,
        %get3A_282 = vector.shape_cast %get3A_281 : vector<16xi32> to vector<16xi32>
        %slice3A_283 = vector.extract_strided_slice %get3A_282 {offsets = [0], sizes = [1], strides = [1]} : vector<16xi32> to vector<1xi32>
        %squeeze3A_284 = vector.extract %slice3A_283[0] : i32 from vector<1xi32>
        %add3A_285 = arith.constant 1 : i32
        %add3A_286 = arith.addi %squeeze3A_284, %add3A_285 : i32
        %broadcast_in_dim3A_287 = vector.broadcast %add3A_286 : i32 to vector<16xi32>
        %swap3A_288 = arith.index_cast %mul3A_279 : i32 to index
        %swap3A_289 = tpu.vector_load %arg9[%swap3A_288] {strides = array<i32>} : memref<1664xi32, #tpu.memory_space<vmem>>, vector<16xi32>,
        %swap3A_290 = vector.shape_cast %swap3A_289 : vector<16xi32> to vector<16xi32>
        %swap3A_291 = vector.shape_cast %broadcast_in_dim3A_287 : vector<16xi32> to vector<16xi32>
        tpu.vector_store %arg9[%swap3A_288], %swap3A_291 {strides = array<i32>} : memref<1664xi32, #tpu.memory_space<vmem>>, vector<16xi32>,
        %slice3A_292 = vector.extract_strided_slice %shift_right_arithmetic3A_70 {offsets = [14], sizes = [1], strides = [1]} : vector<16xi32> to vector<1xi32>
        %squeeze3A_293 = vector.extract %slice3A_292[0] : i32 from vector<1xi32>
        %mul3A_294 = arith.constant 16 : i32
        %mul3A_295 = arith.muli %squeeze3A_293, %mul3A_294 : i32
        %get3A_296 = arith.index_cast %mul3A_295 : i32 to index
        %get3A_297 = tpu.vector_load %arg9[%get3A_296] {strides = array<i32>} : memref<1664xi32, #tpu.memory_space<vmem>>, vector<16xi32>,
        %get3A_298 = vector.shape_cast %get3A_297 : vector<16xi32> to vector<16xi32>
        %slice3A_299 = vector.extract_strided_slice %get3A_298 {offsets = [0], sizes = [1], strides = [1]} : vector<16xi32> to vector<1xi32>
        %squeeze3A_300 = vector.extract %slice3A_299[0] : i32 from vector<1xi32>
        %add3A_301 = arith.constant 1 : i32
        %add3A_302 = arith.addi %squeeze3A_300, %add3A_301 : i32
        %broadcast_in_dim3A_303 = vector.broadcast %add3A_302 : i32 to vector<16xi32>
        %swap3A_304 = arith.index_cast %mul3A_295 : i32 to index
        %swap3A_305 = tpu.vector_load %arg9[%swap3A_304] {strides = array<i32>} : memref<1664xi32, #tpu.memory_space<vmem>>, vector<16xi32>,
        %swap3A_306 = vector.shape_cast %swap3A_305 : vector<16xi32> to vector<16xi32>
        %swap3A_307 = vector.shape_cast %broadcast_in_dim3A_303 : vector<16xi32> to vector<16xi32>
        tpu.vector_store %arg9[%swap3A_304], %swap3A_307 {strides = array<i32>} : memref<1664xi32, #tpu.memory_space<vmem>>, vector<16xi32>,
        %slice3A_308 = vector.extract_strided_slice %shift_right_arithmetic3A_70 {offsets = [15], sizes = [1], strides = [1]} : vector<16xi32> to vector<1xi32>
        %squeeze3A_309 = vector.extract %slice3A_308[0] : i32 from vector<1xi32>
        %mul3A_310 = arith.constant 16 : i32
        %mul3A_311 = arith.muli %squeeze3A_309, %mul3A_310 : i32
        %get3A_312 = arith.index_cast %mul3A_311 : i32 to index
        %get3A_313 = tpu.vector_load %arg9[%get3A_312] {strides = array<i32>} : memref<1664xi32, #tpu.memory_space<vmem>>, vector<16xi32>,
        %get3A_314 = vector.shape_cast %get3A_313 : vector<16xi32> to vector<16xi32>
        %slice3A_315 = vector.extract_strided_slice %get3A_314 {offsets = [0], sizes = [1], strides = [1]} : vector<16xi32> to vector<1xi32>
        %squeeze3A_316 = vector.extract %slice3A_315[0] : i32 from vector<1xi32>
        %add3A_317 = arith.constant 1 : i32
        %add3A_318 = arith.addi %squeeze3A_316, %add3A_317 : i32
        %broadcast_in_dim3A_319 = vector.broadcast %add3A_318 : i32 to vector<16xi32>
        %swap3A_320 = arith.index_cast %mul3A_311 : i32 to index
        %swap3A_321 = tpu.vector_load %arg9[%swap3A_320] {strides = array<i32>} : memref<1664xi32, #tpu.memory_space<vmem>>, vector<16xi32>,
        %swap3A_322 = vector.shape_cast %swap3A_321 : vector<16xi32> to vector<16xi32>
        %swap3A_323 = vector.shape_cast %broadcast_in_dim3A_319 : vector<16xi32> to vector<16xi32>
        tpu.vector_store %arg9[%swap3A_320], %swap3A_323 {strides = array<i32>} : memref<1664xi32, #tpu.memory_space<vmem>>, vector<16xi32>,
      }
      %scan3A_55 = arith.constant 392 : i32
    }
    %scan3A_14 = arith.constant 8 : i32
    %scan3A_15 = arith.constant 0 : i32
    %scan3A_16 = arith.constant 0 : i32
    %scan3A_17 = arith.constant 6 : i32
    %scan3A_18 = arith.addi %scan3A_16, %scan3A_17 : i32
    %scan3A_19 = arith.constant 1 : i32
    %scan3A_20 = scf.for %scan3A_46 = %scan3A_16 to %scan3A_18 step %scan3A_19 iter_args(%scan3A_47 = %scan3A_15) -> (i32)  : i32 {
      %scan3A_48 = arith.constant 0 : i32
      %scan3A_49 = arith.constant 16 : i32
      %scan3A_50 = arith.addi %scan3A_48, %scan3A_49 : i32
      %scan3A_51 = arith.constant 1 : i32
      %scan3A_52:2 = scf.for %scan3A_59 = %scan3A_48 to %scan3A_50 step %scan3A_51 iter_args(%scan3A_60 = %broadcast_in_dim3A_3, %scan3A_61 = %scan3A_47) -> (vector<16xi32>, i32)  : i32 {
        %mul3A_62 = arith.constant 16 : i32
        %mul3A_63 = arith.muli %scan3A_46, %mul3A_62 : i32
        %add3A_64 = arith.addi %mul3A_63, %scan3A_59 : i32
        %mul3A_65 = arith.constant 16 : i32
        %mul3A_66 = arith.muli %add3A_64, %mul3A_65 : i32
        %get3A = arith.index_cast %mul3A_66 : i32 to index
        %get3A_67 = tpu.vector_load %arg9[%get3A] {strides = array<i32>} : memref<1664xi32, #tpu.memory_space<vmem>>, vector<16xi32>,
        %get3A_68 = vector.shape_cast %get3A_67 : vector<16xi32> to vector<16xi32>
        %slice3A = vector.extract_strided_slice %get3A_68 {offsets = [0], sizes = [1], strides = [1]} : vector<16xi32> to vector<1xi32>
        %squeeze3A = vector.extract %slice3A[0] : i32 from vector<1xi32>
        %eq3A = vector.broadcast %scan3A_59 : i32 to vector<16xi32>
        %eq3A_69 = arith.cmpi eq, %iota3A, %eq3A : vector<16xi32>
        %broadcast_in_dim3A_70 = vector.broadcast %scan3A_61 : i32 to vector<16xi32>
        %select_n3A = arith.select %eq3A_69, %broadcast_in_dim3A_70, %scan3A_60 : vector<16xi1>, vector<16xi32>
        %add3A_71 = arith.constant 7 : i32
        %add3A_72 = arith.addi %squeeze3A, %add3A_71 : i32
        %shift_right_arithmetic3A = arith.constant 3 : i32
        %shift_right_arithmetic3A_73 = arith.shrsi %add3A_72, %shift_right_arithmetic3A : i32
        %mul3A_74 = arith.constant 8 : i32
        %mul3A_75 = arith.muli %shift_right_arithmetic3A_73, %mul3A_74 : i32
        %add3A_76 = arith.addi %scan3A_61, %mul3A_75 : i32
        scf.yield %select_n3A, %add3A_76 : vector<16xi32>, i32
      }
      %scan3A_53 = arith.constant 16 : i32
      %mul3A_54 = arith.constant 16 : i32
      %mul3A_55 = arith.muli %scan3A_46, %mul3A_54 : i32
      %swap3A = arith.index_cast %mul3A_55 : i32 to index
      %swap3A_56 = tpu.vector_load %arg10[%swap3A] {strides = array<i32>} : memref<104xi32, #tpu.memory_space<vmem>>, vector<16xi32>,
      %swap3A_57 = vector.shape_cast %swap3A_56 : vector<16xi32> to vector<16xi32>
      %swap3A_58 = vector.shape_cast %scan3A_52#0 : vector<16xi32> to vector<16xi32>
      tpu.vector_store %arg10[%swap3A], %swap3A_58 {strides = array<i32>} : memref<104xi32, #tpu.memory_space<vmem>>, vector<16xi32>,
      scf.yield %scan3A_52#1 : i32
    }
    %scan3A_21 = arith.constant 6 : i32
    %scan3A_22 = arith.constant 0 : i32
    %scan3A_23 = arith.constant 0 : i32
    %scan3A_24 = arith.constant 104 : i32
    %scan3A_25 = arith.addi %scan3A_23, %scan3A_24 : i32
    %scan3A_26 = arith.constant 1 : i32
    scf.for %scan3A_46 = %scan3A_23 to %scan3A_25 step %scan3A_26  : i32 {
      %mul3A_47 = arith.constant 16 : i32
      %mul3A_48 = arith.muli %scan3A_46, %mul3A_47 : i32
      %swap3A = arith.index_cast %mul3A_48 : i32 to index
      %swap3A_49 = tpu.vector_load %arg9[%swap3A] {strides = array<i32>} : memref<1664xi32, #tpu.memory_space<vmem>>, vector<16xi32>,
      %swap3A_50 = vector.shape_cast %swap3A_49 : vector<16xi32> to vector<16xi32>
      %swap3A_51 = vector.shape_cast %broadcast_in_dim3A_3 : vector<16xi32> to vector<16xi32>
      tpu.vector_store %arg9[%swap3A], %swap3A_51 {strides = array<i32>} : memref<1664xi32, #tpu.memory_space<vmem>>, vector<16xi32>,
    }
    %scan3A_27 = arith.constant 104 : i32
    %scan3A_28 = arith.constant 0 : i32
    %scan3A_29 = arith.constant 0 : i32
    %scan3A_30 = arith.constant 3192 : i32
    %scan3A_31 = arith.addi %scan3A_29, %scan3A_30 : i32
    %scan3A_32 = arith.constant 1 : i32
    scf.for %scan3A_46 = %scan3A_29 to %scan3A_31 step %scan3A_32  : i32 {
      %mul3A_47 = arith.constant 16 : i32
      %mul3A_48 = arith.muli %scan3A_46, %mul3A_47 : i32
      %swap3A = arith.index_cast %mul3A_48 : i32 to index
      %swap3A_49 = tpu.vector_load %arg7[%swap3A] {strides = array<i32>} : memref<51072xi32, #tpu.memory_space<vmem>>, vector<16xi32>,
      %swap3A_50 = vector.shape_cast %swap3A_49 : vector<16xi32> to vector<16xi32>
      %swap3A_51 = vector.shape_cast %broadcast_in_dim3A_3 : vector<16xi32> to vector<16xi32>
      tpu.vector_store %arg7[%swap3A], %swap3A_51 {strides = array<i32>} : memref<51072xi32, #tpu.memory_space<vmem>>, vector<16xi32>,
      %add3A_52 = arith.constant 1048 : i32
      %add3A_53 = vector.broadcast %add3A_52 : i32 to vector<16xi32>
      %add3A_54 = arith.addi %broadcast_in_dim3A_3, %add3A_53 : vector<16xi32>
      %mul3A_55 = arith.constant 16 : i32
      %mul3A_56 = arith.muli %scan3A_46, %mul3A_55 : i32
      %swap3A_57 = arith.index_cast %mul3A_56 : i32 to index
      %swap3A_58 = tpu.vector_load %arg8[%swap3A_57] {strides = array<i32>} : memref<51072xi32, #tpu.memory_space<vmem>>, vector<16xi32>,
      %swap3A_59 = vector.shape_cast %swap3A_58 : vector<16xi32> to vector<16xi32>
      %swap3A_60 = vector.shape_cast %add3A_54 : vector<16xi32> to vector<16xi32>
      tpu.vector_store %arg8[%swap3A_57], %swap3A_60 {strides = array<i32>} : memref<51072xi32, #tpu.memory_space<vmem>>, vector<16xi32>,
    }
    %scan3A_33 = arith.constant 3192 : i32
    %scan3A_34 = arith.constant 0 : i32
    %scan3A_35 = arith.constant 0 : i32
    %scan3A_36 = arith.constant 8 : i32
    %scan3A_37 = arith.addi %scan3A_35, %scan3A_36 : i32
    %scan3A_38 = arith.constant 1 : i32
    scf.for %scan3A_46 = %scan3A_35 to %scan3A_37 step %scan3A_38  : i32 {
      %mul3A_47 = arith.constant 6272 : i32
      %mul3A_48 = arith.muli %scan3A_46, %mul3A_47 : i32
      %add3A_49 = arith.addi %mul3A_2, %mul3A_48 : i32
      "tpu.region"() ({
        %run_scoped3A = tpu.sem_alloc : memref<!tpu.dma_semaphore, #tpu.memory_space<semaphore_mem>>
        %dma_start3A = tpu.memref_slice %arg2[%add3A_49] : memref<1605632xi32, #tpu.memory_space<hbm>> -> memref<6272xi32, #tpu.memory_space<hbm>>
        %dma_start3A_56 = tpu.memref_slice %arg2[%add3A_49] : memref<1605632xi32, #tpu.memory_space<hbm>> -> memref<6272xi32, #tpu.memory_space<hbm>>
        tpu.enqueue_dma source(%dma_start3A_56 : memref<6272xi32, #tpu.memory_space<hbm>>) target(%arg6 : memref<6272xi32, #tpu.memory_space<vmem>>) target_semaphore(%run_scoped3A : memref<!tpu.dma_semaphore, #tpu.memory_space<semaphore_mem>>)
        %dma_wait3A = tpu.memref_slice %arg2[%add3A_49] : memref<1605632xi32, #tpu.memory_space<hbm>> -> memref<6272xi32, #tpu.memory_space<hbm>>
        %dma_wait3A_57 = tpu.memref_slice %arg2[%add3A_49] : memref<1605632xi32, #tpu.memory_space<hbm>> -> memref<6272xi32, #tpu.memory_space<hbm>>
        tpu.wait_dma2 semaphore(%run_scoped3A : memref<!tpu.dma_semaphore, #tpu.memory_space<semaphore_mem>>) src(%dma_wait3A_57 : memref<6272xi32, #tpu.memory_space<hbm>>) dst(%arg6 : memref<6272xi32, #tpu.memory_space<vmem>>)
        tpu.yield
      }) : () -> ()
      %scan3A_50 = arith.constant 0 : i32
      %scan3A_51 = arith.constant 0 : i32
      %scan3A_52 = arith.constant 392 : i32
      %scan3A_53 = arith.addi %scan3A_51, %scan3A_52 : i32
      %scan3A_54 = arith.constant 1 : i32
      scf.for %scan3A_56 = %scan3A_51 to %scan3A_53 step %scan3A_54  : i32 {
        %mul3A_57 = arith.constant 16 : i32
        %mul3A_58 = arith.muli %scan3A_56, %mul3A_57 : i32
        %get3A = arith.index_cast %mul3A_58 : i32 to index
        %get3A_59 = tpu.vector_load %arg6[%get3A] {strides = array<i32>} : memref<6272xi32, #tpu.memory_space<vmem>>, vector<16xi32>,
        %get3A_60 = vector.shape_cast %get3A_59 : vector<16xi32> to vector<16xi32>
        %min3A = arith.constant 100000 : i32
        %min3A_61 = vector.broadcast %min3A : i32 to vector<16xi32>
        %min3A_62 = arith.minsi %get3A_60, %min3A_61 : vector<16xi32>
        %shift_right_arithmetic3A = arith.constant 3 : i32
        %shift_right_arithmetic3A_63 = vector.broadcast %shift_right_arithmetic3A : i32 to vector<16xi32>
        %shift_right_arithmetic3A_64 = arith.shrsi %min3A_62, %shift_right_arithmetic3A_63 : vector<16xi32>
        %mul3A_65 = arith.constant 128071 : i32
        %mul3A_66 = vector.broadcast %mul3A_65 : i32 to vector<16xi32>
        %mul3A_67 = arith.muli %shift_right_arithmetic3A_64, %mul3A_66 : vector<16xi32>
        %shift_right_arithmetic3A_68 = arith.constant 24 : i32
        %shift_right_arithmetic3A_69 = vector.broadcast %shift_right_arithmetic3A_68 : i32 to vector<16xi32>
        %shift_right_arithmetic3A_70 = arith.shrsi %mul3A_67, %shift_right_arithmetic3A_69 : vector<16xi32>
        %mul3A_71 = arith.constant 1048 : i32
        %mul3A_72 = vector.broadcast %mul3A_71 : i32 to vector<16xi32>
        %mul3A_73 = arith.muli %shift_right_arithmetic3A_70, %mul3A_72 : vector<16xi32>
        %sub3A = arith.subi %min3A_62, %mul3A_73 : vector<16xi32>
        %slice3A = vector.extract_strided_slice %shift_right_arithmetic3A_70 {offsets = [0], sizes = [1], strides = [1]} : vector<16xi32> to vector<1xi32>
        %squeeze3A = vector.extract %slice3A[0] : i32 from vector<1xi32>
        %mul3A_74 = arith.constant 16 : i32
        %mul3A_75 = arith.muli %squeeze3A, %mul3A_74 : i32
        %get3A_76 = arith.index_cast %mul3A_75 : i32 to index
        %get3A_77 = tpu.vector_load %arg9[%get3A_76] {strides = array<i32>} : memref<1664xi32, #tpu.memory_space<vmem>>, vector<16xi32>,
        %get3A_78 = vector.shape_cast %get3A_77 : vector<16xi32> to vector<16xi32>
        %slice3A_79 = vector.extract_strided_slice %get3A_78 {offsets = [0], sizes = [1], strides = [1]} : vector<16xi32> to vector<1xi32>
        %squeeze3A_80 = vector.extract %slice3A_79[0] : i32 from vector<1xi32>
        %get3A_81 = arith.index_cast %squeeze3A : i32 to index
        %get3A_82 = tpu.vector_load %arg10[%get3A_81] {strides = array<i32>} : memref<104xi32, #tpu.memory_space<vmem>>, vector<16xi32>,
        %get3A_83 = vector.shape_cast %get3A_82 : vector<16xi32> to vector<16xi32>
        %slice3A_84 = vector.extract_strided_slice %get3A_83 {offsets = [0], sizes = [1], strides = [1]} : vector<16xi32> to vector<1xi32>
        %squeeze3A_85 = vector.extract %slice3A_84[0] : i32 from vector<1xi32>
        %add3A_86 = arith.addi %squeeze3A_85, %squeeze3A_80 : i32
        %mul3A_87 = arith.constant 16 : i32
        %mul3A_88 = arith.muli %scan3A_56, %mul3A_87 : i32
        %add3A_89 = arith.addi %add3A_49, %mul3A_88 : i32
        %add3A_90 = arith.constant 0 : i32
        %add3A_91 = arith.addi %add3A_89, %add3A_90 : i32
        %broadcast_in_dim3A_92 = vector.broadcast %add3A_91 : i32 to vector<16xi32>
        %swap3A = arith.index_cast %add3A_86 : i32 to index
        %swap3A_93 = tpu.vector_load %arg7[%swap3A] {strides = array<i32>} : memref<51072xi32, #tpu.memory_space<vmem>>, vector<16xi32>,
        %swap3A_94 = vector.shape_cast %swap3A_93 : vector<16xi32> to vector<16xi32>
        %swap3A_95 = vector.shape_cast %broadcast_in_dim3A_92 : vector<16xi32> to vector<16xi32>
        tpu.vector_store %arg7[%swap3A], %swap3A_95 {strides = array<i32>} : memref<51072xi32, #tpu.memory_space<vmem>>, vector<16xi32>,
        %slice3A_96 = vector.extract_strided_slice %sub3A {offsets = [0], sizes = [1], strides = [1]} : vector<16xi32> to vector<1xi32>
        %squeeze3A_97 = vector.extract %slice3A_96[0] : i32 from vector<1xi32>
        %broadcast_in_dim3A_98 = vector.broadcast %squeeze3A_97 : i32 to vector<16xi32>
        %swap3A_99 = arith.index_cast %add3A_86 : i32 to index
        %swap3A_100 = tpu.vector_load %arg8[%swap3A_99] {strides = array<i32>} : memref<51072xi32, #tpu.memory_space<vmem>>, vector<16xi32>,
        %swap3A_101 = vector.shape_cast %swap3A_100 : vector<16xi32> to vector<16xi32>
        %swap3A_102 = vector.shape_cast %broadcast_in_dim3A_98 : vector<16xi32> to vector<16xi32>
        tpu.vector_store %arg8[%swap3A_99], %swap3A_102 {strides = array<i32>} : memref<51072xi32, #tpu.memory_space<vmem>>, vector<16xi32>,
        %add3A_103 = arith.constant 1 : i32
        %add3A_104 = arith.addi %squeeze3A_80, %add3A_103 : i32
        %broadcast_in_dim3A_105 = vector.broadcast %add3A_104 : i32 to vector<16xi32>
        %swap3A_106 = arith.index_cast %mul3A_75 : i32 to index
        %swap3A_107 = tpu.vector_load %arg9[%swap3A_106] {strides = array<i32>} : memref<1664xi32, #tpu.memory_space<vmem>>, vector<16xi32>,
        %swap3A_108 = vector.shape_cast %swap3A_107 : vector<16xi32> to vector<16xi32>
        %swap3A_109 = vector.shape_cast %broadcast_in_dim3A_105 : vector<16xi32> to vector<16xi32>
        tpu.vector_store %arg9[%swap3A_106], %swap3A_109 {strides = array<i32>} : memref<1664xi32, #tpu.memory_space<vmem>>, vector<16xi32>,
        %slice3A_110 = vector.extract_strided_slice %shift_right_arithmetic3A_70 {offsets = [1], sizes = [1], strides = [1]} : vector<16xi32> to vector<1xi32>
        %squeeze3A_111 = vector.extract %slice3A_110[0] : i32 from vector<1xi32>
        %mul3A_112 = arith.constant 16 : i32
        %mul3A_113 = arith.muli %squeeze3A_111, %mul3A_112 : i32
        %get3A_114 = arith.index_cast %mul3A_113 : i32 to index
        %get3A_115 = tpu.vector_load %arg9[%get3A_114] {strides = array<i32>} : memref<1664xi32, #tpu.memory_space<vmem>>, vector<16xi32>,
        %get3A_116 = vector.shape_cast %get3A_115 : vector<16xi32> to vector<16xi32>
        %slice3A_117 = vector.extract_strided_slice %get3A_116 {offsets = [0], sizes = [1], strides = [1]} : vector<16xi32> to vector<1xi32>
        %squeeze3A_118 = vector.extract %slice3A_117[0] : i32 from vector<1xi32>
        %get3A_119 = arith.index_cast %squeeze3A_111 : i32 to index
        %get3A_120 = tpu.vector_load %arg10[%get3A_119] {strides = array<i32>} : memref<104xi32, #tpu.memory_space<vmem>>, vector<16xi32>,
        %get3A_121 = vector.shape_cast %get3A_120 : vector<16xi32> to vector<16xi32>
        %slice3A_122 = vector.extract_strided_slice %get3A_121 {offsets = [0], sizes = [1], strides = [1]} : vector<16xi32> to vector<1xi32>
        %squeeze3A_123 = vector.extract %slice3A_122[0] : i32 from vector<1xi32>
        %add3A_124 = arith.addi %squeeze3A_123, %squeeze3A_118 : i32
        %mul3A_125 = arith.constant 16 : i32
        %mul3A_126 = arith.muli %scan3A_56, %mul3A_125 : i32
        %add3A_127 = arith.addi %add3A_49, %mul3A_126 : i32
        %add3A_128 = arith.constant 1 : i32
        %add3A_129 = arith.addi %add3A_127, %add3A_128 : i32
        %broadcast_in_dim3A_130 = vector.broadcast %add3A_129 : i32 to vector<16xi32>
        %swap3A_131 = arith.index_cast %add3A_124 : i32 to index
        %swap3A_132 = tpu.vector_load %arg7[%swap3A_131] {strides = array<i32>} : memref<51072xi32, #tpu.memory_space<vmem>>, vector<16xi32>,
        %swap3A_133 = vector.shape_cast %swap3A_132 : vector<16xi32> to vector<16xi32>
        %swap3A_134 = vector.shape_cast %broadcast_in_dim3A_130 : vector<16xi32> to vector<16xi32>
        tpu.vector_store %arg7[%swap3A_131], %swap3A_134 {strides = array<i32>} : memref<51072xi32, #tpu.memory_space<vmem>>, vector<16xi32>,
        %slice3A_135 = vector.extract_strided_slice %sub3A {offsets = [1], sizes = [1], strides = [1]} : vector<16xi32> to vector<1xi32>
        %squeeze3A_136 = vector.extract %slice3A_135[0] : i32 from vector<1xi32>
        %broadcast_in_dim3A_137 = vector.broadcast %squeeze3A_136 : i32 to vector<16xi32>
        %swap3A_138 = arith.index_cast %add3A_124 : i32 to index
        %swap3A_139 = tpu.vector_load %arg8[%swap3A_138] {strides = array<i32>} : memref<51072xi32, #tpu.memory_space<vmem>>, vector<16xi32>,
        %swap3A_140 = vector.shape_cast %swap3A_139 : vector<16xi32> to vector<16xi32>
        %swap3A_141 = vector.shape_cast %broadcast_in_dim3A_137 : vector<16xi32> to vector<16xi32>
        tpu.vector_store %arg8[%swap3A_138], %swap3A_141 {strides = array<i32>} : memref<51072xi32, #tpu.memory_space<vmem>>, vector<16xi32>,
        %add3A_142 = arith.constant 1 : i32
        %add3A_143 = arith.addi %squeeze3A_118, %add3A_142 : i32
        %broadcast_in_dim3A_144 = vector.broadcast %add3A_143 : i32 to vector<16xi32>
        %swap3A_145 = arith.index_cast %mul3A_113 : i32 to index
        %swap3A_146 = tpu.vector_load %arg9[%swap3A_145] {strides = array<i32>} : memref<1664xi32, #tpu.memory_space<vmem>>, vector<16xi32>,
        %swap3A_147 = vector.shape_cast %swap3A_146 : vector<16xi32> to vector<16xi32>
        %swap3A_148 = vector.shape_cast %broadcast_in_dim3A_144 : vector<16xi32> to vector<16xi32>
        tpu.vector_store %arg9[%swap3A_145], %swap3A_148 {strides = array<i32>} : memref<1664xi32, #tpu.memory_space<vmem>>, vector<16xi32>,
        %slice3A_149 = vector.extract_strided_slice %shift_right_arithmetic3A_70 {offsets = [2], sizes = [1], strides = [1]} : vector<16xi32> to vector<1xi32>
        %squeeze3A_150 = vector.extract %slice3A_149[0] : i32 from vector<1xi32>
        %mul3A_151 = arith.constant 16 : i32
        %mul3A_152 = arith.muli %squeeze3A_150, %mul3A_151 : i32
        %get3A_153 = arith.index_cast %mul3A_152 : i32 to index
        %get3A_154 = tpu.vector_load %arg9[%get3A_153] {strides = array<i32>} : memref<1664xi32, #tpu.memory_space<vmem>>, vector<16xi32>,
        %get3A_155 = vector.shape_cast %get3A_154 : vector<16xi32> to vector<16xi32>
        %slice3A_156 = vector.extract_strided_slice %get3A_155 {offsets = [0], sizes = [1], strides = [1]} : vector<16xi32> to vector<1xi32>
        %squeeze3A_157 = vector.extract %slice3A_156[0] : i32 from vector<1xi32>
        %get3A_158 = arith.index_cast %squeeze3A_150 : i32 to index
        %get3A_159 = tpu.vector_load %arg10[%get3A_158] {strides = array<i32>} : memref<104xi32, #tpu.memory_space<vmem>>, vector<16xi32>,
        %get3A_160 = vector.shape_cast %get3A_159 : vector<16xi32> to vector<16xi32>
        %slice3A_161 = vector.extract_strided_slice %get3A_160 {offsets = [0], sizes = [1], strides = [1]} : vector<16xi32> to vector<1xi32>
        %squeeze3A_162 = vector.extract %slice3A_161[0] : i32 from vector<1xi32>
        %add3A_163 = arith.addi %squeeze3A_162, %squeeze3A_157 : i32
        %mul3A_164 = arith.constant 16 : i32
        %mul3A_165 = arith.muli %scan3A_56, %mul3A_164 : i32
        %add3A_166 = arith.addi %add3A_49, %mul3A_165 : i32
        %add3A_167 = arith.constant 2 : i32
        %add3A_168 = arith.addi %add3A_166, %add3A_167 : i32
        %broadcast_in_dim3A_169 = vector.broadcast %add3A_168 : i32 to vector<16xi32>
        %swap3A_170 = arith.index_cast %add3A_163 : i32 to index
        %swap3A_171 = tpu.vector_load %arg7[%swap3A_170] {strides = array<i32>} : memref<51072xi32, #tpu.memory_space<vmem>>, vector<16xi32>,
        %swap3A_172 = vector.shape_cast %swap3A_171 : vector<16xi32> to vector<16xi32>
        %swap3A_173 = vector.shape_cast %broadcast_in_dim3A_169 : vector<16xi32> to vector<16xi32>
        tpu.vector_store %arg7[%swap3A_170], %swap3A_173 {strides = array<i32>} : memref<51072xi32, #tpu.memory_space<vmem>>, vector<16xi32>,
        %slice3A_174 = vector.extract_strided_slice %sub3A {offsets = [2], sizes = [1], strides = [1]} : vector<16xi32> to vector<1xi32>
        %squeeze3A_175 = vector.extract %slice3A_174[0] : i32 from vector<1xi32>
        %broadcast_in_dim3A_176 = vector.broadcast %squeeze3A_175 : i32 to vector<16xi32>
        %swap3A_177 = arith.index_cast %add3A_163 : i32 to index
        %swap3A_178 = tpu.vector_load %arg8[%swap3A_177] {strides = array<i32>} : memref<51072xi32, #tpu.memory_space<vmem>>, vector<16xi32>,
        %swap3A_179 = vector.shape_cast %swap3A_178 : vector<16xi32> to vector<16xi32>
        %swap3A_180 = vector.shape_cast %broadcast_in_dim3A_176 : vector<16xi32> to vector<16xi32>
        tpu.vector_store %arg8[%swap3A_177], %swap3A_180 {strides = array<i32>} : memref<51072xi32, #tpu.memory_space<vmem>>, vector<16xi32>,
        %add3A_181 = arith.constant 1 : i32
        %add3A_182 = arith.addi %squeeze3A_157, %add3A_181 : i32
        %broadcast_in_dim3A_183 = vector.broadcast %add3A_182 : i32 to vector<16xi32>
        %swap3A_184 = arith.index_cast %mul3A_152 : i32 to index
        %swap3A_185 = tpu.vector_load %arg9[%swap3A_184] {strides = array<i32>} : memref<1664xi32, #tpu.memory_space<vmem>>, vector<16xi32>,
        %swap3A_186 = vector.shape_cast %swap3A_185 : vector<16xi32> to vector<16xi32>
        %swap3A_187 = vector.shape_cast %broadcast_in_dim3A_183 : vector<16xi32> to vector<16xi32>
        tpu.vector_store %arg9[%swap3A_184], %swap3A_187 {strides = array<i32>} : memref<1664xi32, #tpu.memory_space<vmem>>, vector<16xi32>,
        %slice3A_188 = vector.extract_strided_slice %shift_right_arithmetic3A_70 {offsets = [3], sizes = [1], strides = [1]} : vector<16xi32> to vector<1xi32>
        %squeeze3A_189 = vector.extract %slice3A_188[0] : i32 from vector<1xi32>
        %mul3A_190 = arith.constant 16 : i32
        %mul3A_191 = arith.muli %squeeze3A_189, %mul3A_190 : i32
        %get3A_192 = arith.index_cast %mul3A_191 : i32 to index
        %get3A_193 = tpu.vector_load %arg9[%get3A_192] {strides = array<i32>} : memref<1664xi32, #tpu.memory_space<vmem>>, vector<16xi32>,
        %get3A_194 = vector.shape_cast %get3A_193 : vector<16xi32> to vector<16xi32>
        %slice3A_195 = vector.extract_strided_slice %get3A_194 {offsets = [0], sizes = [1], strides = [1]} : vector<16xi32> to vector<1xi32>
        %squeeze3A_196 = vector.extract %slice3A_195[0] : i32 from vector<1xi32>
        %get3A_197 = arith.index_cast %squeeze3A_189 : i32 to index
        %get3A_198 = tpu.vector_load %arg10[%get3A_197] {strides = array<i32>} : memref<104xi32, #tpu.memory_space<vmem>>, vector<16xi32>,
        %get3A_199 = vector.shape_cast %get3A_198 : vector<16xi32> to vector<16xi32>
        %slice3A_200 = vector.extract_strided_slice %get3A_199 {offsets = [0], sizes = [1], strides = [1]} : vector<16xi32> to vector<1xi32>
        %squeeze3A_201 = vector.extract %slice3A_200[0] : i32 from vector<1xi32>
        %add3A_202 = arith.addi %squeeze3A_201, %squeeze3A_196 : i32
        %mul3A_203 = arith.constant 16 : i32
        %mul3A_204 = arith.muli %scan3A_56, %mul3A_203 : i32
        %add3A_205 = arith.addi %add3A_49, %mul3A_204 : i32
        %add3A_206 = arith.constant 3 : i32
        %add3A_207 = arith.addi %add3A_205, %add3A_206 : i32
        %broadcast_in_dim3A_208 = vector.broadcast %add3A_207 : i32 to vector<16xi32>
        %swap3A_209 = arith.index_cast %add3A_202 : i32 to index
        %swap3A_210 = tpu.vector_load %arg7[%swap3A_209] {strides = array<i32>} : memref<51072xi32, #tpu.memory_space<vmem>>, vector<16xi32>,
        %swap3A_211 = vector.shape_cast %swap3A_210 : vector<16xi32> to vector<16xi32>
        %swap3A_212 = vector.shape_cast %broadcast_in_dim3A_208 : vector<16xi32> to vector<16xi32>
        tpu.vector_store %arg7[%swap3A_209], %swap3A_212 {strides = array<i32>} : memref<51072xi32, #tpu.memory_space<vmem>>, vector<16xi32>,
        %slice3A_213 = vector.extract_strided_slice %sub3A {offsets = [3], sizes = [1], strides = [1]} : vector<16xi32> to vector<1xi32>
        %squeeze3A_214 = vector.extract %slice3A_213[0] : i32 from vector<1xi32>
        %broadcast_in_dim3A_215 = vector.broadcast %squeeze3A_214 : i32 to vector<16xi32>
        %swap3A_216 = arith.index_cast %add3A_202 : i32 to index
        %swap3A_217 = tpu.vector_load %arg8[%swap3A_216] {strides = array<i32>} : memref<51072xi32, #tpu.memory_space<vmem>>, vector<16xi32>,
        %swap3A_218 = vector.shape_cast %swap3A_217 : vector<16xi32> to vector<16xi32>
        %swap3A_219 = vector.shape_cast %broadcast_in_dim3A_215 : vector<16xi32> to vector<16xi32>
        tpu.vector_store %arg8[%swap3A_216], %swap3A_219 {strides = array<i32>} : memref<51072xi32, #tpu.memory_space<vmem>>, vector<16xi32>,
        %add3A_220 = arith.constant 1 : i32
        %add3A_221 = arith.addi %squeeze3A_196, %add3A_220 : i32
        %broadcast_in_dim3A_222 = vector.broadcast %add3A_221 : i32 to vector<16xi32>
        %swap3A_223 = arith.index_cast %mul3A_191 : i32 to index
        %swap3A_224 = tpu.vector_load %arg9[%swap3A_223] {strides = array<i32>} : memref<1664xi32, #tpu.memory_space<vmem>>, vector<16xi32>,
        %swap3A_225 = vector.shape_cast %swap3A_224 : vector<16xi32> to vector<16xi32>
        %swap3A_226 = vector.shape_cast %broadcast_in_dim3A_222 : vector<16xi32> to vector<16xi32>
        tpu.vector_store %arg9[%swap3A_223], %swap3A_226 {strides = array<i32>} : memref<1664xi32, #tpu.memory_space<vmem>>, vector<16xi32>,
        %slice3A_227 = vector.extract_strided_slice %shift_right_arithmetic3A_70 {offsets = [4], sizes = [1], strides = [1]} : vector<16xi32> to vector<1xi32>
        %squeeze3A_228 = vector.extract %slice3A_227[0] : i32 from vector<1xi32>
        %mul3A_229 = arith.constant 16 : i32
        %mul3A_230 = arith.muli %squeeze3A_228, %mul3A_229 : i32
        %get3A_231 = arith.index_cast %mul3A_230 : i32 to index
        %get3A_232 = tpu.vector_load %arg9[%get3A_231] {strides = array<i32>} : memref<1664xi32, #tpu.memory_space<vmem>>, vector<16xi32>,
        %get3A_233 = vector.shape_cast %get3A_232 : vector<16xi32> to vector<16xi32>
        %slice3A_234 = vector.extract_strided_slice %get3A_233 {offsets = [0], sizes = [1], strides = [1]} : vector<16xi32> to vector<1xi32>
        %squeeze3A_235 = vector.extract %slice3A_234[0] : i32 from vector<1xi32>
        %get3A_236 = arith.index_cast %squeeze3A_228 : i32 to index
        %get3A_237 = tpu.vector_load %arg10[%get3A_236] {strides = array<i32>} : memref<104xi32, #tpu.memory_space<vmem>>, vector<16xi32>,
        %get3A_238 = vector.shape_cast %get3A_237 : vector<16xi32> to vector<16xi32>
        %slice3A_239 = vector.extract_strided_slice %get3A_238 {offsets = [0], sizes = [1], strides = [1]} : vector<16xi32> to vector<1xi32>
        %squeeze3A_240 = vector.extract %slice3A_239[0] : i32 from vector<1xi32>
        %add3A_241 = arith.addi %squeeze3A_240, %squeeze3A_235 : i32
        %mul3A_242 = arith.constant 16 : i32
        %mul3A_243 = arith.muli %scan3A_56, %mul3A_242 : i32
        %add3A_244 = arith.addi %add3A_49, %mul3A_243 : i32
        %add3A_245 = arith.constant 4 : i32
        %add3A_246 = arith.addi %add3A_244, %add3A_245 : i32
        %broadcast_in_dim3A_247 = vector.broadcast %add3A_246 : i32 to vector<16xi32>
        %swap3A_248 = arith.index_cast %add3A_241 : i32 to index
        %swap3A_249 = tpu.vector_load %arg7[%swap3A_248] {strides = array<i32>} : memref<51072xi32, #tpu.memory_space<vmem>>, vector<16xi32>,
        %swap3A_250 = vector.shape_cast %swap3A_249 : vector<16xi32> to vector<16xi32>
        %swap3A_251 = vector.shape_cast %broadcast_in_dim3A_247 : vector<16xi32> to vector<16xi32>
        tpu.vector_store %arg7[%swap3A_248], %swap3A_251 {strides = array<i32>} : memref<51072xi32, #tpu.memory_space<vmem>>, vector<16xi32>,
        %slice3A_252 = vector.extract_strided_slice %sub3A {offsets = [4], sizes = [1], strides = [1]} : vector<16xi32> to vector<1xi32>
        %squeeze3A_253 = vector.extract %slice3A_252[0] : i32 from vector<1xi32>
        %broadcast_in_dim3A_254 = vector.broadcast %squeeze3A_253 : i32 to vector<16xi32>
        %swap3A_255 = arith.index_cast %add3A_241 : i32 to index
        %swap3A_256 = tpu.vector_load %arg8[%swap3A_255] {strides = array<i32>} : memref<51072xi32, #tpu.memory_space<vmem>>, vector<16xi32>,
        %swap3A_257 = vector.shape_cast %swap3A_256 : vector<16xi32> to vector<16xi32>
        %swap3A_258 = vector.shape_cast %broadcast_in_dim3A_254 : vector<16xi32> to vector<16xi32>
        tpu.vector_store %arg8[%swap3A_255], %swap3A_258 {strides = array<i32>} : memref<51072xi32, #tpu.memory_space<vmem>>, vector<16xi32>,
        %add3A_259 = arith.constant 1 : i32
        %add3A_260 = arith.addi %squeeze3A_235, %add3A_259 : i32
        %broadcast_in_dim3A_261 = vector.broadcast %add3A_260 : i32 to vector<16xi32>
        %swap3A_262 = arith.index_cast %mul3A_230 : i32 to index
        %swap3A_263 = tpu.vector_load %arg9[%swap3A_262] {strides = array<i32>} : memref<1664xi32, #tpu.memory_space<vmem>>, vector<16xi32>,
        %swap3A_264 = vector.shape_cast %swap3A_263 : vector<16xi32> to vector<16xi32>
        %swap3A_265 = vector.shape_cast %broadcast_in_dim3A_261 : vector<16xi32> to vector<16xi32>
        tpu.vector_store %arg9[%swap3A_262], %swap3A_265 {strides = array<i32>} : memref<1664xi32, #tpu.memory_space<vmem>>, vector<16xi32>,
        %slice3A_266 = vector.extract_strided_slice %shift_right_arithmetic3A_70 {offsets = [5], sizes = [1], strides = [1]} : vector<16xi32> to vector<1xi32>
        %squeeze3A_267 = vector.extract %slice3A_266[0] : i32 from vector<1xi32>
        %mul3A_268 = arith.constant 16 : i32
        %mul3A_269 = arith.muli %squeeze3A_267, %mul3A_268 : i32
        %get3A_270 = arith.index_cast %mul3A_269 : i32 to index
        %get3A_271 = tpu.vector_load %arg9[%get3A_270] {strides = array<i32>} : memref<1664xi32, #tpu.memory_space<vmem>>, vector<16xi32>,
        %get3A_272 = vector.shape_cast %get3A_271 : vector<16xi32> to vector<16xi32>
        %slice3A_273 = vector.extract_strided_slice %get3A_272 {offsets = [0], sizes = [1], strides = [1]} : vector<16xi32> to vector<1xi32>
        %squeeze3A_274 = vector.extract %slice3A_273[0] : i32 from vector<1xi32>
        %get3A_275 = arith.index_cast %squeeze3A_267 : i32 to index
        %get3A_276 = tpu.vector_load %arg10[%get3A_275] {strides = array<i32>} : memref<104xi32, #tpu.memory_space<vmem>>, vector<16xi32>,
        %get3A_277 = vector.shape_cast %get3A_276 : vector<16xi32> to vector<16xi32>
        %slice3A_278 = vector.extract_strided_slice %get3A_277 {offsets = [0], sizes = [1], strides = [1]} : vector<16xi32> to vector<1xi32>
        %squeeze3A_279 = vector.extract %slice3A_278[0] : i32 from vector<1xi32>
        %add3A_280 = arith.addi %squeeze3A_279, %squeeze3A_274 : i32
        %mul3A_281 = arith.constant 16 : i32
        %mul3A_282 = arith.muli %scan3A_56, %mul3A_281 : i32
        %add3A_283 = arith.addi %add3A_49, %mul3A_282 : i32
        %add3A_284 = arith.constant 5 : i32
        %add3A_285 = arith.addi %add3A_283, %add3A_284 : i32
        %broadcast_in_dim3A_286 = vector.broadcast %add3A_285 : i32 to vector<16xi32>
        %swap3A_287 = arith.index_cast %add3A_280 : i32 to index
        %swap3A_288 = tpu.vector_load %arg7[%swap3A_287] {strides = array<i32>} : memref<51072xi32, #tpu.memory_space<vmem>>, vector<16xi32>,
        %swap3A_289 = vector.shape_cast %swap3A_288 : vector<16xi32> to vector<16xi32>
        %swap3A_290 = vector.shape_cast %broadcast_in_dim3A_286 : vector<16xi32> to vector<16xi32>
        tpu.vector_store %arg7[%swap3A_287], %swap3A_290 {strides = array<i32>} : memref<51072xi32, #tpu.memory_space<vmem>>, vector<16xi32>,
        %slice3A_291 = vector.extract_strided_slice %sub3A {offsets = [5], sizes = [1], strides = [1]} : vector<16xi32> to vector<1xi32>
        %squeeze3A_292 = vector.extract %slice3A_291[0] : i32 from vector<1xi32>
        %broadcast_in_dim3A_293 = vector.broadcast %squeeze3A_292 : i32 to vector<16xi32>
        %swap3A_294 = arith.index_cast %add3A_280 : i32 to index
        %swap3A_295 = tpu.vector_load %arg8[%swap3A_294] {strides = array<i32>} : memref<51072xi32, #tpu.memory_space<vmem>>, vector<16xi32>,
        %swap3A_296 = vector.shape_cast %swap3A_295 : vector<16xi32> to vector<16xi32>
        %swap3A_297 = vector.shape_cast %broadcast_in_dim3A_293 : vector<16xi32> to vector<16xi32>
        tpu.vector_store %arg8[%swap3A_294], %swap3A_297 {strides = array<i32>} : memref<51072xi32, #tpu.memory_space<vmem>>, vector<16xi32>,
        %add3A_298 = arith.constant 1 : i32
        %add3A_299 = arith.addi %squeeze3A_274, %add3A_298 : i32
        %broadcast_in_dim3A_300 = vector.broadcast %add3A_299 : i32 to vector<16xi32>
        %swap3A_301 = arith.index_cast %mul3A_269 : i32 to index
        %swap3A_302 = tpu.vector_load %arg9[%swap3A_301] {strides = array<i32>} : memref<1664xi32, #tpu.memory_space<vmem>>, vector<16xi32>,
        %swap3A_303 = vector.shape_cast %swap3A_302 : vector<16xi32> to vector<16xi32>
        %swap3A_304 = vector.shape_cast %broadcast_in_dim3A_300 : vector<16xi32> to vector<16xi32>
        tpu.vector_store %arg9[%swap3A_301], %swap3A_304 {strides = array<i32>} : memref<1664xi32, #tpu.memory_space<vmem>>, vector<16xi32>,
        %slice3A_305 = vector.extract_strided_slice %shift_right_arithmetic3A_70 {offsets = [6], sizes = [1], strides = [1]} : vector<16xi32> to vector<1xi32>
        %squeeze3A_306 = vector.extract %slice3A_305[0] : i32 from vector<1xi32>
        %mul3A_307 = arith.constant 16 : i32
        %mul3A_308 = arith.muli %squeeze3A_306, %mul3A_307 : i32
        %get3A_309 = arith.index_cast %mul3A_308 : i32 to index
        %get3A_310 = tpu.vector_load %arg9[%get3A_309] {strides = array<i32>} : memref<1664xi32, #tpu.memory_space<vmem>>, vector<16xi32>,
        %get3A_311 = vector.shape_cast %get3A_310 : vector<16xi32> to vector<16xi32>
        %slice3A_312 = vector.extract_strided_slice %get3A_311 {offsets = [0], sizes = [1], strides = [1]} : vector<16xi32> to vector<1xi32>
        %squeeze3A_313 = vector.extract %slice3A_312[0] : i32 from vector<1xi32>
        %get3A_314 = arith.index_cast %squeeze3A_306 : i32 to index
        %get3A_315 = tpu.vector_load %arg10[%get3A_314] {strides = array<i32>} : memref<104xi32, #tpu.memory_space<vmem>>, vector<16xi32>,
        %get3A_316 = vector.shape_cast %get3A_315 : vector<16xi32> to vector<16xi32>
        %slice3A_317 = vector.extract_strided_slice %get3A_316 {offsets = [0], sizes = [1], strides = [1]} : vector<16xi32> to vector<1xi32>
        %squeeze3A_318 = vector.extract %slice3A_317[0] : i32 from vector<1xi32>
        %add3A_319 = arith.addi %squeeze3A_318, %squeeze3A_313 : i32
        %mul3A_320 = arith.constant 16 : i32
        %mul3A_321 = arith.muli %scan3A_56, %mul3A_320 : i32
        %add3A_322 = arith.addi %add3A_49, %mul3A_321 : i32
        %add3A_323 = arith.constant 6 : i32
        %add3A_324 = arith.addi %add3A_322, %add3A_323 : i32
        %broadcast_in_dim3A_325 = vector.broadcast %add3A_324 : i32 to vector<16xi32>
        %swap3A_326 = arith.index_cast %add3A_319 : i32 to index
        %swap3A_327 = tpu.vector_load %arg7[%swap3A_326] {strides = array<i32>} : memref<51072xi32, #tpu.memory_space<vmem>>, vector<16xi32>,
        %swap3A_328 = vector.shape_cast %swap3A_327 : vector<16xi32> to vector<16xi32>
        %swap3A_329 = vector.shape_cast %broadcast_in_dim3A_325 : vector<16xi32> to vector<16xi32>
        tpu.vector_store %arg7[%swap3A_326], %swap3A_329 {strides = array<i32>} : memref<51072xi32, #tpu.memory_space<vmem>>, vector<16xi32>,
        %slice3A_330 = vector.extract_strided_slice %sub3A {offsets = [6], sizes = [1], strides = [1]} : vector<16xi32> to vector<1xi32>
        %squeeze3A_331 = vector.extract %slice3A_330[0] : i32 from vector<1xi32>
        %broadcast_in_dim3A_332 = vector.broadcast %squeeze3A_331 : i32 to vector<16xi32>
        %swap3A_333 = arith.index_cast %add3A_319 : i32 to index
        %swap3A_334 = tpu.vector_load %arg8[%swap3A_333] {strides = array<i32>} : memref<51072xi32, #tpu.memory_space<vmem>>, vector<16xi32>,
        %swap3A_335 = vector.shape_cast %swap3A_334 : vector<16xi32> to vector<16xi32>
        %swap3A_336 = vector.shape_cast %broadcast_in_dim3A_332 : vector<16xi32> to vector<16xi32>
        tpu.vector_store %arg8[%swap3A_333], %swap3A_336 {strides = array<i32>} : memref<51072xi32, #tpu.memory_space<vmem>>, vector<16xi32>,
        %add3A_337 = arith.constant 1 : i32
        %add3A_338 = arith.addi %squeeze3A_313, %add3A_337 : i32
        %broadcast_in_dim3A_339 = vector.broadcast %add3A_338 : i32 to vector<16xi32>
        %swap3A_340 = arith.index_cast %mul3A_308 : i32 to index
        %swap3A_341 = tpu.vector_load %arg9[%swap3A_340] {strides = array<i32>} : memref<1664xi32, #tpu.memory_space<vmem>>, vector<16xi32>,
        %swap3A_342 = vector.shape_cast %swap3A_341 : vector<16xi32> to vector<16xi32>
        %swap3A_343 = vector.shape_cast %broadcast_in_dim3A_339 : vector<16xi32> to vector<16xi32>
        tpu.vector_store %arg9[%swap3A_340], %swap3A_343 {strides = array<i32>} : memref<1664xi32, #tpu.memory_space<vmem>>, vector<16xi32>,
        %slice3A_344 = vector.extract_strided_slice %shift_right_arithmetic3A_70 {offsets = [7], sizes = [1], strides = [1]} : vector<16xi32> to vector<1xi32>
        %squeeze3A_345 = vector.extract %slice3A_344[0] : i32 from vector<1xi32>
        %mul3A_346 = arith.constant 16 : i32
        %mul3A_347 = arith.muli %squeeze3A_345, %mul3A_346 : i32
        %get3A_348 = arith.index_cast %mul3A_347 : i32 to index
        %get3A_349 = tpu.vector_load %arg9[%get3A_348] {strides = array<i32>} : memref<1664xi32, #tpu.memory_space<vmem>>, vector<16xi32>,
        %get3A_350 = vector.shape_cast %get3A_349 : vector<16xi32> to vector<16xi32>
        %slice3A_351 = vector.extract_strided_slice %get3A_350 {offsets = [0], sizes = [1], strides = [1]} : vector<16xi32> to vector<1xi32>
        %squeeze3A_352 = vector.extract %slice3A_351[0] : i32 from vector<1xi32>
        %get3A_353 = arith.index_cast %squeeze3A_345 : i32 to index
        %get3A_354 = tpu.vector_load %arg10[%get3A_353] {strides = array<i32>} : memref<104xi32, #tpu.memory_space<vmem>>, vector<16xi32>,
        %get3A_355 = vector.shape_cast %get3A_354 : vector<16xi32> to vector<16xi32>
        %slice3A_356 = vector.extract_strided_slice %get3A_355 {offsets = [0], sizes = [1], strides = [1]} : vector<16xi32> to vector<1xi32>
        %squeeze3A_357 = vector.extract %slice3A_356[0] : i32 from vector<1xi32>
        %add3A_358 = arith.addi %squeeze3A_357, %squeeze3A_352 : i32
        %mul3A_359 = arith.constant 16 : i32
        %mul3A_360 = arith.muli %scan3A_56, %mul3A_359 : i32
        %add3A_361 = arith.addi %add3A_49, %mul3A_360 : i32
        %add3A_362 = arith.constant 7 : i32
        %add3A_363 = arith.addi %add3A_361, %add3A_362 : i32
        %broadcast_in_dim3A_364 = vector.broadcast %add3A_363 : i32 to vector<16xi32>
        %swap3A_365 = arith.index_cast %add3A_358 : i32 to index
        %swap3A_366 = tpu.vector_load %arg7[%swap3A_365] {strides = array<i32>} : memref<51072xi32, #tpu.memory_space<vmem>>, vector<16xi32>,
        %swap3A_367 = vector.shape_cast %swap3A_366 : vector<16xi32> to vector<16xi32>
        %swap3A_368 = vector.shape_cast %broadcast_in_dim3A_364 : vector<16xi32> to vector<16xi32>
        tpu.vector_store %arg7[%swap3A_365], %swap3A_368 {strides = array<i32>} : memref<51072xi32, #tpu.memory_space<vmem>>, vector<16xi32>,
        %slice3A_369 = vector.extract_strided_slice %sub3A {offsets = [7], sizes = [1], strides = [1]} : vector<16xi32> to vector<1xi32>
        %squeeze3A_370 = vector.extract %slice3A_369[0] : i32 from vector<1xi32>
        %broadcast_in_dim3A_371 = vector.broadcast %squeeze3A_370 : i32 to vector<16xi32>
        %swap3A_372 = arith.index_cast %add3A_358 : i32 to index
        %swap3A_373 = tpu.vector_load %arg8[%swap3A_372] {strides = array<i32>} : memref<51072xi32, #tpu.memory_space<vmem>>, vector<16xi32>,
        %swap3A_374 = vector.shape_cast %swap3A_373 : vector<16xi32> to vector<16xi32>
        %swap3A_375 = vector.shape_cast %broadcast_in_dim3A_371 : vector<16xi32> to vector<16xi32>
        tpu.vector_store %arg8[%swap3A_372], %swap3A_375 {strides = array<i32>} : memref<51072xi32, #tpu.memory_space<vmem>>, vector<16xi32>,
        %add3A_376 = arith.constant 1 : i32
        %add3A_377 = arith.addi %squeeze3A_352, %add3A_376 : i32
        %broadcast_in_dim3A_378 = vector.broadcast %add3A_377 : i32 to vector<16xi32>
        %swap3A_379 = arith.index_cast %mul3A_347 : i32 to index
        %swap3A_380 = tpu.vector_load %arg9[%swap3A_379] {strides = array<i32>} : memref<1664xi32, #tpu.memory_space<vmem>>, vector<16xi32>,
        %swap3A_381 = vector.shape_cast %swap3A_380 : vector<16xi32> to vector<16xi32>
        %swap3A_382 = vector.shape_cast %broadcast_in_dim3A_378 : vector<16xi32> to vector<16xi32>
        tpu.vector_store %arg9[%swap3A_379], %swap3A_382 {strides = array<i32>} : memref<1664xi32, #tpu.memory_space<vmem>>, vector<16xi32>,
        %slice3A_383 = vector.extract_strided_slice %shift_right_arithmetic3A_70 {offsets = [8], sizes = [1], strides = [1]} : vector<16xi32> to vector<1xi32>
        %squeeze3A_384 = vector.extract %slice3A_383[0] : i32 from vector<1xi32>
        %mul3A_385 = arith.constant 16 : i32
        %mul3A_386 = arith.muli %squeeze3A_384, %mul3A_385 : i32
        %get3A_387 = arith.index_cast %mul3A_386 : i32 to index
        %get3A_388 = tpu.vector_load %arg9[%get3A_387] {strides = array<i32>} : memref<1664xi32, #tpu.memory_space<vmem>>, vector<16xi32>,
        %get3A_389 = vector.shape_cast %get3A_388 : vector<16xi32> to vector<16xi32>
        %slice3A_390 = vector.extract_strided_slice %get3A_389 {offsets = [0], sizes = [1], strides = [1]} : vector<16xi32> to vector<1xi32>
        %squeeze3A_391 = vector.extract %slice3A_390[0] : i32 from vector<1xi32>
        %get3A_392 = arith.index_cast %squeeze3A_384 : i32 to index
        %get3A_393 = tpu.vector_load %arg10[%get3A_392] {strides = array<i32>} : memref<104xi32, #tpu.memory_space<vmem>>, vector<16xi32>,
        %get3A_394 = vector.shape_cast %get3A_393 : vector<16xi32> to vector<16xi32>
        %slice3A_395 = vector.extract_strided_slice %get3A_394 {offsets = [0], sizes = [1], strides = [1]} : vector<16xi32> to vector<1xi32>
        %squeeze3A_396 = vector.extract %slice3A_395[0] : i32 from vector<1xi32>
        %add3A_397 = arith.addi %squeeze3A_396, %squeeze3A_391 : i32
        %mul3A_398 = arith.constant 16 : i32
        %mul3A_399 = arith.muli %scan3A_56, %mul3A_398 : i32
        %add3A_400 = arith.addi %add3A_49, %mul3A_399 : i32
        %add3A_401 = arith.constant 8 : i32
        %add3A_402 = arith.addi %add3A_400, %add3A_401 : i32
        %broadcast_in_dim3A_403 = vector.broadcast %add3A_402 : i32 to vector<16xi32>
        %swap3A_404 = arith.index_cast %add3A_397 : i32 to index
        %swap3A_405 = tpu.vector_load %arg7[%swap3A_404] {strides = array<i32>} : memref<51072xi32, #tpu.memory_space<vmem>>, vector<16xi32>,
        %swap3A_406 = vector.shape_cast %swap3A_405 : vector<16xi32> to vector<16xi32>
        %swap3A_407 = vector.shape_cast %broadcast_in_dim3A_403 : vector<16xi32> to vector<16xi32>
        tpu.vector_store %arg7[%swap3A_404], %swap3A_407 {strides = array<i32>} : memref<51072xi32, #tpu.memory_space<vmem>>, vector<16xi32>,
        %slice3A_408 = vector.extract_strided_slice %sub3A {offsets = [8], sizes = [1], strides = [1]} : vector<16xi32> to vector<1xi32>
        %squeeze3A_409 = vector.extract %slice3A_408[0] : i32 from vector<1xi32>
        %broadcast_in_dim3A_410 = vector.broadcast %squeeze3A_409 : i32 to vector<16xi32>
        %swap3A_411 = arith.index_cast %add3A_397 : i32 to index
        %swap3A_412 = tpu.vector_load %arg8[%swap3A_411] {strides = array<i32>} : memref<51072xi32, #tpu.memory_space<vmem>>, vector<16xi32>,
        %swap3A_413 = vector.shape_cast %swap3A_412 : vector<16xi32> to vector<16xi32>
        %swap3A_414 = vector.shape_cast %broadcast_in_dim3A_410 : vector<16xi32> to vector<16xi32>
        tpu.vector_store %arg8[%swap3A_411], %swap3A_414 {strides = array<i32>} : memref<51072xi32, #tpu.memory_space<vmem>>, vector<16xi32>,
        %add3A_415 = arith.constant 1 : i32
        %add3A_416 = arith.addi %squeeze3A_391, %add3A_415 : i32
        %broadcast_in_dim3A_417 = vector.broadcast %add3A_416 : i32 to vector<16xi32>
        %swap3A_418 = arith.index_cast %mul3A_386 : i32 to index
        %swap3A_419 = tpu.vector_load %arg9[%swap3A_418] {strides = array<i32>} : memref<1664xi32, #tpu.memory_space<vmem>>, vector<16xi32>,
        %swap3A_420 = vector.shape_cast %swap3A_419 : vector<16xi32> to vector<16xi32>
        %swap3A_421 = vector.shape_cast %broadcast_in_dim3A_417 : vector<16xi32> to vector<16xi32>
        tpu.vector_store %arg9[%swap3A_418], %swap3A_421 {strides = array<i32>} : memref<1664xi32, #tpu.memory_space<vmem>>, vector<16xi32>,
        %slice3A_422 = vector.extract_strided_slice %shift_right_arithmetic3A_70 {offsets = [9], sizes = [1], strides = [1]} : vector<16xi32> to vector<1xi32>
        %squeeze3A_423 = vector.extract %slice3A_422[0] : i32 from vector<1xi32>
        %mul3A_424 = arith.constant 16 : i32
        %mul3A_425 = arith.muli %squeeze3A_423, %mul3A_424 : i32
        %get3A_426 = arith.index_cast %mul3A_425 : i32 to index
        %get3A_427 = tpu.vector_load %arg9[%get3A_426] {strides = array<i32>} : memref<1664xi32, #tpu.memory_space<vmem>>, vector<16xi32>,
        %get3A_428 = vector.shape_cast %get3A_427 : vector<16xi32> to vector<16xi32>
        %slice3A_429 = vector.extract_strided_slice %get3A_428 {offsets = [0], sizes = [1], strides = [1]} : vector<16xi32> to vector<1xi32>
        %squeeze3A_430 = vector.extract %slice3A_429[0] : i32 from vector<1xi32>
        %get3A_431 = arith.index_cast %squeeze3A_423 : i32 to index
        %get3A_432 = tpu.vector_load %arg10[%get3A_431] {strides = array<i32>} : memref<104xi32, #tpu.memory_space<vmem>>, vector<16xi32>,
        %get3A_433 = vector.shape_cast %get3A_432 : vector<16xi32> to vector<16xi32>
        %slice3A_434 = vector.extract_strided_slice %get3A_433 {offsets = [0], sizes = [1], strides = [1]} : vector<16xi32> to vector<1xi32>
        %squeeze3A_435 = vector.extract %slice3A_434[0] : i32 from vector<1xi32>
        %add3A_436 = arith.addi %squeeze3A_435, %squeeze3A_430 : i32
        %mul3A_437 = arith.constant 16 : i32
        %mul3A_438 = arith.muli %scan3A_56, %mul3A_437 : i32
        %add3A_439 = arith.addi %add3A_49, %mul3A_438 : i32
        %add3A_440 = arith.constant 9 : i32
        %add3A_441 = arith.addi %add3A_439, %add3A_440 : i32
        %broadcast_in_dim3A_442 = vector.broadcast %add3A_441 : i32 to vector<16xi32>
        %swap3A_443 = arith.index_cast %add3A_436 : i32 to index
        %swap3A_444 = tpu.vector_load %arg7[%swap3A_443] {strides = array<i32>} : memref<51072xi32, #tpu.memory_space<vmem>>, vector<16xi32>,
        %swap3A_445 = vector.shape_cast %swap3A_444 : vector<16xi32> to vector<16xi32>
        %swap3A_446 = vector.shape_cast %broadcast_in_dim3A_442 : vector<16xi32> to vector<16xi32>
        tpu.vector_store %arg7[%swap3A_443], %swap3A_446 {strides = array<i32>} : memref<51072xi32, #tpu.memory_space<vmem>>, vector<16xi32>,
        %slice3A_447 = vector.extract_strided_slice %sub3A {offsets = [9], sizes = [1], strides = [1]} : vector<16xi32> to vector<1xi32>
        %squeeze3A_448 = vector.extract %slice3A_447[0] : i32 from vector<1xi32>
        %broadcast_in_dim3A_449 = vector.broadcast %squeeze3A_448 : i32 to vector<16xi32>
        %swap3A_450 = arith.index_cast %add3A_436 : i32 to index
        %swap3A_451 = tpu.vector_load %arg8[%swap3A_450] {strides = array<i32>} : memref<51072xi32, #tpu.memory_space<vmem>>, vector<16xi32>,
        %swap3A_452 = vector.shape_cast %swap3A_451 : vector<16xi32> to vector<16xi32>
        %swap3A_453 = vector.shape_cast %broadcast_in_dim3A_449 : vector<16xi32> to vector<16xi32>
        tpu.vector_store %arg8[%swap3A_450], %swap3A_453 {strides = array<i32>} : memref<51072xi32, #tpu.memory_space<vmem>>, vector<16xi32>,
        %add3A_454 = arith.constant 1 : i32
        %add3A_455 = arith.addi %squeeze3A_430, %add3A_454 : i32
        %broadcast_in_dim3A_456 = vector.broadcast %add3A_455 : i32 to vector<16xi32>
        %swap3A_457 = arith.index_cast %mul3A_425 : i32 to index
        %swap3A_458 = tpu.vector_load %arg9[%swap3A_457] {strides = array<i32>} : memref<1664xi32, #tpu.memory_space<vmem>>, vector<16xi32>,
        %swap3A_459 = vector.shape_cast %swap3A_458 : vector<16xi32> to vector<16xi32>
        %swap3A_460 = vector.shape_cast %broadcast_in_dim3A_456 : vector<16xi32> to vector<16xi32>
        tpu.vector_store %arg9[%swap3A_457], %swap3A_460 {strides = array<i32>} : memref<1664xi32, #tpu.memory_space<vmem>>, vector<16xi32>,
        %slice3A_461 = vector.extract_strided_slice %shift_right_arithmetic3A_70 {offsets = [10], sizes = [1], strides = [1]} : vector<16xi32> to vector<1xi32>
        %squeeze3A_462 = vector.extract %slice3A_461[0] : i32 from vector<1xi32>
        %mul3A_463 = arith.constant 16 : i32
        %mul3A_464 = arith.muli %squeeze3A_462, %mul3A_463 : i32
        %get3A_465 = arith.index_cast %mul3A_464 : i32 to index
        %get3A_466 = tpu.vector_load %arg9[%get3A_465] {strides = array<i32>} : memref<1664xi32, #tpu.memory_space<vmem>>, vector<16xi32>,
        %get3A_467 = vector.shape_cast %get3A_466 : vector<16xi32> to vector<16xi32>
        %slice3A_468 = vector.extract_strided_slice %get3A_467 {offsets = [0], sizes = [1], strides = [1]} : vector<16xi32> to vector<1xi32>
        %squeeze3A_469 = vector.extract %slice3A_468[0] : i32 from vector<1xi32>
        %get3A_470 = arith.index_cast %squeeze3A_462 : i32 to index
        %get3A_471 = tpu.vector_load %arg10[%get3A_470] {strides = array<i32>} : memref<104xi32, #tpu.memory_space<vmem>>, vector<16xi32>,
        %get3A_472 = vector.shape_cast %get3A_471 : vector<16xi32> to vector<16xi32>
        %slice3A_473 = vector.extract_strided_slice %get3A_472 {offsets = [0], sizes = [1], strides = [1]} : vector<16xi32> to vector<1xi32>
        %squeeze3A_474 = vector.extract %slice3A_473[0] : i32 from vector<1xi32>
        %add3A_475 = arith.addi %squeeze3A_474, %squeeze3A_469 : i32
        %mul3A_476 = arith.constant 16 : i32
        %mul3A_477 = arith.muli %scan3A_56, %mul3A_476 : i32
        %add3A_478 = arith.addi %add3A_49, %mul3A_477 : i32
        %add3A_479 = arith.constant 10 : i32
        %add3A_480 = arith.addi %add3A_478, %add3A_479 : i32
        %broadcast_in_dim3A_481 = vector.broadcast %add3A_480 : i32 to vector<16xi32>
        %swap3A_482 = arith.index_cast %add3A_475 : i32 to index
        %swap3A_483 = tpu.vector_load %arg7[%swap3A_482] {strides = array<i32>} : memref<51072xi32, #tpu.memory_space<vmem>>, vector<16xi32>,
        %swap3A_484 = vector.shape_cast %swap3A_483 : vector<16xi32> to vector<16xi32>
        %swap3A_485 = vector.shape_cast %broadcast_in_dim3A_481 : vector<16xi32> to vector<16xi32>
        tpu.vector_store %arg7[%swap3A_482], %swap3A_485 {strides = array<i32>} : memref<51072xi32, #tpu.memory_space<vmem>>, vector<16xi32>,
        %slice3A_486 = vector.extract_strided_slice %sub3A {offsets = [10], sizes = [1], strides = [1]} : vector<16xi32> to vector<1xi32>
        %squeeze3A_487 = vector.extract %slice3A_486[0] : i32 from vector<1xi32>
        %broadcast_in_dim3A_488 = vector.broadcast %squeeze3A_487 : i32 to vector<16xi32>
        %swap3A_489 = arith.index_cast %add3A_475 : i32 to index
        %swap3A_490 = tpu.vector_load %arg8[%swap3A_489] {strides = array<i32>} : memref<51072xi32, #tpu.memory_space<vmem>>, vector<16xi32>,
        %swap3A_491 = vector.shape_cast %swap3A_490 : vector<16xi32> to vector<16xi32>
        %swap3A_492 = vector.shape_cast %broadcast_in_dim3A_488 : vector<16xi32> to vector<16xi32>
        tpu.vector_store %arg8[%swap3A_489], %swap3A_492 {strides = array<i32>} : memref<51072xi32, #tpu.memory_space<vmem>>, vector<16xi32>,
        %add3A_493 = arith.constant 1 : i32
        %add3A_494 = arith.addi %squeeze3A_469, %add3A_493 : i32
        %broadcast_in_dim3A_495 = vector.broadcast %add3A_494 : i32 to vector<16xi32>
        %swap3A_496 = arith.index_cast %mul3A_464 : i32 to index
        %swap3A_497 = tpu.vector_load %arg9[%swap3A_496] {strides = array<i32>} : memref<1664xi32, #tpu.memory_space<vmem>>, vector<16xi32>,
        %swap3A_498 = vector.shape_cast %swap3A_497 : vector<16xi32> to vector<16xi32>
        %swap3A_499 = vector.shape_cast %broadcast_in_dim3A_495 : vector<16xi32> to vector<16xi32>
        tpu.vector_store %arg9[%swap3A_496], %swap3A_499 {strides = array<i32>} : memref<1664xi32, #tpu.memory_space<vmem>>, vector<16xi32>,
        %slice3A_500 = vector.extract_strided_slice %shift_right_arithmetic3A_70 {offsets = [11], sizes = [1], strides = [1]} : vector<16xi32> to vector<1xi32>
        %squeeze3A_501 = vector.extract %slice3A_500[0] : i32 from vector<1xi32>
        %mul3A_502 = arith.constant 16 : i32
        %mul3A_503 = arith.muli %squeeze3A_501, %mul3A_502 : i32
        %get3A_504 = arith.index_cast %mul3A_503 : i32 to index
        %get3A_505 = tpu.vector_load %arg9[%get3A_504] {strides = array<i32>} : memref<1664xi32, #tpu.memory_space<vmem>>, vector<16xi32>,
        %get3A_506 = vector.shape_cast %get3A_505 : vector<16xi32> to vector<16xi32>
        %slice3A_507 = vector.extract_strided_slice %get3A_506 {offsets = [0], sizes = [1], strides = [1]} : vector<16xi32> to vector<1xi32>
        %squeeze3A_508 = vector.extract %slice3A_507[0] : i32 from vector<1xi32>
        %get3A_509 = arith.index_cast %squeeze3A_501 : i32 to index
        %get3A_510 = tpu.vector_load %arg10[%get3A_509] {strides = array<i32>} : memref<104xi32, #tpu.memory_space<vmem>>, vector<16xi32>,
        %get3A_511 = vector.shape_cast %get3A_510 : vector<16xi32> to vector<16xi32>
        %slice3A_512 = vector.extract_strided_slice %get3A_511 {offsets = [0], sizes = [1], strides = [1]} : vector<16xi32> to vector<1xi32>
        %squeeze3A_513 = vector.extract %slice3A_512[0] : i32 from vector<1xi32>
        %add3A_514 = arith.addi %squeeze3A_513, %squeeze3A_508 : i32
        %mul3A_515 = arith.constant 16 : i32
        %mul3A_516 = arith.muli %scan3A_56, %mul3A_515 : i32
        %add3A_517 = arith.addi %add3A_49, %mul3A_516 : i32
        %add3A_518 = arith.constant 11 : i32
        %add3A_519 = arith.addi %add3A_517, %add3A_518 : i32
        %broadcast_in_dim3A_520 = vector.broadcast %add3A_519 : i32 to vector<16xi32>
        %swap3A_521 = arith.index_cast %add3A_514 : i32 to index
        %swap3A_522 = tpu.vector_load %arg7[%swap3A_521] {strides = array<i32>} : memref<51072xi32, #tpu.memory_space<vmem>>, vector<16xi32>,
        %swap3A_523 = vector.shape_cast %swap3A_522 : vector<16xi32> to vector<16xi32>
        %swap3A_524 = vector.shape_cast %broadcast_in_dim3A_520 : vector<16xi32> to vector<16xi32>
        tpu.vector_store %arg7[%swap3A_521], %swap3A_524 {strides = array<i32>} : memref<51072xi32, #tpu.memory_space<vmem>>, vector<16xi32>,
        %slice3A_525 = vector.extract_strided_slice %sub3A {offsets = [11], sizes = [1], strides = [1]} : vector<16xi32> to vector<1xi32>
        %squeeze3A_526 = vector.extract %slice3A_525[0] : i32 from vector<1xi32>
        %broadcast_in_dim3A_527 = vector.broadcast %squeeze3A_526 : i32 to vector<16xi32>
        %swap3A_528 = arith.index_cast %add3A_514 : i32 to index
        %swap3A_529 = tpu.vector_load %arg8[%swap3A_528] {strides = array<i32>} : memref<51072xi32, #tpu.memory_space<vmem>>, vector<16xi32>,
        %swap3A_530 = vector.shape_cast %swap3A_529 : vector<16xi32> to vector<16xi32>
        %swap3A_531 = vector.shape_cast %broadcast_in_dim3A_527 : vector<16xi32> to vector<16xi32>
        tpu.vector_store %arg8[%swap3A_528], %swap3A_531 {strides = array<i32>} : memref<51072xi32, #tpu.memory_space<vmem>>, vector<16xi32>,
        %add3A_532 = arith.constant 1 : i32
        %add3A_533 = arith.addi %squeeze3A_508, %add3A_532 : i32
        %broadcast_in_dim3A_534 = vector.broadcast %add3A_533 : i32 to vector<16xi32>
        %swap3A_535 = arith.index_cast %mul3A_503 : i32 to index
        %swap3A_536 = tpu.vector_load %arg9[%swap3A_535] {strides = array<i32>} : memref<1664xi32, #tpu.memory_space<vmem>>, vector<16xi32>,
        %swap3A_537 = vector.shape_cast %swap3A_536 : vector<16xi32> to vector<16xi32>
        %swap3A_538 = vector.shape_cast %broadcast_in_dim3A_534 : vector<16xi32> to vector<16xi32>
        tpu.vector_store %arg9[%swap3A_535], %swap3A_538 {strides = array<i32>} : memref<1664xi32, #tpu.memory_space<vmem>>, vector<16xi32>,
        %slice3A_539 = vector.extract_strided_slice %shift_right_arithmetic3A_70 {offsets = [12], sizes = [1], strides = [1]} : vector<16xi32> to vector<1xi32>
        %squeeze3A_540 = vector.extract %slice3A_539[0] : i32 from vector<1xi32>
        %mul3A_541 = arith.constant 16 : i32
        %mul3A_542 = arith.muli %squeeze3A_540, %mul3A_541 : i32
        %get3A_543 = arith.index_cast %mul3A_542 : i32 to index
        %get3A_544 = tpu.vector_load %arg9[%get3A_543] {strides = array<i32>} : memref<1664xi32, #tpu.memory_space<vmem>>, vector<16xi32>,
        %get3A_545 = vector.shape_cast %get3A_544 : vector<16xi32> to vector<16xi32>
        %slice3A_546 = vector.extract_strided_slice %get3A_545 {offsets = [0], sizes = [1], strides = [1]} : vector<16xi32> to vector<1xi32>
        %squeeze3A_547 = vector.extract %slice3A_546[0] : i32 from vector<1xi32>
        %get3A_548 = arith.index_cast %squeeze3A_540 : i32 to index
        %get3A_549 = tpu.vector_load %arg10[%get3A_548] {strides = array<i32>} : memref<104xi32, #tpu.memory_space<vmem>>, vector<16xi32>,
        %get3A_550 = vector.shape_cast %get3A_549 : vector<16xi32> to vector<16xi32>
        %slice3A_551 = vector.extract_strided_slice %get3A_550 {offsets = [0], sizes = [1], strides = [1]} : vector<16xi32> to vector<1xi32>
        %squeeze3A_552 = vector.extract %slice3A_551[0] : i32 from vector<1xi32>
        %add3A_553 = arith.addi %squeeze3A_552, %squeeze3A_547 : i32
        %mul3A_554 = arith.constant 16 : i32
        %mul3A_555 = arith.muli %scan3A_56, %mul3A_554 : i32
        %add3A_556 = arith.addi %add3A_49, %mul3A_555 : i32
        %add3A_557 = arith.constant 12 : i32
        %add3A_558 = arith.addi %add3A_556, %add3A_557 : i32
        %broadcast_in_dim3A_559 = vector.broadcast %add3A_558 : i32 to vector<16xi32>
        %swap3A_560 = arith.index_cast %add3A_553 : i32 to index
        %swap3A_561 = tpu.vector_load %arg7[%swap3A_560] {strides = array<i32>} : memref<51072xi32, #tpu.memory_space<vmem>>, vector<16xi32>,
        %swap3A_562 = vector.shape_cast %swap3A_561 : vector<16xi32> to vector<16xi32>
        %swap3A_563 = vector.shape_cast %broadcast_in_dim3A_559 : vector<16xi32> to vector<16xi32>
        tpu.vector_store %arg7[%swap3A_560], %swap3A_563 {strides = array<i32>} : memref<51072xi32, #tpu.memory_space<vmem>>, vector<16xi32>,
        %slice3A_564 = vector.extract_strided_slice %sub3A {offsets = [12], sizes = [1], strides = [1]} : vector<16xi32> to vector<1xi32>
        %squeeze3A_565 = vector.extract %slice3A_564[0] : i32 from vector<1xi32>
        %broadcast_in_dim3A_566 = vector.broadcast %squeeze3A_565 : i32 to vector<16xi32>
        %swap3A_567 = arith.index_cast %add3A_553 : i32 to index
        %swap3A_568 = tpu.vector_load %arg8[%swap3A_567] {strides = array<i32>} : memref<51072xi32, #tpu.memory_space<vmem>>, vector<16xi32>,
        %swap3A_569 = vector.shape_cast %swap3A_568 : vector<16xi32> to vector<16xi32>
        %swap3A_570 = vector.shape_cast %broadcast_in_dim3A_566 : vector<16xi32> to vector<16xi32>
        tpu.vector_store %arg8[%swap3A_567], %swap3A_570 {strides = array<i32>} : memref<51072xi32, #tpu.memory_space<vmem>>, vector<16xi32>,
        %add3A_571 = arith.constant 1 : i32
        %add3A_572 = arith.addi %squeeze3A_547, %add3A_571 : i32
        %broadcast_in_dim3A_573 = vector.broadcast %add3A_572 : i32 to vector<16xi32>
        %swap3A_574 = arith.index_cast %mul3A_542 : i32 to index
        %swap3A_575 = tpu.vector_load %arg9[%swap3A_574] {strides = array<i32>} : memref<1664xi32, #tpu.memory_space<vmem>>, vector<16xi32>,
        %swap3A_576 = vector.shape_cast %swap3A_575 : vector<16xi32> to vector<16xi32>
        %swap3A_577 = vector.shape_cast %broadcast_in_dim3A_573 : vector<16xi32> to vector<16xi32>
        tpu.vector_store %arg9[%swap3A_574], %swap3A_577 {strides = array<i32>} : memref<1664xi32, #tpu.memory_space<vmem>>, vector<16xi32>,
        %slice3A_578 = vector.extract_strided_slice %shift_right_arithmetic3A_70 {offsets = [13], sizes = [1], strides = [1]} : vector<16xi32> to vector<1xi32>
        %squeeze3A_579 = vector.extract %slice3A_578[0] : i32 from vector<1xi32>
        %mul3A_580 = arith.constant 16 : i32
        %mul3A_581 = arith.muli %squeeze3A_579, %mul3A_580 : i32
        %get3A_582 = arith.index_cast %mul3A_581 : i32 to index
        %get3A_583 = tpu.vector_load %arg9[%get3A_582] {strides = array<i32>} : memref<1664xi32, #tpu.memory_space<vmem>>, vector<16xi32>,
        %get3A_584 = vector.shape_cast %get3A_583 : vector<16xi32> to vector<16xi32>
        %slice3A_585 = vector.extract_strided_slice %get3A_584 {offsets = [0], sizes = [1], strides = [1]} : vector<16xi32> to vector<1xi32>
        %squeeze3A_586 = vector.extract %slice3A_585[0] : i32 from vector<1xi32>
        %get3A_587 = arith.index_cast %squeeze3A_579 : i32 to index
        %get3A_588 = tpu.vector_load %arg10[%get3A_587] {strides = array<i32>} : memref<104xi32, #tpu.memory_space<vmem>>, vector<16xi32>,
        %get3A_589 = vector.shape_cast %get3A_588 : vector<16xi32> to vector<16xi32>
        %slice3A_590 = vector.extract_strided_slice %get3A_589 {offsets = [0], sizes = [1], strides = [1]} : vector<16xi32> to vector<1xi32>
        %squeeze3A_591 = vector.extract %slice3A_590[0] : i32 from vector<1xi32>
        %add3A_592 = arith.addi %squeeze3A_591, %squeeze3A_586 : i32
        %mul3A_593 = arith.constant 16 : i32
        %mul3A_594 = arith.muli %scan3A_56, %mul3A_593 : i32
        %add3A_595 = arith.addi %add3A_49, %mul3A_594 : i32
        %add3A_596 = arith.constant 13 : i32
        %add3A_597 = arith.addi %add3A_595, %add3A_596 : i32
        %broadcast_in_dim3A_598 = vector.broadcast %add3A_597 : i32 to vector<16xi32>
        %swap3A_599 = arith.index_cast %add3A_592 : i32 to index
        %swap3A_600 = tpu.vector_load %arg7[%swap3A_599] {strides = array<i32>} : memref<51072xi32, #tpu.memory_space<vmem>>, vector<16xi32>,
        %swap3A_601 = vector.shape_cast %swap3A_600 : vector<16xi32> to vector<16xi32>
        %swap3A_602 = vector.shape_cast %broadcast_in_dim3A_598 : vector<16xi32> to vector<16xi32>
        tpu.vector_store %arg7[%swap3A_599], %swap3A_602 {strides = array<i32>} : memref<51072xi32, #tpu.memory_space<vmem>>, vector<16xi32>,
        %slice3A_603 = vector.extract_strided_slice %sub3A {offsets = [13], sizes = [1], strides = [1]} : vector<16xi32> to vector<1xi32>
        %squeeze3A_604 = vector.extract %slice3A_603[0] : i32 from vector<1xi32>
        %broadcast_in_dim3A_605 = vector.broadcast %squeeze3A_604 : i32 to vector<16xi32>
        %swap3A_606 = arith.index_cast %add3A_592 : i32 to index
        %swap3A_607 = tpu.vector_load %arg8[%swap3A_606] {strides = array<i32>} : memref<51072xi32, #tpu.memory_space<vmem>>, vector<16xi32>,
        %swap3A_608 = vector.shape_cast %swap3A_607 : vector<16xi32> to vector<16xi32>
        %swap3A_609 = vector.shape_cast %broadcast_in_dim3A_605 : vector<16xi32> to vector<16xi32>
        tpu.vector_store %arg8[%swap3A_606], %swap3A_609 {strides = array<i32>} : memref<51072xi32, #tpu.memory_space<vmem>>, vector<16xi32>,
        %add3A_610 = arith.constant 1 : i32
        %add3A_611 = arith.addi %squeeze3A_586, %add3A_610 : i32
        %broadcast_in_dim3A_612 = vector.broadcast %add3A_611 : i32 to vector<16xi32>
        %swap3A_613 = arith.index_cast %mul3A_581 : i32 to index
        %swap3A_614 = tpu.vector_load %arg9[%swap3A_613] {strides = array<i32>} : memref<1664xi32, #tpu.memory_space<vmem>>, vector<16xi32>,
        %swap3A_615 = vector.shape_cast %swap3A_614 : vector<16xi32> to vector<16xi32>
        %swap3A_616 = vector.shape_cast %broadcast_in_dim3A_612 : vector<16xi32> to vector<16xi32>
        tpu.vector_store %arg9[%swap3A_613], %swap3A_616 {strides = array<i32>} : memref<1664xi32, #tpu.memory_space<vmem>>, vector<16xi32>,
        %slice3A_617 = vector.extract_strided_slice %shift_right_arithmetic3A_70 {offsets = [14], sizes = [1], strides = [1]} : vector<16xi32> to vector<1xi32>
        %squeeze3A_618 = vector.extract %slice3A_617[0] : i32 from vector<1xi32>
        %mul3A_619 = arith.constant 16 : i32
        %mul3A_620 = arith.muli %squeeze3A_618, %mul3A_619 : i32
        %get3A_621 = arith.index_cast %mul3A_620 : i32 to index
        %get3A_622 = tpu.vector_load %arg9[%get3A_621] {strides = array<i32>} : memref<1664xi32, #tpu.memory_space<vmem>>, vector<16xi32>,
        %get3A_623 = vector.shape_cast %get3A_622 : vector<16xi32> to vector<16xi32>
        %slice3A_624 = vector.extract_strided_slice %get3A_623 {offsets = [0], sizes = [1], strides = [1]} : vector<16xi32> to vector<1xi32>
        %squeeze3A_625 = vector.extract %slice3A_624[0] : i32 from vector<1xi32>
        %get3A_626 = arith.index_cast %squeeze3A_618 : i32 to index
        %get3A_627 = tpu.vector_load %arg10[%get3A_626] {strides = array<i32>} : memref<104xi32, #tpu.memory_space<vmem>>, vector<16xi32>,
        %get3A_628 = vector.shape_cast %get3A_627 : vector<16xi32> to vector<16xi32>
        %slice3A_629 = vector.extract_strided_slice %get3A_628 {offsets = [0], sizes = [1], strides = [1]} : vector<16xi32> to vector<1xi32>
        %squeeze3A_630 = vector.extract %slice3A_629[0] : i32 from vector<1xi32>
        %add3A_631 = arith.addi %squeeze3A_630, %squeeze3A_625 : i32
        %mul3A_632 = arith.constant 16 : i32
        %mul3A_633 = arith.muli %scan3A_56, %mul3A_632 : i32
        %add3A_634 = arith.addi %add3A_49, %mul3A_633 : i32
        %add3A_635 = arith.constant 14 : i32
        %add3A_636 = arith.addi %add3A_634, %add3A_635 : i32
        %broadcast_in_dim3A_637 = vector.broadcast %add3A_636 : i32 to vector<16xi32>
        %swap3A_638 = arith.index_cast %add3A_631 : i32 to index
        %swap3A_639 = tpu.vector_load %arg7[%swap3A_638] {strides = array<i32>} : memref<51072xi32, #tpu.memory_space<vmem>>, vector<16xi32>,
        %swap3A_640 = vector.shape_cast %swap3A_639 : vector<16xi32> to vector<16xi32>
        %swap3A_641 = vector.shape_cast %broadcast_in_dim3A_637 : vector<16xi32> to vector<16xi32>
        tpu.vector_store %arg7[%swap3A_638], %swap3A_641 {strides = array<i32>} : memref<51072xi32, #tpu.memory_space<vmem>>, vector<16xi32>,
        %slice3A_642 = vector.extract_strided_slice %sub3A {offsets = [14], sizes = [1], strides = [1]} : vector<16xi32> to vector<1xi32>
        %squeeze3A_643 = vector.extract %slice3A_642[0] : i32 from vector<1xi32>
        %broadcast_in_dim3A_644 = vector.broadcast %squeeze3A_643 : i32 to vector<16xi32>
        %swap3A_645 = arith.index_cast %add3A_631 : i32 to index
        %swap3A_646 = tpu.vector_load %arg8[%swap3A_645] {strides = array<i32>} : memref<51072xi32, #tpu.memory_space<vmem>>, vector<16xi32>,
        %swap3A_647 = vector.shape_cast %swap3A_646 : vector<16xi32> to vector<16xi32>
        %swap3A_648 = vector.shape_cast %broadcast_in_dim3A_644 : vector<16xi32> to vector<16xi32>
        tpu.vector_store %arg8[%swap3A_645], %swap3A_648 {strides = array<i32>} : memref<51072xi32, #tpu.memory_space<vmem>>, vector<16xi32>,
        %add3A_649 = arith.constant 1 : i32
        %add3A_650 = arith.addi %squeeze3A_625, %add3A_649 : i32
        %broadcast_in_dim3A_651 = vector.broadcast %add3A_650 : i32 to vector<16xi32>
        %swap3A_652 = arith.index_cast %mul3A_620 : i32 to index
        %swap3A_653 = tpu.vector_load %arg9[%swap3A_652] {strides = array<i32>} : memref<1664xi32, #tpu.memory_space<vmem>>, vector<16xi32>,
        %swap3A_654 = vector.shape_cast %swap3A_653 : vector<16xi32> to vector<16xi32>
        %swap3A_655 = vector.shape_cast %broadcast_in_dim3A_651 : vector<16xi32> to vector<16xi32>
        tpu.vector_store %arg9[%swap3A_652], %swap3A_655 {strides = array<i32>} : memref<1664xi32, #tpu.memory_space<vmem>>, vector<16xi32>,
        %slice3A_656 = vector.extract_strided_slice %shift_right_arithmetic3A_70 {offsets = [15], sizes = [1], strides = [1]} : vector<16xi32> to vector<1xi32>
        %squeeze3A_657 = vector.extract %slice3A_656[0] : i32 from vector<1xi32>
        %mul3A_658 = arith.constant 16 : i32
        %mul3A_659 = arith.muli %squeeze3A_657, %mul3A_658 : i32
        %get3A_660 = arith.index_cast %mul3A_659 : i32 to index
        %get3A_661 = tpu.vector_load %arg9[%get3A_660] {strides = array<i32>} : memref<1664xi32, #tpu.memory_space<vmem>>, vector<16xi32>,
        %get3A_662 = vector.shape_cast %get3A_661 : vector<16xi32> to vector<16xi32>
        %slice3A_663 = vector.extract_strided_slice %get3A_662 {offsets = [0], sizes = [1], strides = [1]} : vector<16xi32> to vector<1xi32>
        %squeeze3A_664 = vector.extract %slice3A_663[0] : i32 from vector<1xi32>
        %get3A_665 = arith.index_cast %squeeze3A_657 : i32 to index
        %get3A_666 = tpu.vector_load %arg10[%get3A_665] {strides = array<i32>} : memref<104xi32, #tpu.memory_space<vmem>>, vector<16xi32>,
        %get3A_667 = vector.shape_cast %get3A_666 : vector<16xi32> to vector<16xi32>
        %slice3A_668 = vector.extract_strided_slice %get3A_667 {offsets = [0], sizes = [1], strides = [1]} : vector<16xi32> to vector<1xi32>
        %squeeze3A_669 = vector.extract %slice3A_668[0] : i32 from vector<1xi32>
        %add3A_670 = arith.addi %squeeze3A_669, %squeeze3A_664 : i32
        %mul3A_671 = arith.constant 16 : i32
        %mul3A_672 = arith.muli %scan3A_56, %mul3A_671 : i32
        %add3A_673 = arith.addi %add3A_49, %mul3A_672 : i32
        %add3A_674 = arith.constant 15 : i32
        %add3A_675 = arith.addi %add3A_673, %add3A_674 : i32
        %broadcast_in_dim3A_676 = vector.broadcast %add3A_675 : i32 to vector<16xi32>
        %swap3A_677 = arith.index_cast %add3A_670 : i32 to index
        %swap3A_678 = tpu.vector_load %arg7[%swap3A_677] {strides = array<i32>} : memref<51072xi32, #tpu.memory_space<vmem>>, vector<16xi32>,
        %swap3A_679 = vector.shape_cast %swap3A_678 : vector<16xi32> to vector<16xi32>
        %swap3A_680 = vector.shape_cast %broadcast_in_dim3A_676 : vector<16xi32> to vector<16xi32>
        tpu.vector_store %arg7[%swap3A_677], %swap3A_680 {strides = array<i32>} : memref<51072xi32, #tpu.memory_space<vmem>>, vector<16xi32>,
        %slice3A_681 = vector.extract_strided_slice %sub3A {offsets = [15], sizes = [1], strides = [1]} : vector<16xi32> to vector<1xi32>
        %squeeze3A_682 = vector.extract %slice3A_681[0] : i32 from vector<1xi32>
        %broadcast_in_dim3A_683 = vector.broadcast %squeeze3A_682 : i32 to vector<16xi32>
        %swap3A_684 = arith.index_cast %add3A_670 : i32 to index
        %swap3A_685 = tpu.vector_load %arg8[%swap3A_684] {strides = array<i32>} : memref<51072xi32, #tpu.memory_space<vmem>>, vector<16xi32>,
        %swap3A_686 = vector.shape_cast %swap3A_685 : vector<16xi32> to vector<16xi32>
        %swap3A_687 = vector.shape_cast %broadcast_in_dim3A_683 : vector<16xi32> to vector<16xi32>
        tpu.vector_store %arg8[%swap3A_684], %swap3A_687 {strides = array<i32>} : memref<51072xi32, #tpu.memory_space<vmem>>, vector<16xi32>,
        %add3A_688 = arith.constant 1 : i32
        %add3A_689 = arith.addi %squeeze3A_664, %add3A_688 : i32
        %broadcast_in_dim3A_690 = vector.broadcast %add3A_689 : i32 to vector<16xi32>
        %swap3A_691 = arith.index_cast %mul3A_659 : i32 to index
        %swap3A_692 = tpu.vector_load %arg9[%swap3A_691] {strides = array<i32>} : memref<1664xi32, #tpu.memory_space<vmem>>, vector<16xi32>,
        %swap3A_693 = vector.shape_cast %swap3A_692 : vector<16xi32> to vector<16xi32>
        %swap3A_694 = vector.shape_cast %broadcast_in_dim3A_690 : vector<16xi32> to vector<16xi32>
        tpu.vector_store %arg9[%swap3A_691], %swap3A_694 {strides = array<i32>} : memref<1664xi32, #tpu.memory_space<vmem>>, vector<16xi32>,
      }
      %scan3A_55 = arith.constant 392 : i32
    }
    %scan3A_39 = arith.constant 8 : i32
    %mul3A_40 = arith.constant 51072 : i32
    %mul3A_41 = arith.muli %add3A, %mul3A_40 : i32
    "tpu.region"() ({
      %run_scoped3A = tpu.sem_alloc : memref<!tpu.dma_semaphore, #tpu.memory_space<semaphore_mem>>
      %dma_start3A = tpu.memref_slice %arg3[%mul3A_41] : memref<1634304xi32, #tpu.memory_space<hbm>> -> memref<51072xi32, #tpu.memory_space<hbm>>
      %dma_start3A_46 = tpu.memref_slice %arg3[%mul3A_41] : memref<1634304xi32, #tpu.memory_space<hbm>> -> memref<51072xi32, #tpu.memory_space<hbm>>
      tpu.enqueue_dma source(%arg7 : memref<51072xi32, #tpu.memory_space<vmem>>) target(%dma_start3A_46 : memref<51072xi32, #tpu.memory_space<hbm>>) target_semaphore(%run_scoped3A : memref<!tpu.dma_semaphore, #tpu.memory_space<semaphore_mem>>)
      %dma_wait3A = tpu.memref_slice %arg3[%mul3A_41] : memref<1634304xi32, #tpu.memory_space<hbm>> -> memref<51072xi32, #tpu.memory_space<hbm>>
      %dma_wait3A_47 = tpu.memref_slice %arg3[%mul3A_41] : memref<1634304xi32, #tpu.memory_space<hbm>> -> memref<51072xi32, #tpu.memory_space<hbm>>
      tpu.wait_dma2 semaphore(%run_scoped3A : memref<!tpu.dma_semaphore, #tpu.memory_space<semaphore_mem>>) src(%arg7 : memref<51072xi32, #tpu.memory_space<vmem>>) dst(%dma_wait3A_47 : memref<51072xi32, #tpu.memory_space<hbm>>)
      tpu.yield
    }) : () -> ()
    %mul3A_42 = arith.constant 51072 : i32
    %mul3A_43 = arith.muli %add3A, %mul3A_42 : i32
    "tpu.region"() ({
      %run_scoped3A = tpu.sem_alloc : memref<!tpu.dma_semaphore, #tpu.memory_space<semaphore_mem>>
      %dma_start3A = tpu.memref_slice %arg4[%mul3A_43] : memref<1634304xi32, #tpu.memory_space<hbm>> -> memref<51072xi32, #tpu.memory_space<hbm>>
      %dma_start3A_46 = tpu.memref_slice %arg4[%mul3A_43] : memref<1634304xi32, #tpu.memory_space<hbm>> -> memref<51072xi32, #tpu.memory_space<hbm>>
      tpu.enqueue_dma source(%arg8 : memref<51072xi32, #tpu.memory_space<vmem>>) target(%dma_start3A_46 : memref<51072xi32, #tpu.memory_space<hbm>>) target_semaphore(%run_scoped3A : memref<!tpu.dma_semaphore, #tpu.memory_space<semaphore_mem>>)
      %dma_wait3A = tpu.memref_slice %arg4[%mul3A_43] : memref<1634304xi32, #tpu.memory_space<hbm>> -> memref<51072xi32, #tpu.memory_space<hbm>>
      %dma_wait3A_47 = tpu.memref_slice %arg4[%mul3A_43] : memref<1634304xi32, #tpu.memory_space<hbm>> -> memref<51072xi32, #tpu.memory_space<hbm>>
      tpu.wait_dma2 semaphore(%run_scoped3A : memref<!tpu.dma_semaphore, #tpu.memory_space<semaphore_mem>>) src(%arg8 : memref<51072xi32, #tpu.memory_space<vmem>>) dst(%dma_wait3A_47 : memref<51072xi32, #tpu.memory_space<hbm>>)
      tpu.yield
    }) : () -> ()
    %mul3A_44 = arith.constant 104 : i32
    %mul3A_45 = arith.muli %add3A, %mul3A_44 : i32
    "tpu.region"() ({
      %run_scoped3A = tpu.sem_alloc : memref<!tpu.dma_semaphore, #tpu.memory_space<semaphore_mem>>
      %dma_start3A = tpu.memref_slice %arg5[%mul3A_45] : memref<3328xi32, #tpu.memory_space<hbm>> -> memref<104xi32, #tpu.memory_space<hbm>>
      %dma_start3A_46 = tpu.memref_slice %arg5[%mul3A_45] : memref<3328xi32, #tpu.memory_space<hbm>> -> memref<104xi32, #tpu.memory_space<hbm>>
      tpu.enqueue_dma source(%arg10 : memref<104xi32, #tpu.memory_space<vmem>>) target(%dma_start3A_46 : memref<104xi32, #tpu.memory_space<hbm>>) target_semaphore(%run_scoped3A : memref<!tpu.dma_semaphore, #tpu.memory_space<semaphore_mem>>)
      %dma_wait3A = tpu.memref_slice %arg5[%mul3A_45] : memref<3328xi32, #tpu.memory_space<hbm>> -> memref<104xi32, #tpu.memory_space<hbm>>
      %dma_wait3A_47 = tpu.memref_slice %arg5[%mul3A_45] : memref<3328xi32, #tpu.memory_space<hbm>> -> memref<104xi32, #tpu.memory_space<hbm>>
      tpu.wait_dma2 semaphore(%run_scoped3A : memref<!tpu.dma_semaphore, #tpu.memory_space<semaphore_mem>>) src(%arg10 : memref<104xi32, #tpu.memory_space<vmem>>) dst(%dma_wait3A_47 : memref<104xi32, #tpu.memory_space<hbm>>)
      tpu.yield
    }) : () -> ()
    return
  }
}

module attributes {stable_mosaic.version = 14 : i64} {
  func.func @_node_mlp_body(%arg0: i32, %arg1: memref<2000x128xf32, #tpu.memory_space<vmem>>, %arg2: memref<2000x16xf32, #tpu.memory_space<vmem>>, %arg3: memref<128x32xf32, #tpu.memory_space<vmem>>, %arg4: memref<1x32xf32, #tpu.memory_space<vmem>>, %arg5: memref<32x32xf32, #tpu.memory_space<vmem>>, %arg6: memref<1x32xf32, #tpu.memory_space<vmem>>, %arg7: memref<32x32xf32, #tpu.memory_space<vmem>>, %arg8: memref<1x32xf32, #tpu.memory_space<vmem>>, %arg9: memref<16x32xf32, #tpu.memory_space<vmem>>, %arg10: memref<1x32xf32, #tpu.memory_space<vmem>>, %arg11: memref<32x32xf32, #tpu.memory_space<vmem>>, %arg12: memref<1x32xf32, #tpu.memory_space<vmem>>, %arg13: memref<32x32xf32, #tpu.memory_space<vmem>>, %arg14: memref<1x32xf32, #tpu.memory_space<vmem>>, %arg15: memref<2000x128xf32, #tpu.memory_space<vmem>>) attributes {dimension_semantics = [#tpu.dimension_semantics<arbitrary>], iteration_bounds = array<i64: 50>, scalar_prefetch = 0 : i64, scratch_operands = 0 : i64, tpu.core_type = #tpu.core_type<tc>, window_params = [{transform_indices = @transform_0, window_bounds = array<i64: 2000, 128>}, {transform_indices = @transform_1, window_bounds = array<i64: 2000, 16>}, {pipeline_mode = #tpu.pipeline_mode<synchronous>, transform_indices = @transform_2, window_bounds = array<i64: 128, 32>}, {pipeline_mode = #tpu.pipeline_mode<synchronous>, transform_indices = @transform_3, window_bounds = array<i64: 1, 32>}, {pipeline_mode = #tpu.pipeline_mode<synchronous>, transform_indices = @transform_4, window_bounds = array<i64: 32, 32>}, {pipeline_mode = #tpu.pipeline_mode<synchronous>, transform_indices = @transform_5, window_bounds = array<i64: 1, 32>}, {pipeline_mode = #tpu.pipeline_mode<synchronous>, transform_indices = @transform_6, window_bounds = array<i64: 32, 32>}, {pipeline_mode = #tpu.pipeline_mode<synchronous>, transform_indices = @transform_7, window_bounds = array<i64: 1, 32>}, {pipeline_mode = #tpu.pipeline_mode<synchronous>, transform_indices = @transform_8, window_bounds = array<i64: 16, 32>}, {pipeline_mode = #tpu.pipeline_mode<synchronous>, transform_indices = @transform_9, window_bounds = array<i64: 1, 32>}, {pipeline_mode = #tpu.pipeline_mode<synchronous>, transform_indices = @transform_10, window_bounds = array<i64: 32, 32>}, {pipeline_mode = #tpu.pipeline_mode<synchronous>, transform_indices = @transform_11, window_bounds = array<i64: 1, 32>}, {pipeline_mode = #tpu.pipeline_mode<synchronous>, transform_indices = @transform_12, window_bounds = array<i64: 32, 32>}, {pipeline_mode = #tpu.pipeline_mode<synchronous>, transform_indices = @transform_13, window_bounds = array<i64: 1, 32>}, {transform_indices = @transform_14, window_bounds = array<i64: 2000, 128>}]} {
    %get3A = arith.constant 0 : index
    %get3A_0 = arith.constant 0 : index
    %get3A_1 = vector.load %arg1[%get3A, %get3A_0] : memref<2000x128xf32, #tpu.memory_space<vmem>>, vector<2000x128xf32>
    %get3A_2 = arith.constant 0 : index
    %get3A_3 = arith.constant 0 : index
    %get3A_4 = vector.load %arg3[%get3A_2, %get3A_3] : memref<128x32xf32, #tpu.memory_space<vmem>>, vector<128x32xf32>
    %dot_general3A = arith.constant dense<0.000000e+00> : vector<2000x32xf32>
    %dot_general3A_5 = tpu.matmul %get3A_1, %get3A_4, %dot_general3A {dimension_numbers = #tpu.dot_dimension_numbers<[1], [0], [0], [1], [0, 0, 1, 1], [], []>, transpose_lhs_hint = false} : vector<2000x128xf32>, vector<128x32xf32>, vector<2000x32xf32> -> vector<2000x32xf32>
    %get3A_6 = arith.constant 0 : index
    %get3A_7 = arith.constant 0 : index
    %get3A_8 = vector.load %arg4[%get3A_6, %get3A_7] : memref<1x32xf32, #tpu.memory_space<vmem>>, vector<1x32xf32>
    %add3A = vector.broadcast %get3A_8 : vector<1x32xf32> to vector<2000x32xf32>
    %add3A_9 = arith.addf %dot_general3A_5, %add3A : vector<2000x32xf32>
    %max3A = arith.constant 0.000000e+00 : f32
    %max3A_10 = vector.broadcast %max3A : f32 to vector<2000x32xf32>
    %max3A_11 = arith.maximumf %add3A_9, %max3A_10 : vector<2000x32xf32>
    %get3A_12 = arith.constant 0 : index
    %get3A_13 = arith.constant 0 : index
    %get3A_14 = vector.load %arg5[%get3A_12, %get3A_13] : memref<32x32xf32, #tpu.memory_space<vmem>>, vector<32x32xf32>
    %dot_general3A_15 = arith.constant dense<0.000000e+00> : vector<2000x32xf32>
    %dot_general3A_16 = tpu.matmul %max3A_11, %get3A_14, %dot_general3A_15 {dimension_numbers = #tpu.dot_dimension_numbers<[1], [0], [0], [1], [0, 0, 1, 1], [], []>, transpose_lhs_hint = false} : vector<2000x32xf32>, vector<32x32xf32>, vector<2000x32xf32> -> vector<2000x32xf32>
    %get3A_17 = arith.constant 0 : index
    %get3A_18 = arith.constant 0 : index
    %get3A_19 = vector.load %arg6[%get3A_17, %get3A_18] : memref<1x32xf32, #tpu.memory_space<vmem>>, vector<1x32xf32>
    %add3A_20 = vector.broadcast %get3A_19 : vector<1x32xf32> to vector<2000x32xf32>
    %add3A_21 = arith.addf %dot_general3A_16, %add3A_20 : vector<2000x32xf32>
    %max3A_22 = arith.constant 0.000000e+00 : f32
    %max3A_23 = vector.broadcast %max3A_22 : f32 to vector<2000x32xf32>
    %max3A_24 = arith.maximumf %add3A_21, %max3A_23 : vector<2000x32xf32>
    %get3A_25 = arith.constant 0 : index
    %get3A_26 = arith.constant 0 : index
    %get3A_27 = vector.load %arg7[%get3A_25, %get3A_26] : memref<32x32xf32, #tpu.memory_space<vmem>>, vector<32x32xf32>
    %dot_general3A_28 = arith.constant dense<0.000000e+00> : vector<2000x32xf32>
    %dot_general3A_29 = tpu.matmul %max3A_24, %get3A_27, %dot_general3A_28 {dimension_numbers = #tpu.dot_dimension_numbers<[1], [0], [0], [1], [0, 0, 1, 1], [], []>, transpose_lhs_hint = false} : vector<2000x32xf32>, vector<32x32xf32>, vector<2000x32xf32> -> vector<2000x32xf32>
    %get3A_30 = arith.constant 0 : index
    %get3A_31 = arith.constant 0 : index
    %get3A_32 = vector.load %arg8[%get3A_30, %get3A_31] : memref<1x32xf32, #tpu.memory_space<vmem>>, vector<1x32xf32>
    %add3A_33 = vector.broadcast %get3A_32 : vector<1x32xf32> to vector<2000x32xf32>
    %add3A_34 = arith.addf %dot_general3A_29, %add3A_33 : vector<2000x32xf32>
    %get3A_35 = arith.constant 0 : index
    %get3A_36 = arith.constant 0 : index
    %get3A_37 = vector.load %arg2[%get3A_35, %get3A_36] : memref<2000x16xf32, #tpu.memory_space<vmem>>, vector<2000x16xf32>
    %get3A_38 = arith.constant 0 : index
    %get3A_39 = arith.constant 0 : index
    %get3A_40 = vector.load %arg9[%get3A_38, %get3A_39] : memref<16x32xf32, #tpu.memory_space<vmem>>, vector<16x32xf32>
    %dot_general3A_41 = arith.constant dense<0.000000e+00> : vector<2000x32xf32>
    %dot_general3A_42 = tpu.matmul %get3A_37, %get3A_40, %dot_general3A_41 {dimension_numbers = #tpu.dot_dimension_numbers<[1], [0], [0], [1], [0, 0, 1, 1], [], []>, transpose_lhs_hint = false} : vector<2000x16xf32>, vector<16x32xf32>, vector<2000x32xf32> -> vector<2000x32xf32>
    %get3A_43 = arith.constant 0 : index
    %get3A_44 = arith.constant 0 : index
    %get3A_45 = vector.load %arg10[%get3A_43, %get3A_44] : memref<1x32xf32, #tpu.memory_space<vmem>>, vector<1x32xf32>
    %add3A_46 = vector.broadcast %get3A_45 : vector<1x32xf32> to vector<2000x32xf32>
    %add3A_47 = arith.addf %dot_general3A_42, %add3A_46 : vector<2000x32xf32>
    %max3A_48 = arith.constant 0.000000e+00 : f32
    %max3A_49 = vector.broadcast %max3A_48 : f32 to vector<2000x32xf32>
    %max3A_50 = arith.maximumf %add3A_47, %max3A_49 : vector<2000x32xf32>
    %get3A_51 = arith.constant 0 : index
    %get3A_52 = arith.constant 0 : index
    %get3A_53 = vector.load %arg11[%get3A_51, %get3A_52] : memref<32x32xf32, #tpu.memory_space<vmem>>, vector<32x32xf32>
    %dot_general3A_54 = arith.constant dense<0.000000e+00> : vector<2000x32xf32>
    %dot_general3A_55 = tpu.matmul %max3A_50, %get3A_53, %dot_general3A_54 {dimension_numbers = #tpu.dot_dimension_numbers<[1], [0], [0], [1], [0, 0, 1, 1], [], []>, transpose_lhs_hint = false} : vector<2000x32xf32>, vector<32x32xf32>, vector<2000x32xf32> -> vector<2000x32xf32>
    %get3A_56 = arith.constant 0 : index
    %get3A_57 = arith.constant 0 : index
    %get3A_58 = vector.load %arg12[%get3A_56, %get3A_57] : memref<1x32xf32, #tpu.memory_space<vmem>>, vector<1x32xf32>
    %add3A_59 = vector.broadcast %get3A_58 : vector<1x32xf32> to vector<2000x32xf32>
    %add3A_60 = arith.addf %dot_general3A_55, %add3A_59 : vector<2000x32xf32>
    %max3A_61 = arith.constant 0.000000e+00 : f32
    %max3A_62 = vector.broadcast %max3A_61 : f32 to vector<2000x32xf32>
    %max3A_63 = arith.maximumf %add3A_60, %max3A_62 : vector<2000x32xf32>
    %get3A_64 = arith.constant 0 : index
    %get3A_65 = arith.constant 0 : index
    %get3A_66 = vector.load %arg13[%get3A_64, %get3A_65] : memref<32x32xf32, #tpu.memory_space<vmem>>, vector<32x32xf32>
    %dot_general3A_67 = arith.constant dense<0.000000e+00> : vector<2000x32xf32>
    %dot_general3A_68 = tpu.matmul %max3A_63, %get3A_66, %dot_general3A_67 {dimension_numbers = #tpu.dot_dimension_numbers<[1], [0], [0], [1], [0, 0, 1, 1], [], []>, transpose_lhs_hint = false} : vector<2000x32xf32>, vector<32x32xf32>, vector<2000x32xf32> -> vector<2000x32xf32>
    %get3A_69 = arith.constant 0 : index
    %get3A_70 = arith.constant 0 : index
    %get3A_71 = vector.load %arg14[%get3A_69, %get3A_70] : memref<1x32xf32, #tpu.memory_space<vmem>>, vector<1x32xf32>
    %add3A_72 = vector.broadcast %get3A_71 : vector<1x32xf32> to vector<2000x32xf32>
    %add3A_73 = arith.addf %dot_general3A_68, %add3A_72 : vector<2000x32xf32>
    %broadcast_in_dim3A = arith.constant 0.000000e+00 : f32
    %broadcast_in_dim3A_74 = vector.broadcast %broadcast_in_dim3A : f32 to vector<2000x64xf32>
    %concatenate3A = tpu.concatenate %add3A_34, %add3A_73, %broadcast_in_dim3A_74 in 1 : vector<2000x32xf32>, vector<2000x32xf32>, vector<2000x64xf32> -> vector<2000x128xf32>
    %swap3A = arith.constant 0 : index
    %swap3A_75 = arith.constant 0 : index
    %swap3A_76 = vector.load %arg15[%swap3A, %swap3A_75] : memref<2000x128xf32, #tpu.memory_space<vmem>>, vector<2000x128xf32>
    tpu.vector_store %arg15[%swap3A, %swap3A_75], %concatenate3A {strides = array<i32>} : memref<2000x128xf32, #tpu.memory_space<vmem>>, vector<2000x128xf32>,
    return
  }
  func.func @transform_0(%arg0: i32) -> (i32, i32) {
    %c0_i32 = arith.constant 0 : i32
    %c0_i32_0 = arith.constant 0 : i32
    return %arg0, %c0_i32 : i32, i32
  }
  func.func @transform_1(%arg0: i32) -> (i32, i32) {
    %c0_i32 = arith.constant 0 : i32
    %c0_i32_0 = arith.constant 0 : i32
    return %arg0, %c0_i32 : i32, i32
  }
  func.func @transform_2(%arg0: i32) -> (i32, i32) {
    %c0_i32 = arith.constant 0 : i32
    %c0_i32_0 = arith.constant 0 : i32
    %c0_i32_1 = arith.constant 0 : i32
    return %c0_i32, %c0_i32_0 : i32, i32
  }
  func.func @transform_3(%arg0: i32) -> (i32, i32) {
    %c0_i32 = arith.constant 0 : i32
    %c0_i32_0 = arith.constant 0 : i32
    %c0_i32_1 = arith.constant 0 : i32
    return %c0_i32, %c0_i32_0 : i32, i32
  }
  func.func @transform_4(%arg0: i32) -> (i32, i32) {
    %c0_i32 = arith.constant 0 : i32
    %c0_i32_0 = arith.constant 0 : i32
    %c0_i32_1 = arith.constant 0 : i32
    return %c0_i32, %c0_i32_0 : i32, i32
  }
  func.func @transform_5(%arg0: i32) -> (i32, i32) {
    %c0_i32 = arith.constant 0 : i32
    %c0_i32_0 = arith.constant 0 : i32
    %c0_i32_1 = arith.constant 0 : i32
    return %c0_i32, %c0_i32_0 : i32, i32
  }
  func.func @transform_6(%arg0: i32) -> (i32, i32) {
    %c0_i32 = arith.constant 0 : i32
    %c0_i32_0 = arith.constant 0 : i32
    %c0_i32_1 = arith.constant 0 : i32
    return %c0_i32, %c0_i32_0 : i32, i32
  }
  func.func @transform_7(%arg0: i32) -> (i32, i32) {
    %c0_i32 = arith.constant 0 : i32
    %c0_i32_0 = arith.constant 0 : i32
    %c0_i32_1 = arith.constant 0 : i32
    return %c0_i32, %c0_i32_0 : i32, i32
  }
  func.func @transform_8(%arg0: i32) -> (i32, i32) {
    %c0_i32 = arith.constant 0 : i32
    %c0_i32_0 = arith.constant 0 : i32
    %c0_i32_1 = arith.constant 0 : i32
    return %c0_i32, %c0_i32_0 : i32, i32
  }
  func.func @transform_9(%arg0: i32) -> (i32, i32) {
    %c0_i32 = arith.constant 0 : i32
    %c0_i32_0 = arith.constant 0 : i32
    %c0_i32_1 = arith.constant 0 : i32
    return %c0_i32, %c0_i32_0 : i32, i32
  }
  func.func @transform_10(%arg0: i32) -> (i32, i32) {
    %c0_i32 = arith.constant 0 : i32
    %c0_i32_0 = arith.constant 0 : i32
    %c0_i32_1 = arith.constant 0 : i32
    return %c0_i32, %c0_i32_0 : i32, i32
  }
  func.func @transform_11(%arg0: i32) -> (i32, i32) {
    %c0_i32 = arith.constant 0 : i32
    %c0_i32_0 = arith.constant 0 : i32
    %c0_i32_1 = arith.constant 0 : i32
    return %c0_i32, %c0_i32_0 : i32, i32
  }
  func.func @transform_12(%arg0: i32) -> (i32, i32) {
    %c0_i32 = arith.constant 0 : i32
    %c0_i32_0 = arith.constant 0 : i32
    %c0_i32_1 = arith.constant 0 : i32
    return %c0_i32, %c0_i32_0 : i32, i32
  }
  func.func @transform_13(%arg0: i32) -> (i32, i32) {
    %c0_i32 = arith.constant 0 : i32
    %c0_i32_0 = arith.constant 0 : i32
    %c0_i32_1 = arith.constant 0 : i32
    return %c0_i32, %c0_i32_0 : i32, i32
  }
  func.func @transform_14(%arg0: i32) -> (i32, i32) {
    %c0_i32 = arith.constant 0 : i32
    %c0_i32_0 = arith.constant 0 : i32
    return %arg0, %c0_i32 : i32, i32
  }
}

module attributes {stable_mosaic.version = 14 : i64} {
  func.func @_edge_mlp_body(%arg0: i32, %arg1: memref<2048x128xf32, #tpu.memory_space<vmem>>, %arg2: memref<2048x128xf32, #tpu.memory_space<vmem>>, %arg3: memref<128x96xf32, #tpu.memory_space<vmem>>, %arg4: memref<128x96xf32, #tpu.memory_space<vmem>>, %arg5: memref<1x96xf32, #tpu.memory_space<vmem>>, %arg6: memref<96x128xf32, #tpu.memory_space<vmem>>, %arg7: memref<1x128xf32, #tpu.memory_space<vmem>>, %arg8: memref<2048x128xf32, #tpu.memory_space<vmem>>) attributes {dimension_semantics = [#tpu.dimension_semantics<arbitrary>], iteration_bounds = array<i64: 784>, scalar_prefetch = 0 : i64, scratch_operands = 0 : i64, tpu.core_type = #tpu.core_type<tc>, window_params = [{transform_indices = @transform_0, window_bounds = array<i64: 2048, 128>}, {transform_indices = @transform_1, window_bounds = array<i64: 2048, 128>}, {pipeline_mode = #tpu.pipeline_mode<synchronous>, transform_indices = @transform_2, window_bounds = array<i64: 128, 96>}, {pipeline_mode = #tpu.pipeline_mode<synchronous>, transform_indices = @transform_3, window_bounds = array<i64: 128, 96>}, {pipeline_mode = #tpu.pipeline_mode<synchronous>, transform_indices = @transform_4, window_bounds = array<i64: 1, 96>}, {pipeline_mode = #tpu.pipeline_mode<synchronous>, transform_indices = @transform_5, window_bounds = array<i64: 96, 128>}, {pipeline_mode = #tpu.pipeline_mode<synchronous>, transform_indices = @transform_6, window_bounds = array<i64: 1, 128>}, {transform_indices = @transform_7, window_bounds = array<i64: 2048, 128>}]} {
    %get3A = arith.constant 0 : index
    %get3A_0 = arith.constant 0 : index
    %get3A_1 = vector.load %arg1[%get3A, %get3A_0] : memref<2048x128xf32, #tpu.memory_space<vmem>>, vector<2048x128xf32>
    %get3A_2 = arith.constant 0 : index
    %get3A_3 = arith.constant 0 : index
    %get3A_4 = vector.load %arg3[%get3A_2, %get3A_3] : memref<128x96xf32, #tpu.memory_space<vmem>>, vector<128x96xf32>
    %dot_general3A = arith.constant dense<0.000000e+00> : vector<2048x96xf32>
    %dot_general3A_5 = tpu.matmul %get3A_1, %get3A_4, %dot_general3A {dimension_numbers = #tpu.dot_dimension_numbers<[1], [0], [0], [1], [0, 0, 1, 1], [], []>, transpose_lhs_hint = false} : vector<2048x128xf32>, vector<128x96xf32>, vector<2048x96xf32> -> vector<2048x96xf32>
    %get3A_6 = arith.constant 0 : index
    %get3A_7 = arith.constant 0 : index
    %get3A_8 = vector.load %arg2[%get3A_6, %get3A_7] : memref<2048x128xf32, #tpu.memory_space<vmem>>, vector<2048x128xf32>
    %get3A_9 = arith.constant 0 : index
    %get3A_10 = arith.constant 0 : index
    %get3A_11 = vector.load %arg4[%get3A_9, %get3A_10] : memref<128x96xf32, #tpu.memory_space<vmem>>, vector<128x96xf32>
    %dot_general3A_12 = arith.constant dense<0.000000e+00> : vector<2048x96xf32>
    %dot_general3A_13 = tpu.matmul %get3A_8, %get3A_11, %dot_general3A_12 {dimension_numbers = #tpu.dot_dimension_numbers<[1], [0], [0], [1], [0, 0, 1, 1], [], []>, transpose_lhs_hint = false} : vector<2048x128xf32>, vector<128x96xf32>, vector<2048x96xf32> -> vector<2048x96xf32>
    %add3A = arith.addf %dot_general3A_5, %dot_general3A_13 : vector<2048x96xf32>
    %get3A_14 = arith.constant 0 : index
    %get3A_15 = arith.constant 0 : index
    %get3A_16 = vector.load %arg5[%get3A_14, %get3A_15] : memref<1x96xf32, #tpu.memory_space<vmem>>, vector<1x96xf32>
    %add3A_17 = vector.broadcast %get3A_16 : vector<1x96xf32> to vector<2048x96xf32>
    %add3A_18 = arith.addf %add3A, %add3A_17 : vector<2048x96xf32>
    %max3A = arith.constant 0.000000e+00 : f32
    %max3A_19 = vector.broadcast %max3A : f32 to vector<2048x96xf32>
    %max3A_20 = arith.maximumf %add3A_18, %max3A_19 : vector<2048x96xf32>
    %get3A_21 = arith.constant 0 : index
    %get3A_22 = arith.constant 0 : index
    %get3A_23 = vector.load %arg6[%get3A_21, %get3A_22] : memref<96x128xf32, #tpu.memory_space<vmem>>, vector<96x128xf32>
    %dot_general3A_24 = arith.constant dense<0.000000e+00> : vector<2048x128xf32>
    %dot_general3A_25 = tpu.matmul %max3A_20, %get3A_23, %dot_general3A_24 {dimension_numbers = #tpu.dot_dimension_numbers<[1], [0], [0], [1], [0, 0, 1, 1], [], []>, transpose_lhs_hint = false} : vector<2048x96xf32>, vector<96x128xf32>, vector<2048x128xf32> -> vector<2048x128xf32>
    %get3A_26 = arith.constant 0 : index
    %get3A_27 = arith.constant 0 : index
    %get3A_28 = vector.load %arg7[%get3A_26, %get3A_27] : memref<1x128xf32, #tpu.memory_space<vmem>>, vector<1x128xf32>
    %add3A_29 = vector.broadcast %get3A_28 : vector<1x128xf32> to vector<2048x128xf32>
    %add3A_30 = arith.addf %dot_general3A_25, %add3A_29 : vector<2048x128xf32>
    %swap3A = arith.constant 0 : index
    %swap3A_31 = arith.constant 0 : index
    %swap3A_32 = vector.load %arg8[%swap3A, %swap3A_31] : memref<2048x128xf32, #tpu.memory_space<vmem>>, vector<2048x128xf32>
    tpu.vector_store %arg8[%swap3A, %swap3A_31], %add3A_30 {strides = array<i32>} : memref<2048x128xf32, #tpu.memory_space<vmem>>, vector<2048x128xf32>,
    return
  }
  func.func @transform_0(%arg0: i32) -> (i32, i32) {
    %c0_i32 = arith.constant 0 : i32
    %c0_i32_0 = arith.constant 0 : i32
    return %arg0, %c0_i32 : i32, i32
  }
  func.func @transform_1(%arg0: i32) -> (i32, i32) {
    %c0_i32 = arith.constant 0 : i32
    %c0_i32_0 = arith.constant 0 : i32
    return %arg0, %c0_i32 : i32, i32
  }
  func.func @transform_2(%arg0: i32) -> (i32, i32) {
    %c0_i32 = arith.constant 0 : i32
    %c0_i32_0 = arith.constant 0 : i32
    %c0_i32_1 = arith.constant 0 : i32
    return %c0_i32, %c0_i32_0 : i32, i32
  }
  func.func @transform_3(%arg0: i32) -> (i32, i32) {
    %c0_i32 = arith.constant 0 : i32
    %c0_i32_0 = arith.constant 0 : i32
    %c0_i32_1 = arith.constant 0 : i32
    return %c0_i32, %c0_i32_0 : i32, i32
  }
  func.func @transform_4(%arg0: i32) -> (i32, i32) {
    %c0_i32 = arith.constant 0 : i32
    %c0_i32_0 = arith.constant 0 : i32
    %c0_i32_1 = arith.constant 0 : i32
    return %c0_i32, %c0_i32_0 : i32, i32
  }
  func.func @transform_5(%arg0: i32) -> (i32, i32) {
    %c0_i32 = arith.constant 0 : i32
    %c0_i32_0 = arith.constant 0 : i32
    %c0_i32_1 = arith.constant 0 : i32
    return %c0_i32, %c0_i32_0 : i32, i32
  }
  func.func @transform_6(%arg0: i32) -> (i32, i32) {
    %c0_i32 = arith.constant 0 : i32
    %c0_i32_0 = arith.constant 0 : i32
    %c0_i32_1 = arith.constant 0 : i32
    return %c0_i32, %c0_i32_0 : i32, i32
  }
  func.func @transform_7(%arg0: i32) -> (i32, i32) {
    %c0_i32 = arith.constant 0 : i32
    %c0_i32_0 = arith.constant 0 : i32
    return %arg0, %c0_i32 : i32, i32
  }
}

module attributes {stable_mosaic.version = 14 : i64} {
  func.func @_out_mlp_body(%arg0: i32, %arg1: memref<2000x128xf32, #tpu.memory_space<vmem>>, %arg2: memref<2000x64xf32, #tpu.memory_space<vmem>>, %arg3: memref<128x32xf32, #tpu.memory_space<vmem>>, %arg4: memref<64x32xf32, #tpu.memory_space<vmem>>, %arg5: memref<1x32xf32, #tpu.memory_space<vmem>>, %arg6: memref<32x16xf32, #tpu.memory_space<vmem>>, %arg7: memref<1x16xf32, #tpu.memory_space<vmem>>, %arg8: memref<16x1xf32, #tpu.memory_space<vmem>>, %arg9: memref<1x1xf32, #tpu.memory_space<vmem>>, %arg10: memref<2000x1xf32, #tpu.memory_space<vmem>>) attributes {dimension_semantics = [#tpu.dimension_semantics<arbitrary>], iteration_bounds = array<i64: 50>, scalar_prefetch = 0 : i64, scratch_operands = 0 : i64, tpu.core_type = #tpu.core_type<tc>, window_params = [{transform_indices = @transform_0, window_bounds = array<i64: 2000, 128>}, {transform_indices = @transform_1, window_bounds = array<i64: 2000, 64>}, {pipeline_mode = #tpu.pipeline_mode<synchronous>, transform_indices = @transform_2, window_bounds = array<i64: 128, 32>}, {pipeline_mode = #tpu.pipeline_mode<synchronous>, transform_indices = @transform_3, window_bounds = array<i64: 64, 32>}, {pipeline_mode = #tpu.pipeline_mode<synchronous>, transform_indices = @transform_4, window_bounds = array<i64: 1, 32>}, {pipeline_mode = #tpu.pipeline_mode<synchronous>, transform_indices = @transform_5, window_bounds = array<i64: 32, 16>}, {pipeline_mode = #tpu.pipeline_mode<synchronous>, transform_indices = @transform_6, window_bounds = array<i64: 1, 16>}, {pipeline_mode = #tpu.pipeline_mode<synchronous>, transform_indices = @transform_7, window_bounds = array<i64: 16, 1>}, {pipeline_mode = #tpu.pipeline_mode<synchronous>, transform_indices = @transform_8, window_bounds = array<i64: 1, 1>}, {transform_indices = @transform_9, window_bounds = array<i64: 2000, 1>}]} {
    %get3A = arith.constant 0 : index
    %get3A_0 = arith.constant 0 : index
    %get3A_1 = vector.load %arg2[%get3A, %get3A_0] : memref<2000x64xf32, #tpu.memory_space<vmem>>, vector<2000x64xf32>
    %eq3A = arith.constant 0xFF800000 : f32
    %eq3A_2 = vector.broadcast %eq3A : f32 to vector<2000x64xf32>
    %eq3A_3 = arith.cmpf oeq, %get3A_1, %eq3A_2 : vector<2000x64xf32>
    %jit3A = arith.constant 0.000000e+00 : f32
    %broadcast_in_dim3A = vector.broadcast %jit3A : f32 to vector<2000x64xf32>
    %select_n3A = arith.select %eq3A_3, %broadcast_in_dim3A, %get3A_1 : vector<2000x64xi1>, vector<2000x64xf32>
    %get3A_4 = arith.constant 0 : index
    %get3A_5 = arith.constant 0 : index
    %get3A_6 = vector.load %arg1[%get3A_4, %get3A_5] : memref<2000x128xf32, #tpu.memory_space<vmem>>, vector<2000x128xf32>
    %get3A_7 = arith.constant 0 : index
    %get3A_8 = arith.constant 0 : index
    %get3A_9 = vector.load %arg3[%get3A_7, %get3A_8] : memref<128x32xf32, #tpu.memory_space<vmem>>, vector<128x32xf32>
    %dot_general3A = arith.constant dense<0.000000e+00> : vector<2000x32xf32>
    %dot_general3A_10 = tpu.matmul %get3A_6, %get3A_9, %dot_general3A {dimension_numbers = #tpu.dot_dimension_numbers<[1], [0], [0], [1], [0, 0, 1, 1], [], []>, transpose_lhs_hint = false} : vector<2000x128xf32>, vector<128x32xf32>, vector<2000x32xf32> -> vector<2000x32xf32>
    %get3A_11 = arith.constant 0 : index
    %get3A_12 = arith.constant 0 : index
    %get3A_13 = vector.load %arg4[%get3A_11, %get3A_12] : memref<64x32xf32, #tpu.memory_space<vmem>>, vector<64x32xf32>
    %dot_general3A_14 = arith.constant dense<0.000000e+00> : vector<2000x32xf32>
    %dot_general3A_15 = tpu.matmul %select_n3A, %get3A_13, %dot_general3A_14 {dimension_numbers = #tpu.dot_dimension_numbers<[1], [0], [0], [1], [0, 0, 1, 1], [], []>, transpose_lhs_hint = false} : vector<2000x64xf32>, vector<64x32xf32>, vector<2000x32xf32> -> vector<2000x32xf32>
    %add3A = arith.addf %dot_general3A_10, %dot_general3A_15 : vector<2000x32xf32>
    %get3A_16 = arith.constant 0 : index
    %get3A_17 = arith.constant 0 : index
    %get3A_18 = vector.load %arg5[%get3A_16, %get3A_17] : memref<1x32xf32, #tpu.memory_space<vmem>>, vector<1x32xf32>
    %add3A_19 = vector.broadcast %get3A_18 : vector<1x32xf32> to vector<2000x32xf32>
    %add3A_20 = arith.addf %add3A, %add3A_19 : vector<2000x32xf32>
    %max3A = arith.constant 0.000000e+00 : f32
    %max3A_21 = vector.broadcast %max3A : f32 to vector<2000x32xf32>
    %max3A_22 = arith.maximumf %add3A_20, %max3A_21 : vector<2000x32xf32>
    %get3A_23 = arith.constant 0 : index
    %get3A_24 = arith.constant 0 : index
    %get3A_25 = vector.load %arg6[%get3A_23, %get3A_24] : memref<32x16xf32, #tpu.memory_space<vmem>>, vector<32x16xf32>
    %dot_general3A_26 = arith.constant dense<0.000000e+00> : vector<2000x16xf32>
    %dot_general3A_27 = tpu.matmul %max3A_22, %get3A_25, %dot_general3A_26 {dimension_numbers = #tpu.dot_dimension_numbers<[1], [0], [0], [1], [0, 0, 1, 1], [], []>, transpose_lhs_hint = false} : vector<2000x32xf32>, vector<32x16xf32>, vector<2000x16xf32> -> vector<2000x16xf32>
    %get3A_28 = arith.constant 0 : index
    %get3A_29 = arith.constant 0 : index
    %get3A_30 = vector.load %arg7[%get3A_28, %get3A_29] : memref<1x16xf32, #tpu.memory_space<vmem>>, vector<1x16xf32>
    %add3A_31 = vector.broadcast %get3A_30 : vector<1x16xf32> to vector<2000x16xf32>
    %add3A_32 = arith.addf %dot_general3A_27, %add3A_31 : vector<2000x16xf32>
    %max3A_33 = arith.constant 0.000000e+00 : f32
    %max3A_34 = vector.broadcast %max3A_33 : f32 to vector<2000x16xf32>
    %max3A_35 = arith.maximumf %add3A_32, %max3A_34 : vector<2000x16xf32>
    %get3A_36 = arith.constant 0 : index
    %get3A_37 = arith.constant 0 : index
    %get3A_38 = vector.load %arg8[%get3A_36, %get3A_37] : memref<16x1xf32, #tpu.memory_space<vmem>>, vector<16x1xf32>
    %dot_general3A_39 = arith.constant dense<0.000000e+00> : vector<2000x1xf32>
    %dot_general3A_40 = tpu.matmul %max3A_35, %get3A_38, %dot_general3A_39 {dimension_numbers = #tpu.dot_dimension_numbers<[1], [0], [0], [1], [0, 0, 1, 1], [], []>, transpose_lhs_hint = false} : vector<2000x16xf32>, vector<16x1xf32>, vector<2000x1xf32> -> vector<2000x1xf32>
    %get3A_41 = arith.constant 0 : index
    %get3A_42 = arith.constant 0 : index
    %get3A_43 = vector.load %arg9[%get3A_41, %get3A_42] : memref<1x1xf32, #tpu.memory_space<vmem>>, vector<1x1xf32>
    %add3A_44 = vector.broadcast %get3A_43 : vector<1x1xf32> to vector<2000x1xf32>
    %add3A_45 = arith.addf %dot_general3A_40, %add3A_44 : vector<2000x1xf32>
    %swap3A = arith.constant 0 : index
    %swap3A_46 = arith.constant 0 : index
    %swap3A_47 = vector.load %arg10[%swap3A, %swap3A_46] : memref<2000x1xf32, #tpu.memory_space<vmem>>, vector<2000x1xf32>
    tpu.vector_store %arg10[%swap3A, %swap3A_46], %add3A_45 {strides = array<i32>} : memref<2000x1xf32, #tpu.memory_space<vmem>>, vector<2000x1xf32>,
    return
  }
  func.func @transform_0(%arg0: i32) -> (i32, i32) {
    %c0_i32 = arith.constant 0 : i32
    %c0_i32_0 = arith.constant 0 : i32
    return %arg0, %c0_i32 : i32, i32
  }
  func.func @transform_1(%arg0: i32) -> (i32, i32) {
    %c0_i32 = arith.constant 0 : i32
    %c0_i32_0 = arith.constant 0 : i32
    return %arg0, %c0_i32 : i32, i32
  }
  func.func @transform_2(%arg0: i32) -> (i32, i32) {
    %c0_i32 = arith.constant 0 : i32
    %c0_i32_0 = arith.constant 0 : i32
    %c0_i32_1 = arith.constant 0 : i32
    return %c0_i32, %c0_i32_0 : i32, i32
  }
  func.func @transform_3(%arg0: i32) -> (i32, i32) {
    %c0_i32 = arith.constant 0 : i32
    %c0_i32_0 = arith.constant 0 : i32
    %c0_i32_1 = arith.constant 0 : i32
    return %c0_i32, %c0_i32_0 : i32, i32
  }
  func.func @transform_4(%arg0: i32) -> (i32, i32) {
    %c0_i32 = arith.constant 0 : i32
    %c0_i32_0 = arith.constant 0 : i32
    %c0_i32_1 = arith.constant 0 : i32
    return %c0_i32, %c0_i32_0 : i32, i32
  }
  func.func @transform_5(%arg0: i32) -> (i32, i32) {
    %c0_i32 = arith.constant 0 : i32
    %c0_i32_0 = arith.constant 0 : i32
    %c0_i32_1 = arith.constant 0 : i32
    return %c0_i32, %c0_i32_0 : i32, i32
  }
  func.func @transform_6(%arg0: i32) -> (i32, i32) {
    %c0_i32 = arith.constant 0 : i32
    %c0_i32_0 = arith.constant 0 : i32
    %c0_i32_1 = arith.constant 0 : i32
    return %c0_i32, %c0_i32_0 : i32, i32
  }
  func.func @transform_7(%arg0: i32) -> (i32, i32) {
    %c0_i32 = arith.constant 0 : i32
    %c0_i32_0 = arith.constant 0 : i32
    %c0_i32_1 = arith.constant 0 : i32
    return %c0_i32, %c0_i32_0 : i32, i32
  }
  func.func @transform_8(%arg0: i32) -> (i32, i32) {
    %c0_i32 = arith.constant 0 : i32
    %c0_i32_0 = arith.constant 0 : i32
    %c0_i32_1 = arith.constant 0 : i32
    return %c0_i32, %c0_i32_0 : i32, i32
  }
  func.func @transform_9(%arg0: i32) -> (i32, i32) {
    %c0_i32 = arith.constant 0 : i32
    %c0_i32_0 = arith.constant 0 : i32
    return %arg0, %c0_i32 : i32, i32
  }
}

</mosaic_0001>

<sc_bundles>
// kernel: kernel.11.cloned.1.call-start
scs
__scs_entry_jumppad:
0x0: {  	(pc) =	sbr.rel $0x88, $3  }
0x1: {  	(tag) =	ssettag $0x0;
	lr =	simm.s32 $0x1  }
0x2: {  	[smem:$0x3F84] =	sst lr;
	_ =	strace $0xD0000000  }
0x3: {  	_ = 	snop  }
0x4: {  	_ = 	snop  }
0x5: {  	_ = 	snop  }
0x6: {  	_ = 	snop  }
0x7: {  	_ = 	snop  }
__scs_overlays_trampoline_lowered:
0x8: {  	[smem:$0x3F93] =	sst s0  }
0x9: {  	[smem:$0x3F94] =	sst s1  }
0xa: {  	[smem:$0x3F95] =	sst s2  }
0xb: {  	[smem:$0x3F96] =	sst s3  }
0xc: {  	[smem:$0x3F97] =	sst s4  }
0xd: {  	[smem:$0x3F98] =	sst s5  }
0xe: {  	[smem:$0x3F99] =	sst s6  }
0xf: {  	[smem:$0x3F9A] =	sst s7  }
0x10: {  	[smem:$0x3F9B] =	sst s8  }
0x11: {  	[smem:$0x3F9C] =	sst s9;
	s0 =	simm.s32 @!p0 $0x0  }
0x12: {  	s1 =	sld [smem:$0x3F82];
	s0 =	simm.s32 @p0 $0x1  }
0x13: {  	[smem:$0x3F9D] =	sst s0;
	s0 =	simm.s32 @!p1 $0x0  }
0x14: {  	s2 =	sld [smem:$0x3F81];
	s0 =	simm.s32 @p1 $0x1  }
0x15: {  	[smem:$0x3F9E] =	sst s0;
	s0 =	simm.s32 @!p2 $0x0  }
0x16: {  	s3 =	sld [smem:$0x3FDB];
	s0 =	simm.s32 @p2 $0x1  }
0x17: {  	s4 =	simm.s32 $0x1BF5;
	[smem:$0x3FA0] =	sst s0  }
0x18: {  	s0 =	sld [smem:$0x3F83];
	_ =	swait.ge [sflag:s4], $0x0  }
0x19: {  	s7 =	sld [smem:$0x3F84]  }
0x1a: {  	s8 =	sadd.s32 $0xFFFFE003, lr  }
0x1b: {  	s9 =	sadd.s32 $0xFFFFFEF7, lr;
	s5 =	simm.s32 $0xFFFFFFFF;
	p2 =	slt.u32 s8, $0xFFFFF086  }
0x1c: {  	p1 =	slt.u32 s9, $0xF7A;
	s5 =	simm.s32 @!p2 $0x0  }
0x1d: {  	s5 =	simm.s32 @p1 $0x1;
	p0 =	seq.s32 s7, s2  }
0x1e: {  	s7 =	smul.u32 @!p0 $0xF7A, s2;
	p2 =	seq.s32 @!p0 s5, $0x0  }
0x1f: {  	s9 =	smul.u32 $0xF7A, s1;
	s8 =	simm.s32 @!p0 $0x1BF5;
	p2 =	por !p2, p0  }
0x20: {  	[sflag:s8] =	ssyncset.s32 @!p0 $0xFFFFF086;
	s6 =	sadd.s32 @!p0 s3, s7;
	s7 =	simm.s32 @!p0 $0x108  }
0x21: {  	s3 =	sadd.s32 s3, s9;
	s6 =	sadd.s32 @!p0 $0x88, s6;
	s7 =	simm.s32 @p2 $0x1082  }
0x22: {  	[simem:s7], [sflag:s8] =	dma.local @!p0 [hbm:s6], $0xF7A  }
0x23: {  	s9 =	sor.u32 $0xD0000000, s2;
	s6 =	simm.s32 $0x108;
	_ =	swait.ge @!p0 [sflag:s8], $0x0  }
0x24: {  	s3 =	sadd.s32 $0x88, s3;
	s6 =	simm.s32 @!p1 $0x1082;
	[sflag:s4] =	ssyncset.s32 $0xFFFFF086  }
0x25: {  	[simem:s6], [sflag:s4] =	dma.local [hbm:s3], $0xF7A  }
0x26: {  	[smem:$0x3F84] =	sst s1;
	(tag) =	ssettag s2;
	_ =	strace s9  }
0x27: {  	s1 =	sld [smem:$0x3F94]  }
0x28: {  	s2 =	sld [smem:$0x3F95]  }
0x29: {  	s4 =	sld [smem:$0x3F97]  }
0x2a: {  	p0 =	seq.s32 s5, $0x0;
	s5 =	sld [smem:$0x3F98]  }
0x2b: {  	s6 =	sld [smem:$0x3F99]  }
0x2c: {  	s7 =	sld [smem:$0x3F9A]  }
0x2d: {  	s3 =	simm.s32 $0x108;
	s8 =	sld [smem:$0x3F9B]  }
0x2e: {  	s3 =	simm.s32 @!p0 $0x1082;
	s9 =	sld [smem:$0x3F9C]  }
0x2f: {  	lr =	sadd.s32 s0, s3;
	s0 =	sld [smem:$0x3F93]  }
0x30: {  	s3 =	sld [smem:$0x3F96]  }
0x31: {  	[smem:$0x3F9F] =	sst s10  }
0x32: {  	s10 =	sld [smem:$0x3F9D];
	_ =	sdelay $0x3  }
0x33: {  	p0 =	seq.s32 s10, $0x1;
	s10 =	sld [smem:$0x3F9F];
	_ =	sdelay $0x3  }
0x34: {  	[smem:$0x3F9F] =	sst s10  }
0x35: {  	s10 =	sld [smem:$0x3F9E];
	_ =	sdelay $0x3  }
0x36: {  	p1 =	seq.s32 s10, $0x1;
	s10 =	sld [smem:$0x3F9F];
	_ =	sdelay $0x3  }
0x37: {  	[smem:$0x3F9F] =	sst s10  }
0x38: {  	s10 =	sld [smem:$0x3FA0]  }
0x39: {  	_ = 	snop;
	(pc) =	sbr.ind lr, $3  }
0x3a: {  	_ = 	snop  }
0x3b: {  	_ = 	snop  }
0x3c: {  	p2 =	seq.s32 s10, $0x1;
	s10 =	sld [smem:$0x3F9F]  }
0x3d: {  	_ =	shalt  }
0x3e: {  	_ =	shalt  }
0x3f: {  	_ =	shalt  }
0x40: {  	_ =	shalt  }
0x41: {  	_ =	shalt  }
0x42: {  	_ =	shalt  }
0x43: {  	_ =	shalt  }
0x44: {  	_ =	shalt  }
0x45: {  	_ =	shalt  }
0x46: {  	_ =	shalt  }
0x47: {  	_ =	shalt  }
0x48: {  	_ =	shalt  }
0x49: {  	_ =	shalt  }
0x4a: {  	_ =	shalt  }
0x4b: {  	_ =	shalt  }
0x4c: {  	_ =	shalt  }
0x4d: {  	_ =	shalt  }
0x4e: {  	_ =	shalt  }
0x4f: {  	_ =	shalt  }
0x50: {  	_ =	shalt  }
0x51: {  	_ =	shalt  }
0x52: {  	_ =	shalt  }
0x53: {  	_ =	shalt  }
0x54: {  	_ =	shalt  }
0x55: {  	_ =	shalt  }
0x56: {  	_ =	shalt  }
0x57: {  	_ =	shalt  }
0x58: {  	_ =	shalt  }
0x59: {  	_ =	shalt  }
0x5a: {  	_ =	shalt  }
0x5b: {  	_ =	shalt  }
0x5c: {  	_ =	shalt  }
0x5d: {  	_ =	shalt  }
0x5e: {  	_ =	shalt  }
0x5f: {  	_ =	shalt  }
0x60: {  	_ =	shalt  }
0x61: {  	_ =	shalt  }
0x62: {  	_ =	shalt  }
0x63: {  	_ =	shalt  }
0x64: {  	_ =	shalt  }
0x65: {  	_ =	shalt  }
0x66: {  	_ =	shalt  }
0x67: {  	_ =	shalt  }
0x68: {  	_ =	shalt  }
0x69: {  	_ =	shalt  }
0x6a: {  	_ =	shalt  }
0x6b: {  	_ =	shalt  }
0x6c: {  	_ =	shalt  }
0x6d: {  	_ =	shalt  }
0x6e: {  	_ =	shalt  }
0x6f: {  	_ =	shalt  }
0x70: {  	_ =	shalt  }
0x71: {  	_ =	shalt  }
0x72: {  	_ =	shalt  }
0x73: {  	_ =	shalt  }
0x74: {  	_ =	shalt  }
0x75: {  	_ =	shalt  }
0x76: {  	_ =	shalt  }
0x77: {  	_ =	shalt  }
0x78: {  	_ =	shalt  }
0x79: {  	_ =	shalt  }
0x7a: {  	_ =	shalt  }
0x7b: {  	_ =	shalt  }
0x7c: {  	_ =	shalt  }
0x7d: {  	_ =	shalt  }
0x7e: {  	_ =	shalt  }
0x7f: {  	_ =	shalt  }
0x80: {  	_ =	shalt  }
0x81: {  	_ =	shalt  }
0x82: {  	_ =	shalt  }
0x83: {  	_ =	shalt  }
0x84: {  	_ =	shalt  }
0x85: {  	_ =	shalt  }
0x86: {  	_ =	shalt  }
0x87: {  	_ =	shalt  }
.Lfunc_end0:
.L_simem_size_0:
called_computation.1_lowered:
.L_overlay_start_0:
0x88: {  	s2 =	sld [smem:$0x3FD9]  }
0x89: {  	s3 =	sld [smem:$0x3FFE];
	_ =	sdelay $0x1  }
0x8a: {  	s1 =	srdreg.scid  }
0x8b: {  	s0 =	sand.u32 $0x1, s1  }
0x8c: {  	s17 =	sshll.u32 s0, $0xA;
	s2 =	sadd.s32 s3, s2  }
0x8d: {  	s2 =	sadd.s32 s2, s17  }
0x8e: {  	[smem:$0x3FAB] =	sst s2  }
0x8f: {  	_ = 	snop  }
0x90: {  	s18 =	sld [smem:$0x3FD0];
	(tm) =	ssettm $0x1  }
0x91: {  	s19 =	sld [smem:$0x3FFB];
	_ =	sdelay $0x3  }
0x92: {  	_ =	strace s19  }
0x93: {  	s2 =	sld [smem:$0x3FFC];
	_ =	sdelay $0x3  }
0x94: {  	_ =	strace s2  }
0x95: {  	s2 =	sld [smem:$0x3FFD];
	_ =	sdelay $0x3  }
0x96: {  	_ =	strace s2  }
0x97: {  	_ =	strace $0x8FFFFFFF  }
0x98: {  	s20 =	sld [smem:$0x3FDB];
	_ =	sdelay $0x1  }
0x99: {  	s4 =	simm.s32 $_scs_section_size  }
0x9a: {  	s5 =	simm.s32 $_size__tile_overlayer_lowered;
	s6 =	simm.s32 $_tile_overlayer_lowered  }
0x9b: {  	s7 =	simm.s32 $0x1BFF;
	s21 =	sshll.u32 s6, $0x1;
	s4 =	sadd.s32 s4, s20  }
0x9c: {  	s22 =	simm.s32 $0x0;
	s5 =	sshll.u32 s5, $0x1;
	s6 =	sadd.s32 s21, s4  }
0x9d: {  	[timem:s22], [sflag:s7] =	dma.local [hbm:s6], s5  }
0x9e: {  	_ =	swait.ge [sflag:s7], s5  }
0x9f: {  	s5 =	ssub.s32 $0x0, s5;
	[sflag:s7] =	ssyncset.done $0x0  }
0xa0: {  	[sflag:s7] =	ssyncadd.s32 s5;
	_ =	sdelay $0x1  }
0xa1: {  	s23 =	simm.s32 $0x1B8B  }
0xa2: {  	_ =	swait.ge [sflag:s23], $0x1  }
0xa3: {  	[sflag:s23] =	ssyncset.done $0x0  }
0xa4: {  	[sflag:s23] =	ssyncadd.s32 $0xFFFFFFFF  }
0xa5: {  	s5 =	sld [smem:$0x0]  }
0xa6: {  	s6 =	sand.u32 $0xFFFFFFFE, s1  }
0xa7: {  	p0 =	sne.s32 s1, s6  }
0xa8: {  	s6 =	sshll.u32 @p0 s6, $0xE  }
0xa9: {  	s6 =	sadd.s32 @p0 $0x11B8D, s6;
	s7 =	sshll.u32 @p0 s5, $0x11  }
0xaa: {  	s6 =	sor.u32 @p0 s7, s6  }
0xab: {  	[sflag:s6] =	ssyncadd.remote.s32 @p0 $0x1;
	_ =	sdelay $0x1  }
0xac: {  	s6 =	simm.s32 @p0 $0x1B8D  }
0xad: {  	_ =	swait.eq @p0 [sflag:s6], $0x1  }
0xae: {  	[sflag:s6] =	ssyncadd.s32 @p0 $0xFFFFFFFF  }
0xaf: {  	s7 =	sshll.u32 @!p0 s1, $0xE  }
0xb0: {  	s7 =	sor.u32 @!p0 $0x4000, s7;
	s6 =	simm.s32 @!p0 $0x1B8D  }
0xb1: {  	s5 =	sshll.u32 @!p0 s5, $0x11;
	s7 =	sadd.s32 @!p0 $0x11B8D, s7;
	_ =	swait.eq @!p0 [sflag:s6], $0x1  }
0xb2: {  	s5 =	sor.u32 @!p0 s5, s7;
	[sflag:s6] =	ssyncadd.s32 @!p0 $0xFFFFFFFF  }
0xb3: {  	s25 =	simm.s32 $0x1B8E;
	s24 =	sld [smem:$0x3FFE];
	[sflag:s5] =	ssyncadd.remote.s32 @!p0 $0x1  }
0xb4: {  	s26 =	simm.s32 $execute0_lowered;
	[smem:$0x3FD2] =	sst s25  }
0xb5: {  	s6 =	sshll.u32 s26, $0x1;
	_ =	strace $0x80000049;
	[dreg:$0x1] =	wrdreg $0xFFFFFFFF  }
0xb6: {  	s28 =	simm.s32 $_size_execute0_lowered;
	s4 =	sadd.s32 s4, s6;
	[dreg:$0x0] =	wrdreg $0x0  }
0xb7: {  	s6 =	sshll.u32 s28, $0x1;
	[dreg:$0x2] =	wrdreg s4  }
0xb8: {  	[dreg:$0x3] =	wrdreg s6  }
0xb9: {  	[dreg:$0x4] =	wrdreg $0xC0  }
0xba: {  	_ =	task [dreg:s22], $0x5FFFF  }
0xbb: {  	[dreg:$0x1] =	wrdreg $0xFFFFFFFF  }
0xbc: {  	[dreg:$0x0] =	wrdreg $0x60  }
0xbd: {  	[dreg:$0x2] =	wrdreg s24  }
0xbe: {  	[dreg:$0x3] =	wrdreg s18  }
0xbf: {  	[dreg:$0x4] =	wrdreg $0xA  }
0xc0: {  	_ =	task.clear_ibuf [dreg:s22], $0x5FFFF;
	_ =	strace $0x90000049  }
0xc1: {  	s29 =	simm.s32 $0xA;
	_ =	strace $0x8000004B  }
0xc2: {  	_ =	swait.ge [sflag:s29], $0x1  }
0xc3: {  	[sflag:s29] =	ssyncadd.s32 $0xFFFFFFFF  }
0xc4: {  	_ =	strace $0x9000004B  }
0xc5: {  	_ =	sfence  }
0xc6: {  	s30 =	sld [smem:$0x0];
	_ =	sdelay $0x2  }
0xc7: {  	s31 =	sshll.u32 s1, $0xD;
	s1 =	sshrl.u32 s1, $0x2  }
0xc8: {  	s4 =	sand.u32 $0x4000, s31;
	s1 =	sadd.s32 s1, s30  }
0xc9: {  	s0 =	sor.u32 s4, s0;
	s1 =	sshll.u32 s1, $0x11  }
0xca: {  	s0 =	sor.u32 s1, s0  }
0xcb: {  	s0 =	sadd.s32 $0x8F2B, s0  }
0xcc: {  	[sflag:s0] =	ssyncadd.remote.s32 $0x1  }
0xcd: {  	_ =	sfence.sel $0xFFFF  }
0xce: {  	[dreg:$0x0] =	wrdreg $0xFFFFFFFF;
	(pc) =	sbr.abs _section_cstart, $3  }
0xcf: {  	[dreg:$0x1] =	wrdreg $0xFFFFFFFF  }
0xd0: {  	_ =	task.clear_ibuf [dreg:s22], $0x2FFFF;
	_ =	strace $0x9FFFFFFF  }
0xd1: {  	(tm) =	ssettm $0x7FFFFFFF  }
tec
execute0_lowered:
.L_overlay_start_1:
0x0: {  	(tag) =	ssettag $0x1  }
0x1: {  	s5 =	rddreg [dreg:$0x0];
	s1 =	srdreg.scid  }
0x2: {  	s0 =	stileid.u32;
	s7 =	rddreg [dreg:$0x1]  }
0x3: {  	s2 =	simm.s32 $0x0;
	s6 =	sand.u32 $0x1, s1;
	s3 =	sshll.u32 s0, $0x1  }
0x4: {  	s13 =	simm.s32 $0x1AE00;
	s11 =	smul.u32 $0x18800, s0;
	s8 =	sor.u32 s6, s3  }
0x5: {  	s14 =	simm.s32 $0x0;
	s1 =	rddreg [dreg:$0x2];
	s9 =	smul.u32 $0x18F0, s8  }
0x6: {  	[smem:$0x7FF] =	sst s2;
	s10 =	ssub.s32 $0x2, s6;
	s3 =	smul.u32 $0xC400, s8  }
0x7: {  	s4 =	sadd.s32 $0x4400, s5;
	s8 =	smul.u32 $0xD, s8;
	s31 =	sshrl.u32 s10, $0x1  }
0x8: {  	_ =	strace $0x8000004A;
	s12 =	smul.u32 $0xC400, s6;
	s10 =	ssub.s32 s10, s31  }
0x9: {  	s9 =	sadd.s32 s9, s5;
	s7 =	sadd.s32 s7, s8;
	s8 =	smax.u32 s10, $0x1  }
0xa: {  	s10 =	simm.s32 $0x1;
	s5 =	sadd.s32 $0x35400, s9;
	s6 =	sadd.s32 $0x67200, s9  }
0xb: {  	v0 =	vimm.s32 $0x0;
	v1 =	vlaneseq.u32;
	v2 =	vimm.s32 $0x418;
	s9 =	sadd.s32 s12, s11;
	s11 =	simm.s32 $0x1880;
	s12 =	simm.s32 $0xE000  }
.LBB2_1:
0xc: {  	s15 =	simm.s32 $0x40;
	s16 =	simm.s32 $0x0  }
.LBB2_2:
0xd: {  	p0 =	sne.s32 s15, $0x19C0;
	[tilespmem:s16+$0x1A780] =	vst v0;
	s16 =	smov.u32 s15;
	s15 =	sadd.s32 $0x40, s15  }
.Ltmp0:
0xe: {  	(pc) =	sbr.rel @p0 .LBB2_2-.Ltmp0, $2  }
0xf: {  	_ =	sdelay $0x2  }
0x10: {  	s16 =	sshra.s32 s16, $0x2  }
0x11: {  	[tilespmem:s16+$0x1A780] =	vst v0;
	s15 =	simm.s32 $0x0;
	s16 =	simm.s32 $0x0  }
.LBB2_4:
0x12: {  	s17 =	smul.u32 $0x1880, s16;
	_ =	sdelay $0x1  }
0x13: {  	s17 =	sadd.s32 s3, s17  }
0x14: {  	s17 =	sshrl.u32 s17, $0x3  }
0x15: {  	s17 =	sadd.s32 s4, s17  }
0x16: {  	[tilespmem:s15], [sflag:$0x1] =	stream.linear.gather [hbm4b:s17+s15], $0x1880, $0x38;
	[tilespmem:$0x1AE80] =	vst v63  }
0x17: {  	_ =	swait.ge [sflag:s10], $0x1880  }
0x18: {  	[sflag:s10] =	ssyncset.done $0x0  }
0x19: {  	s17 =	simm.s32 $0x0;
	[sflag:s10] =	ssyncadd.s32 $0xFFFFE780  }
.LBB2_5:
0x1a: {  	s18 =	sshra.s32 s17, $0x2  }
0x1b: {  	v3 =	vld [tilespmem:s18+$0x0];
	_ =	sdelay $0x4  }
0x1c: {  	vm0 =	vlt.s32 v3, $0x186A0  }
0x1d: {  	v3 =	vnsel vm0, $0x186A0, v3  }
0x1e: {  	v3 =	vshra.s32 v3, $0x3  }
0x1f: {  	v3 =	vmul.u32 $0x1F447, v3;
	_ =	sdelay $0x1  }
0x20: {  	v3 =	vshra.s32 v3, $0x18  }
0x21: {  	v3 =	vshll.u32 v3, $0x6  }
0x22: {  	v3 =	vshra.s32 v3, $0x2  }
0x23: {  	v3 =	vadd.s32 $0x1A780, v3  }
0x24: {  	(v2sf) =	vpush v3, $0x0;
	_ =	sdelay $0xe  }
0x25: {  	s22 =	spop (v2sf)  }
0x26: {  	v4 =	vld [tilespmem:s22+$0x0];
	_ =	sdelay $0x4  }
0x27: {  	(v2sf) =	vpush v4, $0x0;
	_ =	sdelay $0x2  }
0x28: {  	(v2sf) =	vpush v3, $0x1;
	_ =	sdelay $0xb  }
0x29: {  	s19 =	spop (v2sf)  }
0x2a: {  	s19 =	sadd.s32 $0x1, s19  }
0x2b: {  	v50 =	vmov s19  }
0x2c: {  	s23 =	spop (v2sf);
	[tilespmem:s22+$0x0] =	vst v50  }
0x2d: {  	v4 =	vld [tilespmem:s23+$0x0];
	_ =	sdelay $0x4  }
0x2e: {  	(v2sf) =	vpush v4, $0x0;
	_ =	sdelay $0x2  }
0x2f: {  	(v2sf) =	vpush v3, $0x2;
	_ =	sdelay $0xb  }
0x30: {  	s24 =	spop (v2sf)  }
0x31: {  	s19 =	sadd.s32 $0x1, s24  }
0x32: {  	v51 =	vmov s19  }
0x33: {  	s25 =	spop (v2sf);
	[tilespmem:s23+$0x0] =	vst v51  }
0x34: {  	v4 =	vld [tilespmem:s25+$0x0];
	_ =	sdelay $0x4  }
0x35: {  	(v2sf) =	vpush v4, $0x0;
	_ =	sdelay $0x2  }
0x36: {  	(v2sf) =	vpush v3, $0x3;
	_ =	sdelay $0xb  }
0x37: {  	s26 =	spop (v2sf)  }
0x38: {  	s19 =	sadd.s32 $0x1, s26  }
0x39: {  	v52 =	vmov s19  }
0x3a: {  	s28 =	spop (v2sf);
	[tilespmem:s25+$0x0] =	vst v52  }
0x3b: {  	v4 =	vld [tilespmem:s28+$0x0];
	_ =	sdelay $0x4  }
0x3c: {  	(v2sf) =	vpush v4, $0x0;
	_ =	sdelay $0x2  }
0x3d: {  	(v2sf) =	vpush v3, $0x4;
	_ =	sdelay $0xb  }
0x3e: {  	s29 =	spop (v2sf)  }
0x3f: {  	s19 =	sadd.s32 $0x1, s29  }
0x40: {  	v53 =	vmov s19  }
0x41: {  	s30 =	spop (v2sf);
	[tilespmem:s28+$0x0] =	vst v53  }
0x42: {  	v4 =	vld [tilespmem:s30+$0x0];
	_ =	sdelay $0x4  }
0x43: {  	(v2sf) =	vpush v4, $0x0;
	_ =	sdelay $0x2  }
0x44: {  	(v2sf) =	vpush v3, $0x5;
	_ =	sdelay $0xb  }
0x45: {  	s31 =	spop (v2sf)  }
0x46: {  	s19 =	sadd.s32 $0x1, s31  }
0x47: {  	v54 =	vmov s19  }
0x48: {  	s20 =	spop (v2sf);
	[tilespmem:s30+$0x0] =	vst v54  }
0x49: {  	v4 =	vld [tilespmem:s20+$0x0];
	_ =	sdelay $0x4  }
0x4a: {  	(v2sf) =	vpush v4, $0x0;
	_ =	sdelay $0x2  }
0x4b: {  	(v2sf) =	vpush v3, $0x6;
	_ =	sdelay $0xb  }
0x4c: {  	s21 =	spop (v2sf)  }
0x4d: {  	s19 =	sadd.s32 $0x1, s21  }
0x4e: {  	v55 =	vmov s19  }
0x4f: {  	s22 =	spop (v2sf);
	[tilespmem:s20+$0x0] =	vst v55  }
0x50: {  	v4 =	vld [tilespmem:s22+$0x0];
	_ =	sdelay $0x4  }
0x51: {  	(v2sf) =	vpush v4, $0x0;
	_ =	sdelay $0x2  }
0x52: {  	(v2sf) =	vpush v3, $0x7;
	_ =	sdelay $0xb  }
0x53: {  	s23 =	spop (v2sf)  }
0x54: {  	s19 =	sadd.s32 $0x1, s23  }
0x55: {  	v56 =	vmov s19  }
0x56: {  	s24 =	spop (v2sf);
	[tilespmem:s22+$0x0] =	vst v56  }
0x57: {  	v4 =	vld [tilespmem:s24+$0x0];
	_ =	sdelay $0x4  }
0x58: {  	(v2sf) =	vpush v4, $0x0;
	_ =	sdelay $0x2  }
0x59: {  	(v2sf) =	vpush v3, $0x8;
	_ =	sdelay $0xb  }
0x5a: {  	s25 =	spop (v2sf)  }
0x5b: {  	s19 =	sadd.s32 $0x1, s25  }
0x5c: {  	v57 =	vmov s19  }
0x5d: {  	s26 =	spop (v2sf);
	[tilespmem:s24+$0x0] =	vst v57  }
0x5e: {  	v4 =	vld [tilespmem:s26+$0x0];
	_ =	sdelay $0x4  }
0x5f: {  	(v2sf) =	vpush v4, $0x0;
	_ =	sdelay $0x2  }
0x60: {  	(v2sf) =	vpush v3, $0x9;
	_ =	sdelay $0xb  }
0x61: {  	s28 =	spop (v2sf)  }
0x62: {  	s19 =	sadd.s32 $0x1, s28  }
0x63: {  	v58 =	vmov s19  }
0x64: {  	s29 =	spop (v2sf);
	[tilespmem:s26+$0x0] =	vst v58  }
0x65: {  	v4 =	vld [tilespmem:s29+$0x0];
	_ =	sdelay $0x4  }
0x66: {  	(v2sf) =	vpush v4, $0x0;
	_ =	sdelay $0x2  }
0x67: {  	(v2sf) =	vpush v3, $0xA;
	_ =	sdelay $0xb  }
0x68: {  	s30 =	spop (v2sf)  }
0x69: {  	s19 =	sadd.s32 $0x1, s30  }
0x6a: {  	v59 =	vmov s19  }
0x6b: {  	s31 =	spop (v2sf);
	[tilespmem:s29+$0x0] =	vst v59  }
0x6c: {  	v4 =	vld [tilespmem:s31+$0x0];
	_ =	sdelay $0x4  }
0x6d: {  	(v2sf) =	vpush v4, $0x0;
	_ =	sdelay $0x2  }
0x6e: {  	(v2sf) =	vpush v3, $0xB;
	_ =	sdelay $0xb  }
0x6f: {  	s20 =	spop (v2sf)  }
0x70: {  	s19 =	sadd.s32 $0x1, s20  }
0x71: {  	v60 =	vmov s19  }
0x72: {  	s21 =	spop (v2sf);
	[tilespmem:s31+$0x0] =	vst v60  }
0x73: {  	v4 =	vld [tilespmem:s21+$0x0];
	_ =	sdelay $0x4  }
0x74: {  	(v2sf) =	vpush v4, $0x0;
	_ =	sdelay $0x2  }
0x75: {  	(v2sf) =	vpush v3, $0xC;
	_ =	sdelay $0xb  }
0x76: {  	s22 =	spop (v2sf)  }
0x77: {  	s19 =	sadd.s32 $0x1, s22  }
0x78: {  	v61 =	vmov s19  }
0x79: {  	s23 =	spop (v2sf);
	[tilespmem:s21+$0x0] =	vst v61  }
0x7a: {  	v4 =	vld [tilespmem:s23+$0x0];
	_ =	sdelay $0x4  }
0x7b: {  	(v2sf) =	vpush v4, $0x0;
	_ =	sdelay $0x2  }
0x7c: {  	(v2sf) =	vpush v3, $0xD;
	_ =	sdelay $0xb  }
0x7d: {  	s24 =	spop (v2sf)  }
0x7e: {  	s19 =	sadd.s32 $0x1, s24  }
0x7f: {  	v62 =	vmov s19  }
0x80: {  	s25 =	spop (v2sf);
	[tilespmem:s23+$0x0] =	vst v62  }
0x81: {  	v4 =	vld [tilespmem:s25+$0x0];
	_ =	sdelay $0x4  }
0x82: {  	(v2sf) =	vpush v4, $0x0;
	_ =	sdelay $0x2  }
0x83: {  	(v2sf) =	vpush v3, $0xE;
	_ =	sdelay $0xb  }
0x84: {  	s26 =	spop (v2sf)  }
0x85: {  	s19 =	sadd.s32 $0x1, s26  }
0x86: {  	v63 =	vmov s19  }
0x87: {  	s28 =	spop (v2sf);
	[tilespmem:s25+$0x0] =	vst v63  }
0x88: {  	v4 =	vld [tilespmem:s28+$0x0];
	_ =	sdelay $0x4  }
0x89: {  	(v2sf) =	vpush v4, $0x0;
	_ =	sdelay $0x2  }
0x8a: {  	(v2sf) =	vpush v3, $0xF;
	_ =	sdelay $0xb  }
0x8b: {  	s29 =	spop (v2sf)  }
0x8c: {  	s19 =	sadd.s32 $0x1, s29  }
0x8d: {  	v3 =	vmov s19  }
0x8e: {  	s30 =	spop (v2sf);
	[tilespmem:s28+$0x0] =	vst v3  }
0x8f: {  	v3 =	vld [tilespmem:s30+$0x0];
	_ =	sdelay $0x4  }
0x90: {  	(v2sf) =	vpush v3, $0x0;
	_ =	sdelay $0xc  }
0x91: {  	p0 =	sne.s32 s17, $0x61C0  }
.Ltmp1:
0x92: {  	_ = 	snop;
	(pc) =	sbr.rel @p0 .LBB2_5-.Ltmp1, $4  }
0x93: {  	s31 =	spop (v2sf)  }
0x94: {  	s19 =	sadd.s32 $0x1, s31  }
0x95: {  	v3 =	vmov s19  }
0x96: {  	s17 =	sadd.s32 $0x40, s17;
	[tilespmem:s30+$0x0] =	vst v3  }
0x97: {  	s16 =	sadd.s32 $0x1, s16  }
0x98: {  	p0 =	sne.s32 s16, $0x8  }
.Ltmp2:
0x99: {  	_ = 	snop;
	(pc) =	sbr.rel @p0 .LBB2_4-.Ltmp2, $2  }
0x9a: {  	_ =	sdelay $0x2  }
0x9b: {  	s17 =	simm.s32 $0x0  }
0x9c: {  	s16 =	simm.s32 $0x0;
	s15 =	simm.s32 $0x0  }
.LBB2_8:
0x9d: {  	s18 =	sshll.u32 s15, $0x8  }
0x9e: {  	s18 =	sand.u32 $0x3FFFFF00, s18  }
0x9f: {  	s19 =	sand.u32 $0x80, s17;
	s18 =	sadd.s32 $0x1A780, s18  }
0xa0: {  	s20 =	sand.u32 $0x70, s17;
	s19 =	sadd.s32 s19, s18  }
0xa1: {  	s19 =	sadd.s32 s20, s19  }
0xa2: {  	s21 =	simm.s32 $0x10;
	v3 =	vld [tilespmem:s19+$0x0]  }
0xa3: {  	s22 =	simm.s32 $0x20;
	s31 =	sand.u32 $0x80, s21  }
0xa4: {  	s21 =	sand.u32 $0x70, s21;
	s23 =	sand.u32 $0x80, s22;
	s20 =	sadd.s32 s31, s18  }
0xa5: {  	s24 =	sand.u32 $0x70, s22;
	s25 =	sadd.s32 s23, s18;
	s21 =	sadd.s32 s21, s20  }
0xa6: {  	s26 =	sadd.s32 s24, s25;
	v4 =	vld [tilespmem:s21+$0x0]  }
0xa7: {  	v5 =	vld [tilespmem:s26+$0x0];
	(v2sf) =	vpush v3, $0x0;
	_ =	sdelay $0x3  }
0xa8: {  	(v2sf) =	vpush v4, $0x0  }
0xa9: {  	(v2sf) =	vpush v5, $0x0;
	_ =	sdelay $0x3  }
0xaa: {  	s28 =	simm.s32 $0x30  }
0xab: {  	s29 =	sand.u32 $0x80, s28  }
0xac: {  	s30 =	sadd.s32 s29, s18;
	s19 =	sand.u32 $0x70, s28;
	v3 =	vmov s17  }
0xad: {  	v6 =	vimm.s32 $0x0;
	s22 =	simm.s32 $0x4;
	s23 =	simm.s32 $0x40;
	s31 =	sadd.s32 s19, s30;
	vm0 =	veq.s32 v3, v1  }
0xae: {  	s20 =	simm.s32 $0x2;
	s21 =	simm.s32 $0x1;
	s19 =	simm.s32 $0x3;
	v4 =	vld [tilespmem:s31+$0x0];
	v3 =	vsel vm0, s16, v6  }
.LBB2_9:
0xaf: {  	s24 =	sand.u32 $0x80, s23  }
0xb0: {  	s25 =	spop (v2sf);
	s26 =	smov.u32 s22;
	p0 =	sne.s32 s22, $0xF  }
.Ltmp3:
0xb1: {  	s22 =	sadd.s32 $0x1, s22;
	s25 =	sadd.s32 $0x7, s25;
	(pc) =	sbr.rel @p0 .LBB2_9-.Ltmp3, $4  }
0xb2: {  	s28 =	sand.u32 $0x70, s23;
	v5 =	vmov s21;
	s24 =	sadd.s32 s24, s18;
	s21 =	sand.u32 $0xFFFFFFF8, s25  }
0xb3: {  	vm0 =	veq.s32 v5, v1;
	s24 =	sadd.s32 s28, s24;
	(v2sf) =	vpush v4, $0x0;
	s16 =	sadd.s32 s16, s21;
	s21 =	smov.u32 s20  }
0xb4: {  	s20 =	smov.u32 s19;
	s19 =	smov.u32 s26;
	v4 =	vld [tilespmem:s24+$0x0];
	v3 =	vsel vm0, s16, v3  }
0xb5: {  	s23 =	sadd.s32 $0x10, s23  }
0xb6: {  	_ =	sdelay $0x2  }
0xb7: {  	(v2sf) =	vpush v4, $0x0;
	_ =	sdelay $0x9  }
0xb8: {  	s18 =	spop (v2sf)  }
0xb9: {  	s29 =	sshll.u32 s15, $0x4;
	s15 =	sadd.s32 $0x1, s15;
	s18 =	sadd.s32 $0x7, s18  }
0xba: {  	s22 =	spop (v2sf);
	p0 =	sne.s32 s15, $0x6;
	s18 =	sand.u32 $0xFFFFFFF8, s18  }
0xbb: {  	v61 =	vmov s21;
	s22 =	sadd.s32 $0x7, s22;
	s16 =	sadd.s32 s16, s18;
	s24 =	spop (v2sf)  }
.Ltmp4:
0xbc: {  	v62 =	vmov s20;
	vm0 =	veq.s32 v61, v1;
	s23 =	sand.u32 $0xFFFFFFF8, s22;
	s25 =	sadd.s32 $0x7, s24;
	(pc) =	sbr.rel @p0 .LBB2_8-.Ltmp4, $4  }
0xbd: {  	v63 =	vmov s19;
	vm14 =	veq.s32 v62, v1;
	s18 =	sadd.s32 s16, s23;
	v3 =	vsel vm0, s16, v3;
	s26 =	sand.u32 $0xFFFFFFF8, s25;
	s28 =	spop (v2sf)  }
0xbe: {  	vm15 =	veq.s32 v63, v1;
	v3 =	vsel vm14, s18, v3;
	s16 =	sadd.s32 s18, s26;
	s30 =	sadd.s32 $0x7, s28  }
0xbf: {  	s31 =	sand.u32 $0x3FFFFFF0, s29;
	v3 =	vsel vm15, s16, v3;
	s18 =	sand.u32 $0xFFFFFFF8, s30  }
0xc0: {  	[tilespmem:s31+$0x1AE00] =	vst v3;
	s16 =	sadd.s32 s16, s18  }
0xc1: {  	s15 =	simm.s32 $0x40;
	s16 =	simm.s32 $0x0  }
.LBB2_12:
0xc2: {  	p0 =	sne.s32 s15, $0x19C0;
	[tilespmem:s16+$0x1A780] =	vst v0;
	s16 =	smov.u32 s15;
	s15 =	sadd.s32 $0x40, s15  }
.Ltmp5:
0xc3: {  	(pc) =	sbr.rel @p0 .LBB2_12-.Ltmp5, $2  }
0xc4: {  	_ =	sdelay $0x2  }
0xc5: {  	s16 =	sshra.s32 s16, $0x2  }
0xc6: {  	[tilespmem:s16+$0x1A780] =	vst v0;
	s15 =	simm.s32 $0x40;
	s16 =	simm.s32 $0x0  }
.LBB2_14:
0xc7: {  	p0 =	sne.s32 s15, $0x31DC0;
	[tilespmem:s16+$0x1880] =	vst v0;
	s17 =	smov.u32 s15;
	s15 =	sadd.s32 $0x40, s15  }
.Ltmp6:
0xc8: {  	[tilespmem:s16+$0xE000] =	vst v2;
	(pc) =	sbr.rel @p0 .LBB2_14-.Ltmp6, $2  }
0xc9: {  	_ =	sdelay $0x2  }
0xca: {  	s16 =	sshra.s32 s17, $0x2  }
0xcb: {  	[tilespmem:s16+$0x1880] =	vst v0  }
0xcc: {  	s15 =	simm.s32 $0x0;
	[tilespmem:s16+$0xE000] =	vst v2;
	s16 =	smov.u32 s9;
	s17 =	simm.s32 $0x0  }
.LBB2_16:
0xcd: {  	s18 =	smul.u32 $0x1880, s17;
	_ =	sdelay $0x1  }
0xce: {  	s18 =	sadd.s32 s3, s18  }
0xcf: {  	s18 =	sshrl.u32 s18, $0x3  }
0xd0: {  	s18 =	sadd.s32 s4, s18  }
0xd1: {  	[tilespmem:s15], [sflag:$0x1] =	stream.linear.gather [hbm4b:s18+s15], $0x1880, $0x38;
	[tilespmem:$0x1AE80] =	vst v63  }
0xd2: {  	_ =	swait.ge [sflag:s10], $0x1880  }
0xd3: {  	[sflag:s10] =	ssyncset.done $0x0  }
0xd4: {  	s19 =	simm.s32 $0x0;
	s18 =	simm.s32 $0x0;
	[sflag:s10] =	ssyncadd.s32 $0xFFFFE780  }
.LBB2_17:
0xd5: {  	v3 =	vld [tilespmem:s18+$0x0];
	_ =	sdelay $0x4  }
0xd6: {  	vm0 =	vlt.s32 v3, $0x186A0  }
0xd7: {  	v3 =	vnsel vm0, $0x186A0, v3  }
0xd8: {  	v4 =	vshra.s32 v3, $0x3  }
0xd9: {  	v4 =	vmul.u32 $0x1F447, v4;
	_ =	sdelay $0x1  }
0xda: {  	v4 =	vshra.s32 v4, $0x18  }
0xdb: {  	(v2sf) =	vpush v4, $0x0;
	_ =	sdelay $0xe  }
0xdc: {  	s20 =	spop (v2sf)  }
0xdd: {  	s21 =	sshll.u32 s20, $0x6  }
0xde: {  	s21 =	sshra.s32 s21, $0x2  }
0xdf: {  	v5 =	vld [tilespmem:s21+$0x1A780]  }
0xe0: {  	v6 =	vld [tilespmem:s20+$0x1AE00];
	_ =	sdelay $0x3  }
0xe1: {  	(v2sf) =	vpush v5, $0x0  }
0xe2: {  	(v2sf) =	vpush v6, $0x0;
	_ =	sdelay $0x1  }
0xe3: {  	(v2sf) =	vpush v4, $0x1;
	_ =	sdelay $0xa  }
0xe4: {  	v17 =	vmul.u32 $0xFFFFFBE8, v4  }
0xe5: {  	s22 =	spop (v2sf)  }
0xe6: {  	v3 =	vadd.s32 v3, v17;
	s20 =	sadd.s32 s19, s16;
	s23 =	spop (v2sf)  }
0xe7: {  	v19 =	vbroadcast v3, $0x0;
	v18 =	vmov s20;
	s23 =	sadd.s32 s22, s23  }
0xe8: {  	s22 =	sadd.s32 $0x1, s22;
	s24 =	spop (v2sf);
	[tilespmem:s23+$0x1880] =	vst v18  }
0xe9: {  	[tilespmem:s23+$0xE000] =	vst v19;
	v20 =	vmov s22;
	s26 =	sshll.u32 s24, $0x6  }
0xea: {  	[tilespmem:s21+$0x1A780] =	vst v20;
	s28 =	sshra.s32 s26, $0x2  }
0xeb: {  	v5 =	vld [tilespmem:s28+$0x1A780]  }
0xec: {  	v6 =	vld [tilespmem:s24+$0x1AE00];
	_ =	sdelay $0x3  }
0xed: {  	(v2sf) =	vpush v5, $0x0  }
0xee: {  	(v2sf) =	vpush v6, $0x0;
	_ =	sdelay $0x1  }
0xef: {  	(v2sf) =	vpush v4, $0x2;
	_ =	sdelay $0xb  }
0xf0: {  	s29 =	spop (v2sf)  }
0xf1: {  	s31 =	sadd.s32 $0x1, s20;
	s30 =	spop (v2sf)  }
0xf2: {  	v22 =	vbroadcast v3, $0x1;
	v21 =	vmov s31;
	s23 =	sadd.s32 s29, s30  }
0xf3: {  	s22 =	sadd.s32 $0x1, s29;
	s25 =	spop (v2sf);
	[tilespmem:s23+$0x1880] =	vst v21  }
0xf4: {  	v23 =	vmov s22;
	[tilespmem:s23+$0xE000] =	vst v22;
	s26 =	sshll.u32 s25, $0x6  }
0xf5: {  	[tilespmem:s28+$0x1A780] =	vst v23;
	s28 =	sshra.s32 s26, $0x2  }
0xf6: {  	v5 =	vld [tilespmem:s28+$0x1A780]  }
0xf7: {  	v6 =	vld [tilespmem:s25+$0x1AE00];
	_ =	sdelay $0x3  }
0xf8: {  	(v2sf) =	vpush v5, $0x0  }
0xf9: {  	(v2sf) =	vpush v6, $0x0;
	_ =	sdelay $0x1  }
0xfa: {  	(v2sf) =	vpush v4, $0x3;
	_ =	sdelay $0xb  }
0xfb: {  	s29 =	spop (v2sf)  }
0xfc: {  	s31 =	sadd.s32 $0x2, s20;
	s30 =	spop (v2sf)  }
0xfd: {  	v25 =	vbroadcast v3, $0x2;
	v24 =	vmov s31;
	s23 =	sadd.s32 s29, s30  }
0xfe: {  	s22 =	sadd.s32 $0x1, s29;
	s25 =	spop (v2sf);
	[tilespmem:s23+$0x1880] =	vst v24  }
0xff: {  	v26 =	vmov s22;
	[tilespmem:s23+$0xE000] =	vst v25;
	s26 =	sshll.u32 s25, $0x6  }
0x100: {  	[tilespmem:s28+$0x1A780] =	vst v26;
	s28 =	sshra.s32 s26, $0x2  }
0x101: {  	v5 =	vld [tilespmem:s28+$0x1A780]  }
0x102: {  	v6 =	vld [tilespmem:s25+$0x1AE00];
	_ =	sdelay $0x3  }
0x103: {  	(v2sf) =	vpush v5, $0x0  }
0x104: {  	(v2sf) =	vpush v6, $0x0;
	_ =	sdelay $0x1  }
0x105: {  	(v2sf) =	vpush v4, $0x4;
	_ =	sdelay $0xb  }
0x106: {  	s29 =	spop (v2sf)  }
0x107: {  	s31 =	sadd.s32 $0x3, s20;
	s30 =	spop (v2sf)  }
0x108: {  	v28 =	vbroadcast v3, $0x3;
	v27 =	vmov s31;
	s23 =	sadd.s32 s29, s30  }
0x109: {  	s22 =	sadd.s32 $0x1, s29;
	s25 =	spop (v2sf);
	[tilespmem:s23+$0x1880] =	vst v27  }
0x10a: {  	v29 =	vmov s22;
	[tilespmem:s23+$0xE000] =	vst v28;
	s26 =	sshll.u32 s25, $0x6  }
0x10b: {  	[tilespmem:s28+$0x1A780] =	vst v29;
	s28 =	sshra.s32 s26, $0x2  }
0x10c: {  	v5 =	vld [tilespmem:s28+$0x1A780]  }
0x10d: {  	v6 =	vld [tilespmem:s25+$0x1AE00];
	_ =	sdelay $0x3  }
0x10e: {  	(v2sf) =	vpush v5, $0x0  }
0x10f: {  	(v2sf) =	vpush v6, $0x0;
	_ =	sdelay $0x1  }
0x110: {  	(v2sf) =	vpush v4, $0x5;
	_ =	sdelay $0xb  }
0x111: {  	s29 =	spop (v2sf)  }
0x112: {  	s31 =	sadd.s32 $0x4, s20;
	s30 =	spop (v2sf)  }
0x113: {  	v31 =	vbroadcast v3, $0x4;
	v30 =	vmov s31;
	s23 =	sadd.s32 s29, s30  }
0x114: {  	s22 =	sadd.s32 $0x1, s29;
	s25 =	spop (v2sf);
	[tilespmem:s23+$0x1880] =	vst v30  }
0x115: {  	v32 =	vmov s22;
	[tilespmem:s23+$0xE000] =	vst v31;
	s26 =	sshll.u32 s25, $0x6  }
0x116: {  	[tilespmem:s28+$0x1A780] =	vst v32;
	s28 =	sshra.s32 s26, $0x2  }
0x117: {  	v5 =	vld [tilespmem:s28+$0x1A780]  }
0x118: {  	v6 =	vld [tilespmem:s25+$0x1AE00];
	_ =	sdelay $0x3  }
0x119: {  	(v2sf) =	vpush v5, $0x0  }
0x11a: {  	(v2sf) =	vpush v6, $0x0;
	_ =	sdelay $0x1  }
0x11b: {  	(v2sf) =	vpush v4, $0x6;
	_ =	sdelay $0xb  }
0x11c: {  	s29 =	spop (v2sf)  }
0x11d: {  	s31 =	sadd.s32 $0x5, s20;
	s30 =	spop (v2sf)  }
0x11e: {  	v34 =	vbroadcast v3, $0x5;
	v33 =	vmov s31;
	s23 =	sadd.s32 s29, s30  }
0x11f: {  	s22 =	sadd.s32 $0x1, s29;
	s25 =	spop (v2sf);
	[tilespmem:s23+$0x1880] =	vst v33  }
0x120: {  	v35 =	vmov s22;
	[tilespmem:s23+$0xE000] =	vst v34;
	s26 =	sshll.u32 s25, $0x6  }
0x121: {  	[tilespmem:s28+$0x1A780] =	vst v35;
	s28 =	sshra.s32 s26, $0x2  }
0x122: {  	v5 =	vld [tilespmem:s28+$0x1A780]  }
0x123: {  	v6 =	vld [tilespmem:s25+$0x1AE00];
	_ =	sdelay $0x3  }
0x124: {  	(v2sf) =	vpush v5, $0x0  }
0x125: {  	(v2sf) =	vpush v6, $0x0;
	_ =	sdelay $0x1  }
0x126: {  	(v2sf) =	vpush v4, $0x7;
	_ =	sdelay $0xb  }
0x127: {  	s29 =	spop (v2sf)  }
0x128: {  	s31 =	sadd.s32 $0x6, s20;
	s30 =	spop (v2sf)  }
0x129: {  	v37 =	vbroadcast v3, $0x6;
	v36 =	vmov s31;
	s23 =	sadd.s32 s29, s30  }
0x12a: {  	s22 =	sadd.s32 $0x1, s29;
	s25 =	spop (v2sf);
	[tilespmem:s23+$0x1880] =	vst v36  }
0x12b: {  	v38 =	vmov s22;
	[tilespmem:s23+$0xE000] =	vst v37;
	s26 =	sshll.u32 s25, $0x6  }
0x12c: {  	[tilespmem:s28+$0x1A780] =	vst v38;
	s28 =	sshra.s32 s26, $0x2  }
0x12d: {  	v5 =	vld [tilespmem:s28+$0x1A780]  }
0x12e: {  	v6 =	vld [tilespmem:s25+$0x1AE00];
	_ =	sdelay $0x3  }
0x12f: {  	(v2sf) =	vpush v5, $0x0  }
0x130: {  	(v2sf) =	vpush v6, $0x0;
	_ =	sdelay $0x1  }
0x131: {  	(v2sf) =	vpush v4, $0x8;
	_ =	sdelay $0xb  }
0x132: {  	s29 =	spop (v2sf)  }
0x133: {  	s31 =	sadd.s32 $0x7, s20;
	s30 =	spop (v2sf)  }
0x134: {  	v40 =	vbroadcast v3, $0x7;
	v39 =	vmov s31;
	s23 =	sadd.s32 s29, s30  }
0x135: {  	s22 =	sadd.s32 $0x1, s29;
	s25 =	spop (v2sf);
	[tilespmem:s23+$0x1880] =	vst v39  }
0x136: {  	v41 =	vmov s22;
	[tilespmem:s23+$0xE000] =	vst v40;
	s26 =	sshll.u32 s25, $0x6  }
0x137: {  	[tilespmem:s28+$0x1A780] =	vst v41;
	s28 =	sshra.s32 s26, $0x2  }
0x138: {  	v5 =	vld [tilespmem:s28+$0x1A780]  }
0x139: {  	v6 =	vld [tilespmem:s25+$0x1AE00];
	_ =	sdelay $0x3  }
0x13a: {  	(v2sf) =	vpush v5, $0x0  }
0x13b: {  	(v2sf) =	vpush v6, $0x0;
	_ =	sdelay $0x1  }
0x13c: {  	(v2sf) =	vpush v4, $0x9;
	_ =	sdelay $0xb  }
0x13d: {  	s29 =	spop (v2sf)  }
0x13e: {  	s31 =	sadd.s32 $0x8, s20;
	s30 =	spop (v2sf)  }
0x13f: {  	v43 =	vbroadcast v3, $0x8;
	v42 =	vmov s31;
	s23 =	sadd.s32 s29, s30  }
0x140: {  	s22 =	sadd.s32 $0x1, s29;
	s25 =	spop (v2sf);
	[tilespmem:s23+$0x1880] =	vst v42  }
0x141: {  	v44 =	vmov s22;
	[tilespmem:s23+$0xE000] =	vst v43;
	s26 =	sshll.u32 s25, $0x6  }
0x142: {  	[tilespmem:s28+$0x1A780] =	vst v44;
	s28 =	sshra.s32 s26, $0x2  }
0x143: {  	v5 =	vld [tilespmem:s28+$0x1A780]  }
0x144: {  	v6 =	vld [tilespmem:s25+$0x1AE00];
	_ =	sdelay $0x3  }
0x145: {  	(v2sf) =	vpush v5, $0x0  }
0x146: {  	(v2sf) =	vpush v6, $0x0;
	_ =	sdelay $0x1  }
0x147: {  	(v2sf) =	vpush v4, $0xA;
	_ =	sdelay $0xb  }
0x148: {  	s29 =	spop (v2sf)  }
0x149: {  	s31 =	sadd.s32 $0x9, s20;
	s30 =	spop (v2sf)  }
0x14a: {  	v46 =	vbroadcast v3, $0x9;
	v45 =	vmov s31;
	s23 =	sadd.s32 s29, s30  }
0x14b: {  	s22 =	sadd.s32 $0x1, s29;
	s25 =	spop (v2sf);
	[tilespmem:s23+$0x1880] =	vst v45  }
0x14c: {  	v47 =	vmov s22;
	[tilespmem:s23+$0xE000] =	vst v46;
	s26 =	sshll.u32 s25, $0x6  }
0x14d: {  	[tilespmem:s28+$0x1A780] =	vst v47;
	s28 =	sshra.s32 s26, $0x2  }
0x14e: {  	v5 =	vld [tilespmem:s28+$0x1A780]  }
0x14f: {  	v6 =	vld [tilespmem:s25+$0x1AE00];
	_ =	sdelay $0x3  }
0x150: {  	(v2sf) =	vpush v5, $0x0  }
0x151: {  	(v2sf) =	vpush v6, $0x0;
	_ =	sdelay $0x1  }
0x152: {  	(v2sf) =	vpush v4, $0xB;
	_ =	sdelay $0xb  }
0x153: {  	s29 =	spop (v2sf)  }
0x154: {  	s31 =	sadd.s32 $0xA, s20;
	s30 =	spop (v2sf)  }
0x155: {  	v49 =	vbroadcast v3, $0xA;
	v48 =	vmov s31;
	s23 =	sadd.s32 s29, s30  }
0x156: {  	s22 =	sadd.s32 $0x1, s29;
	s25 =	spop (v2sf);
	[tilespmem:s23+$0x1880] =	vst v48  }
0x157: {  	v50 =	vmov s22;
	[tilespmem:s23+$0xE000] =	vst v49;
	s26 =	sshll.u32 s25, $0x6  }
0x158: {  	[tilespmem:s28+$0x1A780] =	vst v50;
	s28 =	sshra.s32 s26, $0x2  }
0x159: {  	v5 =	vld [tilespmem:s28+$0x1A780]  }
0x15a: {  	v6 =	vld [tilespmem:s25+$0x1AE00];
	_ =	sdelay $0x3  }
0x15b: {  	(v2sf) =	vpush v5, $0x0  }
0x15c: {  	(v2sf) =	vpush v6, $0x0;
	_ =	sdelay $0x1  }
0x15d: {  	(v2sf) =	vpush v4, $0xC;
	_ =	sdelay $0xb  }
0x15e: {  	s29 =	spop (v2sf)  }
0x15f: {  	s31 =	sadd.s32 $0xB, s20;
	s30 =	spop (v2sf)  }
0x160: {  	v52 =	vbroadcast v3, $0xB;
	v51 =	vmov s31;
	s23 =	sadd.s32 s29, s30  }
0x161: {  	s22 =	sadd.s32 $0x1, s29;
	s25 =	spop (v2sf);
	[tilespmem:s23+$0x1880] =	vst v51  }
0x162: {  	v53 =	vmov s22;
	[tilespmem:s23+$0xE000] =	vst v52;
	s26 =	sshll.u32 s25, $0x6  }
0x163: {  	[tilespmem:s28+$0x1A780] =	vst v53;
	s28 =	sshra.s32 s26, $0x2  }
0x164: {  	v5 =	vld [tilespmem:s28+$0x1A780]  }
0x165: {  	v6 =	vld [tilespmem:s25+$0x1AE00];
	_ =	sdelay $0x3  }
0x166: {  	(v2sf) =	vpush v5, $0x0  }
0x167: {  	(v2sf) =	vpush v6, $0x0;
	_ =	sdelay $0x1  }
0x168: {  	(v2sf) =	vpush v4, $0xD;
	_ =	sdelay $0xb  }
0x169: {  	s29 =	spop (v2sf)  }
0x16a: {  	s31 =	sadd.s32 $0xC, s20;
	s30 =	spop (v2sf)  }
0x16b: {  	v55 =	vbroadcast v3, $0xC;
	v54 =	vmov s31;
	s23 =	sadd.s32 s29, s30  }
0x16c: {  	s22 =	sadd.s32 $0x1, s29;
	s25 =	spop (v2sf);
	[tilespmem:s23+$0x1880] =	vst v54  }
0x16d: {  	v56 =	vmov s22;
	[tilespmem:s23+$0xE000] =	vst v55;
	s26 =	sshll.u32 s25, $0x6  }
0x16e: {  	[tilespmem:s28+$0x1A780] =	vst v56;
	s28 =	sshra.s32 s26, $0x2  }
0x16f: {  	v5 =	vld [tilespmem:s28+$0x1A780]  }
0x170: {  	v6 =	vld [tilespmem:s25+$0x1AE00];
	_ =	sdelay $0x3  }
0x171: {  	(v2sf) =	vpush v5, $0x0  }
0x172: {  	(v2sf) =	vpush v6, $0x0;
	_ =	sdelay $0x1  }
0x173: {  	(v2sf) =	vpush v4, $0xE;
	_ =	sdelay $0xb  }
0x174: {  	s29 =	spop (v2sf)  }
0x175: {  	s31 =	sadd.s32 $0xD, s20;
	s30 =	spop (v2sf)  }
0x176: {  	v58 =	vbroadcast v3, $0xD;
	v57 =	vmov s31;
	s23 =	sadd.s32 s29, s30  }
0x177: {  	s22 =	sadd.s32 $0x1, s29;
	s25 =	spop (v2sf);
	[tilespmem:s23+$0x1880] =	vst v57  }
0x178: {  	v59 =	vmov s22;
	[tilespmem:s23+$0xE000] =	vst v58;
	s26 =	sshll.u32 s25, $0x6  }
0x179: {  	[tilespmem:s28+$0x1A780] =	vst v59;
	s28 =	sshra.s32 s26, $0x2  }
0x17a: {  	v5 =	vld [tilespmem:s28+$0x1A780]  }
0x17b: {  	v6 =	vld [tilespmem:s25+$0x1AE00];
	_ =	sdelay $0x3  }
0x17c: {  	(v2sf) =	vpush v5, $0x0  }
0x17d: {  	(v2sf) =	vpush v6, $0x0;
	_ =	sdelay $0x1  }
0x17e: {  	(v2sf) =	vpush v4, $0xF;
	_ =	sdelay $0xb  }
0x17f: {  	s29 =	spop (v2sf)  }
0x180: {  	s31 =	sadd.s32 $0xE, s20;
	s30 =	spop (v2sf)  }
0x181: {  	v61 =	vbroadcast v3, $0xE;
	v60 =	vmov s31;
	s23 =	sadd.s32 s29, s30  }
0x182: {  	s22 =	sadd.s32 $0x1, s29;
	s25 =	spop (v2sf);
	[tilespmem:s23+$0x1880] =	vst v60  }
0x183: {  	v62 =	vmov s22;
	[tilespmem:s23+$0xE000] =	vst v61;
	s26 =	sshll.u32 s25, $0x6  }
0x184: {  	[tilespmem:s28+$0x1A780] =	vst v62;
	s28 =	sshra.s32 s26, $0x2  }
0x185: {  	v4 =	vld [tilespmem:s28+$0x1A780]  }
0x186: {  	v5 =	vld [tilespmem:s25+$0x1AE00];
	_ =	sdelay $0x3  }
0x187: {  	(v2sf) =	vpush v4, $0x0  }
0x188: {  	(v2sf) =	vpush v5, $0x0;
	_ =	sdelay $0xd  }
0x189: {  	p0 =	sne.s32 s19, $0x1870;
	s29 =	spop (v2sf)  }
.Ltmp7:
0x18a: {  	s20 =	sadd.s32 $0xF, s20;
	s30 =	spop (v2sf);
	(pc) =	sbr.rel @p0 .LBB2_17-.Ltmp7, $4  }
0x18b: {  	v3 =	vbroadcast v3, $0xF;
	v63 =	vmov s20;
	s23 =	sadd.s32 s29, s30  }
0x18c: {  	s31 =	sadd.s32 $0x1, s29;
	[tilespmem:s23+$0x1880] =	vst v63  }
0x18d: {  	[tilespmem:s23+$0xE000] =	vst v3;
	v3 =	vmov s31  }
0x18e: {  	s18 =	sadd.s32 $0x10, s18;
	s19 =	sadd.s32 $0x10, s19;
	[tilespmem:s28+$0x1A780] =	vst v3  }
0x18f: {  	s17 =	sadd.s32 $0x1, s17  }
0x190: {  	p0 =	sne.s32 s17, $0x8  }
.Ltmp8:
0x191: {  	_ = 	snop;
	(pc) =	sbr.rel @p0 .LBB2_16-.Ltmp8, $2  }
0x192: {  	_ =	sdelay $0x2  }
0x193: {  	s16 =	sadd.s32 $0x1880, s16  }
0x194: {  	[hbm4b:s5+s2] =	stream.linear.scatter [tilespmem:s11], [sflag:$0x1], $0xC780, $0x38;
	[tilespmem:$0x1AE80] =	vst v63  }
0x195: {  	_ =	swait.ge [sflag:s10], $0xC780  }
0x196: {  	[sflag:s10] =	ssyncset.done $0x0  }
0x197: {  	[sflag:s10] =	ssyncadd.s32 $0xFFFF3880  }
0x198: {  	[hbm4b:s6+s2] =	stream.linear.scatter [tilespmem:s12], [sflag:$0x1], $0xC780, $0x38;
	[tilespmem:$0x1AE80] =	vst v63  }
0x199: {  	s14 =	sadd.s32 $0x1, s14;
	_ =	swait.ge [sflag:s10], $0xC780  }
0x19a: {  	p0 =	sne.s32 s14, s8;
	[sflag:s10] =	ssyncset.done $0x0  }
.Ltmp9:
0x19b: {  	[sflag:s10] =	ssyncadd.s32 $0xFFFF3880;
	(pc) =	sbr.rel @p0 .LBB2_1-.Ltmp9, $4  }
0x19c: {  	[hbm4b:s7+s2] =	stream.linear.scatter [tilespmem:s13], [sflag:$0x1], $0x68, $0x38;
	[tilespmem:$0x1AE80] =	vst v63  }
0x19d: {  	_ =	swait.ge [sflag:s10], $0x68  }
0x19e: {  	[sflag:s10] =	ssyncset.done $0x0  }
0x19f: {  	[sflag:s10] =	ssyncadd.s32 $0xFFFFFF98  }
0x1a0: {  	_ =	sfence.sel $0x180000  }
0x1a1: {  	[bflag:$0x0] =	sbarrier.arrive $0xFFFF  }
0x1a2: {  	p0 =	sne.s32 s0, $0x0;
	_ =	strace $0x9000004A  }
0x1a3: {  	s0 =	sadd.s32 @!p0 $0x100000, s1;
	[bflag:$0x2] =	sbarrier.arrive $0xFFFF  }
0x1a4: {  	[sflag:s0] =	ssyncadd.tile.s32 @!p0 $0x1;
	_ =	shalt  }
.Lfunc_end2:
_tile_overlayer_lowered:
.L_overlay_start_2:
0x1a5: {  	(tag) =	ssettag $0x2  }
0x1a6: {  	s0 =	rddreg [dreg:$0x0];
	s2 =	stileid.u32  }
0x1a7: {  	s1 =	rddreg [dreg:$0x1];
	p0 =	sne.s32 s2, $0x0  }
0x1a8: {  	s3 =	rddreg [dreg:$0x2];
	[bflag:$0x3] =	sbarrier.arrive $0xFFFF;
	s2 =	simm.s32 @!p0 $0x1C01  }
0x1a9: {  	[timem:s3], [sflag:s2] =	dma.local @!p0 [hbm:s0], s1  }
0x1aa: {  	s0 =	simm.s32 @!p0 $0x1  }
0x1ab: {  	_ =	swait.ge @!p0 [sflag:s0], s1  }
0x1ac: {  	s1 =	ssub.s32 @!p0 $0x0, s1;
	[sflag:s0] =	ssyncset.done @!p0 $0x0  }
0x1ad: {  	[sflag:s0] =	ssyncadd.s32 @!p0 s1  }
0x1ae: {  	[bflag:$0x3] =	sbarrier.arrive $0xFFFF  }
0x1af: {  	_ =	shalt  }

// kernel: kernel.14.cloned.1.call-start
scs
__scs_entry_jumppad:
0x0: {  	(pc) =	sbr.rel $0x88, $3  }
0x1: {  	(tag) =	ssettag $0x0;
	lr =	simm.s32 $0x1  }
0x2: {  	[smem:$0x3F84] =	sst lr;
	_ =	strace $0xD0000000  }
0x3: {  	_ = 	snop  }
0x4: {  	_ = 	snop  }
0x5: {  	_ = 	snop  }
0x6: {  	_ = 	snop  }
0x7: {  	_ = 	snop  }
__scs_overlays_trampoline_lowered:
0x8: {  	[smem:$0x3F93] =	sst s0  }
0x9: {  	[smem:$0x3F94] =	sst s1  }
0xa: {  	[smem:$0x3F95] =	sst s2  }
0xb: {  	[smem:$0x3F96] =	sst s3  }
0xc: {  	[smem:$0x3F97] =	sst s4  }
0xd: {  	[smem:$0x3F98] =	sst s5  }
0xe: {  	[smem:$0x3F99] =	sst s6  }
0xf: {  	[smem:$0x3F9A] =	sst s7  }
0x10: {  	[smem:$0x3F9B] =	sst s8  }
0x11: {  	[smem:$0x3F9C] =	sst s9;
	s0 =	simm.s32 @!p0 $0x0  }
0x12: {  	s1 =	sld [smem:$0x3F82];
	s0 =	simm.s32 @p0 $0x1  }
0x13: {  	[smem:$0x3F9D] =	sst s0;
	s0 =	simm.s32 @!p1 $0x0  }
0x14: {  	s2 =	sld [smem:$0x3F81];
	s0 =	simm.s32 @p1 $0x1  }
0x15: {  	[smem:$0x3F9E] =	sst s0;
	s0 =	simm.s32 @!p2 $0x0  }
0x16: {  	s3 =	sld [smem:$0x3FDB];
	s0 =	simm.s32 @p2 $0x1  }
0x17: {  	s4 =	simm.s32 $0x1BF5;
	[smem:$0x3FA0] =	sst s0  }
0x18: {  	s0 =	sld [smem:$0x3F83];
	_ =	swait.ge [sflag:s4], $0x0  }
0x19: {  	s7 =	sld [smem:$0x3F84]  }
0x1a: {  	s8 =	sadd.s32 $0xFFFFE003, lr  }
0x1b: {  	s9 =	sadd.s32 $0xFFFFFEF7, lr;
	s5 =	simm.s32 $0xFFFFFFFF;
	p2 =	slt.u32 s8, $0xFFFFF086  }
0x1c: {  	p1 =	slt.u32 s9, $0xF7A;
	s5 =	simm.s32 @!p2 $0x0  }
0x1d: {  	s5 =	simm.s32 @p1 $0x1;
	p0 =	seq.s32 s7, s2  }
0x1e: {  	s7 =	smul.u32 @!p0 $0xF7A, s2;
	p2 =	seq.s32 @!p0 s5, $0x0  }
0x1f: {  	s9 =	smul.u32 $0xF7A, s1;
	s8 =	simm.s32 @!p0 $0x1BF5;
	p2 =	por !p2, p0  }
0x20: {  	[sflag:s8] =	ssyncset.s32 @!p0 $0xFFFFF086;
	s6 =	sadd.s32 @!p0 s3, s7;
	s7 =	simm.s32 @!p0 $0x108  }
0x21: {  	s3 =	sadd.s32 s3, s9;
	s6 =	sadd.s32 @!p0 $0x88, s6;
	s7 =	simm.s32 @p2 $0x1082  }
0x22: {  	[simem:s7], [sflag:s8] =	dma.local @!p0 [hbm:s6], $0xF7A  }
0x23: {  	s9 =	sor.u32 $0xD0000000, s2;
	s6 =	simm.s32 $0x108;
	_ =	swait.ge @!p0 [sflag:s8], $0x0  }
0x24: {  	s3 =	sadd.s32 $0x88, s3;
	s6 =	simm.s32 @!p1 $0x1082;
	[sflag:s4] =	ssyncset.s32 $0xFFFFF086  }
0x25: {  	[simem:s6], [sflag:s4] =	dma.local [hbm:s3], $0xF7A  }
0x26: {  	[smem:$0x3F84] =	sst s1;
	(tag) =	ssettag s2;
	_ =	strace s9  }
0x27: {  	s1 =	sld [smem:$0x3F94]  }
0x28: {  	s2 =	sld [smem:$0x3F95]  }
0x29: {  	s4 =	sld [smem:$0x3F97]  }
0x2a: {  	p0 =	seq.s32 s5, $0x0;
	s5 =	sld [smem:$0x3F98]  }
0x2b: {  	s6 =	sld [smem:$0x3F99]  }
0x2c: {  	s7 =	sld [smem:$0x3F9A]  }
0x2d: {  	s3 =	simm.s32 $0x108;
	s8 =	sld [smem:$0x3F9B]  }
0x2e: {  	s3 =	simm.s32 @!p0 $0x1082;
	s9 =	sld [smem:$0x3F9C]  }
0x2f: {  	lr =	sadd.s32 s0, s3;
	s0 =	sld [smem:$0x3F93]  }
0x30: {  	s3 =	sld [smem:$0x3F96]  }
0x31: {  	[smem:$0x3F9F] =	sst s10  }
0x32: {  	s10 =	sld [smem:$0x3F9D];
	_ =	sdelay $0x3  }
0x33: {  	p0 =	seq.s32 s10, $0x1;
	s10 =	sld [smem:$0x3F9F];
	_ =	sdelay $0x3  }
0x34: {  	[smem:$0x3F9F] =	sst s10  }
0x35: {  	s10 =	sld [smem:$0x3F9E];
	_ =	sdelay $0x3  }
0x36: {  	p1 =	seq.s32 s10, $0x1;
	s10 =	sld [smem:$0x3F9F];
	_ =	sdelay $0x3  }
0x37: {  	[smem:$0x3F9F] =	sst s10  }
0x38: {  	s10 =	sld [smem:$0x3FA0]  }
0x39: {  	_ = 	snop;
	(pc) =	sbr.ind lr, $3  }
0x3a: {  	_ = 	snop  }
0x3b: {  	_ = 	snop  }
0x3c: {  	p2 =	seq.s32 s10, $0x1;
	s10 =	sld [smem:$0x3F9F]  }
0x3d: {  	_ =	shalt  }
0x3e: {  	_ =	shalt  }
0x3f: {  	_ =	shalt  }
0x40: {  	_ =	shalt  }
0x41: {  	_ =	shalt  }
0x42: {  	_ =	shalt  }
0x43: {  	_ =	shalt  }
0x44: {  	_ =	shalt  }
0x45: {  	_ =	shalt  }
0x46: {  	_ =	shalt  }
0x47: {  	_ =	shalt  }
0x48: {  	_ =	shalt  }
0x49: {  	_ =	shalt  }
0x4a: {  	_ =	shalt  }
0x4b: {  	_ =	shalt  }
0x4c: {  	_ =	shalt  }
0x4d: {  	_ =	shalt  }
0x4e: {  	_ =	shalt  }
0x4f: {  	_ =	shalt  }
0x50: {  	_ =	shalt  }
0x51: {  	_ =	shalt  }
0x52: {  	_ =	shalt  }
0x53: {  	_ =	shalt  }
0x54: {  	_ =	shalt  }
0x55: {  	_ =	shalt  }
0x56: {  	_ =	shalt  }
0x57: {  	_ =	shalt  }
0x58: {  	_ =	shalt  }
0x59: {  	_ =	shalt  }
0x5a: {  	_ =	shalt  }
0x5b: {  	_ =	shalt  }
0x5c: {  	_ =	shalt  }
0x5d: {  	_ =	shalt  }
0x5e: {  	_ =	shalt  }
0x5f: {  	_ =	shalt  }
0x60: {  	_ =	shalt  }
0x61: {  	_ =	shalt  }
0x62: {  	_ =	shalt  }
0x63: {  	_ =	shalt  }
0x64: {  	_ =	shalt  }
0x65: {  	_ =	shalt  }
0x66: {  	_ =	shalt  }
0x67: {  	_ =	shalt  }
0x68: {  	_ =	shalt  }
0x69: {  	_ =	shalt  }
0x6a: {  	_ =	shalt  }
0x6b: {  	_ =	shalt  }
0x6c: {  	_ =	shalt  }
0x6d: {  	_ =	shalt  }
0x6e: {  	_ =	shalt  }
0x6f: {  	_ =	shalt  }
0x70: {  	_ =	shalt  }
0x71: {  	_ =	shalt  }
0x72: {  	_ =	shalt  }
0x73: {  	_ =	shalt  }
0x74: {  	_ =	shalt  }
0x75: {  	_ =	shalt  }
0x76: {  	_ =	shalt  }
0x77: {  	_ =	shalt  }
0x78: {  	_ =	shalt  }
0x79: {  	_ =	shalt  }
0x7a: {  	_ =	shalt  }
0x7b: {  	_ =	shalt  }
0x7c: {  	_ =	shalt  }
0x7d: {  	_ =	shalt  }
0x7e: {  	_ =	shalt  }
0x7f: {  	_ =	shalt  }
0x80: {  	_ =	shalt  }
0x81: {  	_ =	shalt  }
0x82: {  	_ =	shalt  }
0x83: {  	_ =	shalt  }
0x84: {  	_ =	shalt  }
0x85: {  	_ =	shalt  }
0x86: {  	_ =	shalt  }
0x87: {  	_ =	shalt  }
.Lfunc_end0:
.L_simem_size_0:
called_computation.2_lowered:
.L_overlay_start_0:
0x88: {  	s2 =	sld [smem:$0x3FD9]  }
0x89: {  	s3 =	sld [smem:$0x3FFE];
	_ =	sdelay $0x1  }
0x8a: {  	s1 =	srdreg.scid  }
0x8b: {  	s0 =	sand.u32 $0x1, s1  }
0x8c: {  	s17 =	sshll.u32 s0, $0xA;
	s2 =	sadd.s32 s3, s2  }
0x8d: {  	s2 =	sadd.s32 s2, s17  }
0x8e: {  	[smem:$0x3FAB] =	sst s2  }
0x8f: {  	_ = 	snop  }
0x90: {  	s2 =	sld [smem:$0x3FD0];
	(tm) =	ssettm $0x1  }
0x91: {  	s18 =	sld [smem:$0x3FFB];
	_ =	sdelay $0x3  }
0x92: {  	_ =	strace s18  }
0x93: {  	s3 =	sld [smem:$0x3FFC];
	_ =	sdelay $0x3  }
0x94: {  	_ =	strace s3  }
0x95: {  	s3 =	sld [smem:$0x3FFD];
	_ =	sdelay $0x3  }
0x96: {  	_ =	strace s3  }
0x97: {  	_ =	strace $0x8FFFFFFF  }
0x98: {  	s19 =	sld [smem:$0x3FDB];
	_ =	sdelay $0x1  }
0x99: {  	s4 =	simm.s32 $_scs_section_size  }
0x9a: {  	s5 =	simm.s32 $_size__tile_overlayer_lowered;
	s6 =	simm.s32 $_tile_overlayer_lowered  }
0x9b: {  	s22 =	simm.s32 $0x1BFF;
	s21 =	sshll.u32 s6, $0x1;
	s3 =	sadd.s32 s4, s19  }
0x9c: {  	s7 =	simm.s32 $0x0;
	s20 =	sshll.u32 s5, $0x1;
	s5 =	sadd.s32 s21, s3  }
0x9d: {  	[timem:s7], [sflag:s22] =	dma.local [hbm:s5], s20  }
0x9e: {  	_ =	swait.ge [sflag:s22], s20  }
0x9f: {  	s4 =	ssub.s32 $0x0, s20;
	[sflag:s22] =	ssyncset.done $0x0  }
0xa0: {  	[sflag:s22] =	ssyncadd.s32 s4;
	_ =	sdelay $0x1  }
0xa1: {  	s23 =	simm.s32 $0x1B8B  }
0xa2: {  	_ =	swait.ge [sflag:s23], $0x1  }
0xa3: {  	[sflag:s23] =	ssyncset.done $0x0  }
0xa4: {  	s25 =	simm.s32 $0x1B8E;
	s24 =	sld [smem:$0x3FFE];
	[sflag:s23] =	ssyncadd.s32 $0xFFFFFFFF  }
0xa5: {  	s26 =	simm.s32 $execute0_lowered;
	[smem:$0x3FD2] =	sst s25  }
0xa6: {  	s5 =	sshll.u32 s26, $0x1;
	_ =	strace $0x8000004C;
	[dreg:$0x1] =	wrdreg $0xFFFFFFFF  }
0xa7: {  	s28 =	simm.s32 $_size_execute0_lowered;
	s3 =	sadd.s32 s3, s5;
	[dreg:$0x0] =	wrdreg $0x0  }
0xa8: {  	s5 =	sshll.u32 s28, $0x1;
	[dreg:$0x2] =	wrdreg s3  }
0xa9: {  	[dreg:$0x3] =	wrdreg s5  }
0xaa: {  	[dreg:$0x4] =	wrdreg $0xC0  }
0xab: {  	_ =	task [dreg:s7], $0x5FFFF  }
0xac: {  	[dreg:$0x1] =	wrdreg $0xFFFFFFFF  }
0xad: {  	[dreg:$0x0] =	wrdreg $0x60  }
0xae: {  	[dreg:$0x2] =	wrdreg s24  }
0xaf: {  	[dreg:$0x3] =	wrdreg s2  }
0xb0: {  	[dreg:$0x4] =	wrdreg $0x9  }
0xb1: {  	_ =	task.clear_ibuf [dreg:s7], $0x5FFFF;
	_ =	strace $0x9000004C  }
0xb2: {  	s29 =	simm.s32 $0x9;
	_ =	strace $0x8000004E  }
0xb3: {  	_ =	swait.ge [sflag:s29], $0x1  }
0xb4: {  	[sflag:s29] =	ssyncadd.s32 $0xFFFFFFFF  }
0xb5: {  	_ =	strace $0x9000004E  }
0xb6: {  	_ =	sfence  }
0xb7: {  	s30 =	sld [smem:$0x0];
	_ =	sdelay $0x2  }
0xb8: {  	s31 =	sshll.u32 s1, $0xD;
	s1 =	sshrl.u32 s1, $0x2  }
0xb9: {  	s3 =	sand.u32 $0x4000, s31;
	s1 =	sadd.s32 s1, s30  }
0xba: {  	s0 =	sor.u32 s3, s0;
	s1 =	sshll.u32 s1, $0x11  }
0xbb: {  	s0 =	sor.u32 s1, s0  }
0xbc: {  	s0 =	sadd.s32 $0x8F2B, s0  }
0xbd: {  	[sflag:s0] =	ssyncadd.remote.s32 $0x1  }
0xbe: {  	_ =	sfence.sel $0xFFFF  }
0xbf: {  	[dreg:$0x0] =	wrdreg $0xFFFFFFFF;
	(pc) =	sbr.abs _section_cstart, $3  }
0xc0: {  	[dreg:$0x1] =	wrdreg $0xFFFFFFFF  }
0xc1: {  	_ =	task.clear_ibuf [dreg:s7], $0x2FFFF;
	_ =	strace $0x9FFFFFFF  }
0xc2: {  	(tm) =	ssettm $0x7FFFFFFF  }
0xc3: {  	_ =	shalt  }
tec
execute0_lowered:
.L_overlay_start_1:
0x0: {  	(tag) =	ssettag $0x1  }
0x1: {  	s7 =	rddreg [dreg:$0x0]  }
0x2: {  	s1 =	srdreg.scid;
	s0 =	stileid.u32  }
0x3: {  	s2 =	rddreg [dreg:$0x1];
	s8 =	sand.u32 $0x1, s1;
	s4 =	sshll.u32 s0, $0x1  }
0x4: {  	s3 =	simm.s32 $0x0;
	s13 =	simm.s32 $0x8380;
	s9 =	sor.u32 s8, s4  }
0x5: {  	s14 =	simm.s32 $0x0;
	s1 =	rddreg [dreg:$0x2];
	s4 =	smul.u32 $0x3, s9  }
0x6: {  	[smem:$0x7FF] =	sst s3;
	s5 =	sadd.s32 $0x35400, s7;
	s9 =	smul.u32 $0x6240, s9  }
.Ltmp0:
0x7: {  	s6 =	sadd.s32 $0x67200, s7;
	s10 =	sadd.s32 $0x1, s4;
	(pc) =	sbr.rel .LBB2_1-.Ltmp0, $4  }
0x8: {  	s11 =	sadd.s32 $0x99000, s7;
	s8 =	ssub.s32 $0x2, s8;
	s10 =	smul.u32 $0x20C0, s10  }
0x9: {  	s7 =	sadd.s32 $0x34A4800, s7;
	_ =	strace $0x8000004D;
	s12 =	sshrl.u32 s8, $0x1  }
0xa: {  	s12 =	ssub.s32 s8, s12;
	s8 =	sadd.s32 s11, s9;
	s9 =	sadd.s32 s11, s10  }
0xb: {  	v0 =	vimm.f32 $-Inf;
	s10 =	sadd.s32 $0x4180, s8;
	s11 =	smax.u32 s12, $0x1;
	s12 =	simm.s32 $0x7  }
.LBB2_43:
0xc: {  	s14 =	sadd.s32 $0x1, s14  }
0xd: {  	p0 =	sne.s32 s14, s11  }
.Ltmp1:
0xe: {  	_ = 	snop;
	(pc) =	sbr.rel @!p0 .LBB2_44-.Ltmp1, $4  }
0xf: {  	[hbm4b:s10+s3] =	stream.linear.scatter [tilespmem:s13], [sflag:$0x7], $0x10600, $0x38;
	[tilespmem:$0x18B80] =	vst v63  }
0x10: {  	_ =	swait.ge [sflag:s12], $0x10600  }
0x11: {  	[sflag:s12] =	ssyncset.done $0x0  }
0x12: {  	[sflag:s12] =	ssyncadd.s32 $0xFFFEFA00  }
.LBB2_1:
0x13: {  	s15 =	simm.s32 $0x40;
	s16 =	simm.s32 $0x0  }
.LBB2_2:
0x14: {  	p0 =	sne.s32 s15, $0x41FC0;
	[tilespmem:s16+$0x8380] =	vst v0;
	s16 =	smov.u32 s15;
	s15 =	sadd.s32 $0x40, s15  }
.Ltmp2:
0x15: {  	(pc) =	sbr.rel @p0 .LBB2_2-.Ltmp2, $2  }
0x16: {  	_ =	sdelay $0x2  }
0x17: {  	s16 =	sshra.s32 s16, $0x2  }
.Ltmp3:
0x18: {  	(pc) =	sbr.rel .LBB2_4-.Ltmp3, $2  }
0x19: {  	_ =	sdelay $0x2  }
0x1a: {  	[tilespmem:s16+$0x8380] =	vst v0;
	s15 =	simm.s32 $0x0  }
.LBB2_14:
0x1b: {  	s15 =	sadd.s32 $0x1, s15  }
0x1c: {  	p0 =	sne.s32 s15, $0x20  }
.Ltmp4:
0x1d: {  	_ = 	snop;
	(pc) =	sbr.rel @!p0 .LBB2_15-.Ltmp4, $1  }
0x1e: {  	_ =	sdelay $0x3  }
.LBB2_4:
0x1f: {  	s16 =	smul.u32 $0xD, s15;
	_ =	sdelay $0x1  }
0x20: {  	s16 =	sadd.s32 s2, s16  }
0x21: {  	[tilespmem:s3], [sflag:$0x7] =	stream.linear.gather [hbm4b:s16+s3], $0x68, $0x38;
	[tilespmem:$0x18B80] =	vst v63  }
0x22: {  	_ =	swait.ge [sflag:s12], $0x68  }
0x23: {  	[sflag:s12] =	ssyncset.done $0x0  }
0x24: {  	[sflag:s12] =	ssyncadd.s32 $0xFFFFFF98  }
0x25: {  	v1 =	vld [tilespmem:s4+$0x0]  }
0x26: {  	v2 =	vld [tilespmem:s4+$0x1];
	_ =	sdelay $0x3  }
0x27: {  	(v2sf) =	vpush v1, $0x0  }
0x28: {  	(v2sf) =	vpush v2, $0x0;
	_ =	sdelay $0xd  }
0x29: {  	s16 =	spop (v2sf)  }
0x2a: {  	s17 =	spop (v2sf);
	p0 =	sgt.s32 s16, $0x7F  }
0x2b: {  	s18 =	smul.u32 $0xC780, s15;
	p1 =	slt.s32 @!p0 s17, $0x1  }
0x2c: {  	p0 =	por p1, p0  }
0x2d: {  	s19 =	sshrl.u32 @!p0 s18, $0x3;
	s21 =	simm.s32 @!p0 $0x0  }
.Ltmp5:
0x2e: {  	s22 =	simm.s32 @!p0 $0x80;
	s20 =	sadd.s32 @!p0 s5, s19;
	(pc) =	sbr.rel .LBB2_5-.Ltmp5, $4  }
0x2f: {  	[tilespmem:s22], [sflag:$0x1] =	stream.linear.gather @!p0 [hbm4b:s20+s21], $0x80, $0x38;
	[tilespmem:$0x18B80] =	vst v63  }
0x30: {  	s18 =	sadd.s32 $0x80, s18;
	s19 =	sadd.s32 @!p0 s6, s19;
	s20 =	simm.s32 @!p0 $0x180  }
0x31: {  	[tilespmem:s20], [sflag:$0x3] =	stream.linear.gather @!p0 [hbm4b:s19+s21], $0x80, $0x38;
	[tilespmem:$0x18B80] =	vst v63  }
0x32: {  	s19 =	sadd.s32 $0x80, s16;
	s20 =	smov.u32 s16;
	s21 =	simm.s32 $0x0  }
.LBB2_12:
0x33: {  	[tilespmem:s30+$0x83B0] =	vst v1  }
.LBB2_13:
0x34: {  	s23 =	sadd.s32 @!p1 $0x180, s23  }
0x35: {  	p0 =	slt.s32 @!p1 s24, s17;
	p2 =	sgt.s32 @!p1 s23, s16  }
0x36: {  	p0 =	por @!p1 !p0, !p2  }
0x37: {  	p2 =	slt.s32 @p1 s24, s17;
	p0 =	por @!p1 !p0, !p0  }
0x38: {  	s21 =	sadd.s32 $0x1, s21;
	p2 =	por @!p1 p0, p0  }
0x39: {  	p0 =	sne.s32 s21, $0xC8;
	s22 =	sadd.s32 @p2 s22, s18  }
.Ltmp6:
0x3a: {  	s19 =	sadd.s32 $0xFFFFFF00, s19;
	s22 =	sshrl.u32 @p2 s22, $0x3;
	(pc) =	sbr.rel @!p0 .LBB2_14-.Ltmp6, $4  }
0x3b: {  	s24 =	simm.s32 @p2 $0x0;
	s25 =	simm.s32 @p2 $0x80;
	s23 =	sadd.s32 @p2 s5, s22  }
0x3c: {  	[tilespmem:s25], [sflag:$0x1] =	stream.linear.gather @p2 [hbm4b:s23+s24], $0x80, $0x38;
	[tilespmem:$0x18B80] =	vst v63  }
0x3d: {  	s20 =	sadd.s32 $0xFFFFFF00, s20;
	s22 =	sadd.s32 @p2 s6, s22;
	s23 =	simm.s32 @p2 $0x180  }
0x3e: {  	[tilespmem:s23], [sflag:$0x3] =	stream.linear.gather @p2 [hbm4b:s22+s24], $0x80, $0x38;
	[tilespmem:$0x18B80] =	vst v63  }
.LBB2_5:
0x3f: {  	s23 =	sshll.u32 s21, $0x8  }
0x40: {  	s22 =	sor.u32 $0x80, s23  }
0x41: {  	p0 =	sgt.s32 s17, s23;
	p1 =	sgt.s32 s22, s16  }
0x42: {  	p0 =	por !p0, !p1  }
0x43: {  	p0 =	por !p0, !p0  }
0x44: {  	s24 =	simm.s32 @p0 $0x1  }
0x45: {  	_ =	swait.ge @p0 [sflag:s24], $0x80  }
0x46: {  	s25 =	sadd.s32 $0xFFFFFF80, s23;
	p2 =	slt.s32 s16, s23;
	[sflag:s24] =	ssyncset.done @p0 $0x0  }
0x47: {  	p6 =	sgt.s32 s17, s25;
	[sflag:s24] =	ssyncadd.s32 @p0 $0xFFFFFF80;
	s24 =	simm.s32 @p0 $0x3  }
0x48: {  	p1 =	por !p2, !p6;
	_ =	swait.ge @p0 [sflag:s24], $0x80  }
0x49: {  	p1 =	por !p1, !p1;
	[sflag:s24] =	ssyncset.done @p0 $0x0  }
0x4a: {  	s26 =	simm.s32 @p0 $0x380;
	[sflag:s24] =	ssyncadd.s32 @p0 $0xFFFFFF80;
	s24 =	simm.s32 @p0 $0x80  }
0x4b: {  	[tilespmem:s26], [sflag:$0x5] =	stream.indirect.gather @p0 [hbm4b:s7+s24], $0x80, s24, s24, $0xb8;
	[tilespmem:$0x18B80] =	vst v63  }
0x4c: {  	s28 =	ssub.s32 @p1 s16, s25;
	s24 =	ssub.s32 @p1 s17, s25  }
0x4d: {  	p2 =	sgt.s32 @p1 s28, $0x0;
	p3 =	slt.s32 @p1 s24, $0x80  }
0x4e: {  	p2 =	por !p2, !p1;
	p3 =	por !p3, !p1  }
0x4f: {  	s28 =	simm.s32 @p2 $0x0;
	s24 =	simm.s32 @p3 $0x80  }
0x50: {  	p2 =	sge.s32 @p1 s28, s24  }
0x51: {  	p2 =	por !p1, p2  }
.Ltmp7:
0x52: {  	_ = 	snop;
	(pc) =	sbr.rel @p2 .LBB2_9-.Ltmp7, $4  }
0x53: {  	s25 =	simm.s32 @p1 $0x6  }
0x54: {  	_ =	swait.ge @p1 [sflag:s25], $0x4000  }
0x55: {  	[sflag:s25] =	ssyncset.done @p1 $0x0  }
0x56: {  	[sflag:s25] =	ssyncadd.s32 @p1 $0xFFFFC000  }
0x57: {  	p1 =	sgt.s32 s19, $0x0;
	s26 =	smov.u32 s19  }
0x58: {  	s26 =	simm.s32 @!p1 $0x0  }
0x59: {  	s25 =	sshll.u32 s26, $0x2  }
0x5a: {  	s25 =	sshra.s32 s25, $0x2  }
0x5b: {  	s25 =	sadd.s32 $0x280, s25  }
0x5c: {  	v1 =	vld [tilespmem:s25+$0x0];
	_ =	sdelay $0x4  }
0x5d: {  	(v2sf) =	vpush v1, $0x0;
	_ =	sdelay $0xd  }
0x5e: {  	s26 =	sshll.u32 s26, $0x9  }
0x5f: {  	s26 =	sshra.s32 s26, $0x2;
	s29 =	spop (v2sf)  }
0x60: {  	s26 =	sadd.s32 $0x43A0, s26;
	s29 =	sshll.u32 s29, $0x8  }
0x61: {  	v1 =	vld [tilespmem:s26+$0xFFFFFFE0];
	s29 =	sshra.s32 s29, $0x2  }
0x62: {  	v2 =	vld [tilespmem:s29+$0x8380];
	_ =	sdelay $0x4  }
0x63: {  	v1 =	vmax.f32 v2, v1  }
0x64: {  	[tilespmem:s29+$0x8380] =	vst v1;
	v1 =	vld [tilespmem:s29+$0x8390]  }
0x65: {  	v2 =	vld [tilespmem:s26+$0xFFFFFFF0];
	_ =	sdelay $0x4  }
0x66: {  	v1 =	vmax.f32 v1, v2  }
0x67: {  	[tilespmem:s29+$0x8390] =	vst v1;
	v1 =	vld [tilespmem:s29+$0x83A0]  }
0x68: {  	v2 =	vld [tilespmem:s26+$0x0];
	_ =	sdelay $0x4  }
0x69: {  	v1 =	vmax.f32 v1, v2  }
0x6a: {  	s28 =	sadd.s32 $0x1, s28;
	[tilespmem:s29+$0x83A0] =	vst v1;
	v1 =	vld [tilespmem:s29+$0x83B0]  }
0x6b: {  	p1 =	slt.s32 s28, s24;
	v2 =	vld [tilespmem:s26+$0x10]  }
.Ltmp8:
0x6c: {  	_ = 	snop;
	(pc) =	sbr.rel @!p1 .LBB2_8-.Ltmp8, $2  }
0x6d: {  	_ =	sdelay $0x2  }
0x6e: {  	v1 =	vmax.f32 v1, v2  }
.LBB2_7:
0x6f: {  	s28 =	sadd.s32 $0x1, s28;
	[tilespmem:s29+$0x83B0] =	vst v1;
	s25 =	sadd.s32 $0x1, s25;
	s26 =	sadd.s32 $0x80, s26  }
0x70: {  	v1 =	vld [tilespmem:s25+$0x0];
	p1 =	slt.s32 s28, s24;
	_ =	sdelay $0x4  }
0x71: {  	(v2sf) =	vpush v1, $0x0;
	_ =	sdelay $0xe  }
0x72: {  	s29 =	spop (v2sf)  }
0x73: {  	s29 =	sshll.u32 s29, $0x8  }
0x74: {  	v1 =	vld [tilespmem:s26+$0xFFFFFFE0];
	s29 =	sshra.s32 s29, $0x2  }
0x75: {  	v2 =	vld [tilespmem:s29+$0x8380];
	_ =	sdelay $0x4  }
0x76: {  	v1 =	vmax.f32 v2, v1  }
0x77: {  	[tilespmem:s29+$0x8380] =	vst v1;
	v1 =	vld [tilespmem:s29+$0x8390]  }
0x78: {  	v2 =	vld [tilespmem:s26+$0xFFFFFFF0];
	_ =	sdelay $0x4  }
0x79: {  	v1 =	vmax.f32 v1, v2  }
0x7a: {  	[tilespmem:s29+$0x8390] =	vst v1;
	v1 =	vld [tilespmem:s29+$0x83A0]  }
0x7b: {  	v2 =	vld [tilespmem:s26+$0x0];
	_ =	sdelay $0x4  }
0x7c: {  	v1 =	vmax.f32 v1, v2  }
0x7d: {  	[tilespmem:s29+$0x83A0] =	vst v1;
	v1 =	vld [tilespmem:s29+$0x83B0]  }
0x7e: {  	v2 =	vld [tilespmem:s26+$0x10]  }
.Ltmp9:
0x7f: {  	(pc) =	sbr.rel @p1 .LBB2_7-.Ltmp9, $2  }
0x80: {  	_ =	sdelay $0x2  }
0x81: {  	v1 =	vmax.f32 v1, v2  }
.LBB2_8:
0x82: {  	[tilespmem:s29+$0x83B0] =	vst v1  }
.LBB2_9:
0x83: {  	s24 =	sadd.s32 $0x100, s23  }
0x84: {  	p1 =	slt.s32 s22, s17;
	p2 =	sgt.s32 s24, s16  }
0x85: {  	p1 =	por !p1, !p2  }
0x86: {  	p1 =	por !p1, !p1  }
0x87: {  	s25 =	sadd.s32 @p1 s23, s18  }
0x88: {  	s25 =	sshrl.u32 @p1 s25, $0x3  }
0x89: {  	s28 =	simm.s32 @p1 $0x0;
	s29 =	simm.s32 @p1 $0x100;
	s26 =	sadd.s32 @p1 s5, s25  }
0x8a: {  	[tilespmem:s29], [sflag:$0x2] =	stream.linear.gather @p1 [hbm4b:s26+s28], $0x80, $0x38;
	[tilespmem:$0x18B80] =	vst v63  }
0x8b: {  	s25 =	sadd.s32 @p1 s6, s25;
	s26 =	simm.s32 @p1 $0x280  }
0x8c: {  	[tilespmem:s26], [sflag:$0x4] =	stream.linear.gather @p1 [hbm4b:s25+s28], $0x80, $0x38;
	[tilespmem:$0x18B80] =	vst v63  }
0x8d: {  	s25 =	simm.s32 @p1 $0x2  }
0x8e: {  	_ =	swait.ge @p1 [sflag:s25], $0x80  }
0x8f: {  	[sflag:s25] =	ssyncset.done @p1 $0x0  }
0x90: {  	[sflag:s25] =	ssyncadd.s32 @p1 $0xFFFFFF80;
	s25 =	simm.s32 @p1 $0x4  }
0x91: {  	_ =	swait.ge @p1 [sflag:s25], $0x80  }
0x92: {  	[sflag:s25] =	ssyncset.done @p1 $0x0  }
0x93: {  	s26 =	simm.s32 @p1 $0x4380;
	[sflag:s25] =	ssyncadd.s32 @p1 $0xFFFFFF80;
	s25 =	simm.s32 @p1 $0x80  }
0x94: {  	[tilespmem:s26], [sflag:$0x6] =	stream.indirect.gather @p1 [hbm4b:s7+s25], $0x80, s29, s25, $0xb8;
	[tilespmem:$0x18B80] =	vst v63  }
0x95: {  	s29 =	ssub.s32 @p0 s16, s23;
	s25 =	ssub.s32 @p0 s17, s23  }
0x96: {  	p2 =	sgt.s32 @p0 s29, $0x0;
	p3 =	slt.s32 @p0 s25, $0x80  }
0x97: {  	p2 =	por !p2, !p0;
	p3 =	por !p3, !p0  }
0x98: {  	s29 =	simm.s32 @p2 $0x0;
	s25 =	simm.s32 @p3 $0x80  }
0x99: {  	p2 =	sge.s32 @p0 s29, s25  }
0x9a: {  	p2 =	por !p0, p2  }
.Ltmp10:
0x9b: {  	_ = 	snop;
	(pc) =	sbr.rel @p2 .LBB2_13-.Ltmp10, $4  }
0x9c: {  	s26 =	simm.s32 @p0 $0x5  }
0x9d: {  	_ =	swait.ge @p0 [sflag:s26], $0x4000  }
0x9e: {  	[sflag:s26] =	ssyncset.done @p0 $0x0  }
0x9f: {  	[sflag:s26] =	ssyncadd.s32 @p0 $0xFFFFC000  }
0xa0: {  	p0 =	sgt.s32 s20, $0x0;
	s28 =	smov.u32 s20  }
0xa1: {  	s28 =	simm.s32 @!p0 $0x0  }
0xa2: {  	s26 =	sshll.u32 s28, $0x2  }
0xa3: {  	s26 =	sshra.s32 s26, $0x2  }
0xa4: {  	s26 =	sadd.s32 $0x180, s26  }
0xa5: {  	v1 =	vld [tilespmem:s26+$0x0];
	_ =	sdelay $0x4  }
0xa6: {  	(v2sf) =	vpush v1, $0x0;
	_ =	sdelay $0xd  }
0xa7: {  	s28 =	sshll.u32 s28, $0x9  }
0xa8: {  	s28 =	sshra.s32 s28, $0x2;
	s30 =	spop (v2sf)  }
0xa9: {  	s28 =	sadd.s32 $0x3A0, s28;
	s30 =	sshll.u32 s30, $0x8  }
0xaa: {  	v1 =	vld [tilespmem:s28+$0xFFFFFFE0];
	s30 =	sshra.s32 s30, $0x2  }
0xab: {  	v2 =	vld [tilespmem:s30+$0x8380];
	_ =	sdelay $0x4  }
0xac: {  	v1 =	vmax.f32 v2, v1  }
0xad: {  	[tilespmem:s30+$0x8380] =	vst v1;
	v1 =	vld [tilespmem:s30+$0x8390]  }
0xae: {  	v2 =	vld [tilespmem:s28+$0xFFFFFFF0];
	_ =	sdelay $0x4  }
0xaf: {  	v1 =	vmax.f32 v1, v2  }
0xb0: {  	[tilespmem:s30+$0x8390] =	vst v1;
	v1 =	vld [tilespmem:s30+$0x83A0]  }
0xb1: {  	v2 =	vld [tilespmem:s28+$0x0];
	_ =	sdelay $0x4  }
0xb2: {  	v1 =	vmax.f32 v1, v2  }
0xb3: {  	s29 =	sadd.s32 $0x1, s29;
	[tilespmem:s30+$0x83A0] =	vst v1;
	v1 =	vld [tilespmem:s30+$0x83B0]  }
0xb4: {  	p0 =	slt.s32 s29, s25;
	v2 =	vld [tilespmem:s28+$0x10]  }
.Ltmp11:
0xb5: {  	_ = 	snop;
	(pc) =	sbr.rel @!p0 .LBB2_12-.Ltmp11, $2  }
0xb6: {  	_ =	sdelay $0x2  }
0xb7: {  	v1 =	vmax.f32 v1, v2  }
.LBB2_11:
0xb8: {  	s29 =	sadd.s32 $0x1, s29;
	[tilespmem:s30+$0x83B0] =	vst v1;
	s26 =	sadd.s32 $0x1, s26;
	s28 =	sadd.s32 $0x80, s28  }
0xb9: {  	v1 =	vld [tilespmem:s26+$0x0];
	p0 =	slt.s32 s29, s25;
	_ =	sdelay $0x4  }
0xba: {  	(v2sf) =	vpush v1, $0x0;
	_ =	sdelay $0xe  }
0xbb: {  	s30 =	spop (v2sf)  }
0xbc: {  	s30 =	sshll.u32 s30, $0x8  }
0xbd: {  	v1 =	vld [tilespmem:s28+$0xFFFFFFE0];
	s30 =	sshra.s32 s30, $0x2  }
0xbe: {  	v2 =	vld [tilespmem:s30+$0x8380];
	_ =	sdelay $0x4  }
0xbf: {  	v1 =	vmax.f32 v2, v1  }
0xc0: {  	[tilespmem:s30+$0x8380] =	vst v1;
	v1 =	vld [tilespmem:s30+$0x8390]  }
0xc1: {  	v2 =	vld [tilespmem:s28+$0xFFFFFFF0];
	_ =	sdelay $0x4  }
0xc2: {  	v1 =	vmax.f32 v1, v2  }
0xc3: {  	[tilespmem:s30+$0x8390] =	vst v1;
	v1 =	vld [tilespmem:s30+$0x83A0]  }
0xc4: {  	v2 =	vld [tilespmem:s28+$0x0];
	_ =	sdelay $0x4  }
0xc5: {  	v1 =	vmax.f32 v1, v2  }
0xc6: {  	[tilespmem:s30+$0x83A0] =	vst v1;
	v1 =	vld [tilespmem:s30+$0x83B0]  }
0xc7: {  	v2 =	vld [tilespmem:s28+$0x10]  }
.Ltmp12:
0xc8: {  	(pc) =	sbr.rel @p0 .LBB2_11-.Ltmp12, $2  }
0xc9: {  	_ =	sdelay $0x2  }
0xca: {  	v1 =	vmax.f32 v1, v2  }
.Ltmp13:
0xcb: {  	_ = 	snop;
	(pc) =	sbr.rel .LBB2_12-.Ltmp13, $1  }
0xcc: {  	_ =	sdelay $0x3  }
.LBB2_15:
0xcd: {  	s15 =	simm.s32 $0x0  }
0xce: {  	[hbm4b:s8+s15] =	stream.linear.scatter [tilespmem:s13], [sflag:$0x7], $0x10600, $0x38;
	[tilespmem:$0x18B80] =	vst v63  }
0xcf: {  	_ =	swait.ge [sflag:s12], $0x10600  }
0xd0: {  	[sflag:s12] =	ssyncset.done $0x0  }
0xd1: {  	s16 =	simm.s32 $0x40;
	s17 =	simm.s32 $0x0;
	[sflag:s12] =	ssyncadd.s32 $0xFFFEFA00  }
.LBB2_16:
0xd2: {  	p0 =	sne.s32 s16, $0x41FC0;
	[tilespmem:s17+$0x8380] =	vst v0;
	s17 =	smov.u32 s16;
	s16 =	sadd.s32 $0x40, s16  }
.Ltmp14:
0xd3: {  	(pc) =	sbr.rel @p0 .LBB2_16-.Ltmp14, $2  }
0xd4: {  	_ =	sdelay $0x2  }
0xd5: {  	s17 =	sshra.s32 s17, $0x2  }
.Ltmp15:
0xd6: {  	(pc) =	sbr.rel .LBB2_18-.Ltmp15, $2  }
0xd7: {  	_ =	sdelay $0x2  }
0xd8: {  	[tilespmem:s17+$0x8380] =	vst v0  }
.LBB2_28:
0xd9: {  	s15 =	sadd.s32 $0x1, s15  }
0xda: {  	p0 =	sne.s32 s15, $0x20  }
.Ltmp16:
0xdb: {  	_ = 	snop;
	(pc) =	sbr.rel @!p0 .LBB2_29-.Ltmp16, $1  }
0xdc: {  	_ =	sdelay $0x3  }
.LBB2_18:
0xdd: {  	s16 =	smul.u32 $0xD, s15;
	_ =	sdelay $0x1  }
0xde: {  	s16 =	sadd.s32 s2, s16  }
0xdf: {  	[tilespmem:s3], [sflag:$0x7] =	stream.linear.gather [hbm4b:s16+s3], $0x68, $0x38;
	[tilespmem:$0x18B80] =	vst v63  }
0xe0: {  	_ =	swait.ge [sflag:s12], $0x68  }
0xe1: {  	[sflag:s12] =	ssyncset.done $0x0  }
0xe2: {  	[sflag:s12] =	ssyncadd.s32 $0xFFFFFF98  }
0xe3: {  	v1 =	vld [tilespmem:s4+$0x1]  }
0xe4: {  	v2 =	vld [tilespmem:s4+$0x2];
	_ =	sdelay $0x3  }
0xe5: {  	(v2sf) =	vpush v1, $0x0  }
0xe6: {  	(v2sf) =	vpush v2, $0x0;
	_ =	sdelay $0xd  }
0xe7: {  	s16 =	spop (v2sf)  }
0xe8: {  	s17 =	spop (v2sf);
	p0 =	sgt.s32 s16, $0x7F  }
0xe9: {  	s18 =	smul.u32 $0xC780, s15;
	p1 =	slt.s32 @!p0 s17, $0x1  }
0xea: {  	p0 =	por p1, p0  }
0xeb: {  	s19 =	sshrl.u32 @!p0 s18, $0x3;
	s21 =	simm.s32 @!p0 $0x0  }
.Ltmp17:
0xec: {  	s22 =	simm.s32 @!p0 $0x80;
	s20 =	sadd.s32 @!p0 s5, s19;
	(pc) =	sbr.rel .LBB2_19-.Ltmp17, $4  }
0xed: {  	[tilespmem:s22], [sflag:$0x1] =	stream.linear.gather @!p0 [hbm4b:s20+s21], $0x80, $0x38;
	[tilespmem:$0x18B80] =	vst v63  }
0xee: {  	s18 =	sadd.s32 $0x80, s18;
	s19 =	sadd.s32 @!p0 s6, s19;
	s20 =	simm.s32 @!p0 $0x180  }
0xef: {  	[tilespmem:s20], [sflag:$0x3] =	stream.linear.gather @!p0 [hbm4b:s19+s21], $0x80, $0x38;
	[tilespmem:$0x18B80] =	vst v63  }
0xf0: {  	s19 =	sadd.s32 $0x80, s16;
	s20 =	simm.s32 $0x0;
	s21 =	smov.u32 s16  }
.LBB2_26:
0xf1: {  	[tilespmem:s30+$0x83B0] =	vst v1  }
.LBB2_27:
0xf2: {  	s23 =	sadd.s32 @!p1 $0x180, s23  }
0xf3: {  	p0 =	slt.s32 @!p1 s24, s17;
	p2 =	sgt.s32 @!p1 s23, s16  }
0xf4: {  	p0 =	por @!p1 !p0, !p2  }
0xf5: {  	p2 =	slt.s32 @p1 s24, s17;
	p0 =	por @!p1 !p0, !p0  }
0xf6: {  	s20 =	sadd.s32 $0x1, s20;
	p2 =	por @!p1 p0, p0  }
0xf7: {  	p0 =	sne.s32 s20, $0xC8;
	s22 =	sadd.s32 @p2 s22, s18  }
.Ltmp18:
0xf8: {  	s19 =	sadd.s32 $0xFFFFFF00, s19;
	s22 =	sshrl.u32 @p2 s22, $0x3;
	(pc) =	sbr.rel @!p0 .LBB2_28-.Ltmp18, $4  }
0xf9: {  	s24 =	simm.s32 @p2 $0x0;
	s25 =	simm.s32 @p2 $0x80;
	s23 =	sadd.s32 @p2 s5, s22  }
0xfa: {  	[tilespmem:s25], [sflag:$0x1] =	stream.linear.gather @p2 [hbm4b:s23+s24], $0x80, $0x38;
	[tilespmem:$0x18B80] =	vst v63  }
0xfb: {  	s21 =	sadd.s32 $0xFFFFFF00, s21;
	s22 =	sadd.s32 @p2 s6, s22;
	s23 =	simm.s32 @p2 $0x180  }
0xfc: {  	[tilespmem:s23], [sflag:$0x3] =	stream.linear.gather @p2 [hbm4b:s22+s24], $0x80, $0x38;
	[tilespmem:$0x18B80] =	vst v63  }
.LBB2_19:
0xfd: {  	s23 =	sshll.u32 s20, $0x8  }
0xfe: {  	s22 =	sor.u32 $0x80, s23  }
0xff: {  	p0 =	sgt.s32 s17, s23;
	p1 =	sgt.s32 s22, s16  }
0x100: {  	p0 =	por !p0, !p1  }
0x101: {  	p0 =	por !p0, !p0  }
0x102: {  	s24 =	simm.s32 @p0 $0x1  }
0x103: {  	_ =	swait.ge @p0 [sflag:s24], $0x80  }
0x104: {  	s25 =	sadd.s32 $0xFFFFFF80, s23;
	p2 =	slt.s32 s16, s23;
	[sflag:s24] =	ssyncset.done @p0 $0x0  }
0x105: {  	p6 =	sgt.s32 s17, s25;
	[sflag:s24] =	ssyncadd.s32 @p0 $0xFFFFFF80;
	s24 =	simm.s32 @p0 $0x3  }
0x106: {  	p1 =	por !p2, !p6;
	_ =	swait.ge @p0 [sflag:s24], $0x80  }
0x107: {  	p1 =	por !p1, !p1;
	[sflag:s24] =	ssyncset.done @p0 $0x0  }
0x108: {  	s26 =	simm.s32 @p0 $0x380;
	[sflag:s24] =	ssyncadd.s32 @p0 $0xFFFFFF80;
	s24 =	simm.s32 @p0 $0x80  }
0x109: {  	[tilespmem:s26], [sflag:$0x5] =	stream.indirect.gather @p0 [hbm4b:s7+s24], $0x80, s24, s24, $0xb8;
	[tilespmem:$0x18B80] =	vst v63  }
0x10a: {  	s28 =	ssub.s32 @p1 s16, s25;
	s24 =	ssub.s32 @p1 s17, s25  }
0x10b: {  	p2 =	sgt.s32 @p1 s28, $0x0;
	p3 =	slt.s32 @p1 s24, $0x80  }
0x10c: {  	p2 =	por !p2, !p1;
	p3 =	por !p3, !p1  }
0x10d: {  	s28 =	simm.s32 @p2 $0x0;
	s24 =	simm.s32 @p3 $0x80  }
0x10e: {  	p2 =	sge.s32 @p1 s28, s24  }
0x10f: {  	p2 =	por !p1, p2  }
.Ltmp19:
0x110: {  	_ = 	snop;
	(pc) =	sbr.rel @p2 .LBB2_23-.Ltmp19, $4  }
0x111: {  	s25 =	simm.s32 @p1 $0x6  }
0x112: {  	_ =	swait.ge @p1 [sflag:s25], $0x4000  }
0x113: {  	[sflag:s25] =	ssyncset.done @p1 $0x0  }
0x114: {  	[sflag:s25] =	ssyncadd.s32 @p1 $0xFFFFC000  }
0x115: {  	p1 =	sgt.s32 s19, $0x0;
	s26 =	smov.u32 s19  }
0x116: {  	s26 =	simm.s32 @!p1 $0x0  }
0x117: {  	s25 =	sshll.u32 s26, $0x2  }
0x118: {  	s25 =	sshra.s32 s25, $0x2  }
0x119: {  	s25 =	sadd.s32 $0x280, s25  }
0x11a: {  	v1 =	vld [tilespmem:s25+$0x0];
	_ =	sdelay $0x4  }
0x11b: {  	(v2sf) =	vpush v1, $0x0;
	_ =	sdelay $0xd  }
0x11c: {  	s26 =	sshll.u32 s26, $0x9  }
0x11d: {  	s26 =	sshra.s32 s26, $0x2;
	s29 =	spop (v2sf)  }
0x11e: {  	s26 =	sadd.s32 $0x43A0, s26;
	s29 =	sshll.u32 s29, $0x8  }
0x11f: {  	v1 =	vld [tilespmem:s26+$0xFFFFFFE0];
	s29 =	sshra.s32 s29, $0x2  }
0x120: {  	v2 =	vld [tilespmem:s29+$0x8380];
	_ =	sdelay $0x4  }
0x121: {  	v1 =	vmax.f32 v2, v1  }
0x122: {  	[tilespmem:s29+$0x8380] =	vst v1;
	v1 =	vld [tilespmem:s29+$0x8390]  }
0x123: {  	v2 =	vld [tilespmem:s26+$0xFFFFFFF0];
	_ =	sdelay $0x4  }
0x124: {  	v1 =	vmax.f32 v1, v2  }
0x125: {  	[tilespmem:s29+$0x8390] =	vst v1;
	v1 =	vld [tilespmem:s29+$0x83A0]  }
0x126: {  	v2 =	vld [tilespmem:s26+$0x0];
	_ =	sdelay $0x4  }
0x127: {  	v1 =	vmax.f32 v1, v2  }
0x128: {  	s28 =	sadd.s32 $0x1, s28;
	[tilespmem:s29+$0x83A0] =	vst v1;
	v1 =	vld [tilespmem:s29+$0x83B0]  }
0x129: {  	p1 =	slt.s32 s28, s24;
	v2 =	vld [tilespmem:s26+$0x10]  }
.Ltmp20:
0x12a: {  	_ = 	snop;
	(pc) =	sbr.rel @!p1 .LBB2_22-.Ltmp20, $2  }
0x12b: {  	_ =	sdelay $0x2  }
0x12c: {  	v1 =	vmax.f32 v1, v2  }
.LBB2_21:
0x12d: {  	s28 =	sadd.s32 $0x1, s28;
	[tilespmem:s29+$0x83B0] =	vst v1;
	s25 =	sadd.s32 $0x1, s25;
	s26 =	sadd.s32 $0x80, s26  }
0x12e: {  	v1 =	vld [tilespmem:s25+$0x0];
	p1 =	slt.s32 s28, s24;
	_ =	sdelay $0x4  }
0x12f: {  	(v2sf) =	vpush v1, $0x0;
	_ =	sdelay $0xe  }
0x130: {  	s29 =	spop (v2sf)  }
0x131: {  	s29 =	sshll.u32 s29, $0x8  }
0x132: {  	v1 =	vld [tilespmem:s26+$0xFFFFFFE0];
	s29 =	sshra.s32 s29, $0x2  }
0x133: {  	v2 =	vld [tilespmem:s29+$0x8380];
	_ =	sdelay $0x4  }
0x134: {  	v1 =	vmax.f32 v2, v1  }
0x135: {  	[tilespmem:s29+$0x8380] =	vst v1;
	v1 =	vld [tilespmem:s29+$0x8390]  }
0x136: {  	v2 =	vld [tilespmem:s26+$0xFFFFFFF0];
	_ =	sdelay $0x4  }
0x137: {  	v1 =	vmax.f32 v1, v2  }
0x138: {  	[tilespmem:s29+$0x8390] =	vst v1;
	v1 =	vld [tilespmem:s29+$0x83A0]  }
0x139: {  	v2 =	vld [tilespmem:s26+$0x0];
	_ =	sdelay $0x4  }
0x13a: {  	v1 =	vmax.f32 v1, v2  }
0x13b: {  	[tilespmem:s29+$0x83A0] =	vst v1;
	v1 =	vld [tilespmem:s29+$0x83B0]  }
0x13c: {  	v2 =	vld [tilespmem:s26+$0x10]  }
.Ltmp21:
0x13d: {  	(pc) =	sbr.rel @p1 .LBB2_21-.Ltmp21, $2  }
0x13e: {  	_ =	sdelay $0x2  }
0x13f: {  	v1 =	vmax.f32 v1, v2  }
.LBB2_22:
0x140: {  	[tilespmem:s29+$0x83B0] =	vst v1  }
.LBB2_23:
0x141: {  	s24 =	sadd.s32 $0x100, s23  }
0x142: {  	p1 =	slt.s32 s22, s17;
	p2 =	sgt.s32 s24, s16  }
0x143: {  	p1 =	por !p1, !p2  }
0x144: {  	p1 =	por !p1, !p1  }
0x145: {  	s25 =	sadd.s32 @p1 s23, s18  }
0x146: {  	s25 =	sshrl.u32 @p1 s25, $0x3  }
0x147: {  	s28 =	simm.s32 @p1 $0x0;
	s29 =	simm.s32 @p1 $0x100;
	s26 =	sadd.s32 @p1 s5, s25  }
0x148: {  	[tilespmem:s29], [sflag:$0x2] =	stream.linear.gather @p1 [hbm4b:s26+s28], $0x80, $0x38;
	[tilespmem:$0x18B80] =	vst v63  }
0x149: {  	s25 =	sadd.s32 @p1 s6, s25;
	s26 =	simm.s32 @p1 $0x280  }
0x14a: {  	[tilespmem:s26], [sflag:$0x4] =	stream.linear.gather @p1 [hbm4b:s25+s28], $0x80, $0x38;
	[tilespmem:$0x18B80] =	vst v63  }
0x14b: {  	s25 =	simm.s32 @p1 $0x2  }
0x14c: {  	_ =	swait.ge @p1 [sflag:s25], $0x80  }
0x14d: {  	[sflag:s25] =	ssyncset.done @p1 $0x0  }
0x14e: {  	[sflag:s25] =	ssyncadd.s32 @p1 $0xFFFFFF80;
	s25 =	simm.s32 @p1 $0x4  }
0x14f: {  	_ =	swait.ge @p1 [sflag:s25], $0x80  }
0x150: {  	[sflag:s25] =	ssyncset.done @p1 $0x0  }
0x151: {  	s26 =	simm.s32 @p1 $0x4380;
	[sflag:s25] =	ssyncadd.s32 @p1 $0xFFFFFF80;
	s25 =	simm.s32 @p1 $0x80  }
0x152: {  	[tilespmem:s26], [sflag:$0x6] =	stream.indirect.gather @p1 [hbm4b:s7+s25], $0x80, s29, s25, $0xb8;
	[tilespmem:$0x18B80] =	vst v63  }
0x153: {  	s29 =	ssub.s32 @p0 s16, s23;
	s25 =	ssub.s32 @p0 s17, s23  }
0x154: {  	p2 =	sgt.s32 @p0 s29, $0x0;
	p3 =	slt.s32 @p0 s25, $0x80  }
0x155: {  	p2 =	por !p2, !p0;
	p3 =	por !p3, !p0  }
0x156: {  	s29 =	simm.s32 @p2 $0x0;
	s25 =	simm.s32 @p3 $0x80  }
0x157: {  	p2 =	sge.s32 @p0 s29, s25  }
0x158: {  	p2 =	por !p0, p2  }
.Ltmp22:
0x159: {  	_ = 	snop;
	(pc) =	sbr.rel @p2 .LBB2_27-.Ltmp22, $4  }
0x15a: {  	s26 =	simm.s32 @p0 $0x5  }
0x15b: {  	_ =	swait.ge @p0 [sflag:s26], $0x4000  }
0x15c: {  	[sflag:s26] =	ssyncset.done @p0 $0x0  }
0x15d: {  	[sflag:s26] =	ssyncadd.s32 @p0 $0xFFFFC000  }
0x15e: {  	p0 =	sgt.s32 s21, $0x0;
	s28 =	smov.u32 s21  }
0x15f: {  	s28 =	simm.s32 @!p0 $0x0  }
0x160: {  	s26 =	sshll.u32 s28, $0x2  }
0x161: {  	s26 =	sshra.s32 s26, $0x2  }
0x162: {  	s26 =	sadd.s32 $0x180, s26  }
0x163: {  	v1 =	vld [tilespmem:s26+$0x0];
	_ =	sdelay $0x4  }
0x164: {  	(v2sf) =	vpush v1, $0x0;
	_ =	sdelay $0xd  }
0x165: {  	s28 =	sshll.u32 s28, $0x9  }
0x166: {  	s28 =	sshra.s32 s28, $0x2;
	s30 =	spop (v2sf)  }
0x167: {  	s28 =	sadd.s32 $0x3A0, s28;
	s30 =	sshll.u32 s30, $0x8  }
0x168: {  	v1 =	vld [tilespmem:s28+$0xFFFFFFE0];
	s30 =	sshra.s32 s30, $0x2  }
0x169: {  	v2 =	vld [tilespmem:s30+$0x8380];
	_ =	sdelay $0x4  }
0x16a: {  	v1 =	vmax.f32 v2, v1  }
0x16b: {  	[tilespmem:s30+$0x8380] =	vst v1;
	v1 =	vld [tilespmem:s30+$0x8390]  }
0x16c: {  	v2 =	vld [tilespmem:s28+$0xFFFFFFF0];
	_ =	sdelay $0x4  }
0x16d: {  	v1 =	vmax.f32 v1, v2  }
0x16e: {  	[tilespmem:s30+$0x8390] =	vst v1;
	v1 =	vld [tilespmem:s30+$0x83A0]  }
0x16f: {  	v2 =	vld [tilespmem:s28+$0x0];
	_ =	sdelay $0x4  }
0x170: {  	v1 =	vmax.f32 v1, v2  }
0x171: {  	s29 =	sadd.s32 $0x1, s29;
	[tilespmem:s30+$0x83A0] =	vst v1;
	v1 =	vld [tilespmem:s30+$0x83B0]  }
0x172: {  	p0 =	slt.s32 s29, s25;
	v2 =	vld [tilespmem:s28+$0x10]  }
.Ltmp23:
0x173: {  	_ = 	snop;
	(pc) =	sbr.rel @!p0 .LBB2_26-.Ltmp23, $2  }
0x174: {  	_ =	sdelay $0x2  }
0x175: {  	v1 =	vmax.f32 v1, v2  }
.LBB2_25:
0x176: {  	s29 =	sadd.s32 $0x1, s29;
	[tilespmem:s30+$0x83B0] =	vst v1;
	s26 =	sadd.s32 $0x1, s26;
	s28 =	sadd.s32 $0x80, s28  }
0x177: {  	v1 =	vld [tilespmem:s26+$0x0];
	p0 =	slt.s32 s29, s25;
	_ =	sdelay $0x4  }
0x178: {  	(v2sf) =	vpush v1, $0x0;
	_ =	sdelay $0xe  }
0x179: {  	s30 =	spop (v2sf)  }
0x17a: {  	s30 =	sshll.u32 s30, $0x8  }
0x17b: {  	v1 =	vld [tilespmem:s28+$0xFFFFFFE0];
	s30 =	sshra.s32 s30, $0x2  }
0x17c: {  	v2 =	vld [tilespmem:s30+$0x8380];
	_ =	sdelay $0x4  }
0x17d: {  	v1 =	vmax.f32 v2, v1  }
0x17e: {  	[tilespmem:s30+$0x8380] =	vst v1;
	v1 =	vld [tilespmem:s30+$0x8390]  }
0x17f: {  	v2 =	vld [tilespmem:s28+$0xFFFFFFF0];
	_ =	sdelay $0x4  }
0x180: {  	v1 =	vmax.f32 v1, v2  }
0x181: {  	[tilespmem:s30+$0x8390] =	vst v1;
	v1 =	vld [tilespmem:s30+$0x83A0]  }
0x182: {  	v2 =	vld [tilespmem:s28+$0x0];
	_ =	sdelay $0x4  }
0x183: {  	v1 =	vmax.f32 v1, v2  }
0x184: {  	[tilespmem:s30+$0x83A0] =	vst v1;
	v1 =	vld [tilespmem:s30+$0x83B0]  }
0x185: {  	v2 =	vld [tilespmem:s28+$0x10]  }
.Ltmp24:
0x186: {  	(pc) =	sbr.rel @p0 .LBB2_25-.Ltmp24, $2  }
0x187: {  	_ =	sdelay $0x2  }
0x188: {  	v1 =	vmax.f32 v1, v2  }
.Ltmp25:
0x189: {  	_ = 	snop;
	(pc) =	sbr.rel .LBB2_26-.Ltmp25, $1  }
0x18a: {  	_ =	sdelay $0x3  }
.LBB2_29:
0x18b: {  	s15 =	simm.s32 $0x0  }
0x18c: {  	[hbm4b:s9+s15] =	stream.linear.scatter [tilespmem:s13], [sflag:$0x7], $0x10600, $0x38;
	[tilespmem:$0x18B80] =	vst v63  }
0x18d: {  	_ =	swait.ge [sflag:s12], $0x10600  }
0x18e: {  	[sflag:s12] =	ssyncset.done $0x0  }
0x18f: {  	s16 =	simm.s32 $0x40;
	s17 =	simm.s32 $0x0;
	[sflag:s12] =	ssyncadd.s32 $0xFFFEFA00  }
.LBB2_30:
0x190: {  	p0 =	sne.s32 s16, $0x41FC0;
	[tilespmem:s17+$0x8380] =	vst v0;
	s17 =	smov.u32 s16;
	s16 =	sadd.s32 $0x40, s16  }
.Ltmp26:
0x191: {  	(pc) =	sbr.rel @p0 .LBB2_30-.Ltmp26, $2  }
0x192: {  	_ =	sdelay $0x2  }
0x193: {  	s17 =	sshra.s32 s17, $0x2  }
.Ltmp27:
0x194: {  	(pc) =	sbr.rel .LBB2_32-.Ltmp27, $2  }
0x195: {  	_ =	sdelay $0x2  }
0x196: {  	[tilespmem:s17+$0x8380] =	vst v0  }
.LBB2_42:
0x197: {  	s15 =	sadd.s32 $0x1, s15  }
0x198: {  	p0 =	sne.s32 s15, $0x20  }
.Ltmp28:
0x199: {  	_ = 	snop;
	(pc) =	sbr.rel @!p0 .LBB2_43-.Ltmp28, $1  }
0x19a: {  	_ =	sdelay $0x3  }
.LBB2_32:
0x19b: {  	s16 =	smul.u32 $0xD, s15;
	_ =	sdelay $0x1  }
0x19c: {  	s16 =	sadd.s32 s2, s16  }
0x19d: {  	[tilespmem:s3], [sflag:$0x7] =	stream.linear.gather [hbm4b:s16+s3], $0x68, $0x38;
	[tilespmem:$0x18B80] =	vst v63  }
0x19e: {  	_ =	swait.ge [sflag:s12], $0x68  }
0x19f: {  	[sflag:s12] =	ssyncset.done $0x0  }
0x1a0: {  	[sflag:s12] =	ssyncadd.s32 $0xFFFFFF98  }
0x1a1: {  	v1 =	vld [tilespmem:s4+$0x2]  }
0x1a2: {  	v2 =	vld [tilespmem:s4+$0x3];
	_ =	sdelay $0x3  }
0x1a3: {  	(v2sf) =	vpush v1, $0x0  }
0x1a4: {  	(v2sf) =	vpush v2, $0x0;
	_ =	sdelay $0xd  }
0x1a5: {  	s16 =	spop (v2sf)  }
0x1a6: {  	s17 =	spop (v2sf);
	p0 =	sgt.s32 s16, $0x7F  }
0x1a7: {  	s18 =	smul.u32 $0xC780, s15;
	p1 =	slt.s32 @!p0 s17, $0x1  }
0x1a8: {  	p0 =	por p1, p0  }
0x1a9: {  	s19 =	sshrl.u32 @!p0 s18, $0x3;
	s21 =	simm.s32 @!p0 $0x0  }
.Ltmp29:
0x1aa: {  	s22 =	simm.s32 @!p0 $0x80;
	s20 =	sadd.s32 @!p0 s5, s19;
	(pc) =	sbr.rel .LBB2_33-.Ltmp29, $4  }
0x1ab: {  	[tilespmem:s22], [sflag:$0x1] =	stream.linear.gather @!p0 [hbm4b:s20+s21], $0x80, $0x38;
	[tilespmem:$0x18B80] =	vst v63  }
0x1ac: {  	s18 =	sadd.s32 $0x80, s18;
	s19 =	sadd.s32 @!p0 s6, s19;
	s20 =	simm.s32 @!p0 $0x180  }
0x1ad: {  	[tilespmem:s20], [sflag:$0x3] =	stream.linear.gather @!p0 [hbm4b:s19+s21], $0x80, $0x38;
	[tilespmem:$0x18B80] =	vst v63  }
0x1ae: {  	s19 =	sadd.s32 $0x80, s16;
	s20 =	simm.s32 $0x0;
	s21 =	smov.u32 s16  }
.LBB2_40:
0x1af: {  	[tilespmem:s30+$0x83B0] =	vst v1  }
.LBB2_41:
0x1b0: {  	s23 =	sadd.s32 @!p1 $0x180, s23  }
0x1b1: {  	p0 =	slt.s32 @!p1 s24, s17;
	p2 =	sgt.s32 @!p1 s23, s16  }
0x1b2: {  	p0 =	por @!p1 !p0, !p2  }
0x1b3: {  	p2 =	slt.s32 @p1 s24, s17;
	p0 =	por @!p1 !p0, !p0  }
0x1b4: {  	s20 =	sadd.s32 $0x1, s20;
	p2 =	por @!p1 p0, p0  }
0x1b5: {  	p0 =	sne.s32 s20, $0xC8;
	s22 =	sadd.s32 @p2 s22, s18  }
.Ltmp30:
0x1b6: {  	s19 =	sadd.s32 $0xFFFFFF00, s19;
	s22 =	sshrl.u32 @p2 s22, $0x3;
	(pc) =	sbr.rel @!p0 .LBB2_42-.Ltmp30, $4  }
0x1b7: {  	s24 =	simm.s32 @p2 $0x0;
	s25 =	simm.s32 @p2 $0x80;
	s23 =	sadd.s32 @p2 s5, s22  }
0x1b8: {  	[tilespmem:s25], [sflag:$0x1] =	stream.linear.gather @p2 [hbm4b:s23+s24], $0x80, $0x38;
	[tilespmem:$0x18B80] =	vst v63  }
0x1b9: {  	s21 =	sadd.s32 $0xFFFFFF00, s21;
	s22 =	sadd.s32 @p2 s6, s22;
	s23 =	simm.s32 @p2 $0x180  }
0x1ba: {  	[tilespmem:s23], [sflag:$0x3] =	stream.linear.gather @p2 [hbm4b:s22+s24], $0x80, $0x38;
	[tilespmem:$0x18B80] =	vst v63  }
.LBB2_33:
0x1bb: {  	s23 =	sshll.u32 s20, $0x8  }
0x1bc: {  	s22 =	sor.u32 $0x80, s23  }
0x1bd: {  	p0 =	sgt.s32 s17, s23;
	p1 =	sgt.s32 s22, s16  }
0x1be: {  	p0 =	por !p0, !p1  }
0x1bf: {  	p0 =	por !p0, !p0  }
0x1c0: {  	s24 =	simm.s32 @p0 $0x1  }
0x1c1: {  	_ =	swait.ge @p0 [sflag:s24], $0x80  }
0x1c2: {  	s25 =	sadd.s32 $0xFFFFFF80, s23;
	p2 =	slt.s32 s16, s23;
	[sflag:s24] =	ssyncset.done @p0 $0x0  }
0x1c3: {  	p6 =	sgt.s32 s17, s25;
	[sflag:s24] =	ssyncadd.s32 @p0 $0xFFFFFF80;
	s24 =	simm.s32 @p0 $0x3  }
0x1c4: {  	p1 =	por !p2, !p6;
	_ =	swait.ge @p0 [sflag:s24], $0x80  }
0x1c5: {  	p1 =	por !p1, !p1;
	[sflag:s24] =	ssyncset.done @p0 $0x0  }
0x1c6: {  	s26 =	simm.s32 @p0 $0x380;
	[sflag:s24] =	ssyncadd.s32 @p0 $0xFFFFFF80;
	s24 =	simm.s32 @p0 $0x80  }
0x1c7: {  	[tilespmem:s26], [sflag:$0x5] =	stream.indirect.gather @p0 [hbm4b:s7+s24], $0x80, s24, s24, $0xb8;
	[tilespmem:$0x18B80] =	vst v63  }
0x1c8: {  	s28 =	ssub.s32 @p1 s16, s25;
	s24 =	ssub.s32 @p1 s17, s25  }
0x1c9: {  	p2 =	sgt.s32 @p1 s28, $0x0;
	p3 =	slt.s32 @p1 s24, $0x80  }
0x1ca: {  	p2 =	por !p2, !p1;
	p3 =	por !p3, !p1  }
0x1cb: {  	s28 =	simm.s32 @p2 $0x0;
	s24 =	simm.s32 @p3 $0x80  }
0x1cc: {  	p2 =	sge.s32 @p1 s28, s24  }
0x1cd: {  	p2 =	por !p1, p2  }
.Ltmp31:
0x1ce: {  	_ = 	snop;
	(pc) =	sbr.rel @p2 .LBB2_37-.Ltmp31, $4  }
0x1cf: {  	s25 =	simm.s32 @p1 $0x6  }
0x1d0: {  	_ =	swait.ge @p1 [sflag:s25], $0x4000  }
0x1d1: {  	[sflag:s25] =	ssyncset.done @p1 $0x0  }
0x1d2: {  	[sflag:s25] =	ssyncadd.s32 @p1 $0xFFFFC000  }
0x1d3: {  	p1 =	sgt.s32 s19, $0x0;
	s26 =	smov.u32 s19  }
0x1d4: {  	s26 =	simm.s32 @!p1 $0x0  }
0x1d5: {  	s25 =	sshll.u32 s26, $0x2  }
0x1d6: {  	s25 =	sshra.s32 s25, $0x2  }
0x1d7: {  	s25 =	sadd.s32 $0x280, s25  }
0x1d8: {  	v1 =	vld [tilespmem:s25+$0x0];
	_ =	sdelay $0x4  }
0x1d9: {  	(v2sf) =	vpush v1, $0x0;
	_ =	sdelay $0xd  }
0x1da: {  	s26 =	sshll.u32 s26, $0x9  }
0x1db: {  	s26 =	sshra.s32 s26, $0x2;
	s29 =	spop (v2sf)  }
0x1dc: {  	s26 =	sadd.s32 $0x43A0, s26;
	s29 =	sshll.u32 s29, $0x8  }
0x1dd: {  	v1 =	vld [tilespmem:s26+$0xFFFFFFE0];
	s29 =	sshra.s32 s29, $0x2  }
0x1de: {  	v2 =	vld [tilespmem:s29+$0x8380];
	_ =	sdelay $0x4  }
0x1df: {  	v1 =	vmax.f32 v2, v1  }
0x1e0: {  	[tilespmem:s29+$0x8380] =	vst v1;
	v1 =	vld [tilespmem:s29+$0x8390]  }
0x1e1: {  	v2 =	vld [tilespmem:s26+$0xFFFFFFF0];
	_ =	sdelay $0x4  }
0x1e2: {  	v1 =	vmax.f32 v1, v2  }
0x1e3: {  	[tilespmem:s29+$0x8390] =	vst v1;
	v1 =	vld [tilespmem:s29+$0x83A0]  }
0x1e4: {  	v2 =	vld [tilespmem:s26+$0x0];
	_ =	sdelay $0x4  }
0x1e5: {  	v1 =	vmax.f32 v1, v2  }
0x1e6: {  	s28 =	sadd.s32 $0x1, s28;
	[tilespmem:s29+$0x83A0] =	vst v1;
	v1 =	vld [tilespmem:s29+$0x83B0]  }
0x1e7: {  	p1 =	slt.s32 s28, s24;
	v2 =	vld [tilespmem:s26+$0x10]  }
.Ltmp32:
0x1e8: {  	_ = 	snop;
	(pc) =	sbr.rel @!p1 .LBB2_36-.Ltmp32, $2  }
0x1e9: {  	_ =	sdelay $0x2  }
0x1ea: {  	v1 =	vmax.f32 v1, v2  }
.LBB2_35:
0x1eb: {  	s28 =	sadd.s32 $0x1, s28;
	[tilespmem:s29+$0x83B0] =	vst v1;
	s25 =	sadd.s32 $0x1, s25;
	s26 =	sadd.s32 $0x80, s26  }
0x1ec: {  	v1 =	vld [tilespmem:s25+$0x0];
	p1 =	slt.s32 s28, s24;
	_ =	sdelay $0x4  }
0x1ed: {  	(v2sf) =	vpush v1, $0x0;
	_ =	sdelay $0xe  }
0x1ee: {  	s29 =	spop (v2sf)  }
0x1ef: {  	s29 =	sshll.u32 s29, $0x8  }
0x1f0: {  	v1 =	vld [tilespmem:s26+$0xFFFFFFE0];
	s29 =	sshra.s32 s29, $0x2  }
0x1f1: {  	v2 =	vld [tilespmem:s29+$0x8380];
	_ =	sdelay $0x4  }
0x1f2: {  	v1 =	vmax.f32 v2, v1  }
0x1f3: {  	[tilespmem:s29+$0x8380] =	vst v1;
	v1 =	vld [tilespmem:s29+$0x8390]  }
0x1f4: {  	v2 =	vld [tilespmem:s26+$0xFFFFFFF0];
	_ =	sdelay $0x4  }
0x1f5: {  	v1 =	vmax.f32 v1, v2  }
0x1f6: {  	[tilespmem:s29+$0x8390] =	vst v1;
	v1 =	vld [tilespmem:s29+$0x83A0]  }
0x1f7: {  	v2 =	vld [tilespmem:s26+$0x0];
	_ =	sdelay $0x4  }
0x1f8: {  	v1 =	vmax.f32 v1, v2  }
0x1f9: {  	[tilespmem:s29+$0x83A0] =	vst v1;
	v1 =	vld [tilespmem:s29+$0x83B0]  }
0x1fa: {  	v2 =	vld [tilespmem:s26+$0x10]  }
.Ltmp33:
0x1fb: {  	(pc) =	sbr.rel @p1 .LBB2_35-.Ltmp33, $2  }
0x1fc: {  	_ =	sdelay $0x2  }
0x1fd: {  	v1 =	vmax.f32 v1, v2  }
.LBB2_36:
0x1fe: {  	[tilespmem:s29+$0x83B0] =	vst v1  }
.LBB2_37:
0x1ff: {  	s24 =	sadd.s32 $0x100, s23  }
0x200: {  	p1 =	slt.s32 s22, s17;
	p2 =	sgt.s32 s24, s16  }
0x201: {  	p1 =	por !p1, !p2  }
0x202: {  	p1 =	por !p1, !p1  }
0x203: {  	s25 =	sadd.s32 @p1 s23, s18  }
0x204: {  	s25 =	sshrl.u32 @p1 s25, $0x3  }
0x205: {  	s28 =	simm.s32 @p1 $0x0;
	s29 =	simm.s32 @p1 $0x100;
	s26 =	sadd.s32 @p1 s5, s25  }
0x206: {  	[tilespmem:s29], [sflag:$0x2] =	stream.linear.gather @p1 [hbm4b:s26+s28], $0x80, $0x38;
	[tilespmem:$0x18B80] =	vst v63  }
0x207: {  	s25 =	sadd.s32 @p1 s6, s25;
	s26 =	simm.s32 @p1 $0x280  }
0x208: {  	[tilespmem:s26], [sflag:$0x4] =	stream.linear.gather @p1 [hbm4b:s25+s28], $0x80, $0x38;
	[tilespmem:$0x18B80] =	vst v63  }
0x209: {  	s25 =	simm.s32 @p1 $0x2  }
0x20a: {  	_ =	swait.ge @p1 [sflag:s25], $0x80  }
0x20b: {  	[sflag:s25] =	ssyncset.done @p1 $0x0  }
0x20c: {  	[sflag:s25] =	ssyncadd.s32 @p1 $0xFFFFFF80;
	s25 =	simm.s32 @p1 $0x4  }
0x20d: {  	_ =	swait.ge @p1 [sflag:s25], $0x80  }
0x20e: {  	[sflag:s25] =	ssyncset.done @p1 $0x0  }
0x20f: {  	s26 =	simm.s32 @p1 $0x4380;
	[sflag:s25] =	ssyncadd.s32 @p1 $0xFFFFFF80;
	s25 =	simm.s32 @p1 $0x80  }
0x210: {  	[tilespmem:s26], [sflag:$0x6] =	stream.indirect.gather @p1 [hbm4b:s7+s25], $0x80, s29, s25, $0xb8;
	[tilespmem:$0x18B80] =	vst v63  }
0x211: {  	s29 =	ssub.s32 @p0 s16, s23;
	s25 =	ssub.s32 @p0 s17, s23  }
0x212: {  	p2 =	sgt.s32 @p0 s29, $0x0;
	p3 =	slt.s32 @p0 s25, $0x80  }
0x213: {  	p2 =	por !p2, !p0;
	p3 =	por !p3, !p0  }
0x214: {  	s29 =	simm.s32 @p2 $0x0;
	s25 =	simm.s32 @p3 $0x80  }
0x215: {  	p2 =	sge.s32 @p0 s29, s25  }
0x216: {  	p2 =	por !p0, p2  }
.Ltmp34:
0x217: {  	_ = 	snop;
	(pc) =	sbr.rel @p2 .LBB2_41-.Ltmp34, $4  }
0x218: {  	s26 =	simm.s32 @p0 $0x5  }
0x219: {  	_ =	swait.ge @p0 [sflag:s26], $0x4000  }
0x21a: {  	[sflag:s26] =	ssyncset.done @p0 $0x0  }
0x21b: {  	[sflag:s26] =	ssyncadd.s32 @p0 $0xFFFFC000  }
0x21c: {  	p0 =	sgt.s32 s21, $0x0;
	s28 =	smov.u32 s21  }
0x21d: {  	s28 =	simm.s32 @!p0 $0x0  }
0x21e: {  	s26 =	sshll.u32 s28, $0x2  }
0x21f: {  	s26 =	sshra.s32 s26, $0x2  }
0x220: {  	s26 =	sadd.s32 $0x180, s26  }
0x221: {  	v1 =	vld [tilespmem:s26+$0x0];
	_ =	sdelay $0x4  }
0x222: {  	(v2sf) =	vpush v1, $0x0;
	_ =	sdelay $0xd  }
0x223: {  	s28 =	sshll.u32 s28, $0x9  }
0x224: {  	s28 =	sshra.s32 s28, $0x2;
	s30 =	spop (v2sf)  }
0x225: {  	s28 =	sadd.s32 $0x3A0, s28;
	s30 =	sshll.u32 s30, $0x8  }
0x226: {  	v1 =	vld [tilespmem:s28+$0xFFFFFFE0];
	s30 =	sshra.s32 s30, $0x2  }
0x227: {  	v2 =	vld [tilespmem:s30+$0x8380];
	_ =	sdelay $0x4  }
0x228: {  	v1 =	vmax.f32 v2, v1  }
0x229: {  	[tilespmem:s30+$0x8380] =	vst v1;
	v1 =	vld [tilespmem:s30+$0x8390]  }
0x22a: {  	v2 =	vld [tilespmem:s28+$0xFFFFFFF0];
	_ =	sdelay $0x4  }
0x22b: {  	v1 =	vmax.f32 v1, v2  }
0x22c: {  	[tilespmem:s30+$0x8390] =	vst v1;
	v1 =	vld [tilespmem:s30+$0x83A0]  }
0x22d: {  	v2 =	vld [tilespmem:s28+$0x0];
	_ =	sdelay $0x4  }
0x22e: {  	v1 =	vmax.f32 v1, v2  }
0x22f: {  	s29 =	sadd.s32 $0x1, s29;
	[tilespmem:s30+$0x83A0] =	vst v1;
	v1 =	vld [tilespmem:s30+$0x83B0]  }
0x230: {  	p0 =	slt.s32 s29, s25;
	v2 =	vld [tilespmem:s28+$0x10]  }
.Ltmp35:
0x231: {  	_ = 	snop;
	(pc) =	sbr.rel @!p0 .LBB2_40-.Ltmp35, $2  }
0x232: {  	_ =	sdelay $0x2  }
0x233: {  	v1 =	vmax.f32 v1, v2  }
.LBB2_39:
0x234: {  	s29 =	sadd.s32 $0x1, s29;
	[tilespmem:s30+$0x83B0] =	vst v1;
	s26 =	sadd.s32 $0x1, s26;
	s28 =	sadd.s32 $0x80, s28  }
0x235: {  	v1 =	vld [tilespmem:s26+$0x0];
	p0 =	slt.s32 s29, s25;
	_ =	sdelay $0x4  }
0x236: {  	(v2sf) =	vpush v1, $0x0;
	_ =	sdelay $0xe  }
0x237: {  	s30 =	spop (v2sf)  }
0x238: {  	s30 =	sshll.u32 s30, $0x8  }
0x239: {  	v1 =	vld [tilespmem:s28+$0xFFFFFFE0];
	s30 =	sshra.s32 s30, $0x2  }
0x23a: {  	v2 =	vld [tilespmem:s30+$0x8380];
	_ =	sdelay $0x4  }
0x23b: {  	v1 =	vmax.f32 v2, v1  }
0x23c: {  	[tilespmem:s30+$0x8380] =	vst v1;
	v1 =	vld [tilespmem:s30+$0x8390]  }
0x23d: {  	v2 =	vld [tilespmem:s28+$0xFFFFFFF0];
	_ =	sdelay $0x4  }
0x23e: {  	v1 =	vmax.f32 v1, v2  }
0x23f: {  	[tilespmem:s30+$0x8390] =	vst v1;
	v1 =	vld [tilespmem:s30+$0x83A0]  }
0x240: {  	v2 =	vld [tilespmem:s28+$0x0];
	_ =	sdelay $0x4  }
0x241: {  	v1 =	vmax.f32 v1, v2  }
0x242: {  	[tilespmem:s30+$0x83A0] =	vst v1;
	v1 =	vld [tilespmem:s30+$0x83B0]  }
0x243: {  	v2 =	vld [tilespmem:s28+$0x10]  }
.Ltmp36:
0x244: {  	(pc) =	sbr.rel @p0 .LBB2_39-.Ltmp36, $2  }
0x245: {  	_ =	sdelay $0x2  }
0x246: {  	v1 =	vmax.f32 v1, v2  }
.Ltmp37:
0x247: {  	_ = 	snop;
	(pc) =	sbr.rel .LBB2_40-.Ltmp37, $1  }
0x248: {  	_ =	sdelay $0x3  }
.LBB2_44:
0x249: {  	_ =	sfence.sel $0x180000  }
0x24a: {  	[bflag:$0x0] =	sbarrier.arrive $0xFFFF  }
0x24b: {  	p0 =	sne.s32 s0, $0x0;
	_ =	strace $0x9000004D  }
0x24c: {  	s0 =	sadd.s32 @!p0 $0x100000, s1;
	[bflag:$0x2] =	sbarrier.arrive $0xFFFF  }
0x24d: {  	[sflag:s0] =	ssyncadd.tile.s32 @!p0 $0x1;
	_ =	shalt  }
.Lfunc_end2:
_tile_overlayer_lowered:
.L_overlay_start_2:
0x24e: {  	(tag) =	ssettag $0x2  }
0x24f: {  	s0 =	rddreg [dreg:$0x0];
	s2 =	stileid.u32  }
0x250: {  	s1 =	rddreg [dreg:$0x1];
	p0 =	sne.s32 s2, $0x0  }
0x251: {  	s3 =	rddreg [dreg:$0x2];
	[bflag:$0x3] =	sbarrier.arrive $0xFFFF;
	s2 =	simm.s32 @!p0 $0x1C07  }
0x252: {  	[timem:s3], [sflag:s2] =	dma.local @!p0 [hbm:s0], s1  }
0x253: {  	s0 =	simm.s32 @!p0 $0x7  }
0x254: {  	_ =	swait.ge @!p0 [sflag:s0], s1  }
0x255: {  	s1 =	ssub.s32 @!p0 $0x0, s1;
	[sflag:s0] =	ssyncset.done @!p0 $0x0  }
0x256: {  	[sflag:s0] =	ssyncadd.s32 @!p0 s1  }
0x257: {  	[bflag:$0x3] =	sbarrier.arrive $0xFFFF  }
0x258: {  	_ =	shalt  }

// kernel: kernel.8.cloned.1.call-start
scs
__scs_entry_jumppad:
0x0: {  	(pc) =	sbr.rel $0x88, $3  }
0x1: {  	(tag) =	ssettag $0x0;
	lr =	simm.s32 $0x1  }
0x2: {  	[smem:$0x3F84] =	sst lr;
	_ =	strace $0xD0000000  }
0x3: {  	_ = 	snop  }
0x4: {  	_ = 	snop  }
0x5: {  	_ = 	snop  }
0x6: {  	_ = 	snop  }
0x7: {  	_ = 	snop  }
__scs_overlays_trampoline_lowered:
0x8: {  	[smem:$0x3F93] =	sst s0  }
0x9: {  	[smem:$0x3F94] =	sst s1  }
0xa: {  	[smem:$0x3F95] =	sst s2  }
0xb: {  	[smem:$0x3F96] =	sst s3  }
0xc: {  	[smem:$0x3F97] =	sst s4  }
0xd: {  	[smem:$0x3F98] =	sst s5  }
0xe: {  	[smem:$0x3F99] =	sst s6  }
0xf: {  	[smem:$0x3F9A] =	sst s7  }
0x10: {  	[smem:$0x3F9B] =	sst s8  }
0x11: {  	[smem:$0x3F9C] =	sst s9;
	s0 =	simm.s32 @!p0 $0x0  }
0x12: {  	s1 =	sld [smem:$0x3F82];
	s0 =	simm.s32 @p0 $0x1  }
0x13: {  	[smem:$0x3F9D] =	sst s0;
	s0 =	simm.s32 @!p1 $0x0  }
0x14: {  	s2 =	sld [smem:$0x3F81];
	s0 =	simm.s32 @p1 $0x1  }
0x15: {  	[smem:$0x3F9E] =	sst s0;
	s0 =	simm.s32 @!p2 $0x0  }
0x16: {  	s3 =	sld [smem:$0x3FDB];
	s0 =	simm.s32 @p2 $0x1  }
0x17: {  	s4 =	simm.s32 $0x1BF5;
	[smem:$0x3FA0] =	sst s0  }
0x18: {  	s0 =	sld [smem:$0x3F83];
	_ =	swait.ge [sflag:s4], $0x0  }
0x19: {  	s7 =	sld [smem:$0x3F84]  }
0x1a: {  	s8 =	sadd.s32 $0xFFFFE003, lr  }
0x1b: {  	s9 =	sadd.s32 $0xFFFFFEF7, lr;
	s5 =	simm.s32 $0xFFFFFFFF;
	p2 =	slt.u32 s8, $0xFFFFF086  }
0x1c: {  	p1 =	slt.u32 s9, $0xF7A;
	s5 =	simm.s32 @!p2 $0x0  }
0x1d: {  	s5 =	simm.s32 @p1 $0x1;
	p0 =	seq.s32 s7, s2  }
0x1e: {  	s7 =	smul.u32 @!p0 $0xF7A, s2;
	p2 =	seq.s32 @!p0 s5, $0x0  }
0x1f: {  	s9 =	smul.u32 $0xF7A, s1;
	s8 =	simm.s32 @!p0 $0x1BF5;
	p2 =	por !p2, p0  }
0x20: {  	[sflag:s8] =	ssyncset.s32 @!p0 $0xFFFFF086;
	s6 =	sadd.s32 @!p0 s3, s7;
	s7 =	simm.s32 @!p0 $0x108  }
0x21: {  	s3 =	sadd.s32 s3, s9;
	s6 =	sadd.s32 @!p0 $0x88, s6;
	s7 =	simm.s32 @p2 $0x1082  }
0x22: {  	[simem:s7], [sflag:s8] =	dma.local @!p0 [hbm:s6], $0xF7A  }
0x23: {  	s9 =	sor.u32 $0xD0000000, s2;
	s6 =	simm.s32 $0x108;
	_ =	swait.ge @!p0 [sflag:s8], $0x0  }
0x24: {  	s3 =	sadd.s32 $0x88, s3;
	s6 =	simm.s32 @!p1 $0x1082;
	[sflag:s4] =	ssyncset.s32 $0xFFFFF086  }
0x25: {  	[simem:s6], [sflag:s4] =	dma.local [hbm:s3], $0xF7A  }
0x26: {  	[smem:$0x3F84] =	sst s1;
	(tag) =	ssettag s2;
	_ =	strace s9  }
0x27: {  	s1 =	sld [smem:$0x3F94]  }
0x28: {  	s2 =	sld [smem:$0x3F95]  }
0x29: {  	s4 =	sld [smem:$0x3F97]  }
0x2a: {  	p0 =	seq.s32 s5, $0x0;
	s5 =	sld [smem:$0x3F98]  }
0x2b: {  	s6 =	sld [smem:$0x3F99]  }
0x2c: {  	s7 =	sld [smem:$0x3F9A]  }
0x2d: {  	s3 =	simm.s32 $0x108;
	s8 =	sld [smem:$0x3F9B]  }
0x2e: {  	s3 =	simm.s32 @!p0 $0x1082;
	s9 =	sld [smem:$0x3F9C]  }
0x2f: {  	lr =	sadd.s32 s0, s3;
	s0 =	sld [smem:$0x3F93]  }
0x30: {  	s3 =	sld [smem:$0x3F96]  }
0x31: {  	[smem:$0x3F9F] =	sst s10  }
0x32: {  	s10 =	sld [smem:$0x3F9D];
	_ =	sdelay $0x3  }
0x33: {  	p0 =	seq.s32 s10, $0x1;
	s10 =	sld [smem:$0x3F9F];
	_ =	sdelay $0x3  }
0x34: {  	[smem:$0x3F9F] =	sst s10  }
0x35: {  	s10 =	sld [smem:$0x3F9E];
	_ =	sdelay $0x3  }
0x36: {  	p1 =	seq.s32 s10, $0x1;
	s10 =	sld [smem:$0x3F9F];
	_ =	sdelay $0x3  }
0x37: {  	[smem:$0x3F9F] =	sst s10  }
0x38: {  	s10 =	sld [smem:$0x3FA0]  }
0x39: {  	_ = 	snop;
	(pc) =	sbr.ind lr, $3  }
0x3a: {  	_ = 	snop  }
0x3b: {  	_ = 	snop  }
0x3c: {  	p2 =	seq.s32 s10, $0x1;
	s10 =	sld [smem:$0x3F9F]  }
0x3d: {  	_ =	shalt  }
0x3e: {  	_ =	shalt  }
0x3f: {  	_ =	shalt  }
0x40: {  	_ =	shalt  }
0x41: {  	_ =	shalt  }
0x42: {  	_ =	shalt  }
0x43: {  	_ =	shalt  }
0x44: {  	_ =	shalt  }
0x45: {  	_ =	shalt  }
0x46: {  	_ =	shalt  }
0x47: {  	_ =	shalt  }
0x48: {  	_ =	shalt  }
0x49: {  	_ =	shalt  }
0x4a: {  	_ =	shalt  }
0x4b: {  	_ =	shalt  }
0x4c: {  	_ =	shalt  }
0x4d: {  	_ =	shalt  }
0x4e: {  	_ =	shalt  }
0x4f: {  	_ =	shalt  }
0x50: {  	_ =	shalt  }
0x51: {  	_ =	shalt  }
0x52: {  	_ =	shalt  }
0x53: {  	_ =	shalt  }
0x54: {  	_ =	shalt  }
0x55: {  	_ =	shalt  }
0x56: {  	_ =	shalt  }
0x57: {  	_ =	shalt  }
0x58: {  	_ =	shalt  }
0x59: {  	_ =	shalt  }
0x5a: {  	_ =	shalt  }
0x5b: {  	_ =	shalt  }
0x5c: {  	_ =	shalt  }
0x5d: {  	_ =	shalt  }
0x5e: {  	_ =	shalt  }
0x5f: {  	_ =	shalt  }
0x60: {  	_ =	shalt  }
0x61: {  	_ =	shalt  }
0x62: {  	_ =	shalt  }
0x63: {  	_ =	shalt  }
0x64: {  	_ =	shalt  }
0x65: {  	_ =	shalt  }
0x66: {  	_ =	shalt  }
0x67: {  	_ =	shalt  }
0x68: {  	_ =	shalt  }
0x69: {  	_ =	shalt  }
0x6a: {  	_ =	shalt  }
0x6b: {  	_ =	shalt  }
0x6c: {  	_ =	shalt  }
0x6d: {  	_ =	shalt  }
0x6e: {  	_ =	shalt  }
0x6f: {  	_ =	shalt  }
0x70: {  	_ =	shalt  }
0x71: {  	_ =	shalt  }
0x72: {  	_ =	shalt  }
0x73: {  	_ =	shalt  }
0x74: {  	_ =	shalt  }
0x75: {  	_ =	shalt  }
0x76: {  	_ =	shalt  }
0x77: {  	_ =	shalt  }
0x78: {  	_ =	shalt  }
0x79: {  	_ =	shalt  }
0x7a: {  	_ =	shalt  }
0x7b: {  	_ =	shalt  }
0x7c: {  	_ =	shalt  }
0x7d: {  	_ =	shalt  }
0x7e: {  	_ =	shalt  }
0x7f: {  	_ =	shalt  }
0x80: {  	_ =	shalt  }
0x81: {  	_ =	shalt  }
0x82: {  	_ =	shalt  }
0x83: {  	_ =	shalt  }
0x84: {  	_ =	shalt  }
0x85: {  	_ =	shalt  }
0x86: {  	_ =	shalt  }
0x87: {  	_ =	shalt  }
.Lfunc_end0:
.L_simem_size_0:
called_computation_lowered:
.L_overlay_start_0:
0x88: {  	s2 =	sld [smem:$0x3FD9]  }
0x89: {  	s3 =	sld [smem:$0x3FFE];
	_ =	sdelay $0x1  }
0x8a: {  	s1 =	srdreg.scid  }
0x8b: {  	s0 =	sand.u32 $0x1, s1  }
0x8c: {  	s16 =	sshll.u32 s0, $0xA;
	s2 =	sadd.s32 s3, s2  }
0x8d: {  	s2 =	sadd.s32 s2, s16  }
0x8e: {  	[smem:$0x3FAB] =	sst s2  }
0x8f: {  	_ = 	snop  }
0x90: {  	(tm) =	ssettm $0x1  }
0x91: {  	s17 =	sld [smem:$0x3FFB];
	_ =	sdelay $0x3  }
0x92: {  	_ =	strace s17  }
0x93: {  	s2 =	sld [smem:$0x3FFC];
	_ =	sdelay $0x3  }
0x94: {  	_ =	strace s2  }
0x95: {  	s2 =	sld [smem:$0x3FFD];
	_ =	sdelay $0x3  }
0x96: {  	_ =	strace s2  }
0x97: {  	_ =	strace $0x8FFFFFFF  }
0x98: {  	s18 =	sld [smem:$0x3FDB];
	_ =	sdelay $0x1  }
0x99: {  	s19 =	simm.s32 $_scs_section_size  }
0x9a: {  	s4 =	simm.s32 $_size__tile_overlayer_lowered;
	s5 =	simm.s32 $_tile_overlayer_lowered  }
0x9b: {  	s22 =	simm.s32 $0x1BFF;
	s21 =	sshll.u32 s5, $0x1;
	s2 =	sadd.s32 s19, s18  }
0x9c: {  	s6 =	simm.s32 $0x0;
	s20 =	sshll.u32 s4, $0x1;
	s4 =	sadd.s32 s21, s2  }
0x9d: {  	[timem:s6], [sflag:s22] =	dma.local [hbm:s4], s20  }
0x9e: {  	_ =	swait.ge [sflag:s22], s20  }
0x9f: {  	s3 =	ssub.s32 $0x0, s20;
	[sflag:s22] =	ssyncset.done $0x0  }
0xa0: {  	[sflag:s22] =	ssyncadd.s32 s3;
	_ =	sdelay $0x1  }
0xa1: {  	s23 =	simm.s32 $0x1B8B  }
0xa2: {  	_ =	swait.ge [sflag:s23], $0x1  }
0xa3: {  	[sflag:s23] =	ssyncset.done $0x0  }
0xa4: {  	s25 =	simm.s32 $0x1B8E;
	s24 =	sld [smem:$0x3FFE];
	[sflag:s23] =	ssyncadd.s32 $0xFFFFFFFF  }
0xa5: {  	s26 =	simm.s32 $execute0_lowered;
	[smem:$0x3FD2] =	sst s25  }
0xa6: {  	s4 =	sshll.u32 s26, $0x1;
	_ =	strace $0x80000046;
	[dreg:$0x1] =	wrdreg $0xFFFFFFFF  }
0xa7: {  	s28 =	simm.s32 $_size_execute0_lowered;
	s2 =	sadd.s32 s2, s4;
	[dreg:$0x0] =	wrdreg $0x0  }
0xa8: {  	s4 =	sshll.u32 s28, $0x1;
	[dreg:$0x2] =	wrdreg s2  }
0xa9: {  	[dreg:$0x3] =	wrdreg s4  }
0xaa: {  	[dreg:$0x4] =	wrdreg $0xC0  }
0xab: {  	_ =	task [dreg:s6], $0x5FFFF  }
0xac: {  	[dreg:$0x1] =	wrdreg $0xFFFFFFFF  }
0xad: {  	[dreg:$0x0] =	wrdreg $0x60  }
0xae: {  	[dreg:$0x2] =	wrdreg s24  }
0xaf: {  	[dreg:$0x3] =	wrdreg $0x9  }
0xb0: {  	_ =	task.clear_ibuf [dreg:s6], $0x4FFFF;
	_ =	strace $0x90000046  }
0xb1: {  	s29 =	simm.s32 $0x9;
	_ =	strace $0x80000048  }
0xb2: {  	_ =	swait.ge [sflag:s29], $0x1  }
0xb3: {  	[sflag:s29] =	ssyncadd.s32 $0xFFFFFFFF  }
0xb4: {  	_ =	strace $0x90000048  }
0xb5: {  	_ =	sfence  }
0xb6: {  	s30 =	sld [smem:$0x0];
	_ =	sdelay $0x2  }
0xb7: {  	s31 =	sshll.u32 s1, $0xD;
	s1 =	sshrl.u32 s1, $0x2  }
0xb8: {  	s3 =	sand.u32 $0x4000, s31;
	s1 =	sadd.s32 s1, s30  }
0xb9: {  	s0 =	sor.u32 s3, s0;
	s1 =	sshll.u32 s1, $0x11  }
0xba: {  	s0 =	sor.u32 s1, s0  }
0xbb: {  	s0 =	sadd.s32 $0x8F2B, s0  }
0xbc: {  	[sflag:s0] =	ssyncadd.remote.s32 $0x1  }
0xbd: {  	_ =	sfence.sel $0xFFFF  }
0xbe: {  	[dreg:$0x0] =	wrdreg $0xFFFFFFFF;
	(pc) =	sbr.abs _section_cstart, $3  }
0xbf: {  	[dreg:$0x1] =	wrdreg $0xFFFFFFFF  }
0xc0: {  	_ =	task.clear_ibuf [dreg:s6], $0x2FFFF;
	_ =	strace $0x9FFFFFFF  }
0xc1: {  	(tm) =	ssettm $0x7FFFFFFF  }
tec
execute0_lowered:
.L_overlay_start_1:
0x0: {  	(tag) =	ssettag $0x1  }
0x1: {  	s0 =	rddreg [dreg:$0x0];
	s2 =	simm.s32 $0x0  }
0x2: {  	s3 =	srdreg.scid;
	s1 =	stileid.u32;
	s14 =	simm.s32 $0x80  }
0x3: {  	s15 =	simm.s32 $0x200;
	s16 =	simm.s32 $0x4200;
	s17 =	simm.s32 $0x2  }
0x4: {  	s18 =	simm.s32 $0x8200;
	s19 =	simm.s32 $0x180;
	s20 =	simm.s32 $0xC200  }
0x5: {  	s21 =	simm.s32 $0x3;
	s28 =	simm.s32 $0x9;
	s29 =	simm.s32 $0xA  }
0x6: {  	s9 =	sand.u32 $0x1, s3;
	s3 =	sadd.s32 $0x21DE00, s0;
	s6 =	smul.u32 $0x310, s1  }
0x7: {  	s30 =	simm.s32 $0x0;
	s7 =	sadd.s32 $0x1BBE00, s0;
	s12 =	smul.u32 $0x6200, s1  }
0x8: {  	[smem:$0x7FF] =	sst s2;
	s10 =	sadd.s32 $0x3A4800, s0;
	s24 =	smul.u32 $0x188000, s1  }
0x9: {  	s4 =	sshll.u32 s1, $0x1;
	s0 =	sadd.s32 $0x1C24800, s0;
	s11 =	smul.u32 $0x188, s9  }
0xa: {  	s4 =	sor.u32 s9, s4;
	s5 =	ssub.s32 $0x2, s9;
	s13 =	smul.u32 $0x3100, s9  }
0xb: {  	_ =	strace $0x80000047;
	s4 =	smul.u32 $0x3100, s4;
	s8 =	sshrl.u32 s5, $0x1  }
0xc: {  	s25 =	smul.u32 $0xC4000, s9;
	s31 =	sadd.s32 s24, s10;
	s8 =	ssub.s32 s5, s8  }
0xd: {  	s11 =	sadd.s32 s11, s6;
	s4 =	sadd.s32 s7, s4;
	s6 =	smax.u32 s8, $0x1  }
0xe: {  	s7 =	sadd.s32 s12, s7;
	s11 =	sshll.u32 s11, $0xB;
	s12 =	simm.s32 $0x100  }
0xf: {  	s22 =	sadd.s32 $0x20, s4;
	s7 =	sadd.s32 s13, s7;
	s23 =	sadd.s32 s11, s10  }
.Ltmp0:
0x10: {  	s26 =	sadd.s32 s11, s0;
	s0 =	sadd.s32 s24, s0;
	(pc) =	sbr.rel .LBB2_1-.Ltmp0, $4  }
0x11: {  	s11 =	sadd.s32 s25, s31;
	s13 =	simm.s32 $0x1;
	s24 =	simm.s32 $0x6  }
0x12: {  	[dreg:$0x2] =	wrdreg s22;
	s7 =	sadd.s32 $0x60, s7;
	s8 =	sadd.s32 $0x800, s23  }
0x13: {  	s9 =	sadd.s32 $0x800, s26;
	s10 =	sadd.s32 s25, s0;
	s22 =	simm.s32 $0x4  }
0x14: {  	s23 =	simm.s32 $0x5;
	s25 =	simm.s32 $0x7;
	s26 =	simm.s32 $0x8  }
.LBB2_4:
0x15: {  	_ =	swait.ge [sflag:s25], $0x4000  }
0x16: {  	[sflag:s25] =	ssyncset.done $0x0  }
0x17: {  	[sflag:s25] =	ssyncadd.s32 $0xFFFFC000  }
0x18: {  	_ =	swait.ge [sflag:s26], $0x4000  }
0x19: {  	[sflag:s26] =	ssyncset.done $0x0  }
0x1a: {  	s30 =	sadd.s32 $0x1, s30;
	[sflag:s26] =	ssyncadd.s32 $0xFFFFC000  }
0x1b: {  	p0 =	sne.s32 s30, s6;
	_ =	swait.ge [sflag:s28], $0x4000  }
.Ltmp1:
0x1c: {  	[sflag:s28] =	ssyncset.done $0x0;
	(pc) =	sbr.rel @!p0 .LBB2_5-.Ltmp1, $4  }
0x1d: {  	[sflag:s28] =	ssyncadd.s32 $0xFFFFC000  }
0x1e: {  	_ =	swait.ge [sflag:s29], $0x4000  }
0x1f: {  	[sflag:s29] =	ssyncset.done $0x0  }
0x20: {  	[sflag:s29] =	ssyncadd.s32 $0xFFFFC000  }
.LBB2_1:
0x21: {  	[tilespmem:s2], [sflag:$0x1] =	stream.linear.gather [hbm4b:s4+s2], $0x100, $0x38;
	[tilespmem:$0x10200] =	vst v63  }
0x22: {  	s0 =	rddreg [dreg:$0x2]  }
0x23: {  	[tilespmem:s12], [sflag:$0x2] =	stream.linear.gather [hbm4b:s0+s2], $0x100, $0x38;
	[tilespmem:$0x10200] =	vst v63  }
0x24: {  	s31 =	smov.u32 s7;
	s0 =	simm.s32 $0x0  }
.LBB2_2:
0x25: {  	_ =	swait.ge [sflag:s13], $0x100  }
0x26: {  	p0 =	seq.s32 s0, $0x0;
	[sflag:s13] =	ssyncset.done $0x0  }
0x27: {  	s1 =	simm.s32 @!p0 $0x7;
	[sflag:s13] =	ssyncadd.s32 $0xFFFFFF00  }
0x28: {  	_ =	swait.ge @!p0 [sflag:s1], $0x4000  }
0x29: {  	[sflag:s1] =	ssyncset.done @!p0 $0x0  }
0x2a: {  	[sflag:s1] =	ssyncadd.s32 @!p0 $0xFFFFC000;
	s1 =	simm.s32 @!p0 $0x8  }
0x2b: {  	_ =	swait.ge @!p0 [sflag:s1], $0x4000  }
0x2c: {  	[sflag:s1] =	ssyncset.done @!p0 $0x0  }
0x2d: {  	[sflag:s1] =	ssyncadd.s32 @!p0 $0xFFFFC000  }
0x2e: {  	[tilespmem:s15], [sflag:$0x3] =	stream.indirect.gather [hbm4b:s3+s14], $0x80, s2, s14, $0xb8;
	[tilespmem:$0x10200] =	vst v63  }
0x2f: {  	_ = 	snop  }
0x30: {  	[tilespmem:s16], [sflag:$0x4] =	stream.indirect.gather [hbm4b:s3+s14], $0x80, s14, s14, $0xb8;
	[tilespmem:$0x10200] =	vst v63  }
0x31: {  	_ =	swait.ge [sflag:s17], $0x100  }
0x32: {  	[sflag:s17] =	ssyncset.done $0x0  }
0x33: {  	s1 =	simm.s32 @!p0 $0x9;
	[sflag:s17] =	ssyncadd.s32 $0xFFFFFF00  }
0x34: {  	_ =	swait.ge @!p0 [sflag:s1], $0x4000  }
0x35: {  	[sflag:s1] =	ssyncset.done @!p0 $0x0  }
0x36: {  	[sflag:s1] =	ssyncadd.s32 @!p0 $0xFFFFC000;
	s1 =	simm.s32 @!p0 $0xA  }
0x37: {  	_ =	swait.ge @!p0 [sflag:s1], $0x4000  }
0x38: {  	[sflag:s1] =	ssyncset.done @!p0 $0x0  }
0x39: {  	[sflag:s1] =	ssyncadd.s32 @!p0 $0xFFFFC000  }
0x3a: {  	[tilespmem:s18], [sflag:$0x5] =	stream.indirect.gather [hbm4b:s3+s14], $0x80, s12, s14, $0xb8;
	[tilespmem:$0x10200] =	vst v63  }
0x3b: {  	_ = 	snop  }
0x3c: {  	[tilespmem:s20], [sflag:$0x6] =	stream.indirect.gather [hbm4b:s3+s14], $0x80, s19, s14, $0xb8;
	[tilespmem:$0x10200] =	vst v63  }
0x3d: {  	_ =	swait.ge [sflag:s21], $0x4000  }
0x3e: {  	[sflag:s21] =	ssyncset.done $0x0  }
0x3f: {  	[sflag:s21] =	ssyncadd.s32 $0xFFFFC000  }
0x40: {  	_ =	swait.ge [sflag:s22], $0x4000  }
0x41: {  	[sflag:s22] =	ssyncset.done $0x0  }
0x42: {  	s5 =	sadd.s32 s0, s11;
	[sflag:s22] =	ssyncadd.s32 $0xFFFFC000  }
0x43: {  	[hbm4b:s5+s2] =	stream.linear.scatter [tilespmem:s15], [sflag:$0x7], $0x4000, $0x38;
	[tilespmem:$0x10200] =	vst v63  }
0x44: {  	p0 =	seq.s32 s0, $0xC3000;
	s5 =	sadd.s32 s0, s10  }
0x45: {  	[hbm4b:s5+s2] =	stream.linear.scatter [tilespmem:s16], [sflag:$0x8], $0x4000, $0x38;
	[tilespmem:$0x10200] =	vst v63  }
0x46: {  	s1 =	sadd.s32 @!p0 $0xFFFFFFE0, s31;
	s5 =	simm.s32 @!p0 $0x0  }
0x47: {  	[tilespmem:s5], [sflag:$0x1] =	stream.linear.gather @!p0 [hbm4b:s1+s5], $0x100, $0x38;
	[tilespmem:$0x10200] =	vst v63  }
0x48: {  	_ =	swait.ge [sflag:s23], $0x4000  }
0x49: {  	[sflag:s23] =	ssyncset.done $0x0  }
0x4a: {  	[sflag:s23] =	ssyncadd.s32 $0xFFFFC000  }
0x4b: {  	_ =	swait.ge [sflag:s24], $0x4000  }
.Ltmp2:
0x4c: {  	[sflag:s24] =	ssyncset.done $0x0;
	(pc) =	sbr.rel @p0 .LBB2_4-.Ltmp2, $4  }
0x4d: {  	s5 =	sadd.s32 s0, s8;
	[sflag:s24] =	ssyncadd.s32 $0xFFFFC000  }
0x4e: {  	[hbm4b:s5+s2] =	stream.linear.scatter [tilespmem:s18], [sflag:$0x9], $0x4000, $0x38;
	[tilespmem:$0x10200] =	vst v63  }
0x4f: {  	s5 =	sadd.s32 s0, s9  }
0x50: {  	[hbm4b:s5+s2] =	stream.linear.scatter [tilespmem:s20], [sflag:$0xA], $0x4000, $0x38;
	[tilespmem:$0x10200] =	vst v63  }
.Ltmp3:
0x51: {  	(pc) =	sbr.rel .LBB2_2-.Ltmp3, $3  }
0x52: {  	_ =	sdelay $0x1  }
0x53: {  	[tilespmem:s12], [sflag:$0x2] =	stream.linear.gather [hbm4b:s31+s2], $0x100, $0x38;
	[tilespmem:$0x10200] =	vst v63  }
0x54: {  	s0 =	sadd.s32 $0x1000, s0;
	s31 =	sadd.s32 $0x40, s31  }
.LBB2_5:
0x55: {  	_ =	sfence.sel $0x180000  }
0x56: {  	[bflag:$0x0] =	sbarrier.arrive $0xFFFF  }
0x57: {  	_ =	strace $0x90000047  }
0x58: {  	s0 =	stileid.u32;
	[bflag:$0x2] =	sbarrier.arrive $0xFFFF  }
0x59: {  	p0 =	sne.s32 s0, $0x0;
	s0 =	rddreg [dreg:$0x1]  }
0x5a: {  	s0 =	sadd.s32 @!p0 $0x100000, s0  }
0x5b: {  	[sflag:s0] =	ssyncadd.tile.s32 @!p0 $0x1;
	_ =	shalt  }
.Lfunc_end2:
_tile_overlayer_lowered:
.L_overlay_start_2:
0x5c: {  	(tag) =	ssettag $0x2  }
0x5d: {  	s0 =	rddreg [dreg:$0x0];
	s2 =	stileid.u32  }
0x5e: {  	s1 =	rddreg [dreg:$0x1];
	p0 =	sne.s32 s2, $0x0  }
0x5f: {  	s3 =	rddreg [dreg:$0x2];
	[bflag:$0x3] =	sbarrier.arrive $0xFFFF;
	s2 =	simm.s32 @!p0 $0x1C0B  }
0x60: {  	[timem:s3], [sflag:s2] =	dma.local @!p0 [hbm:s0], s1  }
0x61: {  	s0 =	simm.s32 @!p0 $0xB  }
0x62: {  	_ =	swait.ge @!p0 [sflag:s0], s1  }
0x63: {  	s1 =	ssub.s32 @!p0 $0x0, s1;
	[sflag:s0] =	ssyncset.done @!p0 $0x0  }
0x64: {  	[sflag:s0] =	ssyncadd.s32 @!p0 s1  }
0x65: {  	[bflag:$0x3] =	sbarrier.arrive $0xFFFF  }
0x66: {  	_ =	shalt  }

</sc_bundles>
